<compile_context>
chip_gen: v7x
topology: tpu7x:2x2x1
jax: 0.10.2.dev20260603
libtpu: 0.0.44.dev20260713+nightly
codegen_flags: <defaults>
</compile_context>

<pallas_src>
import functools

import jax
import jax.numpy as jnp
from jax import lax
from jax.experimental import pallas as pl
from jax.experimental.pallas import tpu as pltpu
from jax.experimental.pallas import tpu_sc as plsc

POOLED = 7
H = 50
W = 50
C = 256
NLEV = 4
TSTRIDE = 2560
ZERO_ROW = 2500
NTAB = NLEV * NLEV
TROWS = NTAB * TSTRIDE

NC = 2
NS = 16
NW = NC * NS
CELLS = 49 * 1000
CELLS_PAD = 49152
CPW = CELLS_PAD // NW
CHUNK = 32
NCHUNK = CPW // CHUNK



def _roll_max(m, s):
    if s == 0:
        return m
    return jnp.maximum(m, jnp.concatenate([m[s:], m[:s]], axis=0))


def _table_body(f_ref, t_ref):
    t = pl.program_id(0)
    a = f_ref[...]

    def make_branch(ky, kx):
        def br(a):
            m = a
            for j in range(ky):
                m = _roll_max(m, 50 * (1 << j))
            for j in range(kx):
                m = _roll_max(m, 1 << j)
            return m
        return br

    branches = [make_branch(ky, kx) for ky in range(NLEV) for kx in range(NLEV)]
    m = lax.switch(t, branches, a)
    t_ref[0:2500, :] = m
    t_ref[2500:TSTRIDE, :] = jnp.zeros((TSTRIDE - 2500, 256), jnp.float32)


def _build_table(feat2d):
    return pl.pallas_call(
        _table_body,
        grid=(NTAB,),
        in_specs=[pl.BlockSpec((H * W, C), lambda t: (0, 0))],
        out_specs=pl.BlockSpec((TSTRIDE, C), lambda t: (t, 0)),
        out_shape=jax.ShapeDtypeStruct((TROWS, C), jnp.float32),
    )(feat2d)



CW = C // 2


def _pool_body(table_hbm, idx_hbm, out_hbm, idx_v, rows_v, out_v,
               gsem0, gsem1, osem0, osem1):
    wid = lax.axis_index("s") * NC + lax.axis_index("c")
    chunk0 = wid * NCHUNK
    gsems = (gsem0, gsem1)
    osems = (osem0, osem1)

    pltpu.sync_copy(idx_hbm.at[pl.ds(chunk0, NCHUNK)], idx_v)

    def fire_gather(g, b):
        pltpu.async_copy(table_hbm.at[idx_v.at[g]], rows_v.at[b], gsems[b])

    def wait_gather(b):
        pltpu.make_async_copy(table_hbm.at[pl.ds(0, CHUNK * 4)],
                              rows_v.at[b], gsems[b]).wait()

    def fire_out(g, b):
        cb = (chunk0 + g) * CHUNK
        pltpu.async_copy(out_v.at[b], out_hbm.at[pl.ds(cb, CHUNK)], osems[b])

    def wait_out(b):
        pltpu.make_async_copy(out_v.at[b], out_hbm.at[pl.ds(0, CHUNK)],
                              osems[b]).wait()

    fire_gather(0, 0)
    fire_gather(1, 1)

    def group_body(gg, carry):
        for b in (0, 1):
            g = 2 * gg + b
            wait_gather(b)

            @pl.when(gg > 0)
            def _():
                wait_out(b)

            def cell_body(i2, c2):
                for u in range(2):
                    i = 2 * i2 + u
                    for c16 in range(C // 16):
                        sl = pl.ds(c16 * 16, 16)
                        v0 = rows_v[b, 4 * i, sl]
                        v1 = rows_v[b, 4 * i + 1, sl]
                        v2 = rows_v[b, 4 * i + 2, sl]
                        v3 = rows_v[b, 4 * i + 3, sl]
                        out_v[b, i, sl] = jnp.maximum(jnp.maximum(v0, v1),
                                                      jnp.maximum(v2, v3))
                return c2

            lax.fori_loop(0, CHUNK // 2, cell_body, 0)
            fire_out(g, b)

            @pl.when(g + 2 < NCHUNK)
            def _():
                fire_gather(g + 2, b)
        return carry

    lax.fori_loop(0, NCHUNK // 2, group_body, 0)
    wait_out(0)
    wait_out(1)


def _pool_sc(table_w, idx):
    mesh = plsc.VectorSubcoreMesh(core_axis_name="c", subcore_axis_name="s")
    f = functools.partial(
        pl.kernel,
        mesh=mesh,
        out_type=jax.ShapeDtypeStruct((CELLS_PAD, C), jnp.float32),
        scratch_types=[
            pltpu.VMEM((NCHUNK, CHUNK * 4), jnp.int32),
            pltpu.VMEM((2, CHUNK * 4, C), jnp.float32),
            pltpu.VMEM((2, CHUNK, C), jnp.float32),
            pltpu.SemaphoreType.DMA,
            pltpu.SemaphoreType.DMA,
            pltpu.SemaphoreType.DMA,
            pltpu.SemaphoreType.DMA,
        ],
    )(_pool_body)
    return f(table_w, idx.reshape(CELLS_PAD // CHUNK, CHUNK * 4))



def _fc_body(x_ref, w1_ref, w2_ref, wh_ref, b1_ref, b2_ref, bh_ref,
             out_ref, acc_ref):
    j = pl.program_id(0)
    part = lax.dot_general(x_ref[...].astype(jnp.bfloat16), w1_ref[...],
                           (((1,), (1,)), ((), ())),
                           preferred_element_type=jnp.float32)

    @pl.when(j == 0)
    def _():
        acc_ref[...] = part

    @pl.when(j > 0)
    def _():
        acc_ref[...] += part

    @pl.when(j == POOLED * POOLED - 1)
    def _():
        h1 = jnp.maximum(acc_ref[...] + b1_ref[...], 0.0)
        h2 = lax.dot_general(h1, w2_ref[...], (((1,), (1,)), ((), ())),
                             preferred_element_type=jnp.float32)
        h2 = jnp.maximum(h2 + b2_ref[...], 0.0)
        o = lax.dot_general(h2, wh_ref[...], (((1,), (1,)), ((), ())),
                            preferred_element_type=jnp.float32)
        out_ref[...] = o + bh_ref[...]


def _fc_stack(x, w1p, w2, wh, b1, b2, bh, R):
    fc = w2.shape[0]
    return pl.pallas_call(
        _fc_body,
        grid=(POOLED * POOLED,),
        in_specs=[
            pl.BlockSpec((R, C), lambda j: (j, 0)),
            pl.BlockSpec((fc, C), lambda j: (0, j)),
            pl.BlockSpec((fc, fc), lambda j: (0, 0)),
            pl.BlockSpec((128, fc), lambda j: (0, 0)),
            pl.BlockSpec((1, fc), lambda j: (0, 0)),
            pl.BlockSpec((1, fc), lambda j: (0, 0)),
            pl.BlockSpec((1, 128), lambda j: (0, 0)),
        ],
        out_specs=pl.BlockSpec((R, 128), lambda j: (0, 0)),
        out_shape=jax.ShapeDtypeStruct((R, 128), jnp.float32),
        scratch_shapes=[pltpu.VMEM((R, fc), jnp.float32)],
    )(x, w1p, w2, wh, b1, b2, bh)



def _cell_indices(proposals, image_shape):
    img_h = image_shape[0].astype(jnp.float32)
    img_w = image_shape[1].astype(jnp.float32)
    scale = jnp.minimum(H / img_h, W / img_w)

    rsw = jnp.round(proposals[:, 0] * scale)
    rsh = jnp.round(proposals[:, 1] * scale)
    rew = jnp.round(proposals[:, 2] * scale)
    reh = jnp.round(proposals[:, 3] * scale)
    roi_w = jnp.maximum(rew - rsw + 1.0, 1.0)
    roi_h = jnp.maximum(reh - rsh + 1.0, 1.0)

    pidx = jnp.arange(POOLED, dtype=jnp.float32)
    hstart = jnp.clip(jnp.floor(pidx[None, :] * roi_h[:, None] / POOLED)
                      + rsh[:, None], 0, H)
    hend = jnp.clip(jnp.ceil((pidx[None, :] + 1.0) * roi_h[:, None] / POOLED)
                    + rsh[:, None], 0, H)
    wstart = jnp.clip(jnp.floor(pidx[None, :] * roi_w[:, None] / POOLED)
                      + rsw[:, None], 0, W)
    wend = jnp.clip(jnp.ceil((pidx[None, :] + 1.0) * roi_w[:, None] / POOLED)
                    + rsw[:, None], 0, W)

    hs = hstart.astype(jnp.int32)
    he = hend.astype(jnp.int32)
    ws = wstart.astype(jnp.int32)
    we = wend.astype(jnp.int32)
    lh = he - hs
    lw = we - ws

    def level(n):
        return jnp.where(n > 8, 3, jnp.where(n > 4, 2, jnp.where(n > 2, 1, 0)))

    kh = level(lh)
    kw = level(lw)
    y0 = hs
    y1 = he - (1 << kh).astype(jnp.int32)
    x0 = ws
    x1 = we - (1 << kw).astype(jnp.int32)

    base = (kh[:, :, None] * NLEV + kw[:, None, :]) * TSTRIDE
    ya = y0[:, :, None] * W
    yb = y1[:, :, None] * W
    xa = x0[:, None, :]
    xb = x1[:, None, :]
    corners = jnp.stack([base + ya + xa, base + ya + xb,
                         base + yb + xa, base + yb + xb], axis=-1)
    empty = (lh[:, :, None] <= 0) | (lw[:, None, :] <= 0)
    corners = jnp.where(empty[..., None], ZERO_ROW, corners)

    flat = jnp.transpose(corners, (1, 2, 0, 3)).reshape(-1)
    pad = jnp.full(((CELLS_PAD - CELLS) * 4,), ZERO_ROW, jnp.int32)
    return jnp.concatenate([flat.astype(jnp.int32), pad])



def kernel(feat, proposals, image_shape, W1, b1, W2, b2, Wc, bc, Wr, br):
    R = proposals.shape[0]
    fc = W1.shape[0]
    ncls = Wc.shape[0]
    nreg = Wr.shape[0]

    feat2d = jnp.transpose(feat[0], (1, 2, 0)).reshape(H * W, C)
    table = _build_table(feat2d)

    idx = _cell_indices(proposals, image_shape)
    pooled = _pool_sc(table, idx)

    w1p = (W1.astype(jnp.bfloat16)
           .reshape(fc, C, POOLED * POOLED).transpose(0, 2, 1).reshape(fc, -1))

    wh = jnp.zeros((128, fc), jnp.float32)
    wh = lax.dynamic_update_slice(wh, Wc, (0, 0))
    wh = lax.dynamic_update_slice(wh, Wr, (ncls, 0))
    bh = jnp.concatenate([bc, br, jnp.zeros((128 - ncls - nreg,), jnp.float32)])

    out = _fc_stack(pooled, w1p, W2, wh,
                    b1.reshape(1, fc), b2.reshape(1, fc), bh.reshape(1, 128),
                    R)
    cls_scores = out[:, :ncls]
    box_pred = out[:, ncls:ncls + nreg]
    return cls_scores, box_pred

# --- scband reference (transcript-rebuilt; emitter-appended) ---
"""Pipeline reference for scband-roihead-91268055040557 (READ-ONLY COPY).

The authoritative reference and input builder live on the scoring server;
editing this copy changes nothing except your own understanding.
"""

import jax, jax.numpy as jnp
import numpy as np

POOL = 7

def setup_inputs(seed: int = 0) -> dict:
    key = jax.random.key(seed)
    ks = jax.random.split(key, 10)
    C, H, W = 256, 50, 50
    R = 1000
    num_classes = 21
    fc = 1024
    feat = jax.random.normal(ks[0], (1, C, H, W), dtype=jnp.float32)
    xy1 = jax.random.uniform(ks[1], (R, 2), minval=0.0, maxval=760.0)
    wh = jax.random.uniform(ks[2], (R, 2), minval=8.0, maxval=240.0)
    xy2 = jnp.clip(xy1 + wh, 0.0, 800.0)
    proposals = jnp.concatenate([xy1, xy2], axis=1).astype(jnp.float32)
    image_shape = jnp.array([800, 800], dtype=jnp.int32)
    d_in = C * POOL * POOL
    W1 = (jax.random.normal(ks[3], (fc, d_in)) * 0.01).astype(jnp.float32)
    b1 = jnp.zeros((fc,), jnp.float32)
    W2 = (jax.random.normal(ks[4], (fc, fc)) * 0.01).astype(jnp.float32)
    b2 = jnp.zeros((fc,), jnp.float32)
    Wc = (jax.random.normal(ks[5], (num_classes, fc)) * 0.01).astype(jnp.float32)
    bc = jnp.zeros((num_classes,), jnp.float32)
    Wr = (jax.random.normal(ks[6], (num_classes * 4, fc)) * 0.001).astype(jnp.float32)
    br = jnp.zeros((num_classes * 4,), jnp.float32)
    return dict(feat=feat, proposals=proposals, image_shape=image_shape,
                W1=W1, b1=b1, W2=W2, b2=b2, Wc=Wc, bc=bc, Wr=Wr, br=br)


def roi_pool(feat, proposals, spatial_scale, pooled):
    # Faithful port of torchvision.ops.roi_pool (quantized max pooling).
    C, H, W = feat.shape[1], feat.shape[2], feat.shape[3]
    feat0 = feat[0]
    ys = jnp.arange(H)
    xs = jnp.arange(W)
    pidx = jnp.arange(pooled, dtype=jnp.float32)

    def pool_one(roi):
        rsw = jnp.round(roi[0] * spatial_scale)
        rsh = jnp.round(roi[1] * spatial_scale)
        rew = jnp.round(roi[2] * spatial_scale)
        reh = jnp.round(roi[3] * spatial_scale)
        roi_w = jnp.maximum(rew - rsw + 1.0, 1.0)
        roi_h = jnp.maximum(reh - rsh + 1.0, 1.0)
        hstart = jnp.clip(jnp.floor(pidx * roi_h / pooled) + rsh, 0, H)
        hend = jnp.clip(jnp.ceil((pidx + 1.0) * roi_h / pooled) + rsh, 0, H)
        wstart = jnp.clip(jnp.floor(pidx * roi_w / pooled) + rsw, 0, W)
        wend = jnp.clip(jnp.ceil((pidx + 1.0) * roi_w / pooled) + rsw, 0, W)
        mh = (ys[None, :] >= hstart[:, None]) & (ys[None, :] < hend[:, None])  # [P,H]
        mw = (xs[None, :] >= wstart[:, None]) & (xs[None, :] < wend[:, None])  # [P,W]
        t1 = jnp.max(jnp.where(mh[:, None, :, None], feat0[None, :, :, :], -jnp.inf), axis=2)  # [P,C,W]
        t2 = jnp.max(jnp.where(mw[None, :, None, :], t1[:, None, :, :], -jnp.inf), axis=3)  # [Ph,Pw,C]
        empty = (hend <= hstart)[:, None] | (wend <= wstart)[None, :]
        out = jnp.where(empty[:, :, None], 0.0, t2)
        return jnp.transpose(out, (2, 0, 1))  # [C,Ph,Pw]

    return jax.lax.map(pool_one, proposals)


def reference(feat, proposals, image_shape, W1, b1, W2, b2, Wc, bc, Wr, br):
    # eval-mode ROIHead forward (training branch skipped since module is in eval)
    img_h = image_shape[0].astype(jnp.float32)
    img_w = image_shape[1].astype(jnp.float32)
    feat_h, feat_w = feat.shape[2], feat.shape[3]
    scale = jnp.minimum(feat_h / img_h, feat_w / img_w)
    pooled = roi_pool(feat, proposals, scale, POOL)
    x = pooled.reshape(pooled.shape[0], -1)
    x = jax.nn.relu(x @ W1.T + b1)
    x = jax.nn.relu(x @ W2.T + b2)
    cls_scores = x @ Wc.T + bc
    box_transform_pred = x @ Wr.T + br
    return cls_scores, box_transform_pred

if __name__ == "__main__":
    import jax
    _d = setup_inputs()
    print(jax.jit(kernel)(*tuple(_d.values())))

</pallas_src>

<mosaic_0001>
#map = affine_map<(d0, d1) -> (0, 0)>
module attributes {stable_mosaic.version = 14 : i64} {
  func.func @_pool_body(%arg0: i32, %arg1: i32, %arg2: memref<40960x256xf32, #tpu.memory_space<hbm>>, %arg3: memref<1536x128xi32, #tpu.memory_space<hbm>>, %arg4: memref<49152x256xf32, #tpu.memory_space<hbm>>, %arg5: memref<48x128xi32, #tpu.memory_space<vmem>>, %arg6: memref<2x128x256xf32, #tpu.memory_space<vmem>>, %arg7: memref<2x32x256xf32, #tpu.memory_space<vmem>>, %arg8: memref<!tpu.dma_semaphore, #tpu.memory_space<semaphore_mem>>, %arg9: memref<!tpu.dma_semaphore, #tpu.memory_space<semaphore_mem>>, %arg10: memref<!tpu.dma_semaphore, #tpu.memory_space<semaphore_mem>>, %arg11: memref<!tpu.dma_semaphore, #tpu.memory_space<semaphore_mem>>) attributes {dimension_semantics = [#tpu.dimension_semantics<core_parallel>, #tpu.dimension_semantics<subcore_parallel>], iteration_bounds = array<i64: 2, 16>, scalar_prefetch = 0 : i64, scratch_operands = 7 : i64, tpu.core_type = #tpu.core_type<sc_vector_subcore>, window_params = [{transform_indices = #map}, {transform_indices = #map}, {transform_indices = #map}]} {
    %mul3A = arith.constant 2 : i32
    %mul3A_0 = arith.muli %arg1, %mul3A : i32
    %add3A = arith.addi %mul3A_0, %arg0 : i32
    %mul3A_1 = arith.constant 48 : i32
    %mul3A_2 = arith.muli %add3A, %mul3A_1 : i32
    "tpu.region"() ({
      %run_scoped3A = tpu.sem_alloc : memref<!tpu.dma_semaphore, #tpu.memory_space<semaphore_mem>>
      %dma_start3A_60 = arith.constant 0 : i32
      %dma_start3A_61 = tpu.memref_slice %arg3[%mul3A_2, %dma_start3A_60] : memref<1536x128xi32, #tpu.memory_space<hbm>> -> memref<48x128xi32, #tpu.memory_space<hbm>>
      %dma_start3A_62 = arith.constant 0 : i32
      %dma_start3A_63 = tpu.memref_slice %arg3[%mul3A_2, %dma_start3A_62] : memref<1536x128xi32, #tpu.memory_space<hbm>> -> memref<48x128xi32, #tpu.memory_space<hbm>>
      tpu.enqueue_dma source(%dma_start3A_63 : memref<48x128xi32, #tpu.memory_space<hbm>>) target(%arg5 : memref<48x128xi32, #tpu.memory_space<vmem>>) target_semaphore(%run_scoped3A : memref<!tpu.dma_semaphore, #tpu.memory_space<semaphore_mem>>)
      %dma_wait3A_64 = arith.constant 0 : i32
      %dma_wait3A_65 = tpu.memref_slice %arg3[%mul3A_2, %dma_wait3A_64] : memref<1536x128xi32, #tpu.memory_space<hbm>> -> memref<48x128xi32, #tpu.memory_space<hbm>>
      %dma_wait3A_66 = arith.constant 0 : i32
      %dma_wait3A_67 = tpu.memref_slice %arg3[%mul3A_2, %dma_wait3A_66] : memref<1536x128xi32, #tpu.memory_space<hbm>> -> memref<48x128xi32, #tpu.memory_space<hbm>>
      tpu.wait_dma2 semaphore(%run_scoped3A : memref<!tpu.dma_semaphore, #tpu.memory_space<semaphore_mem>>) src(%dma_wait3A_67 : memref<48x128xi32, #tpu.memory_space<hbm>>) dst(%arg5 : memref<48x128xi32, #tpu.memory_space<vmem>>)
      tpu.yield
    }) : () -> ()
    %dma_start3A = arith.constant 0 : i32
    %dma_start3A_3 = arith.constant 0 : i32
    %dma_start3A_4 = arith.constant 0 : i32
    %dma_start3A_5 = arith.constant 0 : i32
    %dma_start3A_6 = tpu.memref_slice %arg6[%dma_start3A_3, %dma_start3A_4, %dma_start3A_5] : memref<2x128x256xf32, #tpu.memory_space<vmem>> -> memref<1x128x256xf32, #tpu.memory_space<vmem>>
    %dma_start3A_7 = tpu.memref_squeeze %dma_start3A_6 : memref<1x128x256xf32, #tpu.memory_space<vmem>> -> memref<128x256xf32, #tpu.memory_space<vmem>>
    %dma_start3A_8 = arith.constant 0 : i32
    %dma_start3A_9 = tpu.memref_slice %arg5[%dma_start3A, %dma_start3A_8] : memref<48x128xi32, #tpu.memory_space<vmem>> -> memref<1x128xi32, #tpu.memory_space<vmem>>
    %dma_start3A_10 = tpu.memref_squeeze %dma_start3A_9 : memref<1x128xi32, #tpu.memory_space<vmem>> -> memref<128xi32, #tpu.memory_space<vmem>>
    %dma_start3A_11 = arith.constant 0 : i32
    %dma_start3A_12 = arith.constant 0 : i32
    %dma_start3A_13 = tpu.memref_slice %arg2[%dma_start3A_11, %dma_start3A_12] : memref<40960x256xf32, #tpu.memory_space<hbm>> -> memref<40960x256xf32, #tpu.memory_space<hbm>>
    tpu.enqueue_indirect_dma source(%dma_start3A_13 : memref<40960x256xf32, #tpu.memory_space<hbm>>) target(%dma_start3A_7 : memref<128x256xf32, #tpu.memory_space<vmem>>) offsets(%dma_start3A_10 : memref<128xi32, #tpu.memory_space<vmem>>) semaphore(%arg8 : memref<!tpu.dma_semaphore, #tpu.memory_space<semaphore_mem>>)
    %dma_start3A_14 = arith.constant 1 : i32
    %dma_start3A_15 = arith.constant 1 : i32
    %dma_start3A_16 = arith.constant 0 : i32
    %dma_start3A_17 = arith.constant 0 : i32
    %dma_start3A_18 = tpu.memref_slice %arg6[%dma_start3A_15, %dma_start3A_16, %dma_start3A_17] : memref<2x128x256xf32, #tpu.memory_space<vmem>> -> memref<1x128x256xf32, #tpu.memory_space<vmem>>
    %dma_start3A_19 = tpu.memref_squeeze %dma_start3A_18 : memref<1x128x256xf32, #tpu.memory_space<vmem>> -> memref<128x256xf32, #tpu.memory_space<vmem>>
    %dma_start3A_20 = arith.constant 0 : i32
    %dma_start3A_21 = tpu.memref_slice %arg5[%dma_start3A_14, %dma_start3A_20] : memref<48x128xi32, #tpu.memory_space<vmem>> -> memref<1x128xi32, #tpu.memory_space<vmem>>
    %dma_start3A_22 = tpu.memref_squeeze %dma_start3A_21 : memref<1x128xi32, #tpu.memory_space<vmem>> -> memref<128xi32, #tpu.memory_space<vmem>>
    %dma_start3A_23 = arith.constant 0 : i32
    %dma_start3A_24 = arith.constant 0 : i32
    %dma_start3A_25 = tpu.memref_slice %arg2[%dma_start3A_23, %dma_start3A_24] : memref<40960x256xf32, #tpu.memory_space<hbm>> -> memref<40960x256xf32, #tpu.memory_space<hbm>>
    tpu.enqueue_indirect_dma source(%dma_start3A_25 : memref<40960x256xf32, #tpu.memory_space<hbm>>) target(%dma_start3A_19 : memref<128x256xf32, #tpu.memory_space<vmem>>) offsets(%dma_start3A_22 : memref<128xi32, #tpu.memory_space<vmem>>) semaphore(%arg9 : memref<!tpu.dma_semaphore, #tpu.memory_space<semaphore_mem>>)
    %scan3A = arith.constant 0 : i32
    %scan3A_26 = arith.constant 0 : i32
    %scan3A_27 = arith.constant 24 : i32
    %scan3A_28 = arith.addi %scan3A_26, %scan3A_27 : i32
    %scan3A_29 = arith.constant 1 : i32
    scf.for %scan3A_60 = %scan3A_26 to %scan3A_28 step %scan3A_29  : i32 {
      %mul3A_61 = arith.constant 2 : i32
      %mul3A_62 = arith.muli %mul3A_61, %scan3A_60 : i32
      %add3A_63 = arith.constant 0 : i32
      %add3A_64 = arith.addi %mul3A_62, %add3A_63 : i32
      %dma_wait3A_65 = arith.constant 0 : i32
      %dma_wait3A_66 = arith.constant 0 : i32
      %dma_wait3A_67 = arith.constant 0 : i32
      %dma_wait3A_68 = tpu.memref_slice %arg6[%dma_wait3A_65, %dma_wait3A_66, %dma_wait3A_67] : memref<2x128x256xf32, #tpu.memory_space<vmem>> -> memref<1x128x256xf32, #tpu.memory_space<vmem>>
      %dma_wait3A_69 = tpu.memref_squeeze %dma_wait3A_68 : memref<1x128x256xf32, #tpu.memory_space<vmem>> -> memref<128x256xf32, #tpu.memory_space<vmem>>
      %dma_wait3A_70 = arith.constant 0 : i32
      %dma_wait3A_71 = arith.constant 0 : i32
      %dma_wait3A_72 = tpu.memref_slice %arg2[%dma_wait3A_70, %dma_wait3A_71] : memref<40960x256xf32, #tpu.memory_space<hbm>> -> memref<128x256xf32, #tpu.memory_space<hbm>>
      %dma_wait3A_73 = arith.constant 0 : i32
      %dma_wait3A_74 = arith.constant 0 : i32
      %dma_wait3A_75 = tpu.memref_slice %arg6[%dma_wait3A_65, %dma_wait3A_73, %dma_wait3A_74] : memref<2x128x256xf32, #tpu.memory_space<vmem>> -> memref<1x128x256xf32, #tpu.memory_space<vmem>>
      %dma_wait3A_76 = tpu.memref_squeeze %dma_wait3A_75 : memref<1x128x256xf32, #tpu.memory_space<vmem>> -> memref<128x256xf32, #tpu.memory_space<vmem>>
      %dma_wait3A_77 = arith.constant 0 : i32
      %dma_wait3A_78 = arith.constant 0 : i32
      %dma_wait3A_79 = tpu.memref_slice %arg2[%dma_wait3A_77, %dma_wait3A_78] : memref<40960x256xf32, #tpu.memory_space<hbm>> -> memref<128x256xf32, #tpu.memory_space<hbm>>
      tpu.wait_dma2 semaphore(%arg8 : memref<!tpu.dma_semaphore, #tpu.memory_space<semaphore_mem>>) src(%dma_wait3A_79 : memref<128x256xf32, #tpu.memory_space<hbm>>) dst(%dma_wait3A_76 : memref<128x256xf32, #tpu.memory_space<vmem>>)
      %gt3A = arith.constant 0 : i32
      %gt3A_80 = arith.cmpi sgt, %scan3A_60, %gt3A : i32
      %convert_element_type3A = arith.extui %gt3A_80 : i1 to i32
      %cond3A = arith.constant 0 : i32
      %cond3A_81 = arith.cmpi ne, %convert_element_type3A, %cond3A : i32
      scf.if %cond3A_81 {
        %dma_wait3A_163 = arith.constant 0 : i32
        %dma_wait3A_164 = arith.constant 0 : i32
        %dma_wait3A_165 = arith.constant 0 : i32
        %dma_wait3A_166 = tpu.memref_slice %arg7[%dma_wait3A_163, %dma_wait3A_164, %dma_wait3A_165] : memref<2x32x256xf32, #tpu.memory_space<vmem>> -> memref<1x32x256xf32, #tpu.memory_space<vmem>>
        %dma_wait3A_167 = tpu.memref_squeeze %dma_wait3A_166 : memref<1x32x256xf32, #tpu.memory_space<vmem>> -> memref<32x256xf32, #tpu.memory_space<vmem>>
        %dma_wait3A_168 = arith.constant 0 : i32
        %dma_wait3A_169 = arith.constant 0 : i32
        %dma_wait3A_170 = tpu.memref_slice %arg4[%dma_wait3A_168, %dma_wait3A_169] : memref<49152x256xf32, #tpu.memory_space<hbm>> -> memref<32x256xf32, #tpu.memory_space<hbm>>
        %dma_wait3A_171 = arith.constant 0 : i32
        %dma_wait3A_172 = arith.constant 0 : i32
        %dma_wait3A_173 = tpu.memref_slice %arg4[%dma_wait3A_171, %dma_wait3A_172] : memref<49152x256xf32, #tpu.memory_space<hbm>> -> memref<32x256xf32, #tpu.memory_space<hbm>>
        %dma_wait3A_174 = arith.constant 0 : i32
        %dma_wait3A_175 = arith.constant 0 : i32
        %dma_wait3A_176 = tpu.memref_slice %arg7[%dma_wait3A_163, %dma_wait3A_174, %dma_wait3A_175] : memref<2x32x256xf32, #tpu.memory_space<vmem>> -> memref<1x32x256xf32, #tpu.memory_space<vmem>>
        %dma_wait3A_177 = tpu.memref_squeeze %dma_wait3A_176 : memref<1x32x256xf32, #tpu.memory_space<vmem>> -> memref<32x256xf32, #tpu.memory_space<vmem>>
        tpu.wait_dma2 semaphore(%arg10 : memref<!tpu.dma_semaphore, #tpu.memory_space<semaphore_mem>>) src(%dma_wait3A_177 : memref<32x256xf32, #tpu.memory_space<vmem>>) dst(%dma_wait3A_173 : memref<32x256xf32, #tpu.memory_space<hbm>>)
      } else {
      }
      %scan3A_82 = arith.constant 0 : i32
      %scan3A_83 = arith.constant 0 : i32
      %scan3A_84 = arith.constant 16 : i32
      %scan3A_85 = arith.addi %scan3A_83, %scan3A_84 : i32
      %scan3A_86 = arith.constant 1 : i32
      scf.for %scan3A_163 = %scan3A_83 to %scan3A_85 step %scan3A_86  : i32 {
        %mul3A_164 = arith.constant 2 : i32
        %mul3A_165 = arith.muli %mul3A_164, %scan3A_163 : i32
        %add3A_166 = arith.constant 0 : i32
        %add3A_167 = arith.addi %mul3A_165, %add3A_166 : i32
        %mul3A_168 = arith.constant 4 : i32
        %mul3A_169 = arith.muli %mul3A_168, %add3A_167 : i32
        %get3A = arith.constant 0 : i32
        %get3A_170 = arith.index_cast %get3A : i32 to index
        %get3A_171 = arith.index_cast %mul3A_169 : i32 to index
        %get3A_172 = arith.constant 0 : index
        %get3A_173 = tpu.vector_load %arg6[%get3A_170, %get3A_171, %get3A_172] {strides = array<i32>} : memref<2x128x256xf32, #tpu.memory_space<vmem>>, vector<1x1x16xf32>,
        %get3A_174 = vector.shape_cast %get3A_173 : vector<1x1x16xf32> to vector<16xf32>
        %mul3A_175 = arith.constant 4 : i32
        %mul3A_176 = arith.muli %mul3A_175, %add3A_167 : i32
        %add3A_177 = arith.constant 1 : i32
        %add3A_178 = arith.addi %mul3A_176, %add3A_177 : i32
        %get3A_179 = arith.constant 0 : i32
        %get3A_180 = arith.index_cast %get3A_179 : i32 to index
        %get3A_181 = arith.index_cast %add3A_178 : i32 to index
        %get3A_182 = arith.constant 0 : index
        %get3A_183 = tpu.vector_load %arg6[%get3A_180, %get3A_181, %get3A_182] {strides = array<i32>} : memref<2x128x256xf32, #tpu.memory_space<vmem>>, vector<1x1x16xf32>,
        %get3A_184 = vector.shape_cast %get3A_183 : vector<1x1x16xf32> to vector<16xf32>
        %mul3A_185 = arith.constant 4 : i32
        %mul3A_186 = arith.muli %mul3A_185, %add3A_167 : i32
        %add3A_187 = arith.constant 2 : i32
        %add3A_188 = arith.addi %mul3A_186, %add3A_187 : i32
        %get3A_189 = arith.constant 0 : i32
        %get3A_190 = arith.index_cast %get3A_189 : i32 to index
        %get3A_191 = arith.index_cast %add3A_188 : i32 to index
        %get3A_192 = arith.constant 0 : index
        %get3A_193 = tpu.vector_load %arg6[%get3A_190, %get3A_191, %get3A_192] {strides = array<i32>} : memref<2x128x256xf32, #tpu.memory_space<vmem>>, vector<1x1x16xf32>,
        %get3A_194 = vector.shape_cast %get3A_193 : vector<1x1x16xf32> to vector<16xf32>
        %mul3A_195 = arith.constant 4 : i32
        %mul3A_196 = arith.muli %mul3A_195, %add3A_167 : i32
        %add3A_197 = arith.constant 3 : i32
        %add3A_198 = arith.addi %mul3A_196, %add3A_197 : i32
        %get3A_199 = arith.constant 0 : i32
        %get3A_200 = arith.index_cast %get3A_199 : i32 to index
        %get3A_201 = arith.index_cast %add3A_198 : i32 to index
        %get3A_202 = arith.constant 0 : index
        %get3A_203 = tpu.vector_load %arg6[%get3A_200, %get3A_201, %get3A_202] {strides = array<i32>} : memref<2x128x256xf32, #tpu.memory_space<vmem>>, vector<1x1x16xf32>,
        %get3A_204 = vector.shape_cast %get3A_203 : vector<1x1x16xf32> to vector<16xf32>
        %max3A = arith.maximumf %get3A_174, %get3A_184 : vector<16xf32>
        %max3A_205 = arith.maximumf %get3A_194, %get3A_204 : vector<16xf32>
        %max3A_206 = arith.maximumf %max3A, %max3A_205 : vector<16xf32>
        %swap3A = arith.constant 0 : i32
        %swap3A_207 = arith.index_cast %swap3A : i32 to index
        %swap3A_208 = arith.index_cast %add3A_167 : i32 to index
        %swap3A_209 = arith.constant 0 : index
        %swap3A_210 = tpu.vector_load %arg7[%swap3A_207, %swap3A_208, %swap3A_209] {strides = array<i32>} : memref<2x32x256xf32, #tpu.memory_space<vmem>>, vector<1x1x16xf32>,
        %swap3A_211 = vector.shape_cast %swap3A_210 : vector<1x1x16xf32> to vector<16xf32>
        %swap3A_212 = vector.shape_cast %max3A_206 : vector<16xf32> to vector<1x1x16xf32>
        tpu.vector_store %arg7[%swap3A_207, %swap3A_208, %swap3A_209], %swap3A_212 {strides = array<i32>} : memref<2x32x256xf32, #tpu.memory_space<vmem>>, vector<1x1x16xf32>,
        %mul3A_213 = arith.constant 4 : i32
        %mul3A_214 = arith.muli %mul3A_213, %add3A_167 : i32
        %get3A_215 = arith.constant 0 : i32
        %get3A_216 = arith.index_cast %get3A_215 : i32 to index
        %get3A_217 = arith.index_cast %mul3A_214 : i32 to index
        %get3A_218 = arith.constant 16 : index
        %get3A_219 = tpu.vector_load %arg6[%get3A_216, %get3A_217, %get3A_218] {strides = array<i32>} : memref<2x128x256xf32, #tpu.memory_space<vmem>>, vector<1x1x16xf32>,
        %get3A_220 = vector.shape_cast %get3A_219 : vector<1x1x16xf32> to vector<16xf32>
        %mul3A_221 = arith.constant 4 : i32
        %mul3A_222 = arith.muli %mul3A_221, %add3A_167 : i32
        %add3A_223 = arith.constant 1 : i32
        %add3A_224 = arith.addi %mul3A_222, %add3A_223 : i32
        %get3A_225 = arith.constant 0 : i32
        %get3A_226 = arith.index_cast %get3A_225 : i32 to index
        %get3A_227 = arith.index_cast %add3A_224 : i32 to index
        %get3A_228 = arith.constant 16 : index
        %get3A_229 = tpu.vector_load %arg6[%get3A_226, %get3A_227, %get3A_228] {strides = array<i32>} : memref<2x128x256xf32, #tpu.memory_space<vmem>>, vector<1x1x16xf32>,
        %get3A_230 = vector.shape_cast %get3A_229 : vector<1x1x16xf32> to vector<16xf32>
        %mul3A_231 = arith.constant 4 : i32
        %mul3A_232 = arith.muli %mul3A_231, %add3A_167 : i32
        %add3A_233 = arith.constant 2 : i32
        %add3A_234 = arith.addi %mul3A_232, %add3A_233 : i32
        %get3A_235 = arith.constant 0 : i32
        %get3A_236 = arith.index_cast %get3A_235 : i32 to index
        %get3A_237 = arith.index_cast %add3A_234 : i32 to index
        %get3A_238 = arith.constant 16 : index
        %get3A_239 = tpu.vector_load %arg6[%get3A_236, %get3A_237, %get3A_238] {strides = array<i32>} : memref<2x128x256xf32, #tpu.memory_space<vmem>>, vector<1x1x16xf32>,
        %get3A_240 = vector.shape_cast %get3A_239 : vector<1x1x16xf32> to vector<16xf32>
        %mul3A_241 = arith.constant 4 : i32
        %mul3A_242 = arith.muli %mul3A_241, %add3A_167 : i32
        %add3A_243 = arith.constant 3 : i32
        %add3A_244 = arith.addi %mul3A_242, %add3A_243 : i32
        %get3A_245 = arith.constant 0 : i32
        %get3A_246 = arith.index_cast %get3A_245 : i32 to index
        %get3A_247 = arith.index_cast %add3A_244 : i32 to index
        %get3A_248 = arith.constant 16 : index
        %get3A_249 = tpu.vector_load %arg6[%get3A_246, %get3A_247, %get3A_248] {strides = array<i32>} : memref<2x128x256xf32, #tpu.memory_space<vmem>>, vector<1x1x16xf32>,
        %get3A_250 = vector.shape_cast %get3A_249 : vector<1x1x16xf32> to vector<16xf32>
        %max3A_251 = arith.maximumf %get3A_220, %get3A_230 : vector<16xf32>
        %max3A_252 = arith.maximumf %get3A_240, %get3A_250 : vector<16xf32>
        %max3A_253 = arith.maximumf %max3A_251, %max3A_252 : vector<16xf32>
        %swap3A_254 = arith.constant 0 : i32
        %swap3A_255 = arith.index_cast %swap3A_254 : i32 to index
        %swap3A_256 = arith.index_cast %add3A_167 : i32 to index
        %swap3A_257 = arith.constant 16 : index
        %swap3A_258 = tpu.vector_load %arg7[%swap3A_255, %swap3A_256, %swap3A_257] {strides = array<i32>} : memref<2x32x256xf32, #tpu.memory_space<vmem>>, vector<1x1x16xf32>,
        %swap3A_259 = vector.shape_cast %swap3A_258 : vector<1x1x16xf32> to vector<16xf32>
        %swap3A_260 = vector.shape_cast %max3A_253 : vector<16xf32> to vector<1x1x16xf32>
        tpu.vector_store %arg7[%swap3A_255, %swap3A_256, %swap3A_257], %swap3A_260 {strides = array<i32>} : memref<2x32x256xf32, #tpu.memory_space<vmem>>, vector<1x1x16xf32>,
        %mul3A_261 = arith.constant 4 : i32
        %mul3A_262 = arith.muli %mul3A_261, %add3A_167 : i32
        %get3A_263 = arith.constant 0 : i32
        %get3A_264 = arith.index_cast %get3A_263 : i32 to index
        %get3A_265 = arith.index_cast %mul3A_262 : i32 to index
        %get3A_266 = arith.constant 32 : index
        %get3A_267 = tpu.vector_load %arg6[%get3A_264, %get3A_265, %get3A_266] {strides = array<i32>} : memref<2x128x256xf32, #tpu.memory_space<vmem>>, vector<1x1x16xf32>,
        %get3A_268 = vector.shape_cast %get3A_267 : vector<1x1x16xf32> to vector<16xf32>
        %mul3A_269 = arith.constant 4 : i32
        %mul3A_270 = arith.muli %mul3A_269, %add3A_167 : i32
        %add3A_271 = arith.constant 1 : i32
        %add3A_272 = arith.addi %mul3A_270, %add3A_271 : i32
        %get3A_273 = arith.constant 0 : i32
        %get3A_274 = arith.index_cast %get3A_273 : i32 to index
        %get3A_275 = arith.index_cast %add3A_272 : i32 to index
        %get3A_276 = arith.constant 32 : index
        %get3A_277 = tpu.vector_load %arg6[%get3A_274, %get3A_275, %get3A_276] {strides = array<i32>} : memref<2x128x256xf32, #tpu.memory_space<vmem>>, vector<1x1x16xf32>,
        %get3A_278 = vector.shape_cast %get3A_277 : vector<1x1x16xf32> to vector<16xf32>
        %mul3A_279 = arith.constant 4 : i32
        %mul3A_280 = arith.muli %mul3A_279, %add3A_167 : i32
        %add3A_281 = arith.constant 2 : i32
        %add3A_282 = arith.addi %mul3A_280, %add3A_281 : i32
        %get3A_283 = arith.constant 0 : i32
        %get3A_284 = arith.index_cast %get3A_283 : i32 to index
        %get3A_285 = arith.index_cast %add3A_282 : i32 to index
        %get3A_286 = arith.constant 32 : index
        %get3A_287 = tpu.vector_load %arg6[%get3A_284, %get3A_285, %get3A_286] {strides = array<i32>} : memref<2x128x256xf32, #tpu.memory_space<vmem>>, vector<1x1x16xf32>,
        %get3A_288 = vector.shape_cast %get3A_287 : vector<1x1x16xf32> to vector<16xf32>
        %mul3A_289 = arith.constant 4 : i32
        %mul3A_290 = arith.muli %mul3A_289, %add3A_167 : i32
        %add3A_291 = arith.constant 3 : i32
        %add3A_292 = arith.addi %mul3A_290, %add3A_291 : i32
        %get3A_293 = arith.constant 0 : i32
        %get3A_294 = arith.index_cast %get3A_293 : i32 to index
        %get3A_295 = arith.index_cast %add3A_292 : i32 to index
        %get3A_296 = arith.constant 32 : index
        %get3A_297 = tpu.vector_load %arg6[%get3A_294, %get3A_295, %get3A_296] {strides = array<i32>} : memref<2x128x256xf32, #tpu.memory_space<vmem>>, vector<1x1x16xf32>,
        %get3A_298 = vector.shape_cast %get3A_297 : vector<1x1x16xf32> to vector<16xf32>
        %max3A_299 = arith.maximumf %get3A_268, %get3A_278 : vector<16xf32>
        %max3A_300 = arith.maximumf %get3A_288, %get3A_298 : vector<16xf32>
        %max3A_301 = arith.maximumf %max3A_299, %max3A_300 : vector<16xf32>
        %swap3A_302 = arith.constant 0 : i32
        %swap3A_303 = arith.index_cast %swap3A_302 : i32 to index
        %swap3A_304 = arith.index_cast %add3A_167 : i32 to index
        %swap3A_305 = arith.constant 32 : index
        %swap3A_306 = tpu.vector_load %arg7[%swap3A_303, %swap3A_304, %swap3A_305] {strides = array<i32>} : memref<2x32x256xf32, #tpu.memory_space<vmem>>, vector<1x1x16xf32>,
        %swap3A_307 = vector.shape_cast %swap3A_306 : vector<1x1x16xf32> to vector<16xf32>
        %swap3A_308 = vector.shape_cast %max3A_301 : vector<16xf32> to vector<1x1x16xf32>
        tpu.vector_store %arg7[%swap3A_303, %swap3A_304, %swap3A_305], %swap3A_308 {strides = array<i32>} : memref<2x32x256xf32, #tpu.memory_space<vmem>>, vector<1x1x16xf32>,
        %mul3A_309 = arith.constant 4 : i32
        %mul3A_310 = arith.muli %mul3A_309, %add3A_167 : i32
        %get3A_311 = arith.constant 0 : i32
        %get3A_312 = arith.index_cast %get3A_311 : i32 to index
        %get3A_313 = arith.index_cast %mul3A_310 : i32 to index
        %get3A_314 = arith.constant 48 : index
        %get3A_315 = tpu.vector_load %arg6[%get3A_312, %get3A_313, %get3A_314] {strides = array<i32>} : memref<2x128x256xf32, #tpu.memory_space<vmem>>, vector<1x1x16xf32>,
        %get3A_316 = vector.shape_cast %get3A_315 : vector<1x1x16xf32> to vector<16xf32>
        %mul3A_317 = arith.constant 4 : i32
        %mul3A_318 = arith.muli %mul3A_317, %add3A_167 : i32
        %add3A_319 = arith.constant 1 : i32
        %add3A_320 = arith.addi %mul3A_318, %add3A_319 : i32
        %get3A_321 = arith.constant 0 : i32
        %get3A_322 = arith.index_cast %get3A_321 : i32 to index
        %get3A_323 = arith.index_cast %add3A_320 : i32 to index
        %get3A_324 = arith.constant 48 : index
        %get3A_325 = tpu.vector_load %arg6[%get3A_322, %get3A_323, %get3A_324] {strides = array<i32>} : memref<2x128x256xf32, #tpu.memory_space<vmem>>, vector<1x1x16xf32>,
        %get3A_326 = vector.shape_cast %get3A_325 : vector<1x1x16xf32> to vector<16xf32>
        %mul3A_327 = arith.constant 4 : i32
        %mul3A_328 = arith.muli %mul3A_327, %add3A_167 : i32
        %add3A_329 = arith.constant 2 : i32
        %add3A_330 = arith.addi %mul3A_328, %add3A_329 : i32
        %get3A_331 = arith.constant 0 : i32
        %get3A_332 = arith.index_cast %get3A_331 : i32 to index
        %get3A_333 = arith.index_cast %add3A_330 : i32 to index
        %get3A_334 = arith.constant 48 : index
        %get3A_335 = tpu.vector_load %arg6[%get3A_332, %get3A_333, %get3A_334] {strides = array<i32>} : memref<2x128x256xf32, #tpu.memory_space<vmem>>, vector<1x1x16xf32>,
        %get3A_336 = vector.shape_cast %get3A_335 : vector<1x1x16xf32> to vector<16xf32>
        %mul3A_337 = arith.constant 4 : i32
        %mul3A_338 = arith.muli %mul3A_337, %add3A_167 : i32
        %add3A_339 = arith.constant 3 : i32
        %add3A_340 = arith.addi %mul3A_338, %add3A_339 : i32
        %get3A_341 = arith.constant 0 : i32
        %get3A_342 = arith.index_cast %get3A_341 : i32 to index
        %get3A_343 = arith.index_cast %add3A_340 : i32 to index
        %get3A_344 = arith.constant 48 : index
        %get3A_345 = tpu.vector_load %arg6[%get3A_342, %get3A_343, %get3A_344] {strides = array<i32>} : memref<2x128x256xf32, #tpu.memory_space<vmem>>, vector<1x1x16xf32>,
        %get3A_346 = vector.shape_cast %get3A_345 : vector<1x1x16xf32> to vector<16xf32>
        %max3A_347 = arith.maximumf %get3A_316, %get3A_326 : vector<16xf32>
        %max3A_348 = arith.maximumf %get3A_336, %get3A_346 : vector<16xf32>
        %max3A_349 = arith.maximumf %max3A_347, %max3A_348 : vector<16xf32>
        %swap3A_350 = arith.constant 0 : i32
        %swap3A_351 = arith.index_cast %swap3A_350 : i32 to index
        %swap3A_352 = arith.index_cast %add3A_167 : i32 to index
        %swap3A_353 = arith.constant 48 : index
        %swap3A_354 = tpu.vector_load %arg7[%swap3A_351, %swap3A_352, %swap3A_353] {strides = array<i32>} : memref<2x32x256xf32, #tpu.memory_space<vmem>>, vector<1x1x16xf32>,
        %swap3A_355 = vector.shape_cast %swap3A_354 : vector<1x1x16xf32> to vector<16xf32>
        %swap3A_356 = vector.shape_cast %max3A_349 : vector<16xf32> to vector<1x1x16xf32>
        tpu.vector_store %arg7[%swap3A_351, %swap3A_352, %swap3A_353], %swap3A_356 {strides = array<i32>} : memref<2x32x256xf32, #tpu.memory_space<vmem>>, vector<1x1x16xf32>,
        %mul3A_357 = arith.constant 4 : i32
        %mul3A_358 = arith.muli %mul3A_357, %add3A_167 : i32
        %get3A_359 = arith.constant 0 : i32
        %get3A_360 = arith.index_cast %get3A_359 : i32 to index
        %get3A_361 = arith.index_cast %mul3A_358 : i32 to index
        %get3A_362 = arith.constant 64 : index
        %get3A_363 = tpu.vector_load %arg6[%get3A_360, %get3A_361, %get3A_362] {strides = array<i32>} : memref<2x128x256xf32, #tpu.memory_space<vmem>>, vector<1x1x16xf32>,
        %get3A_364 = vector.shape_cast %get3A_363 : vector<1x1x16xf32> to vector<16xf32>
        %mul3A_365 = arith.constant 4 : i32
        %mul3A_366 = arith.muli %mul3A_365, %add3A_167 : i32
        %add3A_367 = arith.constant 1 : i32
        %add3A_368 = arith.addi %mul3A_366, %add3A_367 : i32
        %get3A_369 = arith.constant 0 : i32
        %get3A_370 = arith.index_cast %get3A_369 : i32 to index
        %get3A_371 = arith.index_cast %add3A_368 : i32 to index
        %get3A_372 = arith.constant 64 : index
        %get3A_373 = tpu.vector_load %arg6[%get3A_370, %get3A_371, %get3A_372] {strides = array<i32>} : memref<2x128x256xf32, #tpu.memory_space<vmem>>, vector<1x1x16xf32>,
        %get3A_374 = vector.shape_cast %get3A_373 : vector<1x1x16xf32> to vector<16xf32>
        %mul3A_375 = arith.constant 4 : i32
        %mul3A_376 = arith.muli %mul3A_375, %add3A_167 : i32
        %add3A_377 = arith.constant 2 : i32
        %add3A_378 = arith.addi %mul3A_376, %add3A_377 : i32
        %get3A_379 = arith.constant 0 : i32
        %get3A_380 = arith.index_cast %get3A_379 : i32 to index
        %get3A_381 = arith.index_cast %add3A_378 : i32 to index
        %get3A_382 = arith.constant 64 : index
        %get3A_383 = tpu.vector_load %arg6[%get3A_380, %get3A_381, %get3A_382] {strides = array<i32>} : memref<2x128x256xf32, #tpu.memory_space<vmem>>, vector<1x1x16xf32>,
        %get3A_384 = vector.shape_cast %get3A_383 : vector<1x1x16xf32> to vector<16xf32>
        %mul3A_385 = arith.constant 4 : i32
        %mul3A_386 = arith.muli %mul3A_385, %add3A_167 : i32
        %add3A_387 = arith.constant 3 : i32
        %add3A_388 = arith.addi %mul3A_386, %add3A_387 : i32
        %get3A_389 = arith.constant 0 : i32
        %get3A_390 = arith.index_cast %get3A_389 : i32 to index
        %get3A_391 = arith.index_cast %add3A_388 : i32 to index
        %get3A_392 = arith.constant 64 : index
        %get3A_393 = tpu.vector_load %arg6[%get3A_390, %get3A_391, %get3A_392] {strides = array<i32>} : memref<2x128x256xf32, #tpu.memory_space<vmem>>, vector<1x1x16xf32>,
        %get3A_394 = vector.shape_cast %get3A_393 : vector<1x1x16xf32> to vector<16xf32>
        %max3A_395 = arith.maximumf %get3A_364, %get3A_374 : vector<16xf32>
        %max3A_396 = arith.maximumf %get3A_384, %get3A_394 : vector<16xf32>
        %max3A_397 = arith.maximumf %max3A_395, %max3A_396 : vector<16xf32>
        %swap3A_398 = arith.constant 0 : i32
        %swap3A_399 = arith.index_cast %swap3A_398 : i32 to index
        %swap3A_400 = arith.index_cast %add3A_167 : i32 to index
        %swap3A_401 = arith.constant 64 : index
        %swap3A_402 = tpu.vector_load %arg7[%swap3A_399, %swap3A_400, %swap3A_401] {strides = array<i32>} : memref<2x32x256xf32, #tpu.memory_space<vmem>>, vector<1x1x16xf32>,
        %swap3A_403 = vector.shape_cast %swap3A_402 : vector<1x1x16xf32> to vector<16xf32>
        %swap3A_404 = vector.shape_cast %max3A_397 : vector<16xf32> to vector<1x1x16xf32>
        tpu.vector_store %arg7[%swap3A_399, %swap3A_400, %swap3A_401], %swap3A_404 {strides = array<i32>} : memref<2x32x256xf32, #tpu.memory_space<vmem>>, vector<1x1x16xf32>,
        %mul3A_405 = arith.constant 4 : i32
        %mul3A_406 = arith.muli %mul3A_405, %add3A_167 : i32
        %get3A_407 = arith.constant 0 : i32
        %get3A_408 = arith.index_cast %get3A_407 : i32 to index
        %get3A_409 = arith.index_cast %mul3A_406 : i32 to index
        %get3A_410 = arith.constant 80 : index
        %get3A_411 = tpu.vector_load %arg6[%get3A_408, %get3A_409, %get3A_410] {strides = array<i32>} : memref<2x128x256xf32, #tpu.memory_space<vmem>>, vector<1x1x16xf32>,
        %get3A_412 = vector.shape_cast %get3A_411 : vector<1x1x16xf32> to vector<16xf32>
        %mul3A_413 = arith.constant 4 : i32
        %mul3A_414 = arith.muli %mul3A_413, %add3A_167 : i32
        %add3A_415 = arith.constant 1 : i32
        %add3A_416 = arith.addi %mul3A_414, %add3A_415 : i32
        %get3A_417 = arith.constant 0 : i32
        %get3A_418 = arith.index_cast %get3A_417 : i32 to index
        %get3A_419 = arith.index_cast %add3A_416 : i32 to index
        %get3A_420 = arith.constant 80 : index
        %get3A_421 = tpu.vector_load %arg6[%get3A_418, %get3A_419, %get3A_420] {strides = array<i32>} : memref<2x128x256xf32, #tpu.memory_space<vmem>>, vector<1x1x16xf32>,
        %get3A_422 = vector.shape_cast %get3A_421 : vector<1x1x16xf32> to vector<16xf32>
        %mul3A_423 = arith.constant 4 : i32
        %mul3A_424 = arith.muli %mul3A_423, %add3A_167 : i32
        %add3A_425 = arith.constant 2 : i32
        %add3A_426 = arith.addi %mul3A_424, %add3A_425 : i32
        %get3A_427 = arith.constant 0 : i32
        %get3A_428 = arith.index_cast %get3A_427 : i32 to index
        %get3A_429 = arith.index_cast %add3A_426 : i32 to index
        %get3A_430 = arith.constant 80 : index
        %get3A_431 = tpu.vector_load %arg6[%get3A_428, %get3A_429, %get3A_430] {strides = array<i32>} : memref<2x128x256xf32, #tpu.memory_space<vmem>>, vector<1x1x16xf32>,
        %get3A_432 = vector.shape_cast %get3A_431 : vector<1x1x16xf32> to vector<16xf32>
        %mul3A_433 = arith.constant 4 : i32
        %mul3A_434 = arith.muli %mul3A_433, %add3A_167 : i32
        %add3A_435 = arith.constant 3 : i32
        %add3A_436 = arith.addi %mul3A_434, %add3A_435 : i32
        %get3A_437 = arith.constant 0 : i32
        %get3A_438 = arith.index_cast %get3A_437 : i32 to index
        %get3A_439 = arith.index_cast %add3A_436 : i32 to index
        %get3A_440 = arith.constant 80 : index
        %get3A_441 = tpu.vector_load %arg6[%get3A_438, %get3A_439, %get3A_440] {strides = array<i32>} : memref<2x128x256xf32, #tpu.memory_space<vmem>>, vector<1x1x16xf32>,
        %get3A_442 = vector.shape_cast %get3A_441 : vector<1x1x16xf32> to vector<16xf32>
        %max3A_443 = arith.maximumf %get3A_412, %get3A_422 : vector<16xf32>
        %max3A_444 = arith.maximumf %get3A_432, %get3A_442 : vector<16xf32>
        %max3A_445 = arith.maximumf %max3A_443, %max3A_444 : vector<16xf32>
        %swap3A_446 = arith.constant 0 : i32
        %swap3A_447 = arith.index_cast %swap3A_446 : i32 to index
        %swap3A_448 = arith.index_cast %add3A_167 : i32 to index
        %swap3A_449 = arith.constant 80 : index
        %swap3A_450 = tpu.vector_load %arg7[%swap3A_447, %swap3A_448, %swap3A_449] {strides = array<i32>} : memref<2x32x256xf32, #tpu.memory_space<vmem>>, vector<1x1x16xf32>,
        %swap3A_451 = vector.shape_cast %swap3A_450 : vector<1x1x16xf32> to vector<16xf32>
        %swap3A_452 = vector.shape_cast %max3A_445 : vector<16xf32> to vector<1x1x16xf32>
        tpu.vector_store %arg7[%swap3A_447, %swap3A_448, %swap3A_449], %swap3A_452 {strides = array<i32>} : memref<2x32x256xf32, #tpu.memory_space<vmem>>, vector<1x1x16xf32>,
        %mul3A_453 = arith.constant 4 : i32
        %mul3A_454 = arith.muli %mul3A_453, %add3A_167 : i32
        %get3A_455 = arith.constant 0 : i32
        %get3A_456 = arith.index_cast %get3A_455 : i32 to index
        %get3A_457 = arith.index_cast %mul3A_454 : i32 to index
        %get3A_458 = arith.constant 96 : index
        %get3A_459 = tpu.vector_load %arg6[%get3A_456, %get3A_457, %get3A_458] {strides = array<i32>} : memref<2x128x256xf32, #tpu.memory_space<vmem>>, vector<1x1x16xf32>,
        %get3A_460 = vector.shape_cast %get3A_459 : vector<1x1x16xf32> to vector<16xf32>
        %mul3A_461 = arith.constant 4 : i32
        %mul3A_462 = arith.muli %mul3A_461, %add3A_167 : i32
        %add3A_463 = arith.constant 1 : i32
        %add3A_464 = arith.addi %mul3A_462, %add3A_463 : i32
        %get3A_465 = arith.constant 0 : i32
        %get3A_466 = arith.index_cast %get3A_465 : i32 to index
        %get3A_467 = arith.index_cast %add3A_464 : i32 to index
        %get3A_468 = arith.constant 96 : index
        %get3A_469 = tpu.vector_load %arg6[%get3A_466, %get3A_467, %get3A_468] {strides = array<i32>} : memref<2x128x256xf32, #tpu.memory_space<vmem>>, vector<1x1x16xf32>,
        %get3A_470 = vector.shape_cast %get3A_469 : vector<1x1x16xf32> to vector<16xf32>
        %mul3A_471 = arith.constant 4 : i32
        %mul3A_472 = arith.muli %mul3A_471, %add3A_167 : i32
        %add3A_473 = arith.constant 2 : i32
        %add3A_474 = arith.addi %mul3A_472, %add3A_473 : i32
        %get3A_475 = arith.constant 0 : i32
        %get3A_476 = arith.index_cast %get3A_475 : i32 to index
        %get3A_477 = arith.index_cast %add3A_474 : i32 to index
        %get3A_478 = arith.constant 96 : index
        %get3A_479 = tpu.vector_load %arg6[%get3A_476, %get3A_477, %get3A_478] {strides = array<i32>} : memref<2x128x256xf32, #tpu.memory_space<vmem>>, vector<1x1x16xf32>,
        %get3A_480 = vector.shape_cast %get3A_479 : vector<1x1x16xf32> to vector<16xf32>
        %mul3A_481 = arith.constant 4 : i32
        %mul3A_482 = arith.muli %mul3A_481, %add3A_167 : i32
        %add3A_483 = arith.constant 3 : i32
        %add3A_484 = arith.addi %mul3A_482, %add3A_483 : i32
        %get3A_485 = arith.constant 0 : i32
        %get3A_486 = arith.index_cast %get3A_485 : i32 to index
        %get3A_487 = arith.index_cast %add3A_484 : i32 to index
        %get3A_488 = arith.constant 96 : index
        %get3A_489 = tpu.vector_load %arg6[%get3A_486, %get3A_487, %get3A_488] {strides = array<i32>} : memref<2x128x256xf32, #tpu.memory_space<vmem>>, vector<1x1x16xf32>,
        %get3A_490 = vector.shape_cast %get3A_489 : vector<1x1x16xf32> to vector<16xf32>
        %max3A_491 = arith.maximumf %get3A_460, %get3A_470 : vector<16xf32>
        %max3A_492 = arith.maximumf %get3A_480, %get3A_490 : vector<16xf32>
        %max3A_493 = arith.maximumf %max3A_491, %max3A_492 : vector<16xf32>
        %swap3A_494 = arith.constant 0 : i32
        %swap3A_495 = arith.index_cast %swap3A_494 : i32 to index
        %swap3A_496 = arith.index_cast %add3A_167 : i32 to index
        %swap3A_497 = arith.constant 96 : index
        %swap3A_498 = tpu.vector_load %arg7[%swap3A_495, %swap3A_496, %swap3A_497] {strides = array<i32>} : memref<2x32x256xf32, #tpu.memory_space<vmem>>, vector<1x1x16xf32>,
        %swap3A_499 = vector.shape_cast %swap3A_498 : vector<1x1x16xf32> to vector<16xf32>
        %swap3A_500 = vector.shape_cast %max3A_493 : vector<16xf32> to vector<1x1x16xf32>
        tpu.vector_store %arg7[%swap3A_495, %swap3A_496, %swap3A_497], %swap3A_500 {strides = array<i32>} : memref<2x32x256xf32, #tpu.memory_space<vmem>>, vector<1x1x16xf32>,
        %mul3A_501 = arith.constant 4 : i32
        %mul3A_502 = arith.muli %mul3A_501, %add3A_167 : i32
        %get3A_503 = arith.constant 0 : i32
        %get3A_504 = arith.index_cast %get3A_503 : i32 to index
        %get3A_505 = arith.index_cast %mul3A_502 : i32 to index
        %get3A_506 = arith.constant 112 : index
        %get3A_507 = tpu.vector_load %arg6[%get3A_504, %get3A_505, %get3A_506] {strides = array<i32>} : memref<2x128x256xf32, #tpu.memory_space<vmem>>, vector<1x1x16xf32>,
        %get3A_508 = vector.shape_cast %get3A_507 : vector<1x1x16xf32> to vector<16xf32>
        %mul3A_509 = arith.constant 4 : i32
        %mul3A_510 = arith.muli %mul3A_509, %add3A_167 : i32
        %add3A_511 = arith.constant 1 : i32
        %add3A_512 = arith.addi %mul3A_510, %add3A_511 : i32
        %get3A_513 = arith.constant 0 : i32
        %get3A_514 = arith.index_cast %get3A_513 : i32 to index
        %get3A_515 = arith.index_cast %add3A_512 : i32 to index
        %get3A_516 = arith.constant 112 : index
        %get3A_517 = tpu.vector_load %arg6[%get3A_514, %get3A_515, %get3A_516] {strides = array<i32>} : memref<2x128x256xf32, #tpu.memory_space<vmem>>, vector<1x1x16xf32>,
        %get3A_518 = vector.shape_cast %get3A_517 : vector<1x1x16xf32> to vector<16xf32>
        %mul3A_519 = arith.constant 4 : i32
        %mul3A_520 = arith.muli %mul3A_519, %add3A_167 : i32
        %add3A_521 = arith.constant 2 : i32
        %add3A_522 = arith.addi %mul3A_520, %add3A_521 : i32
        %get3A_523 = arith.constant 0 : i32
        %get3A_524 = arith.index_cast %get3A_523 : i32 to index
        %get3A_525 = arith.index_cast %add3A_522 : i32 to index
        %get3A_526 = arith.constant 112 : index
        %get3A_527 = tpu.vector_load %arg6[%get3A_524, %get3A_525, %get3A_526] {strides = array<i32>} : memref<2x128x256xf32, #tpu.memory_space<vmem>>, vector<1x1x16xf32>,
        %get3A_528 = vector.shape_cast %get3A_527 : vector<1x1x16xf32> to vector<16xf32>
        %mul3A_529 = arith.constant 4 : i32
        %mul3A_530 = arith.muli %mul3A_529, %add3A_167 : i32
        %add3A_531 = arith.constant 3 : i32
        %add3A_532 = arith.addi %mul3A_530, %add3A_531 : i32
        %get3A_533 = arith.constant 0 : i32
        %get3A_534 = arith.index_cast %get3A_533 : i32 to index
        %get3A_535 = arith.index_cast %add3A_532 : i32 to index
        %get3A_536 = arith.constant 112 : index
        %get3A_537 = tpu.vector_load %arg6[%get3A_534, %get3A_535, %get3A_536] {strides = array<i32>} : memref<2x128x256xf32, #tpu.memory_space<vmem>>, vector<1x1x16xf32>,
        %get3A_538 = vector.shape_cast %get3A_537 : vector<1x1x16xf32> to vector<16xf32>
        %max3A_539 = arith.maximumf %get3A_508, %get3A_518 : vector<16xf32>
        %max3A_540 = arith.maximumf %get3A_528, %get3A_538 : vector<16xf32>
        %max3A_541 = arith.maximumf %max3A_539, %max3A_540 : vector<16xf32>
        %swap3A_542 = arith.constant 0 : i32
        %swap3A_543 = arith.index_cast %swap3A_542 : i32 to index
        %swap3A_544 = arith.index_cast %add3A_167 : i32 to index
        %swap3A_545 = arith.constant 112 : index
        %swap3A_546 = tpu.vector_load %arg7[%swap3A_543, %swap3A_544, %swap3A_545] {strides = array<i32>} : memref<2x32x256xf32, #tpu.memory_space<vmem>>, vector<1x1x16xf32>,
        %swap3A_547 = vector.shape_cast %swap3A_546 : vector<1x1x16xf32> to vector<16xf32>
        %swap3A_548 = vector.shape_cast %max3A_541 : vector<16xf32> to vector<1x1x16xf32>
        tpu.vector_store %arg7[%swap3A_543, %swap3A_544, %swap3A_545], %swap3A_548 {strides = array<i32>} : memref<2x32x256xf32, #tpu.memory_space<vmem>>, vector<1x1x16xf32>,
        %mul3A_549 = arith.constant 4 : i32
        %mul3A_550 = arith.muli %mul3A_549, %add3A_167 : i32
        %get3A_551 = arith.constant 0 : i32
        %get3A_552 = arith.index_cast %get3A_551 : i32 to index
        %get3A_553 = arith.index_cast %mul3A_550 : i32 to index
        %get3A_554 = arith.constant 128 : index
        %get3A_555 = tpu.vector_load %arg6[%get3A_552, %get3A_553, %get3A_554] {strides = array<i32>} : memref<2x128x256xf32, #tpu.memory_space<vmem>>, vector<1x1x16xf32>,
        %get3A_556 = vector.shape_cast %get3A_555 : vector<1x1x16xf32> to vector<16xf32>
        %mul3A_557 = arith.constant 4 : i32
        %mul3A_558 = arith.muli %mul3A_557, %add3A_167 : i32
        %add3A_559 = arith.constant 1 : i32
        %add3A_560 = arith.addi %mul3A_558, %add3A_559 : i32
        %get3A_561 = arith.constant 0 : i32
        %get3A_562 = arith.index_cast %get3A_561 : i32 to index
        %get3A_563 = arith.index_cast %add3A_560 : i32 to index
        %get3A_564 = arith.constant 128 : index
        %get3A_565 = tpu.vector_load %arg6[%get3A_562, %get3A_563, %get3A_564] {strides = array<i32>} : memref<2x128x256xf32, #tpu.memory_space<vmem>>, vector<1x1x16xf32>,
        %get3A_566 = vector.shape_cast %get3A_565 : vector<1x1x16xf32> to vector<16xf32>
        %mul3A_567 = arith.constant 4 : i32
        %mul3A_568 = arith.muli %mul3A_567, %add3A_167 : i32
        %add3A_569 = arith.constant 2 : i32
        %add3A_570 = arith.addi %mul3A_568, %add3A_569 : i32
        %get3A_571 = arith.constant 0 : i32
        %get3A_572 = arith.index_cast %get3A_571 : i32 to index
        %get3A_573 = arith.index_cast %add3A_570 : i32 to index
        %get3A_574 = arith.constant 128 : index
        %get3A_575 = tpu.vector_load %arg6[%get3A_572, %get3A_573, %get3A_574] {strides = array<i32>} : memref<2x128x256xf32, #tpu.memory_space<vmem>>, vector<1x1x16xf32>,
        %get3A_576 = vector.shape_cast %get3A_575 : vector<1x1x16xf32> to vector<16xf32>
        %mul3A_577 = arith.constant 4 : i32
        %mul3A_578 = arith.muli %mul3A_577, %add3A_167 : i32
        %add3A_579 = arith.constant 3 : i32
        %add3A_580 = arith.addi %mul3A_578, %add3A_579 : i32
        %get3A_581 = arith.constant 0 : i32
        %get3A_582 = arith.index_cast %get3A_581 : i32 to index
        %get3A_583 = arith.index_cast %add3A_580 : i32 to index
        %get3A_584 = arith.constant 128 : index
        %get3A_585 = tpu.vector_load %arg6[%get3A_582, %get3A_583, %get3A_584] {strides = array<i32>} : memref<2x128x256xf32, #tpu.memory_space<vmem>>, vector<1x1x16xf32>,
        %get3A_586 = vector.shape_cast %get3A_585 : vector<1x1x16xf32> to vector<16xf32>
        %max3A_587 = arith.maximumf %get3A_556, %get3A_566 : vector<16xf32>
        %max3A_588 = arith.maximumf %get3A_576, %get3A_586 : vector<16xf32>
        %max3A_589 = arith.maximumf %max3A_587, %max3A_588 : vector<16xf32>
        %swap3A_590 = arith.constant 0 : i32
        %swap3A_591 = arith.index_cast %swap3A_590 : i32 to index
        %swap3A_592 = arith.index_cast %add3A_167 : i32 to index
        %swap3A_593 = arith.constant 128 : index
        %swap3A_594 = tpu.vector_load %arg7[%swap3A_591, %swap3A_592, %swap3A_593] {strides = array<i32>} : memref<2x32x256xf32, #tpu.memory_space<vmem>>, vector<1x1x16xf32>,
        %swap3A_595 = vector.shape_cast %swap3A_594 : vector<1x1x16xf32> to vector<16xf32>
        %swap3A_596 = vector.shape_cast %max3A_589 : vector<16xf32> to vector<1x1x16xf32>
        tpu.vector_store %arg7[%swap3A_591, %swap3A_592, %swap3A_593], %swap3A_596 {strides = array<i32>} : memref<2x32x256xf32, #tpu.memory_space<vmem>>, vector<1x1x16xf32>,
        %mul3A_597 = arith.constant 4 : i32
        %mul3A_598 = arith.muli %mul3A_597, %add3A_167 : i32
        %get3A_599 = arith.constant 0 : i32
        %get3A_600 = arith.index_cast %get3A_599 : i32 to index
        %get3A_601 = arith.index_cast %mul3A_598 : i32 to index
        %get3A_602 = arith.constant 144 : index
        %get3A_603 = tpu.vector_load %arg6[%get3A_600, %get3A_601, %get3A_602] {strides = array<i32>} : memref<2x128x256xf32, #tpu.memory_space<vmem>>, vector<1x1x16xf32>,
        %get3A_604 = vector.shape_cast %get3A_603 : vector<1x1x16xf32> to vector<16xf32>
        %mul3A_605 = arith.constant 4 : i32
        %mul3A_606 = arith.muli %mul3A_605, %add3A_167 : i32
        %add3A_607 = arith.constant 1 : i32
        %add3A_608 = arith.addi %mul3A_606, %add3A_607 : i32
        %get3A_609 = arith.constant 0 : i32
        %get3A_610 = arith.index_cast %get3A_609 : i32 to index
        %get3A_611 = arith.index_cast %add3A_608 : i32 to index
        %get3A_612 = arith.constant 144 : index
        %get3A_613 = tpu.vector_load %arg6[%get3A_610, %get3A_611, %get3A_612] {strides = array<i32>} : memref<2x128x256xf32, #tpu.memory_space<vmem>>, vector<1x1x16xf32>,
        %get3A_614 = vector.shape_cast %get3A_613 : vector<1x1x16xf32> to vector<16xf32>
        %mul3A_615 = arith.constant 4 : i32
        %mul3A_616 = arith.muli %mul3A_615, %add3A_167 : i32
        %add3A_617 = arith.constant 2 : i32
        %add3A_618 = arith.addi %mul3A_616, %add3A_617 : i32
        %get3A_619 = arith.constant 0 : i32
        %get3A_620 = arith.index_cast %get3A_619 : i32 to index
        %get3A_621 = arith.index_cast %add3A_618 : i32 to index
        %get3A_622 = arith.constant 144 : index
        %get3A_623 = tpu.vector_load %arg6[%get3A_620, %get3A_621, %get3A_622] {strides = array<i32>} : memref<2x128x256xf32, #tpu.memory_space<vmem>>, vector<1x1x16xf32>,
        %get3A_624 = vector.shape_cast %get3A_623 : vector<1x1x16xf32> to vector<16xf32>
        %mul3A_625 = arith.constant 4 : i32
        %mul3A_626 = arith.muli %mul3A_625, %add3A_167 : i32
        %add3A_627 = arith.constant 3 : i32
        %add3A_628 = arith.addi %mul3A_626, %add3A_627 : i32
        %get3A_629 = arith.constant 0 : i32
        %get3A_630 = arith.index_cast %get3A_629 : i32 to index
        %get3A_631 = arith.index_cast %add3A_628 : i32 to index
        %get3A_632 = arith.constant 144 : index
        %get3A_633 = tpu.vector_load %arg6[%get3A_630, %get3A_631, %get3A_632] {strides = array<i32>} : memref<2x128x256xf32, #tpu.memory_space<vmem>>, vector<1x1x16xf32>,
        %get3A_634 = vector.shape_cast %get3A_633 : vector<1x1x16xf32> to vector<16xf32>
        %max3A_635 = arith.maximumf %get3A_604, %get3A_614 : vector<16xf32>
        %max3A_636 = arith.maximumf %get3A_624, %get3A_634 : vector<16xf32>
        %max3A_637 = arith.maximumf %max3A_635, %max3A_636 : vector<16xf32>
        %swap3A_638 = arith.constant 0 : i32
        %swap3A_639 = arith.index_cast %swap3A_638 : i32 to index
        %swap3A_640 = arith.index_cast %add3A_167 : i32 to index
        %swap3A_641 = arith.constant 144 : index
        %swap3A_642 = tpu.vector_load %arg7[%swap3A_639, %swap3A_640, %swap3A_641] {strides = array<i32>} : memref<2x32x256xf32, #tpu.memory_space<vmem>>, vector<1x1x16xf32>,
        %swap3A_643 = vector.shape_cast %swap3A_642 : vector<1x1x16xf32> to vector<16xf32>
        %swap3A_644 = vector.shape_cast %max3A_637 : vector<16xf32> to vector<1x1x16xf32>
        tpu.vector_store %arg7[%swap3A_639, %swap3A_640, %swap3A_641], %swap3A_644 {strides = array<i32>} : memref<2x32x256xf32, #tpu.memory_space<vmem>>, vector<1x1x16xf32>,
        %mul3A_645 = arith.constant 4 : i32
        %mul3A_646 = arith.muli %mul3A_645, %add3A_167 : i32
        %get3A_647 = arith.constant 0 : i32
        %get3A_648 = arith.index_cast %get3A_647 : i32 to index
        %get3A_649 = arith.index_cast %mul3A_646 : i32 to index
        %get3A_650 = arith.constant 160 : index
        %get3A_651 = tpu.vector_load %arg6[%get3A_648, %get3A_649, %get3A_650] {strides = array<i32>} : memref<2x128x256xf32, #tpu.memory_space<vmem>>, vector<1x1x16xf32>,
        %get3A_652 = vector.shape_cast %get3A_651 : vector<1x1x16xf32> to vector<16xf32>
        %mul3A_653 = arith.constant 4 : i32
        %mul3A_654 = arith.muli %mul3A_653, %add3A_167 : i32
        %add3A_655 = arith.constant 1 : i32
        %add3A_656 = arith.addi %mul3A_654, %add3A_655 : i32
        %get3A_657 = arith.constant 0 : i32
        %get3A_658 = arith.index_cast %get3A_657 : i32 to index
        %get3A_659 = arith.index_cast %add3A_656 : i32 to index
        %get3A_660 = arith.constant 160 : index
        %get3A_661 = tpu.vector_load %arg6[%get3A_658, %get3A_659, %get3A_660] {strides = array<i32>} : memref<2x128x256xf32, #tpu.memory_space<vmem>>, vector<1x1x16xf32>,
        %get3A_662 = vector.shape_cast %get3A_661 : vector<1x1x16xf32> to vector<16xf32>
        %mul3A_663 = arith.constant 4 : i32
        %mul3A_664 = arith.muli %mul3A_663, %add3A_167 : i32
        %add3A_665 = arith.constant 2 : i32
        %add3A_666 = arith.addi %mul3A_664, %add3A_665 : i32
        %get3A_667 = arith.constant 0 : i32
        %get3A_668 = arith.index_cast %get3A_667 : i32 to index
        %get3A_669 = arith.index_cast %add3A_666 : i32 to index
        %get3A_670 = arith.constant 160 : index
        %get3A_671 = tpu.vector_load %arg6[%get3A_668, %get3A_669, %get3A_670] {strides = array<i32>} : memref<2x128x256xf32, #tpu.memory_space<vmem>>, vector<1x1x16xf32>,
        %get3A_672 = vector.shape_cast %get3A_671 : vector<1x1x16xf32> to vector<16xf32>
        %mul3A_673 = arith.constant 4 : i32
        %mul3A_674 = arith.muli %mul3A_673, %add3A_167 : i32
        %add3A_675 = arith.constant 3 : i32
        %add3A_676 = arith.addi %mul3A_674, %add3A_675 : i32
        %get3A_677 = arith.constant 0 : i32
        %get3A_678 = arith.index_cast %get3A_677 : i32 to index
        %get3A_679 = arith.index_cast %add3A_676 : i32 to index
        %get3A_680 = arith.constant 160 : index
        %get3A_681 = tpu.vector_load %arg6[%get3A_678, %get3A_679, %get3A_680] {strides = array<i32>} : memref<2x128x256xf32, #tpu.memory_space<vmem>>, vector<1x1x16xf32>,
        %get3A_682 = vector.shape_cast %get3A_681 : vector<1x1x16xf32> to vector<16xf32>
        %max3A_683 = arith.maximumf %get3A_652, %get3A_662 : vector<16xf32>
        %max3A_684 = arith.maximumf %get3A_672, %get3A_682 : vector<16xf32>
        %max3A_685 = arith.maximumf %max3A_683, %max3A_684 : vector<16xf32>
        %swap3A_686 = arith.constant 0 : i32
        %swap3A_687 = arith.index_cast %swap3A_686 : i32 to index
        %swap3A_688 = arith.index_cast %add3A_167 : i32 to index
        %swap3A_689 = arith.constant 160 : index
        %swap3A_690 = tpu.vector_load %arg7[%swap3A_687, %swap3A_688, %swap3A_689] {strides = array<i32>} : memref<2x32x256xf32, #tpu.memory_space<vmem>>, vector<1x1x16xf32>,
        %swap3A_691 = vector.shape_cast %swap3A_690 : vector<1x1x16xf32> to vector<16xf32>
        %swap3A_692 = vector.shape_cast %max3A_685 : vector<16xf32> to vector<1x1x16xf32>
        tpu.vector_store %arg7[%swap3A_687, %swap3A_688, %swap3A_689], %swap3A_692 {strides = array<i32>} : memref<2x32x256xf32, #tpu.memory_space<vmem>>, vector<1x1x16xf32>,
        %mul3A_693 = arith.constant 4 : i32
        %mul3A_694 = arith.muli %mul3A_693, %add3A_167 : i32
        %get3A_695 = arith.constant 0 : i32
        %get3A_696 = arith.index_cast %get3A_695 : i32 to index
        %get3A_697 = arith.index_cast %mul3A_694 : i32 to index
        %get3A_698 = arith.constant 176 : index
        %get3A_699 = tpu.vector_load %arg6[%get3A_696, %get3A_697, %get3A_698] {strides = array<i32>} : memref<2x128x256xf32, #tpu.memory_space<vmem>>, vector<1x1x16xf32>,
        %get3A_700 = vector.shape_cast %get3A_699 : vector<1x1x16xf32> to vector<16xf32>
        %mul3A_701 = arith.constant 4 : i32
        %mul3A_702 = arith.muli %mul3A_701, %add3A_167 : i32
        %add3A_703 = arith.constant 1 : i32
        %add3A_704 = arith.addi %mul3A_702, %add3A_703 : i32
        %get3A_705 = arith.constant 0 : i32
        %get3A_706 = arith.index_cast %get3A_705 : i32 to index
        %get3A_707 = arith.index_cast %add3A_704 : i32 to index
        %get3A_708 = arith.constant 176 : index
        %get3A_709 = tpu.vector_load %arg6[%get3A_706, %get3A_707, %get3A_708] {strides = array<i32>} : memref<2x128x256xf32, #tpu.memory_space<vmem>>, vector<1x1x16xf32>,
        %get3A_710 = vector.shape_cast %get3A_709 : vector<1x1x16xf32> to vector<16xf32>
        %mul3A_711 = arith.constant 4 : i32
        %mul3A_712 = arith.muli %mul3A_711, %add3A_167 : i32
        %add3A_713 = arith.constant 2 : i32
        %add3A_714 = arith.addi %mul3A_712, %add3A_713 : i32
        %get3A_715 = arith.constant 0 : i32
        %get3A_716 = arith.index_cast %get3A_715 : i32 to index
        %get3A_717 = arith.index_cast %add3A_714 : i32 to index
        %get3A_718 = arith.constant 176 : index
        %get3A_719 = tpu.vector_load %arg6[%get3A_716, %get3A_717, %get3A_718] {strides = array<i32>} : memref<2x128x256xf32, #tpu.memory_space<vmem>>, vector<1x1x16xf32>,
        %get3A_720 = vector.shape_cast %get3A_719 : vector<1x1x16xf32> to vector<16xf32>
        %mul3A_721 = arith.constant 4 : i32
        %mul3A_722 = arith.muli %mul3A_721, %add3A_167 : i32
        %add3A_723 = arith.constant 3 : i32
        %add3A_724 = arith.addi %mul3A_722, %add3A_723 : i32
        %get3A_725 = arith.constant 0 : i32
        %get3A_726 = arith.index_cast %get3A_725 : i32 to index
        %get3A_727 = arith.index_cast %add3A_724 : i32 to index
        %get3A_728 = arith.constant 176 : index
        %get3A_729 = tpu.vector_load %arg6[%get3A_726, %get3A_727, %get3A_728] {strides = array<i32>} : memref<2x128x256xf32, #tpu.memory_space<vmem>>, vector<1x1x16xf32>,
        %get3A_730 = vector.shape_cast %get3A_729 : vector<1x1x16xf32> to vector<16xf32>
        %max3A_731 = arith.maximumf %get3A_700, %get3A_710 : vector<16xf32>
        %max3A_732 = arith.maximumf %get3A_720, %get3A_730 : vector<16xf32>
        %max3A_733 = arith.maximumf %max3A_731, %max3A_732 : vector<16xf32>
        %swap3A_734 = arith.constant 0 : i32
        %swap3A_735 = arith.index_cast %swap3A_734 : i32 to index
        %swap3A_736 = arith.index_cast %add3A_167 : i32 to index
        %swap3A_737 = arith.constant 176 : index
        %swap3A_738 = tpu.vector_load %arg7[%swap3A_735, %swap3A_736, %swap3A_737] {strides = array<i32>} : memref<2x32x256xf32, #tpu.memory_space<vmem>>, vector<1x1x16xf32>,
        %swap3A_739 = vector.shape_cast %swap3A_738 : vector<1x1x16xf32> to vector<16xf32>
        %swap3A_740 = vector.shape_cast %max3A_733 : vector<16xf32> to vector<1x1x16xf32>
        tpu.vector_store %arg7[%swap3A_735, %swap3A_736, %swap3A_737], %swap3A_740 {strides = array<i32>} : memref<2x32x256xf32, #tpu.memory_space<vmem>>, vector<1x1x16xf32>,
        %mul3A_741 = arith.constant 4 : i32
        %mul3A_742 = arith.muli %mul3A_741, %add3A_167 : i32
        %get3A_743 = arith.constant 0 : i32
        %get3A_744 = arith.index_cast %get3A_743 : i32 to index
        %get3A_745 = arith.index_cast %mul3A_742 : i32 to index
        %get3A_746 = arith.constant 192 : index
        %get3A_747 = tpu.vector_load %arg6[%get3A_744, %get3A_745, %get3A_746] {strides = array<i32>} : memref<2x128x256xf32, #tpu.memory_space<vmem>>, vector<1x1x16xf32>,
        %get3A_748 = vector.shape_cast %get3A_747 : vector<1x1x16xf32> to vector<16xf32>
        %mul3A_749 = arith.constant 4 : i32
        %mul3A_750 = arith.muli %mul3A_749, %add3A_167 : i32
        %add3A_751 = arith.constant 1 : i32
        %add3A_752 = arith.addi %mul3A_750, %add3A_751 : i32
        %get3A_753 = arith.constant 0 : i32
        %get3A_754 = arith.index_cast %get3A_753 : i32 to index
        %get3A_755 = arith.index_cast %add3A_752 : i32 to index
        %get3A_756 = arith.constant 192 : index
        %get3A_757 = tpu.vector_load %arg6[%get3A_754, %get3A_755, %get3A_756] {strides = array<i32>} : memref<2x128x256xf32, #tpu.memory_space<vmem>>, vector<1x1x16xf32>,
        %get3A_758 = vector.shape_cast %get3A_757 : vector<1x1x16xf32> to vector<16xf32>
        %mul3A_759 = arith.constant 4 : i32
        %mul3A_760 = arith.muli %mul3A_759, %add3A_167 : i32
        %add3A_761 = arith.constant 2 : i32
        %add3A_762 = arith.addi %mul3A_760, %add3A_761 : i32
        %get3A_763 = arith.constant 0 : i32
        %get3A_764 = arith.index_cast %get3A_763 : i32 to index
        %get3A_765 = arith.index_cast %add3A_762 : i32 to index
        %get3A_766 = arith.constant 192 : index
        %get3A_767 = tpu.vector_load %arg6[%get3A_764, %get3A_765, %get3A_766] {strides = array<i32>} : memref<2x128x256xf32, #tpu.memory_space<vmem>>, vector<1x1x16xf32>,
        %get3A_768 = vector.shape_cast %get3A_767 : vector<1x1x16xf32> to vector<16xf32>
        %mul3A_769 = arith.constant 4 : i32
        %mul3A_770 = arith.muli %mul3A_769, %add3A_167 : i32
        %add3A_771 = arith.constant 3 : i32
        %add3A_772 = arith.addi %mul3A_770, %add3A_771 : i32
        %get3A_773 = arith.constant 0 : i32
        %get3A_774 = arith.index_cast %get3A_773 : i32 to index
        %get3A_775 = arith.index_cast %add3A_772 : i32 to index
        %get3A_776 = arith.constant 192 : index
        %get3A_777 = tpu.vector_load %arg6[%get3A_774, %get3A_775, %get3A_776] {strides = array<i32>} : memref<2x128x256xf32, #tpu.memory_space<vmem>>, vector<1x1x16xf32>,
        %get3A_778 = vector.shape_cast %get3A_777 : vector<1x1x16xf32> to vector<16xf32>
        %max3A_779 = arith.maximumf %get3A_748, %get3A_758 : vector<16xf32>
        %max3A_780 = arith.maximumf %get3A_768, %get3A_778 : vector<16xf32>
        %max3A_781 = arith.maximumf %max3A_779, %max3A_780 : vector<16xf32>
        %swap3A_782 = arith.constant 0 : i32
        %swap3A_783 = arith.index_cast %swap3A_782 : i32 to index
        %swap3A_784 = arith.index_cast %add3A_167 : i32 to index
        %swap3A_785 = arith.constant 192 : index
        %swap3A_786 = tpu.vector_load %arg7[%swap3A_783, %swap3A_784, %swap3A_785] {strides = array<i32>} : memref<2x32x256xf32, #tpu.memory_space<vmem>>, vector<1x1x16xf32>,
        %swap3A_787 = vector.shape_cast %swap3A_786 : vector<1x1x16xf32> to vector<16xf32>
        %swap3A_788 = vector.shape_cast %max3A_781 : vector<16xf32> to vector<1x1x16xf32>
        tpu.vector_store %arg7[%swap3A_783, %swap3A_784, %swap3A_785], %swap3A_788 {strides = array<i32>} : memref<2x32x256xf32, #tpu.memory_space<vmem>>, vector<1x1x16xf32>,
        %mul3A_789 = arith.constant 4 : i32
        %mul3A_790 = arith.muli %mul3A_789, %add3A_167 : i32
        %get3A_791 = arith.constant 0 : i32
        %get3A_792 = arith.index_cast %get3A_791 : i32 to index
        %get3A_793 = arith.index_cast %mul3A_790 : i32 to index
        %get3A_794 = arith.constant 208 : index
        %get3A_795 = tpu.vector_load %arg6[%get3A_792, %get3A_793, %get3A_794] {strides = array<i32>} : memref<2x128x256xf32, #tpu.memory_space<vmem>>, vector<1x1x16xf32>,
        %get3A_796 = vector.shape_cast %get3A_795 : vector<1x1x16xf32> to vector<16xf32>
        %mul3A_797 = arith.constant 4 : i32
        %mul3A_798 = arith.muli %mul3A_797, %add3A_167 : i32
        %add3A_799 = arith.constant 1 : i32
        %add3A_800 = arith.addi %mul3A_798, %add3A_799 : i32
        %get3A_801 = arith.constant 0 : i32
        %get3A_802 = arith.index_cast %get3A_801 : i32 to index
        %get3A_803 = arith.index_cast %add3A_800 : i32 to index
        %get3A_804 = arith.constant 208 : index
        %get3A_805 = tpu.vector_load %arg6[%get3A_802, %get3A_803, %get3A_804] {strides = array<i32>} : memref<2x128x256xf32, #tpu.memory_space<vmem>>, vector<1x1x16xf32>,
        %get3A_806 = vector.shape_cast %get3A_805 : vector<1x1x16xf32> to vector<16xf32>
        %mul3A_807 = arith.constant 4 : i32
        %mul3A_808 = arith.muli %mul3A_807, %add3A_167 : i32
        %add3A_809 = arith.constant 2 : i32
        %add3A_810 = arith.addi %mul3A_808, %add3A_809 : i32
        %get3A_811 = arith.constant 0 : i32
        %get3A_812 = arith.index_cast %get3A_811 : i32 to index
        %get3A_813 = arith.index_cast %add3A_810 : i32 to index
        %get3A_814 = arith.constant 208 : index
        %get3A_815 = tpu.vector_load %arg6[%get3A_812, %get3A_813, %get3A_814] {strides = array<i32>} : memref<2x128x256xf32, #tpu.memory_space<vmem>>, vector<1x1x16xf32>,
        %get3A_816 = vector.shape_cast %get3A_815 : vector<1x1x16xf32> to vector<16xf32>
        %mul3A_817 = arith.constant 4 : i32
        %mul3A_818 = arith.muli %mul3A_817, %add3A_167 : i32
        %add3A_819 = arith.constant 3 : i32
        %add3A_820 = arith.addi %mul3A_818, %add3A_819 : i32
        %get3A_821 = arith.constant 0 : i32
        %get3A_822 = arith.index_cast %get3A_821 : i32 to index
        %get3A_823 = arith.index_cast %add3A_820 : i32 to index
        %get3A_824 = arith.constant 208 : index
        %get3A_825 = tpu.vector_load %arg6[%get3A_822, %get3A_823, %get3A_824] {strides = array<i32>} : memref<2x128x256xf32, #tpu.memory_space<vmem>>, vector<1x1x16xf32>,
        %get3A_826 = vector.shape_cast %get3A_825 : vector<1x1x16xf32> to vector<16xf32>
        %max3A_827 = arith.maximumf %get3A_796, %get3A_806 : vector<16xf32>
        %max3A_828 = arith.maximumf %get3A_816, %get3A_826 : vector<16xf32>
        %max3A_829 = arith.maximumf %max3A_827, %max3A_828 : vector<16xf32>
        %swap3A_830 = arith.constant 0 : i32
        %swap3A_831 = arith.index_cast %swap3A_830 : i32 to index
        %swap3A_832 = arith.index_cast %add3A_167 : i32 to index
        %swap3A_833 = arith.constant 208 : index
        %swap3A_834 = tpu.vector_load %arg7[%swap3A_831, %swap3A_832, %swap3A_833] {strides = array<i32>} : memref<2x32x256xf32, #tpu.memory_space<vmem>>, vector<1x1x16xf32>,
        %swap3A_835 = vector.shape_cast %swap3A_834 : vector<1x1x16xf32> to vector<16xf32>
        %swap3A_836 = vector.shape_cast %max3A_829 : vector<16xf32> to vector<1x1x16xf32>
        tpu.vector_store %arg7[%swap3A_831, %swap3A_832, %swap3A_833], %swap3A_836 {strides = array<i32>} : memref<2x32x256xf32, #tpu.memory_space<vmem>>, vector<1x1x16xf32>,
        %mul3A_837 = arith.constant 4 : i32
        %mul3A_838 = arith.muli %mul3A_837, %add3A_167 : i32
        %get3A_839 = arith.constant 0 : i32
        %get3A_840 = arith.index_cast %get3A_839 : i32 to index
        %get3A_841 = arith.index_cast %mul3A_838 : i32 to index
        %get3A_842 = arith.constant 224 : index
        %get3A_843 = tpu.vector_load %arg6[%get3A_840, %get3A_841, %get3A_842] {strides = array<i32>} : memref<2x128x256xf32, #tpu.memory_space<vmem>>, vector<1x1x16xf32>,
        %get3A_844 = vector.shape_cast %get3A_843 : vector<1x1x16xf32> to vector<16xf32>
        %mul3A_845 = arith.constant 4 : i32
        %mul3A_846 = arith.muli %mul3A_845, %add3A_167 : i32
        %add3A_847 = arith.constant 1 : i32
        %add3A_848 = arith.addi %mul3A_846, %add3A_847 : i32
        %get3A_849 = arith.constant 0 : i32
        %get3A_850 = arith.index_cast %get3A_849 : i32 to index
        %get3A_851 = arith.index_cast %add3A_848 : i32 to index
        %get3A_852 = arith.constant 224 : index
        %get3A_853 = tpu.vector_load %arg6[%get3A_850, %get3A_851, %get3A_852] {strides = array<i32>} : memref<2x128x256xf32, #tpu.memory_space<vmem>>, vector<1x1x16xf32>,
        %get3A_854 = vector.shape_cast %get3A_853 : vector<1x1x16xf32> to vector<16xf32>
        %mul3A_855 = arith.constant 4 : i32
        %mul3A_856 = arith.muli %mul3A_855, %add3A_167 : i32
        %add3A_857 = arith.constant 2 : i32
        %add3A_858 = arith.addi %mul3A_856, %add3A_857 : i32
        %get3A_859 = arith.constant 0 : i32
        %get3A_860 = arith.index_cast %get3A_859 : i32 to index
        %get3A_861 = arith.index_cast %add3A_858 : i32 to index
        %get3A_862 = arith.constant 224 : index
        %get3A_863 = tpu.vector_load %arg6[%get3A_860, %get3A_861, %get3A_862] {strides = array<i32>} : memref<2x128x256xf32, #tpu.memory_space<vmem>>, vector<1x1x16xf32>,
        %get3A_864 = vector.shape_cast %get3A_863 : vector<1x1x16xf32> to vector<16xf32>
        %mul3A_865 = arith.constant 4 : i32
        %mul3A_866 = arith.muli %mul3A_865, %add3A_167 : i32
        %add3A_867 = arith.constant 3 : i32
        %add3A_868 = arith.addi %mul3A_866, %add3A_867 : i32
        %get3A_869 = arith.constant 0 : i32
        %get3A_870 = arith.index_cast %get3A_869 : i32 to index
        %get3A_871 = arith.index_cast %add3A_868 : i32 to index
        %get3A_872 = arith.constant 224 : index
        %get3A_873 = tpu.vector_load %arg6[%get3A_870, %get3A_871, %get3A_872] {strides = array<i32>} : memref<2x128x256xf32, #tpu.memory_space<vmem>>, vector<1x1x16xf32>,
        %get3A_874 = vector.shape_cast %get3A_873 : vector<1x1x16xf32> to vector<16xf32>
        %max3A_875 = arith.maximumf %get3A_844, %get3A_854 : vector<16xf32>
        %max3A_876 = arith.maximumf %get3A_864, %get3A_874 : vector<16xf32>
        %max3A_877 = arith.maximumf %max3A_875, %max3A_876 : vector<16xf32>
        %swap3A_878 = arith.constant 0 : i32
        %swap3A_879 = arith.index_cast %swap3A_878 : i32 to index
        %swap3A_880 = arith.index_cast %add3A_167 : i32 to index
        %swap3A_881 = arith.constant 224 : index
        %swap3A_882 = tpu.vector_load %arg7[%swap3A_879, %swap3A_880, %swap3A_881] {strides = array<i32>} : memref<2x32x256xf32, #tpu.memory_space<vmem>>, vector<1x1x16xf32>,
        %swap3A_883 = vector.shape_cast %swap3A_882 : vector<1x1x16xf32> to vector<16xf32>
        %swap3A_884 = vector.shape_cast %max3A_877 : vector<16xf32> to vector<1x1x16xf32>
        tpu.vector_store %arg7[%swap3A_879, %swap3A_880, %swap3A_881], %swap3A_884 {strides = array<i32>} : memref<2x32x256xf32, #tpu.memory_space<vmem>>, vector<1x1x16xf32>,
        %mul3A_885 = arith.constant 4 : i32
        %mul3A_886 = arith.muli %mul3A_885, %add3A_167 : i32
        %get3A_887 = arith.constant 0 : i32
        %get3A_888 = arith.index_cast %get3A_887 : i32 to index
        %get3A_889 = arith.index_cast %mul3A_886 : i32 to index
        %get3A_890 = arith.constant 240 : index
        %get3A_891 = tpu.vector_load %arg6[%get3A_888, %get3A_889, %get3A_890] {strides = array<i32>} : memref<2x128x256xf32, #tpu.memory_space<vmem>>, vector<1x1x16xf32>,
        %get3A_892 = vector.shape_cast %get3A_891 : vector<1x1x16xf32> to vector<16xf32>
        %mul3A_893 = arith.constant 4 : i32
        %mul3A_894 = arith.muli %mul3A_893, %add3A_167 : i32
        %add3A_895 = arith.constant 1 : i32
        %add3A_896 = arith.addi %mul3A_894, %add3A_895 : i32
        %get3A_897 = arith.constant 0 : i32
        %get3A_898 = arith.index_cast %get3A_897 : i32 to index
        %get3A_899 = arith.index_cast %add3A_896 : i32 to index
        %get3A_900 = arith.constant 240 : index
        %get3A_901 = tpu.vector_load %arg6[%get3A_898, %get3A_899, %get3A_900] {strides = array<i32>} : memref<2x128x256xf32, #tpu.memory_space<vmem>>, vector<1x1x16xf32>,
        %get3A_902 = vector.shape_cast %get3A_901 : vector<1x1x16xf32> to vector<16xf32>
        %mul3A_903 = arith.constant 4 : i32
        %mul3A_904 = arith.muli %mul3A_903, %add3A_167 : i32
        %add3A_905 = arith.constant 2 : i32
        %add3A_906 = arith.addi %mul3A_904, %add3A_905 : i32
        %get3A_907 = arith.constant 0 : i32
        %get3A_908 = arith.index_cast %get3A_907 : i32 to index
        %get3A_909 = arith.index_cast %add3A_906 : i32 to index
        %get3A_910 = arith.constant 240 : index
        %get3A_911 = tpu.vector_load %arg6[%get3A_908, %get3A_909, %get3A_910] {strides = array<i32>} : memref<2x128x256xf32, #tpu.memory_space<vmem>>, vector<1x1x16xf32>,
        %get3A_912 = vector.shape_cast %get3A_911 : vector<1x1x16xf32> to vector<16xf32>
        %mul3A_913 = arith.constant 4 : i32
        %mul3A_914 = arith.muli %mul3A_913, %add3A_167 : i32
        %add3A_915 = arith.constant 3 : i32
        %add3A_916 = arith.addi %mul3A_914, %add3A_915 : i32
        %get3A_917 = arith.constant 0 : i32
        %get3A_918 = arith.index_cast %get3A_917 : i32 to index
        %get3A_919 = arith.index_cast %add3A_916 : i32 to index
        %get3A_920 = arith.constant 240 : index
        %get3A_921 = tpu.vector_load %arg6[%get3A_918, %get3A_919, %get3A_920] {strides = array<i32>} : memref<2x128x256xf32, #tpu.memory_space<vmem>>, vector<1x1x16xf32>,
        %get3A_922 = vector.shape_cast %get3A_921 : vector<1x1x16xf32> to vector<16xf32>
        %max3A_923 = arith.maximumf %get3A_892, %get3A_902 : vector<16xf32>
        %max3A_924 = arith.maximumf %get3A_912, %get3A_922 : vector<16xf32>
        %max3A_925 = arith.maximumf %max3A_923, %max3A_924 : vector<16xf32>
        %swap3A_926 = arith.constant 0 : i32
        %swap3A_927 = arith.index_cast %swap3A_926 : i32 to index
        %swap3A_928 = arith.index_cast %add3A_167 : i32 to index
        %swap3A_929 = arith.constant 240 : index
        %swap3A_930 = tpu.vector_load %arg7[%swap3A_927, %swap3A_928, %swap3A_929] {strides = array<i32>} : memref<2x32x256xf32, #tpu.memory_space<vmem>>, vector<1x1x16xf32>,
        %swap3A_931 = vector.shape_cast %swap3A_930 : vector<1x1x16xf32> to vector<16xf32>
        %swap3A_932 = vector.shape_cast %max3A_925 : vector<16xf32> to vector<1x1x16xf32>
        tpu.vector_store %arg7[%swap3A_927, %swap3A_928, %swap3A_929], %swap3A_932 {strides = array<i32>} : memref<2x32x256xf32, #tpu.memory_space<vmem>>, vector<1x1x16xf32>,
        %mul3A_933 = arith.constant 2 : i32
        %mul3A_934 = arith.muli %mul3A_933, %scan3A_163 : i32
        %add3A_935 = arith.constant 1 : i32
        %add3A_936 = arith.addi %mul3A_934, %add3A_935 : i32
        %mul3A_937 = arith.constant 4 : i32
        %mul3A_938 = arith.muli %mul3A_937, %add3A_936 : i32
        %get3A_939 = arith.constant 0 : i32
        %get3A_940 = arith.index_cast %get3A_939 : i32 to index
        %get3A_941 = arith.index_cast %mul3A_938 : i32 to index
        %get3A_942 = arith.constant 0 : index
        %get3A_943 = tpu.vector_load %arg6[%get3A_940, %get3A_941, %get3A_942] {strides = array<i32>} : memref<2x128x256xf32, #tpu.memory_space<vmem>>, vector<1x1x16xf32>,
        %get3A_944 = vector.shape_cast %get3A_943 : vector<1x1x16xf32> to vector<16xf32>
        %mul3A_945 = arith.constant 4 : i32
        %mul3A_946 = arith.muli %mul3A_945, %add3A_936 : i32
        %add3A_947 = arith.constant 1 : i32
        %add3A_948 = arith.addi %mul3A_946, %add3A_947 : i32
        %get3A_949 = arith.constant 0 : i32
        %get3A_950 = arith.index_cast %get3A_949 : i32 to index
        %get3A_951 = arith.index_cast %add3A_948 : i32 to index
        %get3A_952 = arith.constant 0 : index
        %get3A_953 = tpu.vector_load %arg6[%get3A_950, %get3A_951, %get3A_952] {strides = array<i32>} : memref<2x128x256xf32, #tpu.memory_space<vmem>>, vector<1x1x16xf32>,
        %get3A_954 = vector.shape_cast %get3A_953 : vector<1x1x16xf32> to vector<16xf32>
        %mul3A_955 = arith.constant 4 : i32
        %mul3A_956 = arith.muli %mul3A_955, %add3A_936 : i32
        %add3A_957 = arith.constant 2 : i32
        %add3A_958 = arith.addi %mul3A_956, %add3A_957 : i32
        %get3A_959 = arith.constant 0 : i32
        %get3A_960 = arith.index_cast %get3A_959 : i32 to index
        %get3A_961 = arith.index_cast %add3A_958 : i32 to index
        %get3A_962 = arith.constant 0 : index
        %get3A_963 = tpu.vector_load %arg6[%get3A_960, %get3A_961, %get3A_962] {strides = array<i32>} : memref<2x128x256xf32, #tpu.memory_space<vmem>>, vector<1x1x16xf32>,
        %get3A_964 = vector.shape_cast %get3A_963 : vector<1x1x16xf32> to vector<16xf32>
        %mul3A_965 = arith.constant 4 : i32
        %mul3A_966 = arith.muli %mul3A_965, %add3A_936 : i32
        %add3A_967 = arith.constant 3 : i32
        %add3A_968 = arith.addi %mul3A_966, %add3A_967 : i32
        %get3A_969 = arith.constant 0 : i32
        %get3A_970 = arith.index_cast %get3A_969 : i32 to index
        %get3A_971 = arith.index_cast %add3A_968 : i32 to index
        %get3A_972 = arith.constant 0 : index
        %get3A_973 = tpu.vector_load %arg6[%get3A_970, %get3A_971, %get3A_972] {strides = array<i32>} : memref<2x128x256xf32, #tpu.memory_space<vmem>>, vector<1x1x16xf32>,
        %get3A_974 = vector.shape_cast %get3A_973 : vector<1x1x16xf32> to vector<16xf32>
        %max3A_975 = arith.maximumf %get3A_944, %get3A_954 : vector<16xf32>
        %max3A_976 = arith.maximumf %get3A_964, %get3A_974 : vector<16xf32>
        %max3A_977 = arith.maximumf %max3A_975, %max3A_976 : vector<16xf32>
        %swap3A_978 = arith.constant 0 : i32
        %swap3A_979 = arith.index_cast %swap3A_978 : i32 to index
        %swap3A_980 = arith.index_cast %add3A_936 : i32 to index
        %swap3A_981 = arith.constant 0 : index
        %swap3A_982 = tpu.vector_load %arg7[%swap3A_979, %swap3A_980, %swap3A_981] {strides = array<i32>} : memref<2x32x256xf32, #tpu.memory_space<vmem>>, vector<1x1x16xf32>,
        %swap3A_983 = vector.shape_cast %swap3A_982 : vector<1x1x16xf32> to vector<16xf32>
        %swap3A_984 = vector.shape_cast %max3A_977 : vector<16xf32> to vector<1x1x16xf32>
        tpu.vector_store %arg7[%swap3A_979, %swap3A_980, %swap3A_981], %swap3A_984 {strides = array<i32>} : memref<2x32x256xf32, #tpu.memory_space<vmem>>, vector<1x1x16xf32>,
        %mul3A_985 = arith.constant 4 : i32
        %mul3A_986 = arith.muli %mul3A_985, %add3A_936 : i32
        %get3A_987 = arith.constant 0 : i32
        %get3A_988 = arith.index_cast %get3A_987 : i32 to index
        %get3A_989 = arith.index_cast %mul3A_986 : i32 to index
        %get3A_990 = arith.constant 16 : index
        %get3A_991 = tpu.vector_load %arg6[%get3A_988, %get3A_989, %get3A_990] {strides = array<i32>} : memref<2x128x256xf32, #tpu.memory_space<vmem>>, vector<1x1x16xf32>,
        %get3A_992 = vector.shape_cast %get3A_991 : vector<1x1x16xf32> to vector<16xf32>
        %mul3A_993 = arith.constant 4 : i32
        %mul3A_994 = arith.muli %mul3A_993, %add3A_936 : i32
        %add3A_995 = arith.constant 1 : i32
        %add3A_996 = arith.addi %mul3A_994, %add3A_995 : i32
        %get3A_997 = arith.constant 0 : i32
        %get3A_998 = arith.index_cast %get3A_997 : i32 to index
        %get3A_999 = arith.index_cast %add3A_996 : i32 to index
        %get3A_1000 = arith.constant 16 : index
        %get3A_1001 = tpu.vector_load %arg6[%get3A_998, %get3A_999, %get3A_1000] {strides = array<i32>} : memref<2x128x256xf32, #tpu.memory_space<vmem>>, vector<1x1x16xf32>,
        %get3A_1002 = vector.shape_cast %get3A_1001 : vector<1x1x16xf32> to vector<16xf32>
        %mul3A_1003 = arith.constant 4 : i32
        %mul3A_1004 = arith.muli %mul3A_1003, %add3A_936 : i32
        %add3A_1005 = arith.constant 2 : i32
        %add3A_1006 = arith.addi %mul3A_1004, %add3A_1005 : i32
        %get3A_1007 = arith.constant 0 : i32
        %get3A_1008 = arith.index_cast %get3A_1007 : i32 to index
        %get3A_1009 = arith.index_cast %add3A_1006 : i32 to index
        %get3A_1010 = arith.constant 16 : index
        %get3A_1011 = tpu.vector_load %arg6[%get3A_1008, %get3A_1009, %get3A_1010] {strides = array<i32>} : memref<2x128x256xf32, #tpu.memory_space<vmem>>, vector<1x1x16xf32>,
        %get3A_1012 = vector.shape_cast %get3A_1011 : vector<1x1x16xf32> to vector<16xf32>
        %mul3A_1013 = arith.constant 4 : i32
        %mul3A_1014 = arith.muli %mul3A_1013, %add3A_936 : i32
        %add3A_1015 = arith.constant 3 : i32
        %add3A_1016 = arith.addi %mul3A_1014, %add3A_1015 : i32
        %get3A_1017 = arith.constant 0 : i32
        %get3A_1018 = arith.index_cast %get3A_1017 : i32 to index
        %get3A_1019 = arith.index_cast %add3A_1016 : i32 to index
        %get3A_1020 = arith.constant 16 : index
        %get3A_1021 = tpu.vector_load %arg6[%get3A_1018, %get3A_1019, %get3A_1020] {strides = array<i32>} : memref<2x128x256xf32, #tpu.memory_space<vmem>>, vector<1x1x16xf32>,
        %get3A_1022 = vector.shape_cast %get3A_1021 : vector<1x1x16xf32> to vector<16xf32>
        %max3A_1023 = arith.maximumf %get3A_992, %get3A_1002 : vector<16xf32>
        %max3A_1024 = arith.maximumf %get3A_1012, %get3A_1022 : vector<16xf32>
        %max3A_1025 = arith.maximumf %max3A_1023, %max3A_1024 : vector<16xf32>
        %swap3A_1026 = arith.constant 0 : i32
        %swap3A_1027 = arith.index_cast %swap3A_1026 : i32 to index
        %swap3A_1028 = arith.index_cast %add3A_936 : i32 to index
        %swap3A_1029 = arith.constant 16 : index
        %swap3A_1030 = tpu.vector_load %arg7[%swap3A_1027, %swap3A_1028, %swap3A_1029] {strides = array<i32>} : memref<2x32x256xf32, #tpu.memory_space<vmem>>, vector<1x1x16xf32>,
        %swap3A_1031 = vector.shape_cast %swap3A_1030 : vector<1x1x16xf32> to vector<16xf32>
        %swap3A_1032 = vector.shape_cast %max3A_1025 : vector<16xf32> to vector<1x1x16xf32>
        tpu.vector_store %arg7[%swap3A_1027, %swap3A_1028, %swap3A_1029], %swap3A_1032 {strides = array<i32>} : memref<2x32x256xf32, #tpu.memory_space<vmem>>, vector<1x1x16xf32>,
        %mul3A_1033 = arith.constant 4 : i32
        %mul3A_1034 = arith.muli %mul3A_1033, %add3A_936 : i32
        %get3A_1035 = arith.constant 0 : i32
        %get3A_1036 = arith.index_cast %get3A_1035 : i32 to index
        %get3A_1037 = arith.index_cast %mul3A_1034 : i32 to index
        %get3A_1038 = arith.constant 32 : index
        %get3A_1039 = tpu.vector_load %arg6[%get3A_1036, %get3A_1037, %get3A_1038] {strides = array<i32>} : memref<2x128x256xf32, #tpu.memory_space<vmem>>, vector<1x1x16xf32>,
        %get3A_1040 = vector.shape_cast %get3A_1039 : vector<1x1x16xf32> to vector<16xf32>
        %mul3A_1041 = arith.constant 4 : i32
        %mul3A_1042 = arith.muli %mul3A_1041, %add3A_936 : i32
        %add3A_1043 = arith.constant 1 : i32
        %add3A_1044 = arith.addi %mul3A_1042, %add3A_1043 : i32
        %get3A_1045 = arith.constant 0 : i32
        %get3A_1046 = arith.index_cast %get3A_1045 : i32 to index
        %get3A_1047 = arith.index_cast %add3A_1044 : i32 to index
        %get3A_1048 = arith.constant 32 : index
        %get3A_1049 = tpu.vector_load %arg6[%get3A_1046, %get3A_1047, %get3A_1048] {strides = array<i32>} : memref<2x128x256xf32, #tpu.memory_space<vmem>>, vector<1x1x16xf32>,
        %get3A_1050 = vector.shape_cast %get3A_1049 : vector<1x1x16xf32> to vector<16xf32>
        %mul3A_1051 = arith.constant 4 : i32
        %mul3A_1052 = arith.muli %mul3A_1051, %add3A_936 : i32
        %add3A_1053 = arith.constant 2 : i32
        %add3A_1054 = arith.addi %mul3A_1052, %add3A_1053 : i32
        %get3A_1055 = arith.constant 0 : i32
        %get3A_1056 = arith.index_cast %get3A_1055 : i32 to index
        %get3A_1057 = arith.index_cast %add3A_1054 : i32 to index
        %get3A_1058 = arith.constant 32 : index
        %get3A_1059 = tpu.vector_load %arg6[%get3A_1056, %get3A_1057, %get3A_1058] {strides = array<i32>} : memref<2x128x256xf32, #tpu.memory_space<vmem>>, vector<1x1x16xf32>,
        %get3A_1060 = vector.shape_cast %get3A_1059 : vector<1x1x16xf32> to vector<16xf32>
        %mul3A_1061 = arith.constant 4 : i32
        %mul3A_1062 = arith.muli %mul3A_1061, %add3A_936 : i32
        %add3A_1063 = arith.constant 3 : i32
        %add3A_1064 = arith.addi %mul3A_1062, %add3A_1063 : i32
        %get3A_1065 = arith.constant 0 : i32
        %get3A_1066 = arith.index_cast %get3A_1065 : i32 to index
        %get3A_1067 = arith.index_cast %add3A_1064 : i32 to index
        %get3A_1068 = arith.constant 32 : index
        %get3A_1069 = tpu.vector_load %arg6[%get3A_1066, %get3A_1067, %get3A_1068] {strides = array<i32>} : memref<2x128x256xf32, #tpu.memory_space<vmem>>, vector<1x1x16xf32>,
        %get3A_1070 = vector.shape_cast %get3A_1069 : vector<1x1x16xf32> to vector<16xf32>
        %max3A_1071 = arith.maximumf %get3A_1040, %get3A_1050 : vector<16xf32>
        %max3A_1072 = arith.maximumf %get3A_1060, %get3A_1070 : vector<16xf32>
        %max3A_1073 = arith.maximumf %max3A_1071, %max3A_1072 : vector<16xf32>
        %swap3A_1074 = arith.constant 0 : i32
        %swap3A_1075 = arith.index_cast %swap3A_1074 : i32 to index
        %swap3A_1076 = arith.index_cast %add3A_936 : i32 to index
        %swap3A_1077 = arith.constant 32 : index
        %swap3A_1078 = tpu.vector_load %arg7[%swap3A_1075, %swap3A_1076, %swap3A_1077] {strides = array<i32>} : memref<2x32x256xf32, #tpu.memory_space<vmem>>, vector<1x1x16xf32>,
        %swap3A_1079 = vector.shape_cast %swap3A_1078 : vector<1x1x16xf32> to vector<16xf32>
        %swap3A_1080 = vector.shape_cast %max3A_1073 : vector<16xf32> to vector<1x1x16xf32>
        tpu.vector_store %arg7[%swap3A_1075, %swap3A_1076, %swap3A_1077], %swap3A_1080 {strides = array<i32>} : memref<2x32x256xf32, #tpu.memory_space<vmem>>, vector<1x1x16xf32>,
        %mul3A_1081 = arith.constant 4 : i32
        %mul3A_1082 = arith.muli %mul3A_1081, %add3A_936 : i32
        %get3A_1083 = arith.constant 0 : i32
        %get3A_1084 = arith.index_cast %get3A_1083 : i32 to index
        %get3A_1085 = arith.index_cast %mul3A_1082 : i32 to index
        %get3A_1086 = arith.constant 48 : index
        %get3A_1087 = tpu.vector_load %arg6[%get3A_1084, %get3A_1085, %get3A_1086] {strides = array<i32>} : memref<2x128x256xf32, #tpu.memory_space<vmem>>, vector<1x1x16xf32>,
        %get3A_1088 = vector.shape_cast %get3A_1087 : vector<1x1x16xf32> to vector<16xf32>
        %mul3A_1089 = arith.constant 4 : i32
        %mul3A_1090 = arith.muli %mul3A_1089, %add3A_936 : i32
        %add3A_1091 = arith.constant 1 : i32
        %add3A_1092 = arith.addi %mul3A_1090, %add3A_1091 : i32
        %get3A_1093 = arith.constant 0 : i32
        %get3A_1094 = arith.index_cast %get3A_1093 : i32 to index
        %get3A_1095 = arith.index_cast %add3A_1092 : i32 to index
        %get3A_1096 = arith.constant 48 : index
        %get3A_1097 = tpu.vector_load %arg6[%get3A_1094, %get3A_1095, %get3A_1096] {strides = array<i32>} : memref<2x128x256xf32, #tpu.memory_space<vmem>>, vector<1x1x16xf32>,
        %get3A_1098 = vector.shape_cast %get3A_1097 : vector<1x1x16xf32> to vector<16xf32>
        %mul3A_1099 = arith.constant 4 : i32
        %mul3A_1100 = arith.muli %mul3A_1099, %add3A_936 : i32
        %add3A_1101 = arith.constant 2 : i32
        %add3A_1102 = arith.addi %mul3A_1100, %add3A_1101 : i32
        %get3A_1103 = arith.constant 0 : i32
        %get3A_1104 = arith.index_cast %get3A_1103 : i32 to index
        %get3A_1105 = arith.index_cast %add3A_1102 : i32 to index
        %get3A_1106 = arith.constant 48 : index
        %get3A_1107 = tpu.vector_load %arg6[%get3A_1104, %get3A_1105, %get3A_1106] {strides = array<i32>} : memref<2x128x256xf32, #tpu.memory_space<vmem>>, vector<1x1x16xf32>,
        %get3A_1108 = vector.shape_cast %get3A_1107 : vector<1x1x16xf32> to vector<16xf32>
        %mul3A_1109 = arith.constant 4 : i32
        %mul3A_1110 = arith.muli %mul3A_1109, %add3A_936 : i32
        %add3A_1111 = arith.constant 3 : i32
        %add3A_1112 = arith.addi %mul3A_1110, %add3A_1111 : i32
        %get3A_1113 = arith.constant 0 : i32
        %get3A_1114 = arith.index_cast %get3A_1113 : i32 to index
        %get3A_1115 = arith.index_cast %add3A_1112 : i32 to index
        %get3A_1116 = arith.constant 48 : index
        %get3A_1117 = tpu.vector_load %arg6[%get3A_1114, %get3A_1115, %get3A_1116] {strides = array<i32>} : memref<2x128x256xf32, #tpu.memory_space<vmem>>, vector<1x1x16xf32>,
        %get3A_1118 = vector.shape_cast %get3A_1117 : vector<1x1x16xf32> to vector<16xf32>
        %max3A_1119 = arith.maximumf %get3A_1088, %get3A_1098 : vector<16xf32>
        %max3A_1120 = arith.maximumf %get3A_1108, %get3A_1118 : vector<16xf32>
        %max3A_1121 = arith.maximumf %max3A_1119, %max3A_1120 : vector<16xf32>
        %swap3A_1122 = arith.constant 0 : i32
        %swap3A_1123 = arith.index_cast %swap3A_1122 : i32 to index
        %swap3A_1124 = arith.index_cast %add3A_936 : i32 to index
        %swap3A_1125 = arith.constant 48 : index
        %swap3A_1126 = tpu.vector_load %arg7[%swap3A_1123, %swap3A_1124, %swap3A_1125] {strides = array<i32>} : memref<2x32x256xf32, #tpu.memory_space<vmem>>, vector<1x1x16xf32>,
        %swap3A_1127 = vector.shape_cast %swap3A_1126 : vector<1x1x16xf32> to vector<16xf32>
        %swap3A_1128 = vector.shape_cast %max3A_1121 : vector<16xf32> to vector<1x1x16xf32>
        tpu.vector_store %arg7[%swap3A_1123, %swap3A_1124, %swap3A_1125], %swap3A_1128 {strides = array<i32>} : memref<2x32x256xf32, #tpu.memory_space<vmem>>, vector<1x1x16xf32>,
        %mul3A_1129 = arith.constant 4 : i32
        %mul3A_1130 = arith.muli %mul3A_1129, %add3A_936 : i32
        %get3A_1131 = arith.constant 0 : i32
        %get3A_1132 = arith.index_cast %get3A_1131 : i32 to index
        %get3A_1133 = arith.index_cast %mul3A_1130 : i32 to index
        %get3A_1134 = arith.constant 64 : index
        %get3A_1135 = tpu.vector_load %arg6[%get3A_1132, %get3A_1133, %get3A_1134] {strides = array<i32>} : memref<2x128x256xf32, #tpu.memory_space<vmem>>, vector<1x1x16xf32>,
        %get3A_1136 = vector.shape_cast %get3A_1135 : vector<1x1x16xf32> to vector<16xf32>
        %mul3A_1137 = arith.constant 4 : i32
        %mul3A_1138 = arith.muli %mul3A_1137, %add3A_936 : i32
        %add3A_1139 = arith.constant 1 : i32
        %add3A_1140 = arith.addi %mul3A_1138, %add3A_1139 : i32
        %get3A_1141 = arith.constant 0 : i32
        %get3A_1142 = arith.index_cast %get3A_1141 : i32 to index
        %get3A_1143 = arith.index_cast %add3A_1140 : i32 to index
        %get3A_1144 = arith.constant 64 : index
        %get3A_1145 = tpu.vector_load %arg6[%get3A_1142, %get3A_1143, %get3A_1144] {strides = array<i32>} : memref<2x128x256xf32, #tpu.memory_space<vmem>>, vector<1x1x16xf32>,
        %get3A_1146 = vector.shape_cast %get3A_1145 : vector<1x1x16xf32> to vector<16xf32>
        %mul3A_1147 = arith.constant 4 : i32
        %mul3A_1148 = arith.muli %mul3A_1147, %add3A_936 : i32
        %add3A_1149 = arith.constant 2 : i32
        %add3A_1150 = arith.addi %mul3A_1148, %add3A_1149 : i32
        %get3A_1151 = arith.constant 0 : i32
        %get3A_1152 = arith.index_cast %get3A_1151 : i32 to index
        %get3A_1153 = arith.index_cast %add3A_1150 : i32 to index
        %get3A_1154 = arith.constant 64 : index
        %get3A_1155 = tpu.vector_load %arg6[%get3A_1152, %get3A_1153, %get3A_1154] {strides = array<i32>} : memref<2x128x256xf32, #tpu.memory_space<vmem>>, vector<1x1x16xf32>,
        %get3A_1156 = vector.shape_cast %get3A_1155 : vector<1x1x16xf32> to vector<16xf32>
        %mul3A_1157 = arith.constant 4 : i32
        %mul3A_1158 = arith.muli %mul3A_1157, %add3A_936 : i32
        %add3A_1159 = arith.constant 3 : i32
        %add3A_1160 = arith.addi %mul3A_1158, %add3A_1159 : i32
        %get3A_1161 = arith.constant 0 : i32
        %get3A_1162 = arith.index_cast %get3A_1161 : i32 to index
        %get3A_1163 = arith.index_cast %add3A_1160 : i32 to index
        %get3A_1164 = arith.constant 64 : index
        %get3A_1165 = tpu.vector_load %arg6[%get3A_1162, %get3A_1163, %get3A_1164] {strides = array<i32>} : memref<2x128x256xf32, #tpu.memory_space<vmem>>, vector<1x1x16xf32>,
        %get3A_1166 = vector.shape_cast %get3A_1165 : vector<1x1x16xf32> to vector<16xf32>
        %max3A_1167 = arith.maximumf %get3A_1136, %get3A_1146 : vector<16xf32>
        %max3A_1168 = arith.maximumf %get3A_1156, %get3A_1166 : vector<16xf32>
        %max3A_1169 = arith.maximumf %max3A_1167, %max3A_1168 : vector<16xf32>
        %swap3A_1170 = arith.constant 0 : i32
        %swap3A_1171 = arith.index_cast %swap3A_1170 : i32 to index
        %swap3A_1172 = arith.index_cast %add3A_936 : i32 to index
        %swap3A_1173 = arith.constant 64 : index
        %swap3A_1174 = tpu.vector_load %arg7[%swap3A_1171, %swap3A_1172, %swap3A_1173] {strides = array<i32>} : memref<2x32x256xf32, #tpu.memory_space<vmem>>, vector<1x1x16xf32>,
        %swap3A_1175 = vector.shape_cast %swap3A_1174 : vector<1x1x16xf32> to vector<16xf32>
        %swap3A_1176 = vector.shape_cast %max3A_1169 : vector<16xf32> to vector<1x1x16xf32>
        tpu.vector_store %arg7[%swap3A_1171, %swap3A_1172, %swap3A_1173], %swap3A_1176 {strides = array<i32>} : memref<2x32x256xf32, #tpu.memory_space<vmem>>, vector<1x1x16xf32>,
        %mul3A_1177 = arith.constant 4 : i32
        %mul3A_1178 = arith.muli %mul3A_1177, %add3A_936 : i32
        %get3A_1179 = arith.constant 0 : i32
        %get3A_1180 = arith.index_cast %get3A_1179 : i32 to index
        %get3A_1181 = arith.index_cast %mul3A_1178 : i32 to index
        %get3A_1182 = arith.constant 80 : index
        %get3A_1183 = tpu.vector_load %arg6[%get3A_1180, %get3A_1181, %get3A_1182] {strides = array<i32>} : memref<2x128x256xf32, #tpu.memory_space<vmem>>, vector<1x1x16xf32>,
        %get3A_1184 = vector.shape_cast %get3A_1183 : vector<1x1x16xf32> to vector<16xf32>
        %mul3A_1185 = arith.constant 4 : i32
        %mul3A_1186 = arith.muli %mul3A_1185, %add3A_936 : i32
        %add3A_1187 = arith.constant 1 : i32
        %add3A_1188 = arith.addi %mul3A_1186, %add3A_1187 : i32
        %get3A_1189 = arith.constant 0 : i32
        %get3A_1190 = arith.index_cast %get3A_1189 : i32 to index
        %get3A_1191 = arith.index_cast %add3A_1188 : i32 to index
        %get3A_1192 = arith.constant 80 : index
        %get3A_1193 = tpu.vector_load %arg6[%get3A_1190, %get3A_1191, %get3A_1192] {strides = array<i32>} : memref<2x128x256xf32, #tpu.memory_space<vmem>>, vector<1x1x16xf32>,
        %get3A_1194 = vector.shape_cast %get3A_1193 : vector<1x1x16xf32> to vector<16xf32>
        %mul3A_1195 = arith.constant 4 : i32
        %mul3A_1196 = arith.muli %mul3A_1195, %add3A_936 : i32
        %add3A_1197 = arith.constant 2 : i32
        %add3A_1198 = arith.addi %mul3A_1196, %add3A_1197 : i32
        %get3A_1199 = arith.constant 0 : i32
        %get3A_1200 = arith.index_cast %get3A_1199 : i32 to index
        %get3A_1201 = arith.index_cast %add3A_1198 : i32 to index
        %get3A_1202 = arith.constant 80 : index
        %get3A_1203 = tpu.vector_load %arg6[%get3A_1200, %get3A_1201, %get3A_1202] {strides = array<i32>} : memref<2x128x256xf32, #tpu.memory_space<vmem>>, vector<1x1x16xf32>,
        %get3A_1204 = vector.shape_cast %get3A_1203 : vector<1x1x16xf32> to vector<16xf32>
        %mul3A_1205 = arith.constant 4 : i32
        %mul3A_1206 = arith.muli %mul3A_1205, %add3A_936 : i32
        %add3A_1207 = arith.constant 3 : i32
        %add3A_1208 = arith.addi %mul3A_1206, %add3A_1207 : i32
        %get3A_1209 = arith.constant 0 : i32
        %get3A_1210 = arith.index_cast %get3A_1209 : i32 to index
        %get3A_1211 = arith.index_cast %add3A_1208 : i32 to index
        %get3A_1212 = arith.constant 80 : index
        %get3A_1213 = tpu.vector_load %arg6[%get3A_1210, %get3A_1211, %get3A_1212] {strides = array<i32>} : memref<2x128x256xf32, #tpu.memory_space<vmem>>, vector<1x1x16xf32>,
        %get3A_1214 = vector.shape_cast %get3A_1213 : vector<1x1x16xf32> to vector<16xf32>
        %max3A_1215 = arith.maximumf %get3A_1184, %get3A_1194 : vector<16xf32>
        %max3A_1216 = arith.maximumf %get3A_1204, %get3A_1214 : vector<16xf32>
        %max3A_1217 = arith.maximumf %max3A_1215, %max3A_1216 : vector<16xf32>
        %swap3A_1218 = arith.constant 0 : i32
        %swap3A_1219 = arith.index_cast %swap3A_1218 : i32 to index
        %swap3A_1220 = arith.index_cast %add3A_936 : i32 to index
        %swap3A_1221 = arith.constant 80 : index
        %swap3A_1222 = tpu.vector_load %arg7[%swap3A_1219, %swap3A_1220, %swap3A_1221] {strides = array<i32>} : memref<2x32x256xf32, #tpu.memory_space<vmem>>, vector<1x1x16xf32>,
        %swap3A_1223 = vector.shape_cast %swap3A_1222 : vector<1x1x16xf32> to vector<16xf32>
        %swap3A_1224 = vector.shape_cast %max3A_1217 : vector<16xf32> to vector<1x1x16xf32>
        tpu.vector_store %arg7[%swap3A_1219, %swap3A_1220, %swap3A_1221], %swap3A_1224 {strides = array<i32>} : memref<2x32x256xf32, #tpu.memory_space<vmem>>, vector<1x1x16xf32>,
        %mul3A_1225 = arith.constant 4 : i32
        %mul3A_1226 = arith.muli %mul3A_1225, %add3A_936 : i32
        %get3A_1227 = arith.constant 0 : i32
        %get3A_1228 = arith.index_cast %get3A_1227 : i32 to index
        %get3A_1229 = arith.index_cast %mul3A_1226 : i32 to index
        %get3A_1230 = arith.constant 96 : index
        %get3A_1231 = tpu.vector_load %arg6[%get3A_1228, %get3A_1229, %get3A_1230] {strides = array<i32>} : memref<2x128x256xf32, #tpu.memory_space<vmem>>, vector<1x1x16xf32>,
        %get3A_1232 = vector.shape_cast %get3A_1231 : vector<1x1x16xf32> to vector<16xf32>
        %mul3A_1233 = arith.constant 4 : i32
        %mul3A_1234 = arith.muli %mul3A_1233, %add3A_936 : i32
        %add3A_1235 = arith.constant 1 : i32
        %add3A_1236 = arith.addi %mul3A_1234, %add3A_1235 : i32
        %get3A_1237 = arith.constant 0 : i32
        %get3A_1238 = arith.index_cast %get3A_1237 : i32 to index
        %get3A_1239 = arith.index_cast %add3A_1236 : i32 to index
        %get3A_1240 = arith.constant 96 : index
        %get3A_1241 = tpu.vector_load %arg6[%get3A_1238, %get3A_1239, %get3A_1240] {strides = array<i32>} : memref<2x128x256xf32, #tpu.memory_space<vmem>>, vector<1x1x16xf32>,
        %get3A_1242 = vector.shape_cast %get3A_1241 : vector<1x1x16xf32> to vector<16xf32>
        %mul3A_1243 = arith.constant 4 : i32
        %mul3A_1244 = arith.muli %mul3A_1243, %add3A_936 : i32
        %add3A_1245 = arith.constant 2 : i32
        %add3A_1246 = arith.addi %mul3A_1244, %add3A_1245 : i32
        %get3A_1247 = arith.constant 0 : i32
        %get3A_1248 = arith.index_cast %get3A_1247 : i32 to index
        %get3A_1249 = arith.index_cast %add3A_1246 : i32 to index
        %get3A_1250 = arith.constant 96 : index
        %get3A_1251 = tpu.vector_load %arg6[%get3A_1248, %get3A_1249, %get3A_1250] {strides = array<i32>} : memref<2x128x256xf32, #tpu.memory_space<vmem>>, vector<1x1x16xf32>,
        %get3A_1252 = vector.shape_cast %get3A_1251 : vector<1x1x16xf32> to vector<16xf32>
        %mul3A_1253 = arith.constant 4 : i32
        %mul3A_1254 = arith.muli %mul3A_1253, %add3A_936 : i32
        %add3A_1255 = arith.constant 3 : i32
        %add3A_1256 = arith.addi %mul3A_1254, %add3A_1255 : i32
        %get3A_1257 = arith.constant 0 : i32
        %get3A_1258 = arith.index_cast %get3A_1257 : i32 to index
        %get3A_1259 = arith.index_cast %add3A_1256 : i32 to index
        %get3A_1260 = arith.constant 96 : index
        %get3A_1261 = tpu.vector_load %arg6[%get3A_1258, %get3A_1259, %get3A_1260] {strides = array<i32>} : memref<2x128x256xf32, #tpu.memory_space<vmem>>, vector<1x1x16xf32>,
        %get3A_1262 = vector.shape_cast %get3A_1261 : vector<1x1x16xf32> to vector<16xf32>
        %max3A_1263 = arith.maximumf %get3A_1232, %get3A_1242 : vector<16xf32>
        %max3A_1264 = arith.maximumf %get3A_1252, %get3A_1262 : vector<16xf32>
        %max3A_1265 = arith.maximumf %max3A_1263, %max3A_1264 : vector<16xf32>
        %swap3A_1266 = arith.constant 0 : i32
        %swap3A_1267 = arith.index_cast %swap3A_1266 : i32 to index
        %swap3A_1268 = arith.index_cast %add3A_936 : i32 to index
        %swap3A_1269 = arith.constant 96 : index
        %swap3A_1270 = tpu.vector_load %arg7[%swap3A_1267, %swap3A_1268, %swap3A_1269] {strides = array<i32>} : memref<2x32x256xf32, #tpu.memory_space<vmem>>, vector<1x1x16xf32>,
        %swap3A_1271 = vector.shape_cast %swap3A_1270 : vector<1x1x16xf32> to vector<16xf32>
        %swap3A_1272 = vector.shape_cast %max3A_1265 : vector<16xf32> to vector<1x1x16xf32>
        tpu.vector_store %arg7[%swap3A_1267, %swap3A_1268, %swap3A_1269], %swap3A_1272 {strides = array<i32>} : memref<2x32x256xf32, #tpu.memory_space<vmem>>, vector<1x1x16xf32>,
        %mul3A_1273 = arith.constant 4 : i32
        %mul3A_1274 = arith.muli %mul3A_1273, %add3A_936 : i32
        %get3A_1275 = arith.constant 0 : i32
        %get3A_1276 = arith.index_cast %get3A_1275 : i32 to index
        %get3A_1277 = arith.index_cast %mul3A_1274 : i32 to index
        %get3A_1278 = arith.constant 112 : index
        %get3A_1279 = tpu.vector_load %arg6[%get3A_1276, %get3A_1277, %get3A_1278] {strides = array<i32>} : memref<2x128x256xf32, #tpu.memory_space<vmem>>, vector<1x1x16xf32>,
        %get3A_1280 = vector.shape_cast %get3A_1279 : vector<1x1x16xf32> to vector<16xf32>
        %mul3A_1281 = arith.constant 4 : i32
        %mul3A_1282 = arith.muli %mul3A_1281, %add3A_936 : i32
        %add3A_1283 = arith.constant 1 : i32
        %add3A_1284 = arith.addi %mul3A_1282, %add3A_1283 : i32
        %get3A_1285 = arith.constant 0 : i32
        %get3A_1286 = arith.index_cast %get3A_1285 : i32 to index
        %get3A_1287 = arith.index_cast %add3A_1284 : i32 to index
        %get3A_1288 = arith.constant 112 : index
        %get3A_1289 = tpu.vector_load %arg6[%get3A_1286, %get3A_1287, %get3A_1288] {strides = array<i32>} : memref<2x128x256xf32, #tpu.memory_space<vmem>>, vector<1x1x16xf32>,
        %get3A_1290 = vector.shape_cast %get3A_1289 : vector<1x1x16xf32> to vector<16xf32>
        %mul3A_1291 = arith.constant 4 : i32
        %mul3A_1292 = arith.muli %mul3A_1291, %add3A_936 : i32
        %add3A_1293 = arith.constant 2 : i32
        %add3A_1294 = arith.addi %mul3A_1292, %add3A_1293 : i32
        %get3A_1295 = arith.constant 0 : i32
        %get3A_1296 = arith.index_cast %get3A_1295 : i32 to index
        %get3A_1297 = arith.index_cast %add3A_1294 : i32 to index
        %get3A_1298 = arith.constant 112 : index
        %get3A_1299 = tpu.vector_load %arg6[%get3A_1296, %get3A_1297, %get3A_1298] {strides = array<i32>} : memref<2x128x256xf32, #tpu.memory_space<vmem>>, vector<1x1x16xf32>,
        %get3A_1300 = vector.shape_cast %get3A_1299 : vector<1x1x16xf32> to vector<16xf32>
        %mul3A_1301 = arith.constant 4 : i32
        %mul3A_1302 = arith.muli %mul3A_1301, %add3A_936 : i32
        %add3A_1303 = arith.constant 3 : i32
        %add3A_1304 = arith.addi %mul3A_1302, %add3A_1303 : i32
        %get3A_1305 = arith.constant 0 : i32
        %get3A_1306 = arith.index_cast %get3A_1305 : i32 to index
        %get3A_1307 = arith.index_cast %add3A_1304 : i32 to index
        %get3A_1308 = arith.constant 112 : index
        %get3A_1309 = tpu.vector_load %arg6[%get3A_1306, %get3A_1307, %get3A_1308] {strides = array<i32>} : memref<2x128x256xf32, #tpu.memory_space<vmem>>, vector<1x1x16xf32>,
        %get3A_1310 = vector.shape_cast %get3A_1309 : vector<1x1x16xf32> to vector<16xf32>
        %max3A_1311 = arith.maximumf %get3A_1280, %get3A_1290 : vector<16xf32>
        %max3A_1312 = arith.maximumf %get3A_1300, %get3A_1310 : vector<16xf32>
        %max3A_1313 = arith.maximumf %max3A_1311, %max3A_1312 : vector<16xf32>
        %swap3A_1314 = arith.constant 0 : i32
        %swap3A_1315 = arith.index_cast %swap3A_1314 : i32 to index
        %swap3A_1316 = arith.index_cast %add3A_936 : i32 to index
        %swap3A_1317 = arith.constant 112 : index
        %swap3A_1318 = tpu.vector_load %arg7[%swap3A_1315, %swap3A_1316, %swap3A_1317] {strides = array<i32>} : memref<2x32x256xf32, #tpu.memory_space<vmem>>, vector<1x1x16xf32>,
        %swap3A_1319 = vector.shape_cast %swap3A_1318 : vector<1x1x16xf32> to vector<16xf32>
        %swap3A_1320 = vector.shape_cast %max3A_1313 : vector<16xf32> to vector<1x1x16xf32>
        tpu.vector_store %arg7[%swap3A_1315, %swap3A_1316, %swap3A_1317], %swap3A_1320 {strides = array<i32>} : memref<2x32x256xf32, #tpu.memory_space<vmem>>, vector<1x1x16xf32>,
        %mul3A_1321 = arith.constant 4 : i32
        %mul3A_1322 = arith.muli %mul3A_1321, %add3A_936 : i32
        %get3A_1323 = arith.constant 0 : i32
        %get3A_1324 = arith.index_cast %get3A_1323 : i32 to index
        %get3A_1325 = arith.index_cast %mul3A_1322 : i32 to index
        %get3A_1326 = arith.constant 128 : index
        %get3A_1327 = tpu.vector_load %arg6[%get3A_1324, %get3A_1325, %get3A_1326] {strides = array<i32>} : memref<2x128x256xf32, #tpu.memory_space<vmem>>, vector<1x1x16xf32>,
        %get3A_1328 = vector.shape_cast %get3A_1327 : vector<1x1x16xf32> to vector<16xf32>
        %mul3A_1329 = arith.constant 4 : i32
        %mul3A_1330 = arith.muli %mul3A_1329, %add3A_936 : i32
        %add3A_1331 = arith.constant 1 : i32
        %add3A_1332 = arith.addi %mul3A_1330, %add3A_1331 : i32
        %get3A_1333 = arith.constant 0 : i32
        %get3A_1334 = arith.index_cast %get3A_1333 : i32 to index
        %get3A_1335 = arith.index_cast %add3A_1332 : i32 to index
        %get3A_1336 = arith.constant 128 : index
        %get3A_1337 = tpu.vector_load %arg6[%get3A_1334, %get3A_1335, %get3A_1336] {strides = array<i32>} : memref<2x128x256xf32, #tpu.memory_space<vmem>>, vector<1x1x16xf32>,
        %get3A_1338 = vector.shape_cast %get3A_1337 : vector<1x1x16xf32> to vector<16xf32>
        %mul3A_1339 = arith.constant 4 : i32
        %mul3A_1340 = arith.muli %mul3A_1339, %add3A_936 : i32
        %add3A_1341 = arith.constant 2 : i32
        %add3A_1342 = arith.addi %mul3A_1340, %add3A_1341 : i32
        %get3A_1343 = arith.constant 0 : i32
        %get3A_1344 = arith.index_cast %get3A_1343 : i32 to index
        %get3A_1345 = arith.index_cast %add3A_1342 : i32 to index
        %get3A_1346 = arith.constant 128 : index
        %get3A_1347 = tpu.vector_load %arg6[%get3A_1344, %get3A_1345, %get3A_1346] {strides = array<i32>} : memref<2x128x256xf32, #tpu.memory_space<vmem>>, vector<1x1x16xf32>,
        %get3A_1348 = vector.shape_cast %get3A_1347 : vector<1x1x16xf32> to vector<16xf32>
        %mul3A_1349 = arith.constant 4 : i32
        %mul3A_1350 = arith.muli %mul3A_1349, %add3A_936 : i32
        %add3A_1351 = arith.constant 3 : i32
        %add3A_1352 = arith.addi %mul3A_1350, %add3A_1351 : i32
        %get3A_1353 = arith.constant 0 : i32
        %get3A_1354 = arith.index_cast %get3A_1353 : i32 to index
        %get3A_1355 = arith.index_cast %add3A_1352 : i32 to index
        %get3A_1356 = arith.constant 128 : index
        %get3A_1357 = tpu.vector_load %arg6[%get3A_1354, %get3A_1355, %get3A_1356] {strides = array<i32>} : memref<2x128x256xf32, #tpu.memory_space<vmem>>, vector<1x1x16xf32>,
        %get3A_1358 = vector.shape_cast %get3A_1357 : vector<1x1x16xf32> to vector<16xf32>
        %max3A_1359 = arith.maximumf %get3A_1328, %get3A_1338 : vector<16xf32>
        %max3A_1360 = arith.maximumf %get3A_1348, %get3A_1358 : vector<16xf32>
        %max3A_1361 = arith.maximumf %max3A_1359, %max3A_1360 : vector<16xf32>
        %swap3A_1362 = arith.constant 0 : i32
        %swap3A_1363 = arith.index_cast %swap3A_1362 : i32 to index
        %swap3A_1364 = arith.index_cast %add3A_936 : i32 to index
        %swap3A_1365 = arith.constant 128 : index
        %swap3A_1366 = tpu.vector_load %arg7[%swap3A_1363, %swap3A_1364, %swap3A_1365] {strides = array<i32>} : memref<2x32x256xf32, #tpu.memory_space<vmem>>, vector<1x1x16xf32>,
        %swap3A_1367 = vector.shape_cast %swap3A_1366 : vector<1x1x16xf32> to vector<16xf32>
        %swap3A_1368 = vector.shape_cast %max3A_1361 : vector<16xf32> to vector<1x1x16xf32>
        tpu.vector_store %arg7[%swap3A_1363, %swap3A_1364, %swap3A_1365], %swap3A_1368 {strides = array<i32>} : memref<2x32x256xf32, #tpu.memory_space<vmem>>, vector<1x1x16xf32>,
        %mul3A_1369 = arith.constant 4 : i32
        %mul3A_1370 = arith.muli %mul3A_1369, %add3A_936 : i32
        %get3A_1371 = arith.constant 0 : i32
        %get3A_1372 = arith.index_cast %get3A_1371 : i32 to index
        %get3A_1373 = arith.index_cast %mul3A_1370 : i32 to index
        %get3A_1374 = arith.constant 144 : index
        %get3A_1375 = tpu.vector_load %arg6[%get3A_1372, %get3A_1373, %get3A_1374] {strides = array<i32>} : memref<2x128x256xf32, #tpu.memory_space<vmem>>, vector<1x1x16xf32>,
        %get3A_1376 = vector.shape_cast %get3A_1375 : vector<1x1x16xf32> to vector<16xf32>
        %mul3A_1377 = arith.constant 4 : i32
        %mul3A_1378 = arith.muli %mul3A_1377, %add3A_936 : i32
        %add3A_1379 = arith.constant 1 : i32
        %add3A_1380 = arith.addi %mul3A_1378, %add3A_1379 : i32
        %get3A_1381 = arith.constant 0 : i32
        %get3A_1382 = arith.index_cast %get3A_1381 : i32 to index
        %get3A_1383 = arith.index_cast %add3A_1380 : i32 to index
        %get3A_1384 = arith.constant 144 : index
        %get3A_1385 = tpu.vector_load %arg6[%get3A_1382, %get3A_1383, %get3A_1384] {strides = array<i32>} : memref<2x128x256xf32, #tpu.memory_space<vmem>>, vector<1x1x16xf32>,
        %get3A_1386 = vector.shape_cast %get3A_1385 : vector<1x1x16xf32> to vector<16xf32>
        %mul3A_1387 = arith.constant 4 : i32
        %mul3A_1388 = arith.muli %mul3A_1387, %add3A_936 : i32
        %add3A_1389 = arith.constant 2 : i32
        %add3A_1390 = arith.addi %mul3A_1388, %add3A_1389 : i32
        %get3A_1391 = arith.constant 0 : i32
        %get3A_1392 = arith.index_cast %get3A_1391 : i32 to index
        %get3A_1393 = arith.index_cast %add3A_1390 : i32 to index
        %get3A_1394 = arith.constant 144 : index
        %get3A_1395 = tpu.vector_load %arg6[%get3A_1392, %get3A_1393, %get3A_1394] {strides = array<i32>} : memref<2x128x256xf32, #tpu.memory_space<vmem>>, vector<1x1x16xf32>,
        %get3A_1396 = vector.shape_cast %get3A_1395 : vector<1x1x16xf32> to vector<16xf32>
        %mul3A_1397 = arith.constant 4 : i32
        %mul3A_1398 = arith.muli %mul3A_1397, %add3A_936 : i32
        %add3A_1399 = arith.constant 3 : i32
        %add3A_1400 = arith.addi %mul3A_1398, %add3A_1399 : i32
        %get3A_1401 = arith.constant 0 : i32
        %get3A_1402 = arith.index_cast %get3A_1401 : i32 to index
        %get3A_1403 = arith.index_cast %add3A_1400 : i32 to index
        %get3A_1404 = arith.constant 144 : index
        %get3A_1405 = tpu.vector_load %arg6[%get3A_1402, %get3A_1403, %get3A_1404] {strides = array<i32>} : memref<2x128x256xf32, #tpu.memory_space<vmem>>, vector<1x1x16xf32>,
        %get3A_1406 = vector.shape_cast %get3A_1405 : vector<1x1x16xf32> to vector<16xf32>
        %max3A_1407 = arith.maximumf %get3A_1376, %get3A_1386 : vector<16xf32>
        %max3A_1408 = arith.maximumf %get3A_1396, %get3A_1406 : vector<16xf32>
        %max3A_1409 = arith.maximumf %max3A_1407, %max3A_1408 : vector<16xf32>
        %swap3A_1410 = arith.constant 0 : i32
        %swap3A_1411 = arith.index_cast %swap3A_1410 : i32 to index
        %swap3A_1412 = arith.index_cast %add3A_936 : i32 to index
        %swap3A_1413 = arith.constant 144 : index
        %swap3A_1414 = tpu.vector_load %arg7[%swap3A_1411, %swap3A_1412, %swap3A_1413] {strides = array<i32>} : memref<2x32x256xf32, #tpu.memory_space<vmem>>, vector<1x1x16xf32>,
        %swap3A_1415 = vector.shape_cast %swap3A_1414 : vector<1x1x16xf32> to vector<16xf32>
        %swap3A_1416 = vector.shape_cast %max3A_1409 : vector<16xf32> to vector<1x1x16xf32>
        tpu.vector_store %arg7[%swap3A_1411, %swap3A_1412, %swap3A_1413], %swap3A_1416 {strides = array<i32>} : memref<2x32x256xf32, #tpu.memory_space<vmem>>, vector<1x1x16xf32>,
        %mul3A_1417 = arith.constant 4 : i32
        %mul3A_1418 = arith.muli %mul3A_1417, %add3A_936 : i32
        %get3A_1419 = arith.constant 0 : i32
        %get3A_1420 = arith.index_cast %get3A_1419 : i32 to index
        %get3A_1421 = arith.index_cast %mul3A_1418 : i32 to index
        %get3A_1422 = arith.constant 160 : index
        %get3A_1423 = tpu.vector_load %arg6[%get3A_1420, %get3A_1421, %get3A_1422] {strides = array<i32>} : memref<2x128x256xf32, #tpu.memory_space<vmem>>, vector<1x1x16xf32>,
        %get3A_1424 = vector.shape_cast %get3A_1423 : vector<1x1x16xf32> to vector<16xf32>
        %mul3A_1425 = arith.constant 4 : i32
        %mul3A_1426 = arith.muli %mul3A_1425, %add3A_936 : i32
        %add3A_1427 = arith.constant 1 : i32
        %add3A_1428 = arith.addi %mul3A_1426, %add3A_1427 : i32
        %get3A_1429 = arith.constant 0 : i32
        %get3A_1430 = arith.index_cast %get3A_1429 : i32 to index
        %get3A_1431 = arith.index_cast %add3A_1428 : i32 to index
        %get3A_1432 = arith.constant 160 : index
        %get3A_1433 = tpu.vector_load %arg6[%get3A_1430, %get3A_1431, %get3A_1432] {strides = array<i32>} : memref<2x128x256xf32, #tpu.memory_space<vmem>>, vector<1x1x16xf32>,
        %get3A_1434 = vector.shape_cast %get3A_1433 : vector<1x1x16xf32> to vector<16xf32>
        %mul3A_1435 = arith.constant 4 : i32
        %mul3A_1436 = arith.muli %mul3A_1435, %add3A_936 : i32
        %add3A_1437 = arith.constant 2 : i32
        %add3A_1438 = arith.addi %mul3A_1436, %add3A_1437 : i32
        %get3A_1439 = arith.constant 0 : i32
        %get3A_1440 = arith.index_cast %get3A_1439 : i32 to index
        %get3A_1441 = arith.index_cast %add3A_1438 : i32 to index
        %get3A_1442 = arith.constant 160 : index
        %get3A_1443 = tpu.vector_load %arg6[%get3A_1440, %get3A_1441, %get3A_1442] {strides = array<i32>} : memref<2x128x256xf32, #tpu.memory_space<vmem>>, vector<1x1x16xf32>,
        %get3A_1444 = vector.shape_cast %get3A_1443 : vector<1x1x16xf32> to vector<16xf32>
        %mul3A_1445 = arith.constant 4 : i32
        %mul3A_1446 = arith.muli %mul3A_1445, %add3A_936 : i32
        %add3A_1447 = arith.constant 3 : i32
        %add3A_1448 = arith.addi %mul3A_1446, %add3A_1447 : i32
        %get3A_1449 = arith.constant 0 : i32
        %get3A_1450 = arith.index_cast %get3A_1449 : i32 to index
        %get3A_1451 = arith.index_cast %add3A_1448 : i32 to index
        %get3A_1452 = arith.constant 160 : index
        %get3A_1453 = tpu.vector_load %arg6[%get3A_1450, %get3A_1451, %get3A_1452] {strides = array<i32>} : memref<2x128x256xf32, #tpu.memory_space<vmem>>, vector<1x1x16xf32>,
        %get3A_1454 = vector.shape_cast %get3A_1453 : vector<1x1x16xf32> to vector<16xf32>
        %max3A_1455 = arith.maximumf %get3A_1424, %get3A_1434 : vector<16xf32>
        %max3A_1456 = arith.maximumf %get3A_1444, %get3A_1454 : vector<16xf32>
        %max3A_1457 = arith.maximumf %max3A_1455, %max3A_1456 : vector<16xf32>
        %swap3A_1458 = arith.constant 0 : i32
        %swap3A_1459 = arith.index_cast %swap3A_1458 : i32 to index
        %swap3A_1460 = arith.index_cast %add3A_936 : i32 to index
        %swap3A_1461 = arith.constant 160 : index
        %swap3A_1462 = tpu.vector_load %arg7[%swap3A_1459, %swap3A_1460, %swap3A_1461] {strides = array<i32>} : memref<2x32x256xf32, #tpu.memory_space<vmem>>, vector<1x1x16xf32>,
        %swap3A_1463 = vector.shape_cast %swap3A_1462 : vector<1x1x16xf32> to vector<16xf32>
        %swap3A_1464 = vector.shape_cast %max3A_1457 : vector<16xf32> to vector<1x1x16xf32>
        tpu.vector_store %arg7[%swap3A_1459, %swap3A_1460, %swap3A_1461], %swap3A_1464 {strides = array<i32>} : memref<2x32x256xf32, #tpu.memory_space<vmem>>, vector<1x1x16xf32>,
        %mul3A_1465 = arith.constant 4 : i32
        %mul3A_1466 = arith.muli %mul3A_1465, %add3A_936 : i32
        %get3A_1467 = arith.constant 0 : i32
        %get3A_1468 = arith.index_cast %get3A_1467 : i32 to index
        %get3A_1469 = arith.index_cast %mul3A_1466 : i32 to index
        %get3A_1470 = arith.constant 176 : index
        %get3A_1471 = tpu.vector_load %arg6[%get3A_1468, %get3A_1469, %get3A_1470] {strides = array<i32>} : memref<2x128x256xf32, #tpu.memory_space<vmem>>, vector<1x1x16xf32>,
        %get3A_1472 = vector.shape_cast %get3A_1471 : vector<1x1x16xf32> to vector<16xf32>
        %mul3A_1473 = arith.constant 4 : i32
        %mul3A_1474 = arith.muli %mul3A_1473, %add3A_936 : i32
        %add3A_1475 = arith.constant 1 : i32
        %add3A_1476 = arith.addi %mul3A_1474, %add3A_1475 : i32
        %get3A_1477 = arith.constant 0 : i32
        %get3A_1478 = arith.index_cast %get3A_1477 : i32 to index
        %get3A_1479 = arith.index_cast %add3A_1476 : i32 to index
        %get3A_1480 = arith.constant 176 : index
        %get3A_1481 = tpu.vector_load %arg6[%get3A_1478, %get3A_1479, %get3A_1480] {strides = array<i32>} : memref<2x128x256xf32, #tpu.memory_space<vmem>>, vector<1x1x16xf32>,
        %get3A_1482 = vector.shape_cast %get3A_1481 : vector<1x1x16xf32> to vector<16xf32>
        %mul3A_1483 = arith.constant 4 : i32
        %mul3A_1484 = arith.muli %mul3A_1483, %add3A_936 : i32
        %add3A_1485 = arith.constant 2 : i32
        %add3A_1486 = arith.addi %mul3A_1484, %add3A_1485 : i32
        %get3A_1487 = arith.constant 0 : i32
        %get3A_1488 = arith.index_cast %get3A_1487 : i32 to index
        %get3A_1489 = arith.index_cast %add3A_1486 : i32 to index
        %get3A_1490 = arith.constant 176 : index
        %get3A_1491 = tpu.vector_load %arg6[%get3A_1488, %get3A_1489, %get3A_1490] {strides = array<i32>} : memref<2x128x256xf32, #tpu.memory_space<vmem>>, vector<1x1x16xf32>,
        %get3A_1492 = vector.shape_cast %get3A_1491 : vector<1x1x16xf32> to vector<16xf32>
        %mul3A_1493 = arith.constant 4 : i32
        %mul3A_1494 = arith.muli %mul3A_1493, %add3A_936 : i32
        %add3A_1495 = arith.constant 3 : i32
        %add3A_1496 = arith.addi %mul3A_1494, %add3A_1495 : i32
        %get3A_1497 = arith.constant 0 : i32
        %get3A_1498 = arith.index_cast %get3A_1497 : i32 to index
        %get3A_1499 = arith.index_cast %add3A_1496 : i32 to index
        %get3A_1500 = arith.constant 176 : index
        %get3A_1501 = tpu.vector_load %arg6[%get3A_1498, %get3A_1499, %get3A_1500] {strides = array<i32>} : memref<2x128x256xf32, #tpu.memory_space<vmem>>, vector<1x1x16xf32>,
        %get3A_1502 = vector.shape_cast %get3A_1501 : vector<1x1x16xf32> to vector<16xf32>
        %max3A_1503 = arith.maximumf %get3A_1472, %get3A_1482 : vector<16xf32>
        %max3A_1504 = arith.maximumf %get3A_1492, %get3A_1502 : vector<16xf32>
        %max3A_1505 = arith.maximumf %max3A_1503, %max3A_1504 : vector<16xf32>
        %swap3A_1506 = arith.constant 0 : i32
        %swap3A_1507 = arith.index_cast %swap3A_1506 : i32 to index
        %swap3A_1508 = arith.index_cast %add3A_936 : i32 to index
        %swap3A_1509 = arith.constant 176 : index
        %swap3A_1510 = tpu.vector_load %arg7[%swap3A_1507, %swap3A_1508, %swap3A_1509] {strides = array<i32>} : memref<2x32x256xf32, #tpu.memory_space<vmem>>, vector<1x1x16xf32>,
        %swap3A_1511 = vector.shape_cast %swap3A_1510 : vector<1x1x16xf32> to vector<16xf32>
        %swap3A_1512 = vector.shape_cast %max3A_1505 : vector<16xf32> to vector<1x1x16xf32>
        tpu.vector_store %arg7[%swap3A_1507, %swap3A_1508, %swap3A_1509], %swap3A_1512 {strides = array<i32>} : memref<2x32x256xf32, #tpu.memory_space<vmem>>, vector<1x1x16xf32>,
        %mul3A_1513 = arith.constant 4 : i32
        %mul3A_1514 = arith.muli %mul3A_1513, %add3A_936 : i32
        %get3A_1515 = arith.constant 0 : i32
        %get3A_1516 = arith.index_cast %get3A_1515 : i32 to index
        %get3A_1517 = arith.index_cast %mul3A_1514 : i32 to index
        %get3A_1518 = arith.constant 192 : index
        %get3A_1519 = tpu.vector_load %arg6[%get3A_1516, %get3A_1517, %get3A_1518] {strides = array<i32>} : memref<2x128x256xf32, #tpu.memory_space<vmem>>, vector<1x1x16xf32>,
        %get3A_1520 = vector.shape_cast %get3A_1519 : vector<1x1x16xf32> to vector<16xf32>
        %mul3A_1521 = arith.constant 4 : i32
        %mul3A_1522 = arith.muli %mul3A_1521, %add3A_936 : i32
        %add3A_1523 = arith.constant 1 : i32
        %add3A_1524 = arith.addi %mul3A_1522, %add3A_1523 : i32
        %get3A_1525 = arith.constant 0 : i32
        %get3A_1526 = arith.index_cast %get3A_1525 : i32 to index
        %get3A_1527 = arith.index_cast %add3A_1524 : i32 to index
        %get3A_1528 = arith.constant 192 : index
        %get3A_1529 = tpu.vector_load %arg6[%get3A_1526, %get3A_1527, %get3A_1528] {strides = array<i32>} : memref<2x128x256xf32, #tpu.memory_space<vmem>>, vector<1x1x16xf32>,
        %get3A_1530 = vector.shape_cast %get3A_1529 : vector<1x1x16xf32> to vector<16xf32>
        %mul3A_1531 = arith.constant 4 : i32
        %mul3A_1532 = arith.muli %mul3A_1531, %add3A_936 : i32
        %add3A_1533 = arith.constant 2 : i32
        %add3A_1534 = arith.addi %mul3A_1532, %add3A_1533 : i32
        %get3A_1535 = arith.constant 0 : i32
        %get3A_1536 = arith.index_cast %get3A_1535 : i32 to index
        %get3A_1537 = arith.index_cast %add3A_1534 : i32 to index
        %get3A_1538 = arith.constant 192 : index
        %get3A_1539 = tpu.vector_load %arg6[%get3A_1536, %get3A_1537, %get3A_1538] {strides = array<i32>} : memref<2x128x256xf32, #tpu.memory_space<vmem>>, vector<1x1x16xf32>,
        %get3A_1540 = vector.shape_cast %get3A_1539 : vector<1x1x16xf32> to vector<16xf32>
        %mul3A_1541 = arith.constant 4 : i32
        %mul3A_1542 = arith.muli %mul3A_1541, %add3A_936 : i32
        %add3A_1543 = arith.constant 3 : i32
        %add3A_1544 = arith.addi %mul3A_1542, %add3A_1543 : i32
        %get3A_1545 = arith.constant 0 : i32
        %get3A_1546 = arith.index_cast %get3A_1545 : i32 to index
        %get3A_1547 = arith.index_cast %add3A_1544 : i32 to index
        %get3A_1548 = arith.constant 192 : index
        %get3A_1549 = tpu.vector_load %arg6[%get3A_1546, %get3A_1547, %get3A_1548] {strides = array<i32>} : memref<2x128x256xf32, #tpu.memory_space<vmem>>, vector<1x1x16xf32>,
        %get3A_1550 = vector.shape_cast %get3A_1549 : vector<1x1x16xf32> to vector<16xf32>
        %max3A_1551 = arith.maximumf %get3A_1520, %get3A_1530 : vector<16xf32>
        %max3A_1552 = arith.maximumf %get3A_1540, %get3A_1550 : vector<16xf32>
        %max3A_1553 = arith.maximumf %max3A_1551, %max3A_1552 : vector<16xf32>
        %swap3A_1554 = arith.constant 0 : i32
        %swap3A_1555 = arith.index_cast %swap3A_1554 : i32 to index
        %swap3A_1556 = arith.index_cast %add3A_936 : i32 to index
        %swap3A_1557 = arith.constant 192 : index
        %swap3A_1558 = tpu.vector_load %arg7[%swap3A_1555, %swap3A_1556, %swap3A_1557] {strides = array<i32>} : memref<2x32x256xf32, #tpu.memory_space<vmem>>, vector<1x1x16xf32>,
        %swap3A_1559 = vector.shape_cast %swap3A_1558 : vector<1x1x16xf32> to vector<16xf32>
        %swap3A_1560 = vector.shape_cast %max3A_1553 : vector<16xf32> to vector<1x1x16xf32>
        tpu.vector_store %arg7[%swap3A_1555, %swap3A_1556, %swap3A_1557], %swap3A_1560 {strides = array<i32>} : memref<2x32x256xf32, #tpu.memory_space<vmem>>, vector<1x1x16xf32>,
        %mul3A_1561 = arith.constant 4 : i32
        %mul3A_1562 = arith.muli %mul3A_1561, %add3A_936 : i32
        %get3A_1563 = arith.constant 0 : i32
        %get3A_1564 = arith.index_cast %get3A_1563 : i32 to index
        %get3A_1565 = arith.index_cast %mul3A_1562 : i32 to index
        %get3A_1566 = arith.constant 208 : index
        %get3A_1567 = tpu.vector_load %arg6[%get3A_1564, %get3A_1565, %get3A_1566] {strides = array<i32>} : memref<2x128x256xf32, #tpu.memory_space<vmem>>, vector<1x1x16xf32>,
        %get3A_1568 = vector.shape_cast %get3A_1567 : vector<1x1x16xf32> to vector<16xf32>
        %mul3A_1569 = arith.constant 4 : i32
        %mul3A_1570 = arith.muli %mul3A_1569, %add3A_936 : i32
        %add3A_1571 = arith.constant 1 : i32
        %add3A_1572 = arith.addi %mul3A_1570, %add3A_1571 : i32
        %get3A_1573 = arith.constant 0 : i32
        %get3A_1574 = arith.index_cast %get3A_1573 : i32 to index
        %get3A_1575 = arith.index_cast %add3A_1572 : i32 to index
        %get3A_1576 = arith.constant 208 : index
        %get3A_1577 = tpu.vector_load %arg6[%get3A_1574, %get3A_1575, %get3A_1576] {strides = array<i32>} : memref<2x128x256xf32, #tpu.memory_space<vmem>>, vector<1x1x16xf32>,
        %get3A_1578 = vector.shape_cast %get3A_1577 : vector<1x1x16xf32> to vector<16xf32>
        %mul3A_1579 = arith.constant 4 : i32
        %mul3A_1580 = arith.muli %mul3A_1579, %add3A_936 : i32
        %add3A_1581 = arith.constant 2 : i32
        %add3A_1582 = arith.addi %mul3A_1580, %add3A_1581 : i32
        %get3A_1583 = arith.constant 0 : i32
        %get3A_1584 = arith.index_cast %get3A_1583 : i32 to index
        %get3A_1585 = arith.index_cast %add3A_1582 : i32 to index
        %get3A_1586 = arith.constant 208 : index
        %get3A_1587 = tpu.vector_load %arg6[%get3A_1584, %get3A_1585, %get3A_1586] {strides = array<i32>} : memref<2x128x256xf32, #tpu.memory_space<vmem>>, vector<1x1x16xf32>,
        %get3A_1588 = vector.shape_cast %get3A_1587 : vector<1x1x16xf32> to vector<16xf32>
        %mul3A_1589 = arith.constant 4 : i32
        %mul3A_1590 = arith.muli %mul3A_1589, %add3A_936 : i32
        %add3A_1591 = arith.constant 3 : i32
        %add3A_1592 = arith.addi %mul3A_1590, %add3A_1591 : i32
        %get3A_1593 = arith.constant 0 : i32
        %get3A_1594 = arith.index_cast %get3A_1593 : i32 to index
        %get3A_1595 = arith.index_cast %add3A_1592 : i32 to index
        %get3A_1596 = arith.constant 208 : index
        %get3A_1597 = tpu.vector_load %arg6[%get3A_1594, %get3A_1595, %get3A_1596] {strides = array<i32>} : memref<2x128x256xf32, #tpu.memory_space<vmem>>, vector<1x1x16xf32>,
        %get3A_1598 = vector.shape_cast %get3A_1597 : vector<1x1x16xf32> to vector<16xf32>
        %max3A_1599 = arith.maximumf %get3A_1568, %get3A_1578 : vector<16xf32>
        %max3A_1600 = arith.maximumf %get3A_1588, %get3A_1598 : vector<16xf32>
        %max3A_1601 = arith.maximumf %max3A_1599, %max3A_1600 : vector<16xf32>
        %swap3A_1602 = arith.constant 0 : i32
        %swap3A_1603 = arith.index_cast %swap3A_1602 : i32 to index
        %swap3A_1604 = arith.index_cast %add3A_936 : i32 to index
        %swap3A_1605 = arith.constant 208 : index
        %swap3A_1606 = tpu.vector_load %arg7[%swap3A_1603, %swap3A_1604, %swap3A_1605] {strides = array<i32>} : memref<2x32x256xf32, #tpu.memory_space<vmem>>, vector<1x1x16xf32>,
        %swap3A_1607 = vector.shape_cast %swap3A_1606 : vector<1x1x16xf32> to vector<16xf32>
        %swap3A_1608 = vector.shape_cast %max3A_1601 : vector<16xf32> to vector<1x1x16xf32>
        tpu.vector_store %arg7[%swap3A_1603, %swap3A_1604, %swap3A_1605], %swap3A_1608 {strides = array<i32>} : memref<2x32x256xf32, #tpu.memory_space<vmem>>, vector<1x1x16xf32>,
        %mul3A_1609 = arith.constant 4 : i32
        %mul3A_1610 = arith.muli %mul3A_1609, %add3A_936 : i32
        %get3A_1611 = arith.constant 0 : i32
        %get3A_1612 = arith.index_cast %get3A_1611 : i32 to index
        %get3A_1613 = arith.index_cast %mul3A_1610 : i32 to index
        %get3A_1614 = arith.constant 224 : index
        %get3A_1615 = tpu.vector_load %arg6[%get3A_1612, %get3A_1613, %get3A_1614] {strides = array<i32>} : memref<2x128x256xf32, #tpu.memory_space<vmem>>, vector<1x1x16xf32>,
        %get3A_1616 = vector.shape_cast %get3A_1615 : vector<1x1x16xf32> to vector<16xf32>
        %mul3A_1617 = arith.constant 4 : i32
        %mul3A_1618 = arith.muli %mul3A_1617, %add3A_936 : i32
        %add3A_1619 = arith.constant 1 : i32
        %add3A_1620 = arith.addi %mul3A_1618, %add3A_1619 : i32
        %get3A_1621 = arith.constant 0 : i32
        %get3A_1622 = arith.index_cast %get3A_1621 : i32 to index
        %get3A_1623 = arith.index_cast %add3A_1620 : i32 to index
        %get3A_1624 = arith.constant 224 : index
        %get3A_1625 = tpu.vector_load %arg6[%get3A_1622, %get3A_1623, %get3A_1624] {strides = array<i32>} : memref<2x128x256xf32, #tpu.memory_space<vmem>>, vector<1x1x16xf32>,
        %get3A_1626 = vector.shape_cast %get3A_1625 : vector<1x1x16xf32> to vector<16xf32>
        %mul3A_1627 = arith.constant 4 : i32
        %mul3A_1628 = arith.muli %mul3A_1627, %add3A_936 : i32
        %add3A_1629 = arith.constant 2 : i32
        %add3A_1630 = arith.addi %mul3A_1628, %add3A_1629 : i32
        %get3A_1631 = arith.constant 0 : i32
        %get3A_1632 = arith.index_cast %get3A_1631 : i32 to index
        %get3A_1633 = arith.index_cast %add3A_1630 : i32 to index
        %get3A_1634 = arith.constant 224 : index
        %get3A_1635 = tpu.vector_load %arg6[%get3A_1632, %get3A_1633, %get3A_1634] {strides = array<i32>} : memref<2x128x256xf32, #tpu.memory_space<vmem>>, vector<1x1x16xf32>,
        %get3A_1636 = vector.shape_cast %get3A_1635 : vector<1x1x16xf32> to vector<16xf32>
        %mul3A_1637 = arith.constant 4 : i32
        %mul3A_1638 = arith.muli %mul3A_1637, %add3A_936 : i32
        %add3A_1639 = arith.constant 3 : i32
        %add3A_1640 = arith.addi %mul3A_1638, %add3A_1639 : i32
        %get3A_1641 = arith.constant 0 : i32
        %get3A_1642 = arith.index_cast %get3A_1641 : i32 to index
        %get3A_1643 = arith.index_cast %add3A_1640 : i32 to index
        %get3A_1644 = arith.constant 224 : index
        %get3A_1645 = tpu.vector_load %arg6[%get3A_1642, %get3A_1643, %get3A_1644] {strides = array<i32>} : memref<2x128x256xf32, #tpu.memory_space<vmem>>, vector<1x1x16xf32>,
        %get3A_1646 = vector.shape_cast %get3A_1645 : vector<1x1x16xf32> to vector<16xf32>
        %max3A_1647 = arith.maximumf %get3A_1616, %get3A_1626 : vector<16xf32>
        %max3A_1648 = arith.maximumf %get3A_1636, %get3A_1646 : vector<16xf32>
        %max3A_1649 = arith.maximumf %max3A_1647, %max3A_1648 : vector<16xf32>
        %swap3A_1650 = arith.constant 0 : i32
        %swap3A_1651 = arith.index_cast %swap3A_1650 : i32 to index
        %swap3A_1652 = arith.index_cast %add3A_936 : i32 to index
        %swap3A_1653 = arith.constant 224 : index
        %swap3A_1654 = tpu.vector_load %arg7[%swap3A_1651, %swap3A_1652, %swap3A_1653] {strides = array<i32>} : memref<2x32x256xf32, #tpu.memory_space<vmem>>, vector<1x1x16xf32>,
        %swap3A_1655 = vector.shape_cast %swap3A_1654 : vector<1x1x16xf32> to vector<16xf32>
        %swap3A_1656 = vector.shape_cast %max3A_1649 : vector<16xf32> to vector<1x1x16xf32>
        tpu.vector_store %arg7[%swap3A_1651, %swap3A_1652, %swap3A_1653], %swap3A_1656 {strides = array<i32>} : memref<2x32x256xf32, #tpu.memory_space<vmem>>, vector<1x1x16xf32>,
        %mul3A_1657 = arith.constant 4 : i32
        %mul3A_1658 = arith.muli %mul3A_1657, %add3A_936 : i32
        %get3A_1659 = arith.constant 0 : i32
        %get3A_1660 = arith.index_cast %get3A_1659 : i32 to index
        %get3A_1661 = arith.index_cast %mul3A_1658 : i32 to index
        %get3A_1662 = arith.constant 240 : index
        %get3A_1663 = tpu.vector_load %arg6[%get3A_1660, %get3A_1661, %get3A_1662] {strides = array<i32>} : memref<2x128x256xf32, #tpu.memory_space<vmem>>, vector<1x1x16xf32>,
        %get3A_1664 = vector.shape_cast %get3A_1663 : vector<1x1x16xf32> to vector<16xf32>
        %mul3A_1665 = arith.constant 4 : i32
        %mul3A_1666 = arith.muli %mul3A_1665, %add3A_936 : i32
        %add3A_1667 = arith.constant 1 : i32
        %add3A_1668 = arith.addi %mul3A_1666, %add3A_1667 : i32
        %get3A_1669 = arith.constant 0 : i32
        %get3A_1670 = arith.index_cast %get3A_1669 : i32 to index
        %get3A_1671 = arith.index_cast %add3A_1668 : i32 to index
        %get3A_1672 = arith.constant 240 : index
        %get3A_1673 = tpu.vector_load %arg6[%get3A_1670, %get3A_1671, %get3A_1672] {strides = array<i32>} : memref<2x128x256xf32, #tpu.memory_space<vmem>>, vector<1x1x16xf32>,
        %get3A_1674 = vector.shape_cast %get3A_1673 : vector<1x1x16xf32> to vector<16xf32>
        %mul3A_1675 = arith.constant 4 : i32
        %mul3A_1676 = arith.muli %mul3A_1675, %add3A_936 : i32
        %add3A_1677 = arith.constant 2 : i32
        %add3A_1678 = arith.addi %mul3A_1676, %add3A_1677 : i32
        %get3A_1679 = arith.constant 0 : i32
        %get3A_1680 = arith.index_cast %get3A_1679 : i32 to index
        %get3A_1681 = arith.index_cast %add3A_1678 : i32 to index
        %get3A_1682 = arith.constant 240 : index
        %get3A_1683 = tpu.vector_load %arg6[%get3A_1680, %get3A_1681, %get3A_1682] {strides = array<i32>} : memref<2x128x256xf32, #tpu.memory_space<vmem>>, vector<1x1x16xf32>,
        %get3A_1684 = vector.shape_cast %get3A_1683 : vector<1x1x16xf32> to vector<16xf32>
        %mul3A_1685 = arith.constant 4 : i32
        %mul3A_1686 = arith.muli %mul3A_1685, %add3A_936 : i32
        %add3A_1687 = arith.constant 3 : i32
        %add3A_1688 = arith.addi %mul3A_1686, %add3A_1687 : i32
        %get3A_1689 = arith.constant 0 : i32
        %get3A_1690 = arith.index_cast %get3A_1689 : i32 to index
        %get3A_1691 = arith.index_cast %add3A_1688 : i32 to index
        %get3A_1692 = arith.constant 240 : index
        %get3A_1693 = tpu.vector_load %arg6[%get3A_1690, %get3A_1691, %get3A_1692] {strides = array<i32>} : memref<2x128x256xf32, #tpu.memory_space<vmem>>, vector<1x1x16xf32>,
        %get3A_1694 = vector.shape_cast %get3A_1693 : vector<1x1x16xf32> to vector<16xf32>
        %max3A_1695 = arith.maximumf %get3A_1664, %get3A_1674 : vector<16xf32>
        %max3A_1696 = arith.maximumf %get3A_1684, %get3A_1694 : vector<16xf32>
        %max3A_1697 = arith.maximumf %max3A_1695, %max3A_1696 : vector<16xf32>
        %swap3A_1698 = arith.constant 0 : i32
        %swap3A_1699 = arith.index_cast %swap3A_1698 : i32 to index
        %swap3A_1700 = arith.index_cast %add3A_936 : i32 to index
        %swap3A_1701 = arith.constant 240 : index
        %swap3A_1702 = tpu.vector_load %arg7[%swap3A_1699, %swap3A_1700, %swap3A_1701] {strides = array<i32>} : memref<2x32x256xf32, #tpu.memory_space<vmem>>, vector<1x1x16xf32>,
        %swap3A_1703 = vector.shape_cast %swap3A_1702 : vector<1x1x16xf32> to vector<16xf32>
        %swap3A_1704 = vector.shape_cast %max3A_1697 : vector<16xf32> to vector<1x1x16xf32>
        tpu.vector_store %arg7[%swap3A_1699, %swap3A_1700, %swap3A_1701], %swap3A_1704 {strides = array<i32>} : memref<2x32x256xf32, #tpu.memory_space<vmem>>, vector<1x1x16xf32>,
      }
      %scan3A_87 = arith.constant 16 : i32
      %add3A_88 = arith.addi %mul3A_2, %add3A_64 : i32
      %mul3A_89 = arith.constant 32 : i32
      %mul3A_90 = arith.muli %add3A_88, %mul3A_89 : i32
      %dma_start3A_91 = arith.constant 0 : i32
      %dma_start3A_92 = arith.constant 0 : i32
      %dma_start3A_93 = arith.constant 0 : i32
      %dma_start3A_94 = tpu.memref_slice %arg7[%dma_start3A_91, %dma_start3A_92, %dma_start3A_93] : memref<2x32x256xf32, #tpu.memory_space<vmem>> -> memref<1x32x256xf32, #tpu.memory_space<vmem>>
      %dma_start3A_95 = tpu.memref_squeeze %dma_start3A_94 : memref<1x32x256xf32, #tpu.memory_space<vmem>> -> memref<32x256xf32, #tpu.memory_space<vmem>>
      %dma_start3A_96 = arith.constant 0 : i32
      %dma_start3A_97 = tpu.memref_slice %arg4[%mul3A_90, %dma_start3A_96] : memref<49152x256xf32, #tpu.memory_space<hbm>> -> memref<32x256xf32, #tpu.memory_space<hbm>>
      %dma_start3A_98 = arith.constant 0 : i32
      %dma_start3A_99 = tpu.memref_slice %arg4[%mul3A_90, %dma_start3A_98] : memref<49152x256xf32, #tpu.memory_space<hbm>> -> memref<32x256xf32, #tpu.memory_space<hbm>>
      %dma_start3A_100 = arith.constant 0 : i32
      %dma_start3A_101 = arith.constant 0 : i32
      %dma_start3A_102 = tpu.memref_slice %arg7[%dma_start3A_91, %dma_start3A_100, %dma_start3A_101] : memref<2x32x256xf32, #tpu.memory_space<vmem>> -> memref<1x32x256xf32, #tpu.memory_space<vmem>>
      %dma_start3A_103 = tpu.memref_squeeze %dma_start3A_102 : memref<1x32x256xf32, #tpu.memory_space<vmem>> -> memref<32x256xf32, #tpu.memory_space<vmem>>
      tpu.enqueue_dma source(%dma_start3A_103 : memref<32x256xf32, #tpu.memory_space<vmem>>) target(%dma_start3A_99 : memref<32x256xf32, #tpu.memory_space<hbm>>) target_semaphore(%arg10 : memref<!tpu.dma_semaphore, #tpu.memory_space<semaphore_mem>>)
      %add3A_104 = arith.constant 2 : i32
      %add3A_105 = arith.addi %add3A_64, %add3A_104 : i32
      %lt3A = arith.constant 48 : i32
      %lt3A_106 = arith.cmpi slt, %add3A_105, %lt3A : i32
      %convert_element_type3A_107 = arith.extui %lt3A_106 : i1 to i32
      %cond3A_108 = arith.constant 0 : i32
      %cond3A_109 = arith.cmpi ne, %convert_element_type3A_107, %cond3A_108 : i32
      scf.if %cond3A_109 {
        %add3A_163 = arith.constant 2 : i32
        %add3A_164 = arith.addi %add3A_64, %add3A_163 : i32
        %dma_start3A_165 = arith.constant 0 : i32
        %dma_start3A_166 = arith.constant 0 : i32
        %dma_start3A_167 = arith.constant 0 : i32
        %dma_start3A_168 = tpu.memref_slice %arg6[%dma_start3A_165, %dma_start3A_166, %dma_start3A_167] : memref<2x128x256xf32, #tpu.memory_space<vmem>> -> memref<1x128x256xf32, #tpu.memory_space<vmem>>
        %dma_start3A_169 = tpu.memref_squeeze %dma_start3A_168 : memref<1x128x256xf32, #tpu.memory_space<vmem>> -> memref<128x256xf32, #tpu.memory_space<vmem>>
        %dma_start3A_170 = arith.constant 0 : i32
        %dma_start3A_171 = tpu.memref_slice %arg5[%add3A_164, %dma_start3A_170] : memref<48x128xi32, #tpu.memory_space<vmem>> -> memref<1x128xi32, #tpu.memory_space<vmem>>
        %dma_start3A_172 = tpu.memref_squeeze %dma_start3A_171 : memref<1x128xi32, #tpu.memory_space<vmem>> -> memref<128xi32, #tpu.memory_space<vmem>>
        %dma_start3A_173 = arith.constant 0 : i32
        %dma_start3A_174 = arith.constant 0 : i32
        %dma_start3A_175 = tpu.memref_slice %arg2[%dma_start3A_173, %dma_start3A_174] : memref<40960x256xf32, #tpu.memory_space<hbm>> -> memref<40960x256xf32, #tpu.memory_space<hbm>>
        tpu.enqueue_indirect_dma source(%dma_start3A_175 : memref<40960x256xf32, #tpu.memory_space<hbm>>) target(%dma_start3A_169 : memref<128x256xf32, #tpu.memory_space<vmem>>) offsets(%dma_start3A_172 : memref<128xi32, #tpu.memory_space<vmem>>) semaphore(%arg8 : memref<!tpu.dma_semaphore, #tpu.memory_space<semaphore_mem>>)
      } else {
      }
      %mul3A_110 = arith.constant 2 : i32
      %mul3A_111 = arith.muli %mul3A_110, %scan3A_60 : i32
      %add3A_112 = arith.constant 1 : i32
      %add3A_113 = arith.addi %mul3A_111, %add3A_112 : i32
      %dma_wait3A_114 = arith.constant 1 : i32
      %dma_wait3A_115 = arith.constant 0 : i32
      %dma_wait3A_116 = arith.constant 0 : i32
      %dma_wait3A_117 = tpu.memref_slice %arg6[%dma_wait3A_114, %dma_wait3A_115, %dma_wait3A_116] : memref<2x128x256xf32, #tpu.memory_space<vmem>> -> memref<1x128x256xf32, #tpu.memory_space<vmem>>
      %dma_wait3A_118 = tpu.memref_squeeze %dma_wait3A_117 : memref<1x128x256xf32, #tpu.memory_space<vmem>> -> memref<128x256xf32, #tpu.memory_space<vmem>>
      %dma_wait3A_119 = arith.constant 0 : i32
      %dma_wait3A_120 = arith.constant 0 : i32
      %dma_wait3A_121 = tpu.memref_slice %arg2[%dma_wait3A_119, %dma_wait3A_120] : memref<40960x256xf32, #tpu.memory_space<hbm>> -> memref<128x256xf32, #tpu.memory_space<hbm>>
      %dma_wait3A_122 = arith.constant 0 : i32
      %dma_wait3A_123 = arith.constant 0 : i32
      %dma_wait3A_124 = tpu.memref_slice %arg6[%dma_wait3A_114, %dma_wait3A_122, %dma_wait3A_123] : memref<2x128x256xf32, #tpu.memory_space<vmem>> -> memref<1x128x256xf32, #tpu.memory_space<vmem>>
      %dma_wait3A_125 = tpu.memref_squeeze %dma_wait3A_124 : memref<1x128x256xf32, #tpu.memory_space<vmem>> -> memref<128x256xf32, #tpu.memory_space<vmem>>
      %dma_wait3A_126 = arith.constant 0 : i32
      %dma_wait3A_127 = arith.constant 0 : i32
      %dma_wait3A_128 = tpu.memref_slice %arg2[%dma_wait3A_126, %dma_wait3A_127] : memref<40960x256xf32, #tpu.memory_space<hbm>> -> memref<128x256xf32, #tpu.memory_space<hbm>>
      tpu.wait_dma2 semaphore(%arg9 : memref<!tpu.dma_semaphore, #tpu.memory_space<semaphore_mem>>) src(%dma_wait3A_128 : memref<128x256xf32, #tpu.memory_space<hbm>>) dst(%dma_wait3A_125 : memref<128x256xf32, #tpu.memory_space<vmem>>)
      %gt3A_129 = arith.constant 0 : i32
      %gt3A_130 = arith.cmpi sgt, %scan3A_60, %gt3A_129 : i32
      %convert_element_type3A_131 = arith.extui %gt3A_130 : i1 to i32
      %cond3A_132 = arith.constant 0 : i32
      %cond3A_133 = arith.cmpi ne, %convert_element_type3A_131, %cond3A_132 : i32
      scf.if %cond3A_133 {
        %dma_wait3A_163 = arith.constant 1 : i32
        %dma_wait3A_164 = arith.constant 0 : i32
        %dma_wait3A_165 = arith.constant 0 : i32
        %dma_wait3A_166 = tpu.memref_slice %arg7[%dma_wait3A_163, %dma_wait3A_164, %dma_wait3A_165] : memref<2x32x256xf32, #tpu.memory_space<vmem>> -> memref<1x32x256xf32, #tpu.memory_space<vmem>>
        %dma_wait3A_167 = tpu.memref_squeeze %dma_wait3A_166 : memref<1x32x256xf32, #tpu.memory_space<vmem>> -> memref<32x256xf32, #tpu.memory_space<vmem>>
        %dma_wait3A_168 = arith.constant 0 : i32
        %dma_wait3A_169 = arith.constant 0 : i32
        %dma_wait3A_170 = tpu.memref_slice %arg4[%dma_wait3A_168, %dma_wait3A_169] : memref<49152x256xf32, #tpu.memory_space<hbm>> -> memref<32x256xf32, #tpu.memory_space<hbm>>
        %dma_wait3A_171 = arith.constant 0 : i32
        %dma_wait3A_172 = arith.constant 0 : i32
        %dma_wait3A_173 = tpu.memref_slice %arg4[%dma_wait3A_171, %dma_wait3A_172] : memref<49152x256xf32, #tpu.memory_space<hbm>> -> memref<32x256xf32, #tpu.memory_space<hbm>>
        %dma_wait3A_174 = arith.constant 0 : i32
        %dma_wait3A_175 = arith.constant 0 : i32
        %dma_wait3A_176 = tpu.memref_slice %arg7[%dma_wait3A_163, %dma_wait3A_174, %dma_wait3A_175] : memref<2x32x256xf32, #tpu.memory_space<vmem>> -> memref<1x32x256xf32, #tpu.memory_space<vmem>>
        %dma_wait3A_177 = tpu.memref_squeeze %dma_wait3A_176 : memref<1x32x256xf32, #tpu.memory_space<vmem>> -> memref<32x256xf32, #tpu.memory_space<vmem>>
        tpu.wait_dma2 semaphore(%arg11 : memref<!tpu.dma_semaphore, #tpu.memory_space<semaphore_mem>>) src(%dma_wait3A_177 : memref<32x256xf32, #tpu.memory_space<vmem>>) dst(%dma_wait3A_173 : memref<32x256xf32, #tpu.memory_space<hbm>>)
      } else {
      }
      %scan3A_134 = arith.constant 0 : i32
      %scan3A_135 = arith.constant 0 : i32
      %scan3A_136 = arith.constant 16 : i32
      %scan3A_137 = arith.addi %scan3A_135, %scan3A_136 : i32
      %scan3A_138 = arith.constant 1 : i32
      scf.for %scan3A_163 = %scan3A_135 to %scan3A_137 step %scan3A_138  : i32 {
        %mul3A_164 = arith.constant 2 : i32
        %mul3A_165 = arith.muli %mul3A_164, %scan3A_163 : i32
        %add3A_166 = arith.constant 0 : i32
        %add3A_167 = arith.addi %mul3A_165, %add3A_166 : i32
        %mul3A_168 = arith.constant 4 : i32
        %mul3A_169 = arith.muli %mul3A_168, %add3A_167 : i32
        %get3A = arith.constant 1 : i32
        %get3A_170 = arith.index_cast %get3A : i32 to index
        %get3A_171 = arith.index_cast %mul3A_169 : i32 to index
        %get3A_172 = arith.constant 0 : index
        %get3A_173 = tpu.vector_load %arg6[%get3A_170, %get3A_171, %get3A_172] {strides = array<i32>} : memref<2x128x256xf32, #tpu.memory_space<vmem>>, vector<1x1x16xf32>,
        %get3A_174 = vector.shape_cast %get3A_173 : vector<1x1x16xf32> to vector<16xf32>
        %mul3A_175 = arith.constant 4 : i32
        %mul3A_176 = arith.muli %mul3A_175, %add3A_167 : i32
        %add3A_177 = arith.constant 1 : i32
        %add3A_178 = arith.addi %mul3A_176, %add3A_177 : i32
        %get3A_179 = arith.constant 1 : i32
        %get3A_180 = arith.index_cast %get3A_179 : i32 to index
        %get3A_181 = arith.index_cast %add3A_178 : i32 to index
        %get3A_182 = arith.constant 0 : index
        %get3A_183 = tpu.vector_load %arg6[%get3A_180, %get3A_181, %get3A_182] {strides = array<i32>} : memref<2x128x256xf32, #tpu.memory_space<vmem>>, vector<1x1x16xf32>,
        %get3A_184 = vector.shape_cast %get3A_183 : vector<1x1x16xf32> to vector<16xf32>
        %mul3A_185 = arith.constant 4 : i32
        %mul3A_186 = arith.muli %mul3A_185, %add3A_167 : i32
        %add3A_187 = arith.constant 2 : i32
        %add3A_188 = arith.addi %mul3A_186, %add3A_187 : i32
        %get3A_189 = arith.constant 1 : i32
        %get3A_190 = arith.index_cast %get3A_189 : i32 to index
        %get3A_191 = arith.index_cast %add3A_188 : i32 to index
        %get3A_192 = arith.constant 0 : index
        %get3A_193 = tpu.vector_load %arg6[%get3A_190, %get3A_191, %get3A_192] {strides = array<i32>} : memref<2x128x256xf32, #tpu.memory_space<vmem>>, vector<1x1x16xf32>,
        %get3A_194 = vector.shape_cast %get3A_193 : vector<1x1x16xf32> to vector<16xf32>
        %mul3A_195 = arith.constant 4 : i32
        %mul3A_196 = arith.muli %mul3A_195, %add3A_167 : i32
        %add3A_197 = arith.constant 3 : i32
        %add3A_198 = arith.addi %mul3A_196, %add3A_197 : i32
        %get3A_199 = arith.constant 1 : i32
        %get3A_200 = arith.index_cast %get3A_199 : i32 to index
        %get3A_201 = arith.index_cast %add3A_198 : i32 to index
        %get3A_202 = arith.constant 0 : index
        %get3A_203 = tpu.vector_load %arg6[%get3A_200, %get3A_201, %get3A_202] {strides = array<i32>} : memref<2x128x256xf32, #tpu.memory_space<vmem>>, vector<1x1x16xf32>,
        %get3A_204 = vector.shape_cast %get3A_203 : vector<1x1x16xf32> to vector<16xf32>
        %max3A = arith.maximumf %get3A_174, %get3A_184 : vector<16xf32>
        %max3A_205 = arith.maximumf %get3A_194, %get3A_204 : vector<16xf32>
        %max3A_206 = arith.maximumf %max3A, %max3A_205 : vector<16xf32>
        %swap3A = arith.constant 1 : i32
        %swap3A_207 = arith.index_cast %swap3A : i32 to index
        %swap3A_208 = arith.index_cast %add3A_167 : i32 to index
        %swap3A_209 = arith.constant 0 : index
        %swap3A_210 = tpu.vector_load %arg7[%swap3A_207, %swap3A_208, %swap3A_209] {strides = array<i32>} : memref<2x32x256xf32, #tpu.memory_space<vmem>>, vector<1x1x16xf32>,
        %swap3A_211 = vector.shape_cast %swap3A_210 : vector<1x1x16xf32> to vector<16xf32>
        %swap3A_212 = vector.shape_cast %max3A_206 : vector<16xf32> to vector<1x1x16xf32>
        tpu.vector_store %arg7[%swap3A_207, %swap3A_208, %swap3A_209], %swap3A_212 {strides = array<i32>} : memref<2x32x256xf32, #tpu.memory_space<vmem>>, vector<1x1x16xf32>,
        %mul3A_213 = arith.constant 4 : i32
        %mul3A_214 = arith.muli %mul3A_213, %add3A_167 : i32
        %get3A_215 = arith.constant 1 : i32
        %get3A_216 = arith.index_cast %get3A_215 : i32 to index
        %get3A_217 = arith.index_cast %mul3A_214 : i32 to index
        %get3A_218 = arith.constant 16 : index
        %get3A_219 = tpu.vector_load %arg6[%get3A_216, %get3A_217, %get3A_218] {strides = array<i32>} : memref<2x128x256xf32, #tpu.memory_space<vmem>>, vector<1x1x16xf32>,
        %get3A_220 = vector.shape_cast %get3A_219 : vector<1x1x16xf32> to vector<16xf32>
        %mul3A_221 = arith.constant 4 : i32
        %mul3A_222 = arith.muli %mul3A_221, %add3A_167 : i32
        %add3A_223 = arith.constant 1 : i32
        %add3A_224 = arith.addi %mul3A_222, %add3A_223 : i32
        %get3A_225 = arith.constant 1 : i32
        %get3A_226 = arith.index_cast %get3A_225 : i32 to index
        %get3A_227 = arith.index_cast %add3A_224 : i32 to index
        %get3A_228 = arith.constant 16 : index
        %get3A_229 = tpu.vector_load %arg6[%get3A_226, %get3A_227, %get3A_228] {strides = array<i32>} : memref<2x128x256xf32, #tpu.memory_space<vmem>>, vector<1x1x16xf32>,
        %get3A_230 = vector.shape_cast %get3A_229 : vector<1x1x16xf32> to vector<16xf32>
        %mul3A_231 = arith.constant 4 : i32
        %mul3A_232 = arith.muli %mul3A_231, %add3A_167 : i32
        %add3A_233 = arith.constant 2 : i32
        %add3A_234 = arith.addi %mul3A_232, %add3A_233 : i32
        %get3A_235 = arith.constant 1 : i32
        %get3A_236 = arith.index_cast %get3A_235 : i32 to index
        %get3A_237 = arith.index_cast %add3A_234 : i32 to index
        %get3A_238 = arith.constant 16 : index
        %get3A_239 = tpu.vector_load %arg6[%get3A_236, %get3A_237, %get3A_238] {strides = array<i32>} : memref<2x128x256xf32, #tpu.memory_space<vmem>>, vector<1x1x16xf32>,
        %get3A_240 = vector.shape_cast %get3A_239 : vector<1x1x16xf32> to vector<16xf32>
        %mul3A_241 = arith.constant 4 : i32
        %mul3A_242 = arith.muli %mul3A_241, %add3A_167 : i32
        %add3A_243 = arith.constant 3 : i32
        %add3A_244 = arith.addi %mul3A_242, %add3A_243 : i32
        %get3A_245 = arith.constant 1 : i32
        %get3A_246 = arith.index_cast %get3A_245 : i32 to index
        %get3A_247 = arith.index_cast %add3A_244 : i32 to index
        %get3A_248 = arith.constant 16 : index
        %get3A_249 = tpu.vector_load %arg6[%get3A_246, %get3A_247, %get3A_248] {strides = array<i32>} : memref<2x128x256xf32, #tpu.memory_space<vmem>>, vector<1x1x16xf32>,
        %get3A_250 = vector.shape_cast %get3A_249 : vector<1x1x16xf32> to vector<16xf32>
        %max3A_251 = arith.maximumf %get3A_220, %get3A_230 : vector<16xf32>
        %max3A_252 = arith.maximumf %get3A_240, %get3A_250 : vector<16xf32>
        %max3A_253 = arith.maximumf %max3A_251, %max3A_252 : vector<16xf32>
        %swap3A_254 = arith.constant 1 : i32
        %swap3A_255 = arith.index_cast %swap3A_254 : i32 to index
        %swap3A_256 = arith.index_cast %add3A_167 : i32 to index
        %swap3A_257 = arith.constant 16 : index
        %swap3A_258 = tpu.vector_load %arg7[%swap3A_255, %swap3A_256, %swap3A_257] {strides = array<i32>} : memref<2x32x256xf32, #tpu.memory_space<vmem>>, vector<1x1x16xf32>,
        %swap3A_259 = vector.shape_cast %swap3A_258 : vector<1x1x16xf32> to vector<16xf32>
        %swap3A_260 = vector.shape_cast %max3A_253 : vector<16xf32> to vector<1x1x16xf32>
        tpu.vector_store %arg7[%swap3A_255, %swap3A_256, %swap3A_257], %swap3A_260 {strides = array<i32>} : memref<2x32x256xf32, #tpu.memory_space<vmem>>, vector<1x1x16xf32>,
        %mul3A_261 = arith.constant 4 : i32
        %mul3A_262 = arith.muli %mul3A_261, %add3A_167 : i32
        %get3A_263 = arith.constant 1 : i32
        %get3A_264 = arith.index_cast %get3A_263 : i32 to index
        %get3A_265 = arith.index_cast %mul3A_262 : i32 to index
        %get3A_266 = arith.constant 32 : index
        %get3A_267 = tpu.vector_load %arg6[%get3A_264, %get3A_265, %get3A_266] {strides = array<i32>} : memref<2x128x256xf32, #tpu.memory_space<vmem>>, vector<1x1x16xf32>,
        %get3A_268 = vector.shape_cast %get3A_267 : vector<1x1x16xf32> to vector<16xf32>
        %mul3A_269 = arith.constant 4 : i32
        %mul3A_270 = arith.muli %mul3A_269, %add3A_167 : i32
        %add3A_271 = arith.constant 1 : i32
        %add3A_272 = arith.addi %mul3A_270, %add3A_271 : i32
        %get3A_273 = arith.constant 1 : i32
        %get3A_274 = arith.index_cast %get3A_273 : i32 to index
        %get3A_275 = arith.index_cast %add3A_272 : i32 to index
        %get3A_276 = arith.constant 32 : index
        %get3A_277 = tpu.vector_load %arg6[%get3A_274, %get3A_275, %get3A_276] {strides = array<i32>} : memref<2x128x256xf32, #tpu.memory_space<vmem>>, vector<1x1x16xf32>,
        %get3A_278 = vector.shape_cast %get3A_277 : vector<1x1x16xf32> to vector<16xf32>
        %mul3A_279 = arith.constant 4 : i32
        %mul3A_280 = arith.muli %mul3A_279, %add3A_167 : i32
        %add3A_281 = arith.constant 2 : i32
        %add3A_282 = arith.addi %mul3A_280, %add3A_281 : i32
        %get3A_283 = arith.constant 1 : i32
        %get3A_284 = arith.index_cast %get3A_283 : i32 to index
        %get3A_285 = arith.index_cast %add3A_282 : i32 to index
        %get3A_286 = arith.constant 32 : index
        %get3A_287 = tpu.vector_load %arg6[%get3A_284, %get3A_285, %get3A_286] {strides = array<i32>} : memref<2x128x256xf32, #tpu.memory_space<vmem>>, vector<1x1x16xf32>,
        %get3A_288 = vector.shape_cast %get3A_287 : vector<1x1x16xf32> to vector<16xf32>
        %mul3A_289 = arith.constant 4 : i32
        %mul3A_290 = arith.muli %mul3A_289, %add3A_167 : i32
        %add3A_291 = arith.constant 3 : i32
        %add3A_292 = arith.addi %mul3A_290, %add3A_291 : i32
        %get3A_293 = arith.constant 1 : i32
        %get3A_294 = arith.index_cast %get3A_293 : i32 to index
        %get3A_295 = arith.index_cast %add3A_292 : i32 to index
        %get3A_296 = arith.constant 32 : index
        %get3A_297 = tpu.vector_load %arg6[%get3A_294, %get3A_295, %get3A_296] {strides = array<i32>} : memref<2x128x256xf32, #tpu.memory_space<vmem>>, vector<1x1x16xf32>,
        %get3A_298 = vector.shape_cast %get3A_297 : vector<1x1x16xf32> to vector<16xf32>
        %max3A_299 = arith.maximumf %get3A_268, %get3A_278 : vector<16xf32>
        %max3A_300 = arith.maximumf %get3A_288, %get3A_298 : vector<16xf32>
        %max3A_301 = arith.maximumf %max3A_299, %max3A_300 : vector<16xf32>
        %swap3A_302 = arith.constant 1 : i32
        %swap3A_303 = arith.index_cast %swap3A_302 : i32 to index
        %swap3A_304 = arith.index_cast %add3A_167 : i32 to index
        %swap3A_305 = arith.constant 32 : index
        %swap3A_306 = tpu.vector_load %arg7[%swap3A_303, %swap3A_304, %swap3A_305] {strides = array<i32>} : memref<2x32x256xf32, #tpu.memory_space<vmem>>, vector<1x1x16xf32>,
        %swap3A_307 = vector.shape_cast %swap3A_306 : vector<1x1x16xf32> to vector<16xf32>
        %swap3A_308 = vector.shape_cast %max3A_301 : vector<16xf32> to vector<1x1x16xf32>
        tpu.vector_store %arg7[%swap3A_303, %swap3A_304, %swap3A_305], %swap3A_308 {strides = array<i32>} : memref<2x32x256xf32, #tpu.memory_space<vmem>>, vector<1x1x16xf32>,
        %mul3A_309 = arith.constant 4 : i32
        %mul3A_310 = arith.muli %mul3A_309, %add3A_167 : i32
        %get3A_311 = arith.constant 1 : i32
        %get3A_312 = arith.index_cast %get3A_311 : i32 to index
        %get3A_313 = arith.index_cast %mul3A_310 : i32 to index
        %get3A_314 = arith.constant 48 : index
        %get3A_315 = tpu.vector_load %arg6[%get3A_312, %get3A_313, %get3A_314] {strides = array<i32>} : memref<2x128x256xf32, #tpu.memory_space<vmem>>, vector<1x1x16xf32>,
        %get3A_316 = vector.shape_cast %get3A_315 : vector<1x1x16xf32> to vector<16xf32>
        %mul3A_317 = arith.constant 4 : i32
        %mul3A_318 = arith.muli %mul3A_317, %add3A_167 : i32
        %add3A_319 = arith.constant 1 : i32
        %add3A_320 = arith.addi %mul3A_318, %add3A_319 : i32
        %get3A_321 = arith.constant 1 : i32
        %get3A_322 = arith.index_cast %get3A_321 : i32 to index
        %get3A_323 = arith.index_cast %add3A_320 : i32 to index
        %get3A_324 = arith.constant 48 : index
        %get3A_325 = tpu.vector_load %arg6[%get3A_322, %get3A_323, %get3A_324] {strides = array<i32>} : memref<2x128x256xf32, #tpu.memory_space<vmem>>, vector<1x1x16xf32>,
        %get3A_326 = vector.shape_cast %get3A_325 : vector<1x1x16xf32> to vector<16xf32>
        %mul3A_327 = arith.constant 4 : i32
        %mul3A_328 = arith.muli %mul3A_327, %add3A_167 : i32
        %add3A_329 = arith.constant 2 : i32
        %add3A_330 = arith.addi %mul3A_328, %add3A_329 : i32
        %get3A_331 = arith.constant 1 : i32
        %get3A_332 = arith.index_cast %get3A_331 : i32 to index
        %get3A_333 = arith.index_cast %add3A_330 : i32 to index
        %get3A_334 = arith.constant 48 : index
        %get3A_335 = tpu.vector_load %arg6[%get3A_332, %get3A_333, %get3A_334] {strides = array<i32>} : memref<2x128x256xf32, #tpu.memory_space<vmem>>, vector<1x1x16xf32>,
        %get3A_336 = vector.shape_cast %get3A_335 : vector<1x1x16xf32> to vector<16xf32>
        %mul3A_337 = arith.constant 4 : i32
        %mul3A_338 = arith.muli %mul3A_337, %add3A_167 : i32
        %add3A_339 = arith.constant 3 : i32
        %add3A_340 = arith.addi %mul3A_338, %add3A_339 : i32
        %get3A_341 = arith.constant 1 : i32
        %get3A_342 = arith.index_cast %get3A_341 : i32 to index
        %get3A_343 = arith.index_cast %add3A_340 : i32 to index
        %get3A_344 = arith.constant 48 : index
        %get3A_345 = tpu.vector_load %arg6[%get3A_342, %get3A_343, %get3A_344] {strides = array<i32>} : memref<2x128x256xf32, #tpu.memory_space<vmem>>, vector<1x1x16xf32>,
        %get3A_346 = vector.shape_cast %get3A_345 : vector<1x1x16xf32> to vector<16xf32>
        %max3A_347 = arith.maximumf %get3A_316, %get3A_326 : vector<16xf32>
        %max3A_348 = arith.maximumf %get3A_336, %get3A_346 : vector<16xf32>
        %max3A_349 = arith.maximumf %max3A_347, %max3A_348 : vector<16xf32>
        %swap3A_350 = arith.constant 1 : i32
        %swap3A_351 = arith.index_cast %swap3A_350 : i32 to index
        %swap3A_352 = arith.index_cast %add3A_167 : i32 to index
        %swap3A_353 = arith.constant 48 : index
        %swap3A_354 = tpu.vector_load %arg7[%swap3A_351, %swap3A_352, %swap3A_353] {strides = array<i32>} : memref<2x32x256xf32, #tpu.memory_space<vmem>>, vector<1x1x16xf32>,
        %swap3A_355 = vector.shape_cast %swap3A_354 : vector<1x1x16xf32> to vector<16xf32>
        %swap3A_356 = vector.shape_cast %max3A_349 : vector<16xf32> to vector<1x1x16xf32>
        tpu.vector_store %arg7[%swap3A_351, %swap3A_352, %swap3A_353], %swap3A_356 {strides = array<i32>} : memref<2x32x256xf32, #tpu.memory_space<vmem>>, vector<1x1x16xf32>,
        %mul3A_357 = arith.constant 4 : i32
        %mul3A_358 = arith.muli %mul3A_357, %add3A_167 : i32
        %get3A_359 = arith.constant 1 : i32
        %get3A_360 = arith.index_cast %get3A_359 : i32 to index
        %get3A_361 = arith.index_cast %mul3A_358 : i32 to index
        %get3A_362 = arith.constant 64 : index
        %get3A_363 = tpu.vector_load %arg6[%get3A_360, %get3A_361, %get3A_362] {strides = array<i32>} : memref<2x128x256xf32, #tpu.memory_space<vmem>>, vector<1x1x16xf32>,
        %get3A_364 = vector.shape_cast %get3A_363 : vector<1x1x16xf32> to vector<16xf32>
        %mul3A_365 = arith.constant 4 : i32
        %mul3A_366 = arith.muli %mul3A_365, %add3A_167 : i32
        %add3A_367 = arith.constant 1 : i32
        %add3A_368 = arith.addi %mul3A_366, %add3A_367 : i32
        %get3A_369 = arith.constant 1 : i32
        %get3A_370 = arith.index_cast %get3A_369 : i32 to index
        %get3A_371 = arith.index_cast %add3A_368 : i32 to index
        %get3A_372 = arith.constant 64 : index
        %get3A_373 = tpu.vector_load %arg6[%get3A_370, %get3A_371, %get3A_372] {strides = array<i32>} : memref<2x128x256xf32, #tpu.memory_space<vmem>>, vector<1x1x16xf32>,
        %get3A_374 = vector.shape_cast %get3A_373 : vector<1x1x16xf32> to vector<16xf32>
        %mul3A_375 = arith.constant 4 : i32
        %mul3A_376 = arith.muli %mul3A_375, %add3A_167 : i32
        %add3A_377 = arith.constant 2 : i32
        %add3A_378 = arith.addi %mul3A_376, %add3A_377 : i32
        %get3A_379 = arith.constant 1 : i32
        %get3A_380 = arith.index_cast %get3A_379 : i32 to index
        %get3A_381 = arith.index_cast %add3A_378 : i32 to index
        %get3A_382 = arith.constant 64 : index
        %get3A_383 = tpu.vector_load %arg6[%get3A_380, %get3A_381, %get3A_382] {strides = array<i32>} : memref<2x128x256xf32, #tpu.memory_space<vmem>>, vector<1x1x16xf32>,
        %get3A_384 = vector.shape_cast %get3A_383 : vector<1x1x16xf32> to vector<16xf32>
        %mul3A_385 = arith.constant 4 : i32
        %mul3A_386 = arith.muli %mul3A_385, %add3A_167 : i32
        %add3A_387 = arith.constant 3 : i32
        %add3A_388 = arith.addi %mul3A_386, %add3A_387 : i32
        %get3A_389 = arith.constant 1 : i32
        %get3A_390 = arith.index_cast %get3A_389 : i32 to index
        %get3A_391 = arith.index_cast %add3A_388 : i32 to index
        %get3A_392 = arith.constant 64 : index
        %get3A_393 = tpu.vector_load %arg6[%get3A_390, %get3A_391, %get3A_392] {strides = array<i32>} : memref<2x128x256xf32, #tpu.memory_space<vmem>>, vector<1x1x16xf32>,
        %get3A_394 = vector.shape_cast %get3A_393 : vector<1x1x16xf32> to vector<16xf32>
        %max3A_395 = arith.maximumf %get3A_364, %get3A_374 : vector<16xf32>
        %max3A_396 = arith.maximumf %get3A_384, %get3A_394 : vector<16xf32>
        %max3A_397 = arith.maximumf %max3A_395, %max3A_396 : vector<16xf32>
        %swap3A_398 = arith.constant 1 : i32
        %swap3A_399 = arith.index_cast %swap3A_398 : i32 to index
        %swap3A_400 = arith.index_cast %add3A_167 : i32 to index
        %swap3A_401 = arith.constant 64 : index
        %swap3A_402 = tpu.vector_load %arg7[%swap3A_399, %swap3A_400, %swap3A_401] {strides = array<i32>} : memref<2x32x256xf32, #tpu.memory_space<vmem>>, vector<1x1x16xf32>,
        %swap3A_403 = vector.shape_cast %swap3A_402 : vector<1x1x16xf32> to vector<16xf32>
        %swap3A_404 = vector.shape_cast %max3A_397 : vector<16xf32> to vector<1x1x16xf32>
        tpu.vector_store %arg7[%swap3A_399, %swap3A_400, %swap3A_401], %swap3A_404 {strides = array<i32>} : memref<2x32x256xf32, #tpu.memory_space<vmem>>, vector<1x1x16xf32>,
        %mul3A_405 = arith.constant 4 : i32
        %mul3A_406 = arith.muli %mul3A_405, %add3A_167 : i32
        %get3A_407 = arith.constant 1 : i32
        %get3A_408 = arith.index_cast %get3A_407 : i32 to index
        %get3A_409 = arith.index_cast %mul3A_406 : i32 to index
        %get3A_410 = arith.constant 80 : index
        %get3A_411 = tpu.vector_load %arg6[%get3A_408, %get3A_409, %get3A_410] {strides = array<i32>} : memref<2x128x256xf32, #tpu.memory_space<vmem>>, vector<1x1x16xf32>,
        %get3A_412 = vector.shape_cast %get3A_411 : vector<1x1x16xf32> to vector<16xf32>
        %mul3A_413 = arith.constant 4 : i32
        %mul3A_414 = arith.muli %mul3A_413, %add3A_167 : i32
        %add3A_415 = arith.constant 1 : i32
        %add3A_416 = arith.addi %mul3A_414, %add3A_415 : i32
        %get3A_417 = arith.constant 1 : i32
        %get3A_418 = arith.index_cast %get3A_417 : i32 to index
        %get3A_419 = arith.index_cast %add3A_416 : i32 to index
        %get3A_420 = arith.constant 80 : index
        %get3A_421 = tpu.vector_load %arg6[%get3A_418, %get3A_419, %get3A_420] {strides = array<i32>} : memref<2x128x256xf32, #tpu.memory_space<vmem>>, vector<1x1x16xf32>,
        %get3A_422 = vector.shape_cast %get3A_421 : vector<1x1x16xf32> to vector<16xf32>
        %mul3A_423 = arith.constant 4 : i32
        %mul3A_424 = arith.muli %mul3A_423, %add3A_167 : i32
        %add3A_425 = arith.constant 2 : i32
        %add3A_426 = arith.addi %mul3A_424, %add3A_425 : i32
        %get3A_427 = arith.constant 1 : i32
        %get3A_428 = arith.index_cast %get3A_427 : i32 to index
        %get3A_429 = arith.index_cast %add3A_426 : i32 to index
        %get3A_430 = arith.constant 80 : index
        %get3A_431 = tpu.vector_load %arg6[%get3A_428, %get3A_429, %get3A_430] {strides = array<i32>} : memref<2x128x256xf32, #tpu.memory_space<vmem>>, vector<1x1x16xf32>,
        %get3A_432 = vector.shape_cast %get3A_431 : vector<1x1x16xf32> to vector<16xf32>
        %mul3A_433 = arith.constant 4 : i32
        %mul3A_434 = arith.muli %mul3A_433, %add3A_167 : i32
        %add3A_435 = arith.constant 3 : i32
        %add3A_436 = arith.addi %mul3A_434, %add3A_435 : i32
        %get3A_437 = arith.constant 1 : i32
        %get3A_438 = arith.index_cast %get3A_437 : i32 to index
        %get3A_439 = arith.index_cast %add3A_436 : i32 to index
        %get3A_440 = arith.constant 80 : index
        %get3A_441 = tpu.vector_load %arg6[%get3A_438, %get3A_439, %get3A_440] {strides = array<i32>} : memref<2x128x256xf32, #tpu.memory_space<vmem>>, vector<1x1x16xf32>,
        %get3A_442 = vector.shape_cast %get3A_441 : vector<1x1x16xf32> to vector<16xf32>
        %max3A_443 = arith.maximumf %get3A_412, %get3A_422 : vector<16xf32>
        %max3A_444 = arith.maximumf %get3A_432, %get3A_442 : vector<16xf32>
        %max3A_445 = arith.maximumf %max3A_443, %max3A_444 : vector<16xf32>
        %swap3A_446 = arith.constant 1 : i32
        %swap3A_447 = arith.index_cast %swap3A_446 : i32 to index
        %swap3A_448 = arith.index_cast %add3A_167 : i32 to index
        %swap3A_449 = arith.constant 80 : index
        %swap3A_450 = tpu.vector_load %arg7[%swap3A_447, %swap3A_448, %swap3A_449] {strides = array<i32>} : memref<2x32x256xf32, #tpu.memory_space<vmem>>, vector<1x1x16xf32>,
        %swap3A_451 = vector.shape_cast %swap3A_450 : vector<1x1x16xf32> to vector<16xf32>
        %swap3A_452 = vector.shape_cast %max3A_445 : vector<16xf32> to vector<1x1x16xf32>
        tpu.vector_store %arg7[%swap3A_447, %swap3A_448, %swap3A_449], %swap3A_452 {strides = array<i32>} : memref<2x32x256xf32, #tpu.memory_space<vmem>>, vector<1x1x16xf32>,
        %mul3A_453 = arith.constant 4 : i32
        %mul3A_454 = arith.muli %mul3A_453, %add3A_167 : i32
        %get3A_455 = arith.constant 1 : i32
        %get3A_456 = arith.index_cast %get3A_455 : i32 to index
        %get3A_457 = arith.index_cast %mul3A_454 : i32 to index
        %get3A_458 = arith.constant 96 : index
        %get3A_459 = tpu.vector_load %arg6[%get3A_456, %get3A_457, %get3A_458] {strides = array<i32>} : memref<2x128x256xf32, #tpu.memory_space<vmem>>, vector<1x1x16xf32>,
        %get3A_460 = vector.shape_cast %get3A_459 : vector<1x1x16xf32> to vector<16xf32>
        %mul3A_461 = arith.constant 4 : i32
        %mul3A_462 = arith.muli %mul3A_461, %add3A_167 : i32
        %add3A_463 = arith.constant 1 : i32
        %add3A_464 = arith.addi %mul3A_462, %add3A_463 : i32
        %get3A_465 = arith.constant 1 : i32
        %get3A_466 = arith.index_cast %get3A_465 : i32 to index
        %get3A_467 = arith.index_cast %add3A_464 : i32 to index
        %get3A_468 = arith.constant 96 : index
        %get3A_469 = tpu.vector_load %arg6[%get3A_466, %get3A_467, %get3A_468] {strides = array<i32>} : memref<2x128x256xf32, #tpu.memory_space<vmem>>, vector<1x1x16xf32>,
        %get3A_470 = vector.shape_cast %get3A_469 : vector<1x1x16xf32> to vector<16xf32>
        %mul3A_471 = arith.constant 4 : i32
        %mul3A_472 = arith.muli %mul3A_471, %add3A_167 : i32
        %add3A_473 = arith.constant 2 : i32
        %add3A_474 = arith.addi %mul3A_472, %add3A_473 : i32
        %get3A_475 = arith.constant 1 : i32
        %get3A_476 = arith.index_cast %get3A_475 : i32 to index
        %get3A_477 = arith.index_cast %add3A_474 : i32 to index
        %get3A_478 = arith.constant 96 : index
        %get3A_479 = tpu.vector_load %arg6[%get3A_476, %get3A_477, %get3A_478] {strides = array<i32>} : memref<2x128x256xf32, #tpu.memory_space<vmem>>, vector<1x1x16xf32>,
        %get3A_480 = vector.shape_cast %get3A_479 : vector<1x1x16xf32> to vector<16xf32>
        %mul3A_481 = arith.constant 4 : i32
        %mul3A_482 = arith.muli %mul3A_481, %add3A_167 : i32
        %add3A_483 = arith.constant 3 : i32
        %add3A_484 = arith.addi %mul3A_482, %add3A_483 : i32
        %get3A_485 = arith.constant 1 : i32
        %get3A_486 = arith.index_cast %get3A_485 : i32 to index
        %get3A_487 = arith.index_cast %add3A_484 : i32 to index
        %get3A_488 = arith.constant 96 : index
        %get3A_489 = tpu.vector_load %arg6[%get3A_486, %get3A_487, %get3A_488] {strides = array<i32>} : memref<2x128x256xf32, #tpu.memory_space<vmem>>, vector<1x1x16xf32>,
        %get3A_490 = vector.shape_cast %get3A_489 : vector<1x1x16xf32> to vector<16xf32>
        %max3A_491 = arith.maximumf %get3A_460, %get3A_470 : vector<16xf32>
        %max3A_492 = arith.maximumf %get3A_480, %get3A_490 : vector<16xf32>
        %max3A_493 = arith.maximumf %max3A_491, %max3A_492 : vector<16xf32>
        %swap3A_494 = arith.constant 1 : i32
        %swap3A_495 = arith.index_cast %swap3A_494 : i32 to index
        %swap3A_496 = arith.index_cast %add3A_167 : i32 to index
        %swap3A_497 = arith.constant 96 : index
        %swap3A_498 = tpu.vector_load %arg7[%swap3A_495, %swap3A_496, %swap3A_497] {strides = array<i32>} : memref<2x32x256xf32, #tpu.memory_space<vmem>>, vector<1x1x16xf32>,
        %swap3A_499 = vector.shape_cast %swap3A_498 : vector<1x1x16xf32> to vector<16xf32>
        %swap3A_500 = vector.shape_cast %max3A_493 : vector<16xf32> to vector<1x1x16xf32>
        tpu.vector_store %arg7[%swap3A_495, %swap3A_496, %swap3A_497], %swap3A_500 {strides = array<i32>} : memref<2x32x256xf32, #tpu.memory_space<vmem>>, vector<1x1x16xf32>,
        %mul3A_501 = arith.constant 4 : i32
        %mul3A_502 = arith.muli %mul3A_501, %add3A_167 : i32
        %get3A_503 = arith.constant 1 : i32
        %get3A_504 = arith.index_cast %get3A_503 : i32 to index
        %get3A_505 = arith.index_cast %mul3A_502 : i32 to index
        %get3A_506 = arith.constant 112 : index
        %get3A_507 = tpu.vector_load %arg6[%get3A_504, %get3A_505, %get3A_506] {strides = array<i32>} : memref<2x128x256xf32, #tpu.memory_space<vmem>>, vector<1x1x16xf32>,
        %get3A_508 = vector.shape_cast %get3A_507 : vector<1x1x16xf32> to vector<16xf32>
        %mul3A_509 = arith.constant 4 : i32
        %mul3A_510 = arith.muli %mul3A_509, %add3A_167 : i32
        %add3A_511 = arith.constant 1 : i32
        %add3A_512 = arith.addi %mul3A_510, %add3A_511 : i32
        %get3A_513 = arith.constant 1 : i32
        %get3A_514 = arith.index_cast %get3A_513 : i32 to index
        %get3A_515 = arith.index_cast %add3A_512 : i32 to index
        %get3A_516 = arith.constant 112 : index
        %get3A_517 = tpu.vector_load %arg6[%get3A_514, %get3A_515, %get3A_516] {strides = array<i32>} : memref<2x128x256xf32, #tpu.memory_space<vmem>>, vector<1x1x16xf32>,
        %get3A_518 = vector.shape_cast %get3A_517 : vector<1x1x16xf32> to vector<16xf32>
        %mul3A_519 = arith.constant 4 : i32
        %mul3A_520 = arith.muli %mul3A_519, %add3A_167 : i32
        %add3A_521 = arith.constant 2 : i32
        %add3A_522 = arith.addi %mul3A_520, %add3A_521 : i32
        %get3A_523 = arith.constant 1 : i32
        %get3A_524 = arith.index_cast %get3A_523 : i32 to index
        %get3A_525 = arith.index_cast %add3A_522 : i32 to index
        %get3A_526 = arith.constant 112 : index
        %get3A_527 = tpu.vector_load %arg6[%get3A_524, %get3A_525, %get3A_526] {strides = array<i32>} : memref<2x128x256xf32, #tpu.memory_space<vmem>>, vector<1x1x16xf32>,
        %get3A_528 = vector.shape_cast %get3A_527 : vector<1x1x16xf32> to vector<16xf32>
        %mul3A_529 = arith.constant 4 : i32
        %mul3A_530 = arith.muli %mul3A_529, %add3A_167 : i32
        %add3A_531 = arith.constant 3 : i32
        %add3A_532 = arith.addi %mul3A_530, %add3A_531 : i32
        %get3A_533 = arith.constant 1 : i32
        %get3A_534 = arith.index_cast %get3A_533 : i32 to index
        %get3A_535 = arith.index_cast %add3A_532 : i32 to index
        %get3A_536 = arith.constant 112 : index
        %get3A_537 = tpu.vector_load %arg6[%get3A_534, %get3A_535, %get3A_536] {strides = array<i32>} : memref<2x128x256xf32, #tpu.memory_space<vmem>>, vector<1x1x16xf32>,
        %get3A_538 = vector.shape_cast %get3A_537 : vector<1x1x16xf32> to vector<16xf32>
        %max3A_539 = arith.maximumf %get3A_508, %get3A_518 : vector<16xf32>
        %max3A_540 = arith.maximumf %get3A_528, %get3A_538 : vector<16xf32>
        %max3A_541 = arith.maximumf %max3A_539, %max3A_540 : vector<16xf32>
        %swap3A_542 = arith.constant 1 : i32
        %swap3A_543 = arith.index_cast %swap3A_542 : i32 to index
        %swap3A_544 = arith.index_cast %add3A_167 : i32 to index
        %swap3A_545 = arith.constant 112 : index
        %swap3A_546 = tpu.vector_load %arg7[%swap3A_543, %swap3A_544, %swap3A_545] {strides = array<i32>} : memref<2x32x256xf32, #tpu.memory_space<vmem>>, vector<1x1x16xf32>,
        %swap3A_547 = vector.shape_cast %swap3A_546 : vector<1x1x16xf32> to vector<16xf32>
        %swap3A_548 = vector.shape_cast %max3A_541 : vector<16xf32> to vector<1x1x16xf32>
        tpu.vector_store %arg7[%swap3A_543, %swap3A_544, %swap3A_545], %swap3A_548 {strides = array<i32>} : memref<2x32x256xf32, #tpu.memory_space<vmem>>, vector<1x1x16xf32>,
        %mul3A_549 = arith.constant 4 : i32
        %mul3A_550 = arith.muli %mul3A_549, %add3A_167 : i32
        %get3A_551 = arith.constant 1 : i32
        %get3A_552 = arith.index_cast %get3A_551 : i32 to index
        %get3A_553 = arith.index_cast %mul3A_550 : i32 to index
        %get3A_554 = arith.constant 128 : index
        %get3A_555 = tpu.vector_load %arg6[%get3A_552, %get3A_553, %get3A_554] {strides = array<i32>} : memref<2x128x256xf32, #tpu.memory_space<vmem>>, vector<1x1x16xf32>,
        %get3A_556 = vector.shape_cast %get3A_555 : vector<1x1x16xf32> to vector<16xf32>
        %mul3A_557 = arith.constant 4 : i32
        %mul3A_558 = arith.muli %mul3A_557, %add3A_167 : i32
        %add3A_559 = arith.constant 1 : i32
        %add3A_560 = arith.addi %mul3A_558, %add3A_559 : i32
        %get3A_561 = arith.constant 1 : i32
        %get3A_562 = arith.index_cast %get3A_561 : i32 to index
        %get3A_563 = arith.index_cast %add3A_560 : i32 to index
        %get3A_564 = arith.constant 128 : index
        %get3A_565 = tpu.vector_load %arg6[%get3A_562, %get3A_563, %get3A_564] {strides = array<i32>} : memref<2x128x256xf32, #tpu.memory_space<vmem>>, vector<1x1x16xf32>,
        %get3A_566 = vector.shape_cast %get3A_565 : vector<1x1x16xf32> to vector<16xf32>
        %mul3A_567 = arith.constant 4 : i32
        %mul3A_568 = arith.muli %mul3A_567, %add3A_167 : i32
        %add3A_569 = arith.constant 2 : i32
        %add3A_570 = arith.addi %mul3A_568, %add3A_569 : i32
        %get3A_571 = arith.constant 1 : i32
        %get3A_572 = arith.index_cast %get3A_571 : i32 to index
        %get3A_573 = arith.index_cast %add3A_570 : i32 to index
        %get3A_574 = arith.constant 128 : index
        %get3A_575 = tpu.vector_load %arg6[%get3A_572, %get3A_573, %get3A_574] {strides = array<i32>} : memref<2x128x256xf32, #tpu.memory_space<vmem>>, vector<1x1x16xf32>,
        %get3A_576 = vector.shape_cast %get3A_575 : vector<1x1x16xf32> to vector<16xf32>
        %mul3A_577 = arith.constant 4 : i32
        %mul3A_578 = arith.muli %mul3A_577, %add3A_167 : i32
        %add3A_579 = arith.constant 3 : i32
        %add3A_580 = arith.addi %mul3A_578, %add3A_579 : i32
        %get3A_581 = arith.constant 1 : i32
        %get3A_582 = arith.index_cast %get3A_581 : i32 to index
        %get3A_583 = arith.index_cast %add3A_580 : i32 to index
        %get3A_584 = arith.constant 128 : index
        %get3A_585 = tpu.vector_load %arg6[%get3A_582, %get3A_583, %get3A_584] {strides = array<i32>} : memref<2x128x256xf32, #tpu.memory_space<vmem>>, vector<1x1x16xf32>,
        %get3A_586 = vector.shape_cast %get3A_585 : vector<1x1x16xf32> to vector<16xf32>
        %max3A_587 = arith.maximumf %get3A_556, %get3A_566 : vector<16xf32>
        %max3A_588 = arith.maximumf %get3A_576, %get3A_586 : vector<16xf32>
        %max3A_589 = arith.maximumf %max3A_587, %max3A_588 : vector<16xf32>
        %swap3A_590 = arith.constant 1 : i32
        %swap3A_591 = arith.index_cast %swap3A_590 : i32 to index
        %swap3A_592 = arith.index_cast %add3A_167 : i32 to index
        %swap3A_593 = arith.constant 128 : index
        %swap3A_594 = tpu.vector_load %arg7[%swap3A_591, %swap3A_592, %swap3A_593] {strides = array<i32>} : memref<2x32x256xf32, #tpu.memory_space<vmem>>, vector<1x1x16xf32>,
        %swap3A_595 = vector.shape_cast %swap3A_594 : vector<1x1x16xf32> to vector<16xf32>
        %swap3A_596 = vector.shape_cast %max3A_589 : vector<16xf32> to vector<1x1x16xf32>
        tpu.vector_store %arg7[%swap3A_591, %swap3A_592, %swap3A_593], %swap3A_596 {strides = array<i32>} : memref<2x32x256xf32, #tpu.memory_space<vmem>>, vector<1x1x16xf32>,
        %mul3A_597 = arith.constant 4 : i32
        %mul3A_598 = arith.muli %mul3A_597, %add3A_167 : i32
        %get3A_599 = arith.constant 1 : i32
        %get3A_600 = arith.index_cast %get3A_599 : i32 to index
        %get3A_601 = arith.index_cast %mul3A_598 : i32 to index
        %get3A_602 = arith.constant 144 : index
        %get3A_603 = tpu.vector_load %arg6[%get3A_600, %get3A_601, %get3A_602] {strides = array<i32>} : memref<2x128x256xf32, #tpu.memory_space<vmem>>, vector<1x1x16xf32>,
        %get3A_604 = vector.shape_cast %get3A_603 : vector<1x1x16xf32> to vector<16xf32>
        %mul3A_605 = arith.constant 4 : i32
        %mul3A_606 = arith.muli %mul3A_605, %add3A_167 : i32
        %add3A_607 = arith.constant 1 : i32
        %add3A_608 = arith.addi %mul3A_606, %add3A_607 : i32
        %get3A_609 = arith.constant 1 : i32
        %get3A_610 = arith.index_cast %get3A_609 : i32 to index
        %get3A_611 = arith.index_cast %add3A_608 : i32 to index
        %get3A_612 = arith.constant 144 : index
        %get3A_613 = tpu.vector_load %arg6[%get3A_610, %get3A_611, %get3A_612] {strides = array<i32>} : memref<2x128x256xf32, #tpu.memory_space<vmem>>, vector<1x1x16xf32>,
        %get3A_614 = vector.shape_cast %get3A_613 : vector<1x1x16xf32> to vector<16xf32>
        %mul3A_615 = arith.constant 4 : i32
        %mul3A_616 = arith.muli %mul3A_615, %add3A_167 : i32
        %add3A_617 = arith.constant 2 : i32
        %add3A_618 = arith.addi %mul3A_616, %add3A_617 : i32
        %get3A_619 = arith.constant 1 : i32
        %get3A_620 = arith.index_cast %get3A_619 : i32 to index
        %get3A_621 = arith.index_cast %add3A_618 : i32 to index
        %get3A_622 = arith.constant 144 : index
        %get3A_623 = tpu.vector_load %arg6[%get3A_620, %get3A_621, %get3A_622] {strides = array<i32>} : memref<2x128x256xf32, #tpu.memory_space<vmem>>, vector<1x1x16xf32>,
        %get3A_624 = vector.shape_cast %get3A_623 : vector<1x1x16xf32> to vector<16xf32>
        %mul3A_625 = arith.constant 4 : i32
        %mul3A_626 = arith.muli %mul3A_625, %add3A_167 : i32
        %add3A_627 = arith.constant 3 : i32
        %add3A_628 = arith.addi %mul3A_626, %add3A_627 : i32
        %get3A_629 = arith.constant 1 : i32
        %get3A_630 = arith.index_cast %get3A_629 : i32 to index
        %get3A_631 = arith.index_cast %add3A_628 : i32 to index
        %get3A_632 = arith.constant 144 : index
        %get3A_633 = tpu.vector_load %arg6[%get3A_630, %get3A_631, %get3A_632] {strides = array<i32>} : memref<2x128x256xf32, #tpu.memory_space<vmem>>, vector<1x1x16xf32>,
        %get3A_634 = vector.shape_cast %get3A_633 : vector<1x1x16xf32> to vector<16xf32>
        %max3A_635 = arith.maximumf %get3A_604, %get3A_614 : vector<16xf32>
        %max3A_636 = arith.maximumf %get3A_624, %get3A_634 : vector<16xf32>
        %max3A_637 = arith.maximumf %max3A_635, %max3A_636 : vector<16xf32>
        %swap3A_638 = arith.constant 1 : i32
        %swap3A_639 = arith.index_cast %swap3A_638 : i32 to index
        %swap3A_640 = arith.index_cast %add3A_167 : i32 to index
        %swap3A_641 = arith.constant 144 : index
        %swap3A_642 = tpu.vector_load %arg7[%swap3A_639, %swap3A_640, %swap3A_641] {strides = array<i32>} : memref<2x32x256xf32, #tpu.memory_space<vmem>>, vector<1x1x16xf32>,
        %swap3A_643 = vector.shape_cast %swap3A_642 : vector<1x1x16xf32> to vector<16xf32>
        %swap3A_644 = vector.shape_cast %max3A_637 : vector<16xf32> to vector<1x1x16xf32>
        tpu.vector_store %arg7[%swap3A_639, %swap3A_640, %swap3A_641], %swap3A_644 {strides = array<i32>} : memref<2x32x256xf32, #tpu.memory_space<vmem>>, vector<1x1x16xf32>,
        %mul3A_645 = arith.constant 4 : i32
        %mul3A_646 = arith.muli %mul3A_645, %add3A_167 : i32
        %get3A_647 = arith.constant 1 : i32
        %get3A_648 = arith.index_cast %get3A_647 : i32 to index
        %get3A_649 = arith.index_cast %mul3A_646 : i32 to index
        %get3A_650 = arith.constant 160 : index
        %get3A_651 = tpu.vector_load %arg6[%get3A_648, %get3A_649, %get3A_650] {strides = array<i32>} : memref<2x128x256xf32, #tpu.memory_space<vmem>>, vector<1x1x16xf32>,
        %get3A_652 = vector.shape_cast %get3A_651 : vector<1x1x16xf32> to vector<16xf32>
        %mul3A_653 = arith.constant 4 : i32
        %mul3A_654 = arith.muli %mul3A_653, %add3A_167 : i32
        %add3A_655 = arith.constant 1 : i32
        %add3A_656 = arith.addi %mul3A_654, %add3A_655 : i32
        %get3A_657 = arith.constant 1 : i32
        %get3A_658 = arith.index_cast %get3A_657 : i32 to index
        %get3A_659 = arith.index_cast %add3A_656 : i32 to index
        %get3A_660 = arith.constant 160 : index
        %get3A_661 = tpu.vector_load %arg6[%get3A_658, %get3A_659, %get3A_660] {strides = array<i32>} : memref<2x128x256xf32, #tpu.memory_space<vmem>>, vector<1x1x16xf32>,
        %get3A_662 = vector.shape_cast %get3A_661 : vector<1x1x16xf32> to vector<16xf32>
        %mul3A_663 = arith.constant 4 : i32
        %mul3A_664 = arith.muli %mul3A_663, %add3A_167 : i32
        %add3A_665 = arith.constant 2 : i32
        %add3A_666 = arith.addi %mul3A_664, %add3A_665 : i32
        %get3A_667 = arith.constant 1 : i32
        %get3A_668 = arith.index_cast %get3A_667 : i32 to index
        %get3A_669 = arith.index_cast %add3A_666 : i32 to index
        %get3A_670 = arith.constant 160 : index
        %get3A_671 = tpu.vector_load %arg6[%get3A_668, %get3A_669, %get3A_670] {strides = array<i32>} : memref<2x128x256xf32, #tpu.memory_space<vmem>>, vector<1x1x16xf32>,
        %get3A_672 = vector.shape_cast %get3A_671 : vector<1x1x16xf32> to vector<16xf32>
        %mul3A_673 = arith.constant 4 : i32
        %mul3A_674 = arith.muli %mul3A_673, %add3A_167 : i32
        %add3A_675 = arith.constant 3 : i32
        %add3A_676 = arith.addi %mul3A_674, %add3A_675 : i32
        %get3A_677 = arith.constant 1 : i32
        %get3A_678 = arith.index_cast %get3A_677 : i32 to index
        %get3A_679 = arith.index_cast %add3A_676 : i32 to index
        %get3A_680 = arith.constant 160 : index
        %get3A_681 = tpu.vector_load %arg6[%get3A_678, %get3A_679, %get3A_680] {strides = array<i32>} : memref<2x128x256xf32, #tpu.memory_space<vmem>>, vector<1x1x16xf32>,
        %get3A_682 = vector.shape_cast %get3A_681 : vector<1x1x16xf32> to vector<16xf32>
        %max3A_683 = arith.maximumf %get3A_652, %get3A_662 : vector<16xf32>
        %max3A_684 = arith.maximumf %get3A_672, %get3A_682 : vector<16xf32>
        %max3A_685 = arith.maximumf %max3A_683, %max3A_684 : vector<16xf32>
        %swap3A_686 = arith.constant 1 : i32
        %swap3A_687 = arith.index_cast %swap3A_686 : i32 to index
        %swap3A_688 = arith.index_cast %add3A_167 : i32 to index
        %swap3A_689 = arith.constant 160 : index
        %swap3A_690 = tpu.vector_load %arg7[%swap3A_687, %swap3A_688, %swap3A_689] {strides = array<i32>} : memref<2x32x256xf32, #tpu.memory_space<vmem>>, vector<1x1x16xf32>,
        %swap3A_691 = vector.shape_cast %swap3A_690 : vector<1x1x16xf32> to vector<16xf32>
        %swap3A_692 = vector.shape_cast %max3A_685 : vector<16xf32> to vector<1x1x16xf32>
        tpu.vector_store %arg7[%swap3A_687, %swap3A_688, %swap3A_689], %swap3A_692 {strides = array<i32>} : memref<2x32x256xf32, #tpu.memory_space<vmem>>, vector<1x1x16xf32>,
        %mul3A_693 = arith.constant 4 : i32
        %mul3A_694 = arith.muli %mul3A_693, %add3A_167 : i32
        %get3A_695 = arith.constant 1 : i32
        %get3A_696 = arith.index_cast %get3A_695 : i32 to index
        %get3A_697 = arith.index_cast %mul3A_694 : i32 to index
        %get3A_698 = arith.constant 176 : index
        %get3A_699 = tpu.vector_load %arg6[%get3A_696, %get3A_697, %get3A_698] {strides = array<i32>} : memref<2x128x256xf32, #tpu.memory_space<vmem>>, vector<1x1x16xf32>,
        %get3A_700 = vector.shape_cast %get3A_699 : vector<1x1x16xf32> to vector<16xf32>
        %mul3A_701 = arith.constant 4 : i32
        %mul3A_702 = arith.muli %mul3A_701, %add3A_167 : i32
        %add3A_703 = arith.constant 1 : i32
        %add3A_704 = arith.addi %mul3A_702, %add3A_703 : i32
        %get3A_705 = arith.constant 1 : i32
        %get3A_706 = arith.index_cast %get3A_705 : i32 to index
        %get3A_707 = arith.index_cast %add3A_704 : i32 to index
        %get3A_708 = arith.constant 176 : index
        %get3A_709 = tpu.vector_load %arg6[%get3A_706, %get3A_707, %get3A_708] {strides = array<i32>} : memref<2x128x256xf32, #tpu.memory_space<vmem>>, vector<1x1x16xf32>,
        %get3A_710 = vector.shape_cast %get3A_709 : vector<1x1x16xf32> to vector<16xf32>
        %mul3A_711 = arith.constant 4 : i32
        %mul3A_712 = arith.muli %mul3A_711, %add3A_167 : i32
        %add3A_713 = arith.constant 2 : i32
        %add3A_714 = arith.addi %mul3A_712, %add3A_713 : i32
        %get3A_715 = arith.constant 1 : i32
        %get3A_716 = arith.index_cast %get3A_715 : i32 to index
        %get3A_717 = arith.index_cast %add3A_714 : i32 to index
        %get3A_718 = arith.constant 176 : index
        %get3A_719 = tpu.vector_load %arg6[%get3A_716, %get3A_717, %get3A_718] {strides = array<i32>} : memref<2x128x256xf32, #tpu.memory_space<vmem>>, vector<1x1x16xf32>,
        %get3A_720 = vector.shape_cast %get3A_719 : vector<1x1x16xf32> to vector<16xf32>
        %mul3A_721 = arith.constant 4 : i32
        %mul3A_722 = arith.muli %mul3A_721, %add3A_167 : i32
        %add3A_723 = arith.constant 3 : i32
        %add3A_724 = arith.addi %mul3A_722, %add3A_723 : i32
        %get3A_725 = arith.constant 1 : i32
        %get3A_726 = arith.index_cast %get3A_725 : i32 to index
        %get3A_727 = arith.index_cast %add3A_724 : i32 to index
        %get3A_728 = arith.constant 176 : index
        %get3A_729 = tpu.vector_load %arg6[%get3A_726, %get3A_727, %get3A_728] {strides = array<i32>} : memref<2x128x256xf32, #tpu.memory_space<vmem>>, vector<1x1x16xf32>,
        %get3A_730 = vector.shape_cast %get3A_729 : vector<1x1x16xf32> to vector<16xf32>
        %max3A_731 = arith.maximumf %get3A_700, %get3A_710 : vector<16xf32>
        %max3A_732 = arith.maximumf %get3A_720, %get3A_730 : vector<16xf32>
        %max3A_733 = arith.maximumf %max3A_731, %max3A_732 : vector<16xf32>
        %swap3A_734 = arith.constant 1 : i32
        %swap3A_735 = arith.index_cast %swap3A_734 : i32 to index
        %swap3A_736 = arith.index_cast %add3A_167 : i32 to index
        %swap3A_737 = arith.constant 176 : index
        %swap3A_738 = tpu.vector_load %arg7[%swap3A_735, %swap3A_736, %swap3A_737] {strides = array<i32>} : memref<2x32x256xf32, #tpu.memory_space<vmem>>, vector<1x1x16xf32>,
        %swap3A_739 = vector.shape_cast %swap3A_738 : vector<1x1x16xf32> to vector<16xf32>
        %swap3A_740 = vector.shape_cast %max3A_733 : vector<16xf32> to vector<1x1x16xf32>
        tpu.vector_store %arg7[%swap3A_735, %swap3A_736, %swap3A_737], %swap3A_740 {strides = array<i32>} : memref<2x32x256xf32, #tpu.memory_space<vmem>>, vector<1x1x16xf32>,
        %mul3A_741 = arith.constant 4 : i32
        %mul3A_742 = arith.muli %mul3A_741, %add3A_167 : i32
        %get3A_743 = arith.constant 1 : i32
        %get3A_744 = arith.index_cast %get3A_743 : i32 to index
        %get3A_745 = arith.index_cast %mul3A_742 : i32 to index
        %get3A_746 = arith.constant 192 : index
        %get3A_747 = tpu.vector_load %arg6[%get3A_744, %get3A_745, %get3A_746] {strides = array<i32>} : memref<2x128x256xf32, #tpu.memory_space<vmem>>, vector<1x1x16xf32>,
        %get3A_748 = vector.shape_cast %get3A_747 : vector<1x1x16xf32> to vector<16xf32>
        %mul3A_749 = arith.constant 4 : i32
        %mul3A_750 = arith.muli %mul3A_749, %add3A_167 : i32
        %add3A_751 = arith.constant 1 : i32
        %add3A_752 = arith.addi %mul3A_750, %add3A_751 : i32
        %get3A_753 = arith.constant 1 : i32
        %get3A_754 = arith.index_cast %get3A_753 : i32 to index
        %get3A_755 = arith.index_cast %add3A_752 : i32 to index
        %get3A_756 = arith.constant 192 : index
        %get3A_757 = tpu.vector_load %arg6[%get3A_754, %get3A_755, %get3A_756] {strides = array<i32>} : memref<2x128x256xf32, #tpu.memory_space<vmem>>, vector<1x1x16xf32>,
        %get3A_758 = vector.shape_cast %get3A_757 : vector<1x1x16xf32> to vector<16xf32>
        %mul3A_759 = arith.constant 4 : i32
        %mul3A_760 = arith.muli %mul3A_759, %add3A_167 : i32
        %add3A_761 = arith.constant 2 : i32
        %add3A_762 = arith.addi %mul3A_760, %add3A_761 : i32
        %get3A_763 = arith.constant 1 : i32
        %get3A_764 = arith.index_cast %get3A_763 : i32 to index
        %get3A_765 = arith.index_cast %add3A_762 : i32 to index
        %get3A_766 = arith.constant 192 : index
        %get3A_767 = tpu.vector_load %arg6[%get3A_764, %get3A_765, %get3A_766] {strides = array<i32>} : memref<2x128x256xf32, #tpu.memory_space<vmem>>, vector<1x1x16xf32>,
        %get3A_768 = vector.shape_cast %get3A_767 : vector<1x1x16xf32> to vector<16xf32>
        %mul3A_769 = arith.constant 4 : i32
        %mul3A_770 = arith.muli %mul3A_769, %add3A_167 : i32
        %add3A_771 = arith.constant 3 : i32
        %add3A_772 = arith.addi %mul3A_770, %add3A_771 : i32
        %get3A_773 = arith.constant 1 : i32
        %get3A_774 = arith.index_cast %get3A_773 : i32 to index
        %get3A_775 = arith.index_cast %add3A_772 : i32 to index
        %get3A_776 = arith.constant 192 : index
        %get3A_777 = tpu.vector_load %arg6[%get3A_774, %get3A_775, %get3A_776] {strides = array<i32>} : memref<2x128x256xf32, #tpu.memory_space<vmem>>, vector<1x1x16xf32>,
        %get3A_778 = vector.shape_cast %get3A_777 : vector<1x1x16xf32> to vector<16xf32>
        %max3A_779 = arith.maximumf %get3A_748, %get3A_758 : vector<16xf32>
        %max3A_780 = arith.maximumf %get3A_768, %get3A_778 : vector<16xf32>
        %max3A_781 = arith.maximumf %max3A_779, %max3A_780 : vector<16xf32>
        %swap3A_782 = arith.constant 1 : i32
        %swap3A_783 = arith.index_cast %swap3A_782 : i32 to index
        %swap3A_784 = arith.index_cast %add3A_167 : i32 to index
        %swap3A_785 = arith.constant 192 : index
        %swap3A_786 = tpu.vector_load %arg7[%swap3A_783, %swap3A_784, %swap3A_785] {strides = array<i32>} : memref<2x32x256xf32, #tpu.memory_space<vmem>>, vector<1x1x16xf32>,
        %swap3A_787 = vector.shape_cast %swap3A_786 : vector<1x1x16xf32> to vector<16xf32>
        %swap3A_788 = vector.shape_cast %max3A_781 : vector<16xf32> to vector<1x1x16xf32>
        tpu.vector_store %arg7[%swap3A_783, %swap3A_784, %swap3A_785], %swap3A_788 {strides = array<i32>} : memref<2x32x256xf32, #tpu.memory_space<vmem>>, vector<1x1x16xf32>,
        %mul3A_789 = arith.constant 4 : i32
        %mul3A_790 = arith.muli %mul3A_789, %add3A_167 : i32
        %get3A_791 = arith.constant 1 : i32
        %get3A_792 = arith.index_cast %get3A_791 : i32 to index
        %get3A_793 = arith.index_cast %mul3A_790 : i32 to index
        %get3A_794 = arith.constant 208 : index
        %get3A_795 = tpu.vector_load %arg6[%get3A_792, %get3A_793, %get3A_794] {strides = array<i32>} : memref<2x128x256xf32, #tpu.memory_space<vmem>>, vector<1x1x16xf32>,
        %get3A_796 = vector.shape_cast %get3A_795 : vector<1x1x16xf32> to vector<16xf32>
        %mul3A_797 = arith.constant 4 : i32
        %mul3A_798 = arith.muli %mul3A_797, %add3A_167 : i32
        %add3A_799 = arith.constant 1 : i32
        %add3A_800 = arith.addi %mul3A_798, %add3A_799 : i32
        %get3A_801 = arith.constant 1 : i32
        %get3A_802 = arith.index_cast %get3A_801 : i32 to index
        %get3A_803 = arith.index_cast %add3A_800 : i32 to index
        %get3A_804 = arith.constant 208 : index
        %get3A_805 = tpu.vector_load %arg6[%get3A_802, %get3A_803, %get3A_804] {strides = array<i32>} : memref<2x128x256xf32, #tpu.memory_space<vmem>>, vector<1x1x16xf32>,
        %get3A_806 = vector.shape_cast %get3A_805 : vector<1x1x16xf32> to vector<16xf32>
        %mul3A_807 = arith.constant 4 : i32
        %mul3A_808 = arith.muli %mul3A_807, %add3A_167 : i32
        %add3A_809 = arith.constant 2 : i32
        %add3A_810 = arith.addi %mul3A_808, %add3A_809 : i32
        %get3A_811 = arith.constant 1 : i32
        %get3A_812 = arith.index_cast %get3A_811 : i32 to index
        %get3A_813 = arith.index_cast %add3A_810 : i32 to index
        %get3A_814 = arith.constant 208 : index
        %get3A_815 = tpu.vector_load %arg6[%get3A_812, %get3A_813, %get3A_814] {strides = array<i32>} : memref<2x128x256xf32, #tpu.memory_space<vmem>>, vector<1x1x16xf32>,
        %get3A_816 = vector.shape_cast %get3A_815 : vector<1x1x16xf32> to vector<16xf32>
        %mul3A_817 = arith.constant 4 : i32
        %mul3A_818 = arith.muli %mul3A_817, %add3A_167 : i32
        %add3A_819 = arith.constant 3 : i32
        %add3A_820 = arith.addi %mul3A_818, %add3A_819 : i32
        %get3A_821 = arith.constant 1 : i32
        %get3A_822 = arith.index_cast %get3A_821 : i32 to index
        %get3A_823 = arith.index_cast %add3A_820 : i32 to index
        %get3A_824 = arith.constant 208 : index
        %get3A_825 = tpu.vector_load %arg6[%get3A_822, %get3A_823, %get3A_824] {strides = array<i32>} : memref<2x128x256xf32, #tpu.memory_space<vmem>>, vector<1x1x16xf32>,
        %get3A_826 = vector.shape_cast %get3A_825 : vector<1x1x16xf32> to vector<16xf32>
        %max3A_827 = arith.maximumf %get3A_796, %get3A_806 : vector<16xf32>
        %max3A_828 = arith.maximumf %get3A_816, %get3A_826 : vector<16xf32>
        %max3A_829 = arith.maximumf %max3A_827, %max3A_828 : vector<16xf32>
        %swap3A_830 = arith.constant 1 : i32
        %swap3A_831 = arith.index_cast %swap3A_830 : i32 to index
        %swap3A_832 = arith.index_cast %add3A_167 : i32 to index
        %swap3A_833 = arith.constant 208 : index
        %swap3A_834 = tpu.vector_load %arg7[%swap3A_831, %swap3A_832, %swap3A_833] {strides = array<i32>} : memref<2x32x256xf32, #tpu.memory_space<vmem>>, vector<1x1x16xf32>,
        %swap3A_835 = vector.shape_cast %swap3A_834 : vector<1x1x16xf32> to vector<16xf32>
        %swap3A_836 = vector.shape_cast %max3A_829 : vector<16xf32> to vector<1x1x16xf32>
        tpu.vector_store %arg7[%swap3A_831, %swap3A_832, %swap3A_833], %swap3A_836 {strides = array<i32>} : memref<2x32x256xf32, #tpu.memory_space<vmem>>, vector<1x1x16xf32>,
        %mul3A_837 = arith.constant 4 : i32
        %mul3A_838 = arith.muli %mul3A_837, %add3A_167 : i32
        %get3A_839 = arith.constant 1 : i32
        %get3A_840 = arith.index_cast %get3A_839 : i32 to index
        %get3A_841 = arith.index_cast %mul3A_838 : i32 to index
        %get3A_842 = arith.constant 224 : index
        %get3A_843 = tpu.vector_load %arg6[%get3A_840, %get3A_841, %get3A_842] {strides = array<i32>} : memref<2x128x256xf32, #tpu.memory_space<vmem>>, vector<1x1x16xf32>,
        %get3A_844 = vector.shape_cast %get3A_843 : vector<1x1x16xf32> to vector<16xf32>
        %mul3A_845 = arith.constant 4 : i32
        %mul3A_846 = arith.muli %mul3A_845, %add3A_167 : i32
        %add3A_847 = arith.constant 1 : i32
        %add3A_848 = arith.addi %mul3A_846, %add3A_847 : i32
        %get3A_849 = arith.constant 1 : i32
        %get3A_850 = arith.index_cast %get3A_849 : i32 to index
        %get3A_851 = arith.index_cast %add3A_848 : i32 to index
        %get3A_852 = arith.constant 224 : index
        %get3A_853 = tpu.vector_load %arg6[%get3A_850, %get3A_851, %get3A_852] {strides = array<i32>} : memref<2x128x256xf32, #tpu.memory_space<vmem>>, vector<1x1x16xf32>,
        %get3A_854 = vector.shape_cast %get3A_853 : vector<1x1x16xf32> to vector<16xf32>
        %mul3A_855 = arith.constant 4 : i32
        %mul3A_856 = arith.muli %mul3A_855, %add3A_167 : i32
        %add3A_857 = arith.constant 2 : i32
        %add3A_858 = arith.addi %mul3A_856, %add3A_857 : i32
        %get3A_859 = arith.constant 1 : i32
        %get3A_860 = arith.index_cast %get3A_859 : i32 to index
        %get3A_861 = arith.index_cast %add3A_858 : i32 to index
        %get3A_862 = arith.constant 224 : index
        %get3A_863 = tpu.vector_load %arg6[%get3A_860, %get3A_861, %get3A_862] {strides = array<i32>} : memref<2x128x256xf32, #tpu.memory_space<vmem>>, vector<1x1x16xf32>,
        %get3A_864 = vector.shape_cast %get3A_863 : vector<1x1x16xf32> to vector<16xf32>
        %mul3A_865 = arith.constant 4 : i32
        %mul3A_866 = arith.muli %mul3A_865, %add3A_167 : i32
        %add3A_867 = arith.constant 3 : i32
        %add3A_868 = arith.addi %mul3A_866, %add3A_867 : i32
        %get3A_869 = arith.constant 1 : i32
        %get3A_870 = arith.index_cast %get3A_869 : i32 to index
        %get3A_871 = arith.index_cast %add3A_868 : i32 to index
        %get3A_872 = arith.constant 224 : index
        %get3A_873 = tpu.vector_load %arg6[%get3A_870, %get3A_871, %get3A_872] {strides = array<i32>} : memref<2x128x256xf32, #tpu.memory_space<vmem>>, vector<1x1x16xf32>,
        %get3A_874 = vector.shape_cast %get3A_873 : vector<1x1x16xf32> to vector<16xf32>
        %max3A_875 = arith.maximumf %get3A_844, %get3A_854 : vector<16xf32>
        %max3A_876 = arith.maximumf %get3A_864, %get3A_874 : vector<16xf32>
        %max3A_877 = arith.maximumf %max3A_875, %max3A_876 : vector<16xf32>
        %swap3A_878 = arith.constant 1 : i32
        %swap3A_879 = arith.index_cast %swap3A_878 : i32 to index
        %swap3A_880 = arith.index_cast %add3A_167 : i32 to index
        %swap3A_881 = arith.constant 224 : index
        %swap3A_882 = tpu.vector_load %arg7[%swap3A_879, %swap3A_880, %swap3A_881] {strides = array<i32>} : memref<2x32x256xf32, #tpu.memory_space<vmem>>, vector<1x1x16xf32>,
        %swap3A_883 = vector.shape_cast %swap3A_882 : vector<1x1x16xf32> to vector<16xf32>
        %swap3A_884 = vector.shape_cast %max3A_877 : vector<16xf32> to vector<1x1x16xf32>
        tpu.vector_store %arg7[%swap3A_879, %swap3A_880, %swap3A_881], %swap3A_884 {strides = array<i32>} : memref<2x32x256xf32, #tpu.memory_space<vmem>>, vector<1x1x16xf32>,
        %mul3A_885 = arith.constant 4 : i32
        %mul3A_886 = arith.muli %mul3A_885, %add3A_167 : i32
        %get3A_887 = arith.constant 1 : i32
        %get3A_888 = arith.index_cast %get3A_887 : i32 to index
        %get3A_889 = arith.index_cast %mul3A_886 : i32 to index
        %get3A_890 = arith.constant 240 : index
        %get3A_891 = tpu.vector_load %arg6[%get3A_888, %get3A_889, %get3A_890] {strides = array<i32>} : memref<2x128x256xf32, #tpu.memory_space<vmem>>, vector<1x1x16xf32>,
        %get3A_892 = vector.shape_cast %get3A_891 : vector<1x1x16xf32> to vector<16xf32>
        %mul3A_893 = arith.constant 4 : i32
        %mul3A_894 = arith.muli %mul3A_893, %add3A_167 : i32
        %add3A_895 = arith.constant 1 : i32
        %add3A_896 = arith.addi %mul3A_894, %add3A_895 : i32
        %get3A_897 = arith.constant 1 : i32
        %get3A_898 = arith.index_cast %get3A_897 : i32 to index
        %get3A_899 = arith.index_cast %add3A_896 : i32 to index
        %get3A_900 = arith.constant 240 : index
        %get3A_901 = tpu.vector_load %arg6[%get3A_898, %get3A_899, %get3A_900] {strides = array<i32>} : memref<2x128x256xf32, #tpu.memory_space<vmem>>, vector<1x1x16xf32>,
        %get3A_902 = vector.shape_cast %get3A_901 : vector<1x1x16xf32> to vector<16xf32>
        %mul3A_903 = arith.constant 4 : i32
        %mul3A_904 = arith.muli %mul3A_903, %add3A_167 : i32
        %add3A_905 = arith.constant 2 : i32
        %add3A_906 = arith.addi %mul3A_904, %add3A_905 : i32
        %get3A_907 = arith.constant 1 : i32
        %get3A_908 = arith.index_cast %get3A_907 : i32 to index
        %get3A_909 = arith.index_cast %add3A_906 : i32 to index
        %get3A_910 = arith.constant 240 : index
        %get3A_911 = tpu.vector_load %arg6[%get3A_908, %get3A_909, %get3A_910] {strides = array<i32>} : memref<2x128x256xf32, #tpu.memory_space<vmem>>, vector<1x1x16xf32>,
        %get3A_912 = vector.shape_cast %get3A_911 : vector<1x1x16xf32> to vector<16xf32>
        %mul3A_913 = arith.constant 4 : i32
        %mul3A_914 = arith.muli %mul3A_913, %add3A_167 : i32
        %add3A_915 = arith.constant 3 : i32
        %add3A_916 = arith.addi %mul3A_914, %add3A_915 : i32
        %get3A_917 = arith.constant 1 : i32
        %get3A_918 = arith.index_cast %get3A_917 : i32 to index
        %get3A_919 = arith.index_cast %add3A_916 : i32 to index
        %get3A_920 = arith.constant 240 : index
        %get3A_921 = tpu.vector_load %arg6[%get3A_918, %get3A_919, %get3A_920] {strides = array<i32>} : memref<2x128x256xf32, #tpu.memory_space<vmem>>, vector<1x1x16xf32>,
        %get3A_922 = vector.shape_cast %get3A_921 : vector<1x1x16xf32> to vector<16xf32>
        %max3A_923 = arith.maximumf %get3A_892, %get3A_902 : vector<16xf32>
        %max3A_924 = arith.maximumf %get3A_912, %get3A_922 : vector<16xf32>
        %max3A_925 = arith.maximumf %max3A_923, %max3A_924 : vector<16xf32>
        %swap3A_926 = arith.constant 1 : i32
        %swap3A_927 = arith.index_cast %swap3A_926 : i32 to index
        %swap3A_928 = arith.index_cast %add3A_167 : i32 to index
        %swap3A_929 = arith.constant 240 : index
        %swap3A_930 = tpu.vector_load %arg7[%swap3A_927, %swap3A_928, %swap3A_929] {strides = array<i32>} : memref<2x32x256xf32, #tpu.memory_space<vmem>>, vector<1x1x16xf32>,
        %swap3A_931 = vector.shape_cast %swap3A_930 : vector<1x1x16xf32> to vector<16xf32>
        %swap3A_932 = vector.shape_cast %max3A_925 : vector<16xf32> to vector<1x1x16xf32>
        tpu.vector_store %arg7[%swap3A_927, %swap3A_928, %swap3A_929], %swap3A_932 {strides = array<i32>} : memref<2x32x256xf32, #tpu.memory_space<vmem>>, vector<1x1x16xf32>,
        %mul3A_933 = arith.constant 2 : i32
        %mul3A_934 = arith.muli %mul3A_933, %scan3A_163 : i32
        %add3A_935 = arith.constant 1 : i32
        %add3A_936 = arith.addi %mul3A_934, %add3A_935 : i32
        %mul3A_937 = arith.constant 4 : i32
        %mul3A_938 = arith.muli %mul3A_937, %add3A_936 : i32
        %get3A_939 = arith.constant 1 : i32
        %get3A_940 = arith.index_cast %get3A_939 : i32 to index
        %get3A_941 = arith.index_cast %mul3A_938 : i32 to index
        %get3A_942 = arith.constant 0 : index
        %get3A_943 = tpu.vector_load %arg6[%get3A_940, %get3A_941, %get3A_942] {strides = array<i32>} : memref<2x128x256xf32, #tpu.memory_space<vmem>>, vector<1x1x16xf32>,
        %get3A_944 = vector.shape_cast %get3A_943 : vector<1x1x16xf32> to vector<16xf32>
        %mul3A_945 = arith.constant 4 : i32
        %mul3A_946 = arith.muli %mul3A_945, %add3A_936 : i32
        %add3A_947 = arith.constant 1 : i32
        %add3A_948 = arith.addi %mul3A_946, %add3A_947 : i32
        %get3A_949 = arith.constant 1 : i32
        %get3A_950 = arith.index_cast %get3A_949 : i32 to index
        %get3A_951 = arith.index_cast %add3A_948 : i32 to index
        %get3A_952 = arith.constant 0 : index
        %get3A_953 = tpu.vector_load %arg6[%get3A_950, %get3A_951, %get3A_952] {strides = array<i32>} : memref<2x128x256xf32, #tpu.memory_space<vmem>>, vector<1x1x16xf32>,
        %get3A_954 = vector.shape_cast %get3A_953 : vector<1x1x16xf32> to vector<16xf32>
        %mul3A_955 = arith.constant 4 : i32
        %mul3A_956 = arith.muli %mul3A_955, %add3A_936 : i32
        %add3A_957 = arith.constant 2 : i32
        %add3A_958 = arith.addi %mul3A_956, %add3A_957 : i32
        %get3A_959 = arith.constant 1 : i32
        %get3A_960 = arith.index_cast %get3A_959 : i32 to index
        %get3A_961 = arith.index_cast %add3A_958 : i32 to index
        %get3A_962 = arith.constant 0 : index
        %get3A_963 = tpu.vector_load %arg6[%get3A_960, %get3A_961, %get3A_962] {strides = array<i32>} : memref<2x128x256xf32, #tpu.memory_space<vmem>>, vector<1x1x16xf32>,
        %get3A_964 = vector.shape_cast %get3A_963 : vector<1x1x16xf32> to vector<16xf32>
        %mul3A_965 = arith.constant 4 : i32
        %mul3A_966 = arith.muli %mul3A_965, %add3A_936 : i32
        %add3A_967 = arith.constant 3 : i32
        %add3A_968 = arith.addi %mul3A_966, %add3A_967 : i32
        %get3A_969 = arith.constant 1 : i32
        %get3A_970 = arith.index_cast %get3A_969 : i32 to index
        %get3A_971 = arith.index_cast %add3A_968 : i32 to index
        %get3A_972 = arith.constant 0 : index
        %get3A_973 = tpu.vector_load %arg6[%get3A_970, %get3A_971, %get3A_972] {strides = array<i32>} : memref<2x128x256xf32, #tpu.memory_space<vmem>>, vector<1x1x16xf32>,
        %get3A_974 = vector.shape_cast %get3A_973 : vector<1x1x16xf32> to vector<16xf32>
        %max3A_975 = arith.maximumf %get3A_944, %get3A_954 : vector<16xf32>
        %max3A_976 = arith.maximumf %get3A_964, %get3A_974 : vector<16xf32>
        %max3A_977 = arith.maximumf %max3A_975, %max3A_976 : vector<16xf32>
        %swap3A_978 = arith.constant 1 : i32
        %swap3A_979 = arith.index_cast %swap3A_978 : i32 to index
        %swap3A_980 = arith.index_cast %add3A_936 : i32 to index
        %swap3A_981 = arith.constant 0 : index
        %swap3A_982 = tpu.vector_load %arg7[%swap3A_979, %swap3A_980, %swap3A_981] {strides = array<i32>} : memref<2x32x256xf32, #tpu.memory_space<vmem>>, vector<1x1x16xf32>,
        %swap3A_983 = vector.shape_cast %swap3A_982 : vector<1x1x16xf32> to vector<16xf32>
        %swap3A_984 = vector.shape_cast %max3A_977 : vector<16xf32> to vector<1x1x16xf32>
        tpu.vector_store %arg7[%swap3A_979, %swap3A_980, %swap3A_981], %swap3A_984 {strides = array<i32>} : memref<2x32x256xf32, #tpu.memory_space<vmem>>, vector<1x1x16xf32>,
        %mul3A_985 = arith.constant 4 : i32
        %mul3A_986 = arith.muli %mul3A_985, %add3A_936 : i32
        %get3A_987 = arith.constant 1 : i32
        %get3A_988 = arith.index_cast %get3A_987 : i32 to index
        %get3A_989 = arith.index_cast %mul3A_986 : i32 to index
        %get3A_990 = arith.constant 16 : index
        %get3A_991 = tpu.vector_load %arg6[%get3A_988, %get3A_989, %get3A_990] {strides = array<i32>} : memref<2x128x256xf32, #tpu.memory_space<vmem>>, vector<1x1x16xf32>,
        %get3A_992 = vector.shape_cast %get3A_991 : vector<1x1x16xf32> to vector<16xf32>
        %mul3A_993 = arith.constant 4 : i32
        %mul3A_994 = arith.muli %mul3A_993, %add3A_936 : i32
        %add3A_995 = arith.constant 1 : i32
        %add3A_996 = arith.addi %mul3A_994, %add3A_995 : i32
        %get3A_997 = arith.constant 1 : i32
        %get3A_998 = arith.index_cast %get3A_997 : i32 to index
        %get3A_999 = arith.index_cast %add3A_996 : i32 to index
        %get3A_1000 = arith.constant 16 : index
        %get3A_1001 = tpu.vector_load %arg6[%get3A_998, %get3A_999, %get3A_1000] {strides = array<i32>} : memref<2x128x256xf32, #tpu.memory_space<vmem>>, vector<1x1x16xf32>,
        %get3A_1002 = vector.shape_cast %get3A_1001 : vector<1x1x16xf32> to vector<16xf32>
        %mul3A_1003 = arith.constant 4 : i32
        %mul3A_1004 = arith.muli %mul3A_1003, %add3A_936 : i32
        %add3A_1005 = arith.constant 2 : i32
        %add3A_1006 = arith.addi %mul3A_1004, %add3A_1005 : i32
        %get3A_1007 = arith.constant 1 : i32
        %get3A_1008 = arith.index_cast %get3A_1007 : i32 to index
        %get3A_1009 = arith.index_cast %add3A_1006 : i32 to index
        %get3A_1010 = arith.constant 16 : index
        %get3A_1011 = tpu.vector_load %arg6[%get3A_1008, %get3A_1009, %get3A_1010] {strides = array<i32>} : memref<2x128x256xf32, #tpu.memory_space<vmem>>, vector<1x1x16xf32>,
        %get3A_1012 = vector.shape_cast %get3A_1011 : vector<1x1x16xf32> to vector<16xf32>
        %mul3A_1013 = arith.constant 4 : i32
        %mul3A_1014 = arith.muli %mul3A_1013, %add3A_936 : i32
        %add3A_1015 = arith.constant 3 : i32
        %add3A_1016 = arith.addi %mul3A_1014, %add3A_1015 : i32
        %get3A_1017 = arith.constant 1 : i32
        %get3A_1018 = arith.index_cast %get3A_1017 : i32 to index
        %get3A_1019 = arith.index_cast %add3A_1016 : i32 to index
        %get3A_1020 = arith.constant 16 : index
        %get3A_1021 = tpu.vector_load %arg6[%get3A_1018, %get3A_1019, %get3A_1020] {strides = array<i32>} : memref<2x128x256xf32, #tpu.memory_space<vmem>>, vector<1x1x16xf32>,
        %get3A_1022 = vector.shape_cast %get3A_1021 : vector<1x1x16xf32> to vector<16xf32>
        %max3A_1023 = arith.maximumf %get3A_992, %get3A_1002 : vector<16xf32>
        %max3A_1024 = arith.maximumf %get3A_1012, %get3A_1022 : vector<16xf32>
        %max3A_1025 = arith.maximumf %max3A_1023, %max3A_1024 : vector<16xf32>
        %swap3A_1026 = arith.constant 1 : i32
        %swap3A_1027 = arith.index_cast %swap3A_1026 : i32 to index
        %swap3A_1028 = arith.index_cast %add3A_936 : i32 to index
        %swap3A_1029 = arith.constant 16 : index
        %swap3A_1030 = tpu.vector_load %arg7[%swap3A_1027, %swap3A_1028, %swap3A_1029] {strides = array<i32>} : memref<2x32x256xf32, #tpu.memory_space<vmem>>, vector<1x1x16xf32>,
        %swap3A_1031 = vector.shape_cast %swap3A_1030 : vector<1x1x16xf32> to vector<16xf32>
        %swap3A_1032 = vector.shape_cast %max3A_1025 : vector<16xf32> to vector<1x1x16xf32>
        tpu.vector_store %arg7[%swap3A_1027, %swap3A_1028, %swap3A_1029], %swap3A_1032 {strides = array<i32>} : memref<2x32x256xf32, #tpu.memory_space<vmem>>, vector<1x1x16xf32>,
        %mul3A_1033 = arith.constant 4 : i32
        %mul3A_1034 = arith.muli %mul3A_1033, %add3A_936 : i32
        %get3A_1035 = arith.constant 1 : i32
        %get3A_1036 = arith.index_cast %get3A_1035 : i32 to index
        %get3A_1037 = arith.index_cast %mul3A_1034 : i32 to index
        %get3A_1038 = arith.constant 32 : index
        %get3A_1039 = tpu.vector_load %arg6[%get3A_1036, %get3A_1037, %get3A_1038] {strides = array<i32>} : memref<2x128x256xf32, #tpu.memory_space<vmem>>, vector<1x1x16xf32>,
        %get3A_1040 = vector.shape_cast %get3A_1039 : vector<1x1x16xf32> to vector<16xf32>
        %mul3A_1041 = arith.constant 4 : i32
        %mul3A_1042 = arith.muli %mul3A_1041, %add3A_936 : i32
        %add3A_1043 = arith.constant 1 : i32
        %add3A_1044 = arith.addi %mul3A_1042, %add3A_1043 : i32
        %get3A_1045 = arith.constant 1 : i32
        %get3A_1046 = arith.index_cast %get3A_1045 : i32 to index
        %get3A_1047 = arith.index_cast %add3A_1044 : i32 to index
        %get3A_1048 = arith.constant 32 : index
        %get3A_1049 = tpu.vector_load %arg6[%get3A_1046, %get3A_1047, %get3A_1048] {strides = array<i32>} : memref<2x128x256xf32, #tpu.memory_space<vmem>>, vector<1x1x16xf32>,
        %get3A_1050 = vector.shape_cast %get3A_1049 : vector<1x1x16xf32> to vector<16xf32>
        %mul3A_1051 = arith.constant 4 : i32
        %mul3A_1052 = arith.muli %mul3A_1051, %add3A_936 : i32
        %add3A_1053 = arith.constant 2 : i32
        %add3A_1054 = arith.addi %mul3A_1052, %add3A_1053 : i32
        %get3A_1055 = arith.constant 1 : i32
        %get3A_1056 = arith.index_cast %get3A_1055 : i32 to index
        %get3A_1057 = arith.index_cast %add3A_1054 : i32 to index
        %get3A_1058 = arith.constant 32 : index
        %get3A_1059 = tpu.vector_load %arg6[%get3A_1056, %get3A_1057, %get3A_1058] {strides = array<i32>} : memref<2x128x256xf32, #tpu.memory_space<vmem>>, vector<1x1x16xf32>,
        %get3A_1060 = vector.shape_cast %get3A_1059 : vector<1x1x16xf32> to vector<16xf32>
        %mul3A_1061 = arith.constant 4 : i32
        %mul3A_1062 = arith.muli %mul3A_1061, %add3A_936 : i32
        %add3A_1063 = arith.constant 3 : i32
        %add3A_1064 = arith.addi %mul3A_1062, %add3A_1063 : i32
        %get3A_1065 = arith.constant 1 : i32
        %get3A_1066 = arith.index_cast %get3A_1065 : i32 to index
        %get3A_1067 = arith.index_cast %add3A_1064 : i32 to index
        %get3A_1068 = arith.constant 32 : index
        %get3A_1069 = tpu.vector_load %arg6[%get3A_1066, %get3A_1067, %get3A_1068] {strides = array<i32>} : memref<2x128x256xf32, #tpu.memory_space<vmem>>, vector<1x1x16xf32>,
        %get3A_1070 = vector.shape_cast %get3A_1069 : vector<1x1x16xf32> to vector<16xf32>
        %max3A_1071 = arith.maximumf %get3A_1040, %get3A_1050 : vector<16xf32>
        %max3A_1072 = arith.maximumf %get3A_1060, %get3A_1070 : vector<16xf32>
        %max3A_1073 = arith.maximumf %max3A_1071, %max3A_1072 : vector<16xf32>
        %swap3A_1074 = arith.constant 1 : i32
        %swap3A_1075 = arith.index_cast %swap3A_1074 : i32 to index
        %swap3A_1076 = arith.index_cast %add3A_936 : i32 to index
        %swap3A_1077 = arith.constant 32 : index
        %swap3A_1078 = tpu.vector_load %arg7[%swap3A_1075, %swap3A_1076, %swap3A_1077] {strides = array<i32>} : memref<2x32x256xf32, #tpu.memory_space<vmem>>, vector<1x1x16xf32>,
        %swap3A_1079 = vector.shape_cast %swap3A_1078 : vector<1x1x16xf32> to vector<16xf32>
        %swap3A_1080 = vector.shape_cast %max3A_1073 : vector<16xf32> to vector<1x1x16xf32>
        tpu.vector_store %arg7[%swap3A_1075, %swap3A_1076, %swap3A_1077], %swap3A_1080 {strides = array<i32>} : memref<2x32x256xf32, #tpu.memory_space<vmem>>, vector<1x1x16xf32>,
        %mul3A_1081 = arith.constant 4 : i32
        %mul3A_1082 = arith.muli %mul3A_1081, %add3A_936 : i32
        %get3A_1083 = arith.constant 1 : i32
        %get3A_1084 = arith.index_cast %get3A_1083 : i32 to index
        %get3A_1085 = arith.index_cast %mul3A_1082 : i32 to index
        %get3A_1086 = arith.constant 48 : index
        %get3A_1087 = tpu.vector_load %arg6[%get3A_1084, %get3A_1085, %get3A_1086] {strides = array<i32>} : memref<2x128x256xf32, #tpu.memory_space<vmem>>, vector<1x1x16xf32>,
        %get3A_1088 = vector.shape_cast %get3A_1087 : vector<1x1x16xf32> to vector<16xf32>
        %mul3A_1089 = arith.constant 4 : i32
        %mul3A_1090 = arith.muli %mul3A_1089, %add3A_936 : i32
        %add3A_1091 = arith.constant 1 : i32
        %add3A_1092 = arith.addi %mul3A_1090, %add3A_1091 : i32
        %get3A_1093 = arith.constant 1 : i32
        %get3A_1094 = arith.index_cast %get3A_1093 : i32 to index
        %get3A_1095 = arith.index_cast %add3A_1092 : i32 to index
        %get3A_1096 = arith.constant 48 : index
        %get3A_1097 = tpu.vector_load %arg6[%get3A_1094, %get3A_1095, %get3A_1096] {strides = array<i32>} : memref<2x128x256xf32, #tpu.memory_space<vmem>>, vector<1x1x16xf32>,
        %get3A_1098 = vector.shape_cast %get3A_1097 : vector<1x1x16xf32> to vector<16xf32>
        %mul3A_1099 = arith.constant 4 : i32
        %mul3A_1100 = arith.muli %mul3A_1099, %add3A_936 : i32
        %add3A_1101 = arith.constant 2 : i32
        %add3A_1102 = arith.addi %mul3A_1100, %add3A_1101 : i32
        %get3A_1103 = arith.constant 1 : i32
        %get3A_1104 = arith.index_cast %get3A_1103 : i32 to index
        %get3A_1105 = arith.index_cast %add3A_1102 : i32 to index
        %get3A_1106 = arith.constant 48 : index
        %get3A_1107 = tpu.vector_load %arg6[%get3A_1104, %get3A_1105, %get3A_1106] {strides = array<i32>} : memref<2x128x256xf32, #tpu.memory_space<vmem>>, vector<1x1x16xf32>,
        %get3A_1108 = vector.shape_cast %get3A_1107 : vector<1x1x16xf32> to vector<16xf32>
        %mul3A_1109 = arith.constant 4 : i32
        %mul3A_1110 = arith.muli %mul3A_1109, %add3A_936 : i32
        %add3A_1111 = arith.constant 3 : i32
        %add3A_1112 = arith.addi %mul3A_1110, %add3A_1111 : i32
        %get3A_1113 = arith.constant 1 : i32
        %get3A_1114 = arith.index_cast %get3A_1113 : i32 to index
        %get3A_1115 = arith.index_cast %add3A_1112 : i32 to index
        %get3A_1116 = arith.constant 48 : index
        %get3A_1117 = tpu.vector_load %arg6[%get3A_1114, %get3A_1115, %get3A_1116] {strides = array<i32>} : memref<2x128x256xf32, #tpu.memory_space<vmem>>, vector<1x1x16xf32>,
        %get3A_1118 = vector.shape_cast %get3A_1117 : vector<1x1x16xf32> to vector<16xf32>
        %max3A_1119 = arith.maximumf %get3A_1088, %get3A_1098 : vector<16xf32>
        %max3A_1120 = arith.maximumf %get3A_1108, %get3A_1118 : vector<16xf32>
        %max3A_1121 = arith.maximumf %max3A_1119, %max3A_1120 : vector<16xf32>
        %swap3A_1122 = arith.constant 1 : i32
        %swap3A_1123 = arith.index_cast %swap3A_1122 : i32 to index
        %swap3A_1124 = arith.index_cast %add3A_936 : i32 to index
        %swap3A_1125 = arith.constant 48 : index
        %swap3A_1126 = tpu.vector_load %arg7[%swap3A_1123, %swap3A_1124, %swap3A_1125] {strides = array<i32>} : memref<2x32x256xf32, #tpu.memory_space<vmem>>, vector<1x1x16xf32>,
        %swap3A_1127 = vector.shape_cast %swap3A_1126 : vector<1x1x16xf32> to vector<16xf32>
        %swap3A_1128 = vector.shape_cast %max3A_1121 : vector<16xf32> to vector<1x1x16xf32>
        tpu.vector_store %arg7[%swap3A_1123, %swap3A_1124, %swap3A_1125], %swap3A_1128 {strides = array<i32>} : memref<2x32x256xf32, #tpu.memory_space<vmem>>, vector<1x1x16xf32>,
        %mul3A_1129 = arith.constant 4 : i32
        %mul3A_1130 = arith.muli %mul3A_1129, %add3A_936 : i32
        %get3A_1131 = arith.constant 1 : i32
        %get3A_1132 = arith.index_cast %get3A_1131 : i32 to index
        %get3A_1133 = arith.index_cast %mul3A_1130 : i32 to index
        %get3A_1134 = arith.constant 64 : index
        %get3A_1135 = tpu.vector_load %arg6[%get3A_1132, %get3A_1133, %get3A_1134] {strides = array<i32>} : memref<2x128x256xf32, #tpu.memory_space<vmem>>, vector<1x1x16xf32>,
        %get3A_1136 = vector.shape_cast %get3A_1135 : vector<1x1x16xf32> to vector<16xf32>
        %mul3A_1137 = arith.constant 4 : i32
        %mul3A_1138 = arith.muli %mul3A_1137, %add3A_936 : i32
        %add3A_1139 = arith.constant 1 : i32
        %add3A_1140 = arith.addi %mul3A_1138, %add3A_1139 : i32
        %get3A_1141 = arith.constant 1 : i32
        %get3A_1142 = arith.index_cast %get3A_1141 : i32 to index
        %get3A_1143 = arith.index_cast %add3A_1140 : i32 to index
        %get3A_1144 = arith.constant 64 : index
        %get3A_1145 = tpu.vector_load %arg6[%get3A_1142, %get3A_1143, %get3A_1144] {strides = array<i32>} : memref<2x128x256xf32, #tpu.memory_space<vmem>>, vector<1x1x16xf32>,
        %get3A_1146 = vector.shape_cast %get3A_1145 : vector<1x1x16xf32> to vector<16xf32>
        %mul3A_1147 = arith.constant 4 : i32
        %mul3A_1148 = arith.muli %mul3A_1147, %add3A_936 : i32
        %add3A_1149 = arith.constant 2 : i32
        %add3A_1150 = arith.addi %mul3A_1148, %add3A_1149 : i32
        %get3A_1151 = arith.constant 1 : i32
        %get3A_1152 = arith.index_cast %get3A_1151 : i32 to index
        %get3A_1153 = arith.index_cast %add3A_1150 : i32 to index
        %get3A_1154 = arith.constant 64 : index
        %get3A_1155 = tpu.vector_load %arg6[%get3A_1152, %get3A_1153, %get3A_1154] {strides = array<i32>} : memref<2x128x256xf32, #tpu.memory_space<vmem>>, vector<1x1x16xf32>,
        %get3A_1156 = vector.shape_cast %get3A_1155 : vector<1x1x16xf32> to vector<16xf32>
        %mul3A_1157 = arith.constant 4 : i32
        %mul3A_1158 = arith.muli %mul3A_1157, %add3A_936 : i32
        %add3A_1159 = arith.constant 3 : i32
        %add3A_1160 = arith.addi %mul3A_1158, %add3A_1159 : i32
        %get3A_1161 = arith.constant 1 : i32
        %get3A_1162 = arith.index_cast %get3A_1161 : i32 to index
        %get3A_1163 = arith.index_cast %add3A_1160 : i32 to index
        %get3A_1164 = arith.constant 64 : index
        %get3A_1165 = tpu.vector_load %arg6[%get3A_1162, %get3A_1163, %get3A_1164] {strides = array<i32>} : memref<2x128x256xf32, #tpu.memory_space<vmem>>, vector<1x1x16xf32>,
        %get3A_1166 = vector.shape_cast %get3A_1165 : vector<1x1x16xf32> to vector<16xf32>
        %max3A_1167 = arith.maximumf %get3A_1136, %get3A_1146 : vector<16xf32>
        %max3A_1168 = arith.maximumf %get3A_1156, %get3A_1166 : vector<16xf32>
        %max3A_1169 = arith.maximumf %max3A_1167, %max3A_1168 : vector<16xf32>
        %swap3A_1170 = arith.constant 1 : i32
        %swap3A_1171 = arith.index_cast %swap3A_1170 : i32 to index
        %swap3A_1172 = arith.index_cast %add3A_936 : i32 to index
        %swap3A_1173 = arith.constant 64 : index
        %swap3A_1174 = tpu.vector_load %arg7[%swap3A_1171, %swap3A_1172, %swap3A_1173] {strides = array<i32>} : memref<2x32x256xf32, #tpu.memory_space<vmem>>, vector<1x1x16xf32>,
        %swap3A_1175 = vector.shape_cast %swap3A_1174 : vector<1x1x16xf32> to vector<16xf32>
        %swap3A_1176 = vector.shape_cast %max3A_1169 : vector<16xf32> to vector<1x1x16xf32>
        tpu.vector_store %arg7[%swap3A_1171, %swap3A_1172, %swap3A_1173], %swap3A_1176 {strides = array<i32>} : memref<2x32x256xf32, #tpu.memory_space<vmem>>, vector<1x1x16xf32>,
        %mul3A_1177 = arith.constant 4 : i32
        %mul3A_1178 = arith.muli %mul3A_1177, %add3A_936 : i32
        %get3A_1179 = arith.constant 1 : i32
        %get3A_1180 = arith.index_cast %get3A_1179 : i32 to index
        %get3A_1181 = arith.index_cast %mul3A_1178 : i32 to index
        %get3A_1182 = arith.constant 80 : index
        %get3A_1183 = tpu.vector_load %arg6[%get3A_1180, %get3A_1181, %get3A_1182] {strides = array<i32>} : memref<2x128x256xf32, #tpu.memory_space<vmem>>, vector<1x1x16xf32>,
        %get3A_1184 = vector.shape_cast %get3A_1183 : vector<1x1x16xf32> to vector<16xf32>
        %mul3A_1185 = arith.constant 4 : i32
        %mul3A_1186 = arith.muli %mul3A_1185, %add3A_936 : i32
        %add3A_1187 = arith.constant 1 : i32
        %add3A_1188 = arith.addi %mul3A_1186, %add3A_1187 : i32
        %get3A_1189 = arith.constant 1 : i32
        %get3A_1190 = arith.index_cast %get3A_1189 : i32 to index
        %get3A_1191 = arith.index_cast %add3A_1188 : i32 to index
        %get3A_1192 = arith.constant 80 : index
        %get3A_1193 = tpu.vector_load %arg6[%get3A_1190, %get3A_1191, %get3A_1192] {strides = array<i32>} : memref<2x128x256xf32, #tpu.memory_space<vmem>>, vector<1x1x16xf32>,
        %get3A_1194 = vector.shape_cast %get3A_1193 : vector<1x1x16xf32> to vector<16xf32>
        %mul3A_1195 = arith.constant 4 : i32
        %mul3A_1196 = arith.muli %mul3A_1195, %add3A_936 : i32
        %add3A_1197 = arith.constant 2 : i32
        %add3A_1198 = arith.addi %mul3A_1196, %add3A_1197 : i32
        %get3A_1199 = arith.constant 1 : i32
        %get3A_1200 = arith.index_cast %get3A_1199 : i32 to index
        %get3A_1201 = arith.index_cast %add3A_1198 : i32 to index
        %get3A_1202 = arith.constant 80 : index
        %get3A_1203 = tpu.vector_load %arg6[%get3A_1200, %get3A_1201, %get3A_1202] {strides = array<i32>} : memref<2x128x256xf32, #tpu.memory_space<vmem>>, vector<1x1x16xf32>,
        %get3A_1204 = vector.shape_cast %get3A_1203 : vector<1x1x16xf32> to vector<16xf32>
        %mul3A_1205 = arith.constant 4 : i32
        %mul3A_1206 = arith.muli %mul3A_1205, %add3A_936 : i32
        %add3A_1207 = arith.constant 3 : i32
        %add3A_1208 = arith.addi %mul3A_1206, %add3A_1207 : i32
        %get3A_1209 = arith.constant 1 : i32
        %get3A_1210 = arith.index_cast %get3A_1209 : i32 to index
        %get3A_1211 = arith.index_cast %add3A_1208 : i32 to index
        %get3A_1212 = arith.constant 80 : index
        %get3A_1213 = tpu.vector_load %arg6[%get3A_1210, %get3A_1211, %get3A_1212] {strides = array<i32>} : memref<2x128x256xf32, #tpu.memory_space<vmem>>, vector<1x1x16xf32>,
        %get3A_1214 = vector.shape_cast %get3A_1213 : vector<1x1x16xf32> to vector<16xf32>
        %max3A_1215 = arith.maximumf %get3A_1184, %get3A_1194 : vector<16xf32>
        %max3A_1216 = arith.maximumf %get3A_1204, %get3A_1214 : vector<16xf32>
        %max3A_1217 = arith.maximumf %max3A_1215, %max3A_1216 : vector<16xf32>
        %swap3A_1218 = arith.constant 1 : i32
        %swap3A_1219 = arith.index_cast %swap3A_1218 : i32 to index
        %swap3A_1220 = arith.index_cast %add3A_936 : i32 to index
        %swap3A_1221 = arith.constant 80 : index
        %swap3A_1222 = tpu.vector_load %arg7[%swap3A_1219, %swap3A_1220, %swap3A_1221] {strides = array<i32>} : memref<2x32x256xf32, #tpu.memory_space<vmem>>, vector<1x1x16xf32>,
        %swap3A_1223 = vector.shape_cast %swap3A_1222 : vector<1x1x16xf32> to vector<16xf32>
        %swap3A_1224 = vector.shape_cast %max3A_1217 : vector<16xf32> to vector<1x1x16xf32>
        tpu.vector_store %arg7[%swap3A_1219, %swap3A_1220, %swap3A_1221], %swap3A_1224 {strides = array<i32>} : memref<2x32x256xf32, #tpu.memory_space<vmem>>, vector<1x1x16xf32>,
        %mul3A_1225 = arith.constant 4 : i32
        %mul3A_1226 = arith.muli %mul3A_1225, %add3A_936 : i32
        %get3A_1227 = arith.constant 1 : i32
        %get3A_1228 = arith.index_cast %get3A_1227 : i32 to index
        %get3A_1229 = arith.index_cast %mul3A_1226 : i32 to index
        %get3A_1230 = arith.constant 96 : index
        %get3A_1231 = tpu.vector_load %arg6[%get3A_1228, %get3A_1229, %get3A_1230] {strides = array<i32>} : memref<2x128x256xf32, #tpu.memory_space<vmem>>, vector<1x1x16xf32>,
        %get3A_1232 = vector.shape_cast %get3A_1231 : vector<1x1x16xf32> to vector<16xf32>
        %mul3A_1233 = arith.constant 4 : i32
        %mul3A_1234 = arith.muli %mul3A_1233, %add3A_936 : i32
        %add3A_1235 = arith.constant 1 : i32
        %add3A_1236 = arith.addi %mul3A_1234, %add3A_1235 : i32
        %get3A_1237 = arith.constant 1 : i32
        %get3A_1238 = arith.index_cast %get3A_1237 : i32 to index
        %get3A_1239 = arith.index_cast %add3A_1236 : i32 to index
        %get3A_1240 = arith.constant 96 : index
        %get3A_1241 = tpu.vector_load %arg6[%get3A_1238, %get3A_1239, %get3A_1240] {strides = array<i32>} : memref<2x128x256xf32, #tpu.memory_space<vmem>>, vector<1x1x16xf32>,
        %get3A_1242 = vector.shape_cast %get3A_1241 : vector<1x1x16xf32> to vector<16xf32>
        %mul3A_1243 = arith.constant 4 : i32
        %mul3A_1244 = arith.muli %mul3A_1243, %add3A_936 : i32
        %add3A_1245 = arith.constant 2 : i32
        %add3A_1246 = arith.addi %mul3A_1244, %add3A_1245 : i32
        %get3A_1247 = arith.constant 1 : i32
        %get3A_1248 = arith.index_cast %get3A_1247 : i32 to index
        %get3A_1249 = arith.index_cast %add3A_1246 : i32 to index
        %get3A_1250 = arith.constant 96 : index
        %get3A_1251 = tpu.vector_load %arg6[%get3A_1248, %get3A_1249, %get3A_1250] {strides = array<i32>} : memref<2x128x256xf32, #tpu.memory_space<vmem>>, vector<1x1x16xf32>,
        %get3A_1252 = vector.shape_cast %get3A_1251 : vector<1x1x16xf32> to vector<16xf32>
        %mul3A_1253 = arith.constant 4 : i32
        %mul3A_1254 = arith.muli %mul3A_1253, %add3A_936 : i32
        %add3A_1255 = arith.constant 3 : i32
        %add3A_1256 = arith.addi %mul3A_1254, %add3A_1255 : i32
        %get3A_1257 = arith.constant 1 : i32
        %get3A_1258 = arith.index_cast %get3A_1257 : i32 to index
        %get3A_1259 = arith.index_cast %add3A_1256 : i32 to index
        %get3A_1260 = arith.constant 96 : index
        %get3A_1261 = tpu.vector_load %arg6[%get3A_1258, %get3A_1259, %get3A_1260] {strides = array<i32>} : memref<2x128x256xf32, #tpu.memory_space<vmem>>, vector<1x1x16xf32>,
        %get3A_1262 = vector.shape_cast %get3A_1261 : vector<1x1x16xf32> to vector<16xf32>
        %max3A_1263 = arith.maximumf %get3A_1232, %get3A_1242 : vector<16xf32>
        %max3A_1264 = arith.maximumf %get3A_1252, %get3A_1262 : vector<16xf32>
        %max3A_1265 = arith.maximumf %max3A_1263, %max3A_1264 : vector<16xf32>
        %swap3A_1266 = arith.constant 1 : i32
        %swap3A_1267 = arith.index_cast %swap3A_1266 : i32 to index
        %swap3A_1268 = arith.index_cast %add3A_936 : i32 to index
        %swap3A_1269 = arith.constant 96 : index
        %swap3A_1270 = tpu.vector_load %arg7[%swap3A_1267, %swap3A_1268, %swap3A_1269] {strides = array<i32>} : memref<2x32x256xf32, #tpu.memory_space<vmem>>, vector<1x1x16xf32>,
        %swap3A_1271 = vector.shape_cast %swap3A_1270 : vector<1x1x16xf32> to vector<16xf32>
        %swap3A_1272 = vector.shape_cast %max3A_1265 : vector<16xf32> to vector<1x1x16xf32>
        tpu.vector_store %arg7[%swap3A_1267, %swap3A_1268, %swap3A_1269], %swap3A_1272 {strides = array<i32>} : memref<2x32x256xf32, #tpu.memory_space<vmem>>, vector<1x1x16xf32>,
        %mul3A_1273 = arith.constant 4 : i32
        %mul3A_1274 = arith.muli %mul3A_1273, %add3A_936 : i32
        %get3A_1275 = arith.constant 1 : i32
        %get3A_1276 = arith.index_cast %get3A_1275 : i32 to index
        %get3A_1277 = arith.index_cast %mul3A_1274 : i32 to index
        %get3A_1278 = arith.constant 112 : index
        %get3A_1279 = tpu.vector_load %arg6[%get3A_1276, %get3A_1277, %get3A_1278] {strides = array<i32>} : memref<2x128x256xf32, #tpu.memory_space<vmem>>, vector<1x1x16xf32>,
        %get3A_1280 = vector.shape_cast %get3A_1279 : vector<1x1x16xf32> to vector<16xf32>
        %mul3A_1281 = arith.constant 4 : i32
        %mul3A_1282 = arith.muli %mul3A_1281, %add3A_936 : i32
        %add3A_1283 = arith.constant 1 : i32
        %add3A_1284 = arith.addi %mul3A_1282, %add3A_1283 : i32
        %get3A_1285 = arith.constant 1 : i32
        %get3A_1286 = arith.index_cast %get3A_1285 : i32 to index
        %get3A_1287 = arith.index_cast %add3A_1284 : i32 to index
        %get3A_1288 = arith.constant 112 : index
        %get3A_1289 = tpu.vector_load %arg6[%get3A_1286, %get3A_1287, %get3A_1288] {strides = array<i32>} : memref<2x128x256xf32, #tpu.memory_space<vmem>>, vector<1x1x16xf32>,
        %get3A_1290 = vector.shape_cast %get3A_1289 : vector<1x1x16xf32> to vector<16xf32>
        %mul3A_1291 = arith.constant 4 : i32
        %mul3A_1292 = arith.muli %mul3A_1291, %add3A_936 : i32
        %add3A_1293 = arith.constant 2 : i32
        %add3A_1294 = arith.addi %mul3A_1292, %add3A_1293 : i32
        %get3A_1295 = arith.constant 1 : i32
        %get3A_1296 = arith.index_cast %get3A_1295 : i32 to index
        %get3A_1297 = arith.index_cast %add3A_1294 : i32 to index
        %get3A_1298 = arith.constant 112 : index
        %get3A_1299 = tpu.vector_load %arg6[%get3A_1296, %get3A_1297, %get3A_1298] {strides = array<i32>} : memref<2x128x256xf32, #tpu.memory_space<vmem>>, vector<1x1x16xf32>,
        %get3A_1300 = vector.shape_cast %get3A_1299 : vector<1x1x16xf32> to vector<16xf32>
        %mul3A_1301 = arith.constant 4 : i32
        %mul3A_1302 = arith.muli %mul3A_1301, %add3A_936 : i32
        %add3A_1303 = arith.constant 3 : i32
        %add3A_1304 = arith.addi %mul3A_1302, %add3A_1303 : i32
        %get3A_1305 = arith.constant 1 : i32
        %get3A_1306 = arith.index_cast %get3A_1305 : i32 to index
        %get3A_1307 = arith.index_cast %add3A_1304 : i32 to index
        %get3A_1308 = arith.constant 112 : index
        %get3A_1309 = tpu.vector_load %arg6[%get3A_1306, %get3A_1307, %get3A_1308] {strides = array<i32>} : memref<2x128x256xf32, #tpu.memory_space<vmem>>, vector<1x1x16xf32>,
        %get3A_1310 = vector.shape_cast %get3A_1309 : vector<1x1x16xf32> to vector<16xf32>
        %max3A_1311 = arith.maximumf %get3A_1280, %get3A_1290 : vector<16xf32>
        %max3A_1312 = arith.maximumf %get3A_1300, %get3A_1310 : vector<16xf32>
        %max3A_1313 = arith.maximumf %max3A_1311, %max3A_1312 : vector<16xf32>
        %swap3A_1314 = arith.constant 1 : i32
        %swap3A_1315 = arith.index_cast %swap3A_1314 : i32 to index
        %swap3A_1316 = arith.index_cast %add3A_936 : i32 to index
        %swap3A_1317 = arith.constant 112 : index
        %swap3A_1318 = tpu.vector_load %arg7[%swap3A_1315, %swap3A_1316, %swap3A_1317] {strides = array<i32>} : memref<2x32x256xf32, #tpu.memory_space<vmem>>, vector<1x1x16xf32>,
        %swap3A_1319 = vector.shape_cast %swap3A_1318 : vector<1x1x16xf32> to vector<16xf32>
        %swap3A_1320 = vector.shape_cast %max3A_1313 : vector<16xf32> to vector<1x1x16xf32>
        tpu.vector_store %arg7[%swap3A_1315, %swap3A_1316, %swap3A_1317], %swap3A_1320 {strides = array<i32>} : memref<2x32x256xf32, #tpu.memory_space<vmem>>, vector<1x1x16xf32>,
        %mul3A_1321 = arith.constant 4 : i32
        %mul3A_1322 = arith.muli %mul3A_1321, %add3A_936 : i32
        %get3A_1323 = arith.constant 1 : i32
        %get3A_1324 = arith.index_cast %get3A_1323 : i32 to index
        %get3A_1325 = arith.index_cast %mul3A_1322 : i32 to index
        %get3A_1326 = arith.constant 128 : index
        %get3A_1327 = tpu.vector_load %arg6[%get3A_1324, %get3A_1325, %get3A_1326] {strides = array<i32>} : memref<2x128x256xf32, #tpu.memory_space<vmem>>, vector<1x1x16xf32>,
        %get3A_1328 = vector.shape_cast %get3A_1327 : vector<1x1x16xf32> to vector<16xf32>
        %mul3A_1329 = arith.constant 4 : i32
        %mul3A_1330 = arith.muli %mul3A_1329, %add3A_936 : i32
        %add3A_1331 = arith.constant 1 : i32
        %add3A_1332 = arith.addi %mul3A_1330, %add3A_1331 : i32
        %get3A_1333 = arith.constant 1 : i32
        %get3A_1334 = arith.index_cast %get3A_1333 : i32 to index
        %get3A_1335 = arith.index_cast %add3A_1332 : i32 to index
        %get3A_1336 = arith.constant 128 : index
        %get3A_1337 = tpu.vector_load %arg6[%get3A_1334, %get3A_1335, %get3A_1336] {strides = array<i32>} : memref<2x128x256xf32, #tpu.memory_space<vmem>>, vector<1x1x16xf32>,
        %get3A_1338 = vector.shape_cast %get3A_1337 : vector<1x1x16xf32> to vector<16xf32>
        %mul3A_1339 = arith.constant 4 : i32
        %mul3A_1340 = arith.muli %mul3A_1339, %add3A_936 : i32
        %add3A_1341 = arith.constant 2 : i32
        %add3A_1342 = arith.addi %mul3A_1340, %add3A_1341 : i32
        %get3A_1343 = arith.constant 1 : i32
        %get3A_1344 = arith.index_cast %get3A_1343 : i32 to index
        %get3A_1345 = arith.index_cast %add3A_1342 : i32 to index
        %get3A_1346 = arith.constant 128 : index
        %get3A_1347 = tpu.vector_load %arg6[%get3A_1344, %get3A_1345, %get3A_1346] {strides = array<i32>} : memref<2x128x256xf32, #tpu.memory_space<vmem>>, vector<1x1x16xf32>,
        %get3A_1348 = vector.shape_cast %get3A_1347 : vector<1x1x16xf32> to vector<16xf32>
        %mul3A_1349 = arith.constant 4 : i32
        %mul3A_1350 = arith.muli %mul3A_1349, %add3A_936 : i32
        %add3A_1351 = arith.constant 3 : i32
        %add3A_1352 = arith.addi %mul3A_1350, %add3A_1351 : i32
        %get3A_1353 = arith.constant 1 : i32
        %get3A_1354 = arith.index_cast %get3A_1353 : i32 to index
        %get3A_1355 = arith.index_cast %add3A_1352 : i32 to index
        %get3A_1356 = arith.constant 128 : index
        %get3A_1357 = tpu.vector_load %arg6[%get3A_1354, %get3A_1355, %get3A_1356] {strides = array<i32>} : memref<2x128x256xf32, #tpu.memory_space<vmem>>, vector<1x1x16xf32>,
        %get3A_1358 = vector.shape_cast %get3A_1357 : vector<1x1x16xf32> to vector<16xf32>
        %max3A_1359 = arith.maximumf %get3A_1328, %get3A_1338 : vector<16xf32>
        %max3A_1360 = arith.maximumf %get3A_1348, %get3A_1358 : vector<16xf32>
        %max3A_1361 = arith.maximumf %max3A_1359, %max3A_1360 : vector<16xf32>
        %swap3A_1362 = arith.constant 1 : i32
        %swap3A_1363 = arith.index_cast %swap3A_1362 : i32 to index
        %swap3A_1364 = arith.index_cast %add3A_936 : i32 to index
        %swap3A_1365 = arith.constant 128 : index
        %swap3A_1366 = tpu.vector_load %arg7[%swap3A_1363, %swap3A_1364, %swap3A_1365] {strides = array<i32>} : memref<2x32x256xf32, #tpu.memory_space<vmem>>, vector<1x1x16xf32>,
        %swap3A_1367 = vector.shape_cast %swap3A_1366 : vector<1x1x16xf32> to vector<16xf32>
        %swap3A_1368 = vector.shape_cast %max3A_1361 : vector<16xf32> to vector<1x1x16xf32>
        tpu.vector_store %arg7[%swap3A_1363, %swap3A_1364, %swap3A_1365], %swap3A_1368 {strides = array<i32>} : memref<2x32x256xf32, #tpu.memory_space<vmem>>, vector<1x1x16xf32>,
        %mul3A_1369 = arith.constant 4 : i32
        %mul3A_1370 = arith.muli %mul3A_1369, %add3A_936 : i32
        %get3A_1371 = arith.constant 1 : i32
        %get3A_1372 = arith.index_cast %get3A_1371 : i32 to index
        %get3A_1373 = arith.index_cast %mul3A_1370 : i32 to index
        %get3A_1374 = arith.constant 144 : index
        %get3A_1375 = tpu.vector_load %arg6[%get3A_1372, %get3A_1373, %get3A_1374] {strides = array<i32>} : memref<2x128x256xf32, #tpu.memory_space<vmem>>, vector<1x1x16xf32>,
        %get3A_1376 = vector.shape_cast %get3A_1375 : vector<1x1x16xf32> to vector<16xf32>
        %mul3A_1377 = arith.constant 4 : i32
        %mul3A_1378 = arith.muli %mul3A_1377, %add3A_936 : i32
        %add3A_1379 = arith.constant 1 : i32
        %add3A_1380 = arith.addi %mul3A_1378, %add3A_1379 : i32
        %get3A_1381 = arith.constant 1 : i32
        %get3A_1382 = arith.index_cast %get3A_1381 : i32 to index
        %get3A_1383 = arith.index_cast %add3A_1380 : i32 to index
        %get3A_1384 = arith.constant 144 : index
        %get3A_1385 = tpu.vector_load %arg6[%get3A_1382, %get3A_1383, %get3A_1384] {strides = array<i32>} : memref<2x128x256xf32, #tpu.memory_space<vmem>>, vector<1x1x16xf32>,
        %get3A_1386 = vector.shape_cast %get3A_1385 : vector<1x1x16xf32> to vector<16xf32>
        %mul3A_1387 = arith.constant 4 : i32
        %mul3A_1388 = arith.muli %mul3A_1387, %add3A_936 : i32
        %add3A_1389 = arith.constant 2 : i32
        %add3A_1390 = arith.addi %mul3A_1388, %add3A_1389 : i32
        %get3A_1391 = arith.constant 1 : i32
        %get3A_1392 = arith.index_cast %get3A_1391 : i32 to index
        %get3A_1393 = arith.index_cast %add3A_1390 : i32 to index
        %get3A_1394 = arith.constant 144 : index
        %get3A_1395 = tpu.vector_load %arg6[%get3A_1392, %get3A_1393, %get3A_1394] {strides = array<i32>} : memref<2x128x256xf32, #tpu.memory_space<vmem>>, vector<1x1x16xf32>,
        %get3A_1396 = vector.shape_cast %get3A_1395 : vector<1x1x16xf32> to vector<16xf32>
        %mul3A_1397 = arith.constant 4 : i32
        %mul3A_1398 = arith.muli %mul3A_1397, %add3A_936 : i32
        %add3A_1399 = arith.constant 3 : i32
        %add3A_1400 = arith.addi %mul3A_1398, %add3A_1399 : i32
        %get3A_1401 = arith.constant 1 : i32
        %get3A_1402 = arith.index_cast %get3A_1401 : i32 to index
        %get3A_1403 = arith.index_cast %add3A_1400 : i32 to index
        %get3A_1404 = arith.constant 144 : index
        %get3A_1405 = tpu.vector_load %arg6[%get3A_1402, %get3A_1403, %get3A_1404] {strides = array<i32>} : memref<2x128x256xf32, #tpu.memory_space<vmem>>, vector<1x1x16xf32>,
        %get3A_1406 = vector.shape_cast %get3A_1405 : vector<1x1x16xf32> to vector<16xf32>
        %max3A_1407 = arith.maximumf %get3A_1376, %get3A_1386 : vector<16xf32>
        %max3A_1408 = arith.maximumf %get3A_1396, %get3A_1406 : vector<16xf32>
        %max3A_1409 = arith.maximumf %max3A_1407, %max3A_1408 : vector<16xf32>
        %swap3A_1410 = arith.constant 1 : i32
        %swap3A_1411 = arith.index_cast %swap3A_1410 : i32 to index
        %swap3A_1412 = arith.index_cast %add3A_936 : i32 to index
        %swap3A_1413 = arith.constant 144 : index
        %swap3A_1414 = tpu.vector_load %arg7[%swap3A_1411, %swap3A_1412, %swap3A_1413] {strides = array<i32>} : memref<2x32x256xf32, #tpu.memory_space<vmem>>, vector<1x1x16xf32>,
        %swap3A_1415 = vector.shape_cast %swap3A_1414 : vector<1x1x16xf32> to vector<16xf32>
        %swap3A_1416 = vector.shape_cast %max3A_1409 : vector<16xf32> to vector<1x1x16xf32>
        tpu.vector_store %arg7[%swap3A_1411, %swap3A_1412, %swap3A_1413], %swap3A_1416 {strides = array<i32>} : memref<2x32x256xf32, #tpu.memory_space<vmem>>, vector<1x1x16xf32>,
        %mul3A_1417 = arith.constant 4 : i32
        %mul3A_1418 = arith.muli %mul3A_1417, %add3A_936 : i32
        %get3A_1419 = arith.constant 1 : i32
        %get3A_1420 = arith.index_cast %get3A_1419 : i32 to index
        %get3A_1421 = arith.index_cast %mul3A_1418 : i32 to index
        %get3A_1422 = arith.constant 160 : index
        %get3A_1423 = tpu.vector_load %arg6[%get3A_1420, %get3A_1421, %get3A_1422] {strides = array<i32>} : memref<2x128x256xf32, #tpu.memory_space<vmem>>, vector<1x1x16xf32>,
        %get3A_1424 = vector.shape_cast %get3A_1423 : vector<1x1x16xf32> to vector<16xf32>
        %mul3A_1425 = arith.constant 4 : i32
        %mul3A_1426 = arith.muli %mul3A_1425, %add3A_936 : i32
        %add3A_1427 = arith.constant 1 : i32
        %add3A_1428 = arith.addi %mul3A_1426, %add3A_1427 : i32
        %get3A_1429 = arith.constant 1 : i32
        %get3A_1430 = arith.index_cast %get3A_1429 : i32 to index
        %get3A_1431 = arith.index_cast %add3A_1428 : i32 to index
        %get3A_1432 = arith.constant 160 : index
        %get3A_1433 = tpu.vector_load %arg6[%get3A_1430, %get3A_1431, %get3A_1432] {strides = array<i32>} : memref<2x128x256xf32, #tpu.memory_space<vmem>>, vector<1x1x16xf32>,
        %get3A_1434 = vector.shape_cast %get3A_1433 : vector<1x1x16xf32> to vector<16xf32>
        %mul3A_1435 = arith.constant 4 : i32
        %mul3A_1436 = arith.muli %mul3A_1435, %add3A_936 : i32
        %add3A_1437 = arith.constant 2 : i32
        %add3A_1438 = arith.addi %mul3A_1436, %add3A_1437 : i32
        %get3A_1439 = arith.constant 1 : i32
        %get3A_1440 = arith.index_cast %get3A_1439 : i32 to index
        %get3A_1441 = arith.index_cast %add3A_1438 : i32 to index
        %get3A_1442 = arith.constant 160 : index
        %get3A_1443 = tpu.vector_load %arg6[%get3A_1440, %get3A_1441, %get3A_1442] {strides = array<i32>} : memref<2x128x256xf32, #tpu.memory_space<vmem>>, vector<1x1x16xf32>,
        %get3A_1444 = vector.shape_cast %get3A_1443 : vector<1x1x16xf32> to vector<16xf32>
        %mul3A_1445 = arith.constant 4 : i32
        %mul3A_1446 = arith.muli %mul3A_1445, %add3A_936 : i32
        %add3A_1447 = arith.constant 3 : i32
        %add3A_1448 = arith.addi %mul3A_1446, %add3A_1447 : i32
        %get3A_1449 = arith.constant 1 : i32
        %get3A_1450 = arith.index_cast %get3A_1449 : i32 to index
        %get3A_1451 = arith.index_cast %add3A_1448 : i32 to index
        %get3A_1452 = arith.constant 160 : index
        %get3A_1453 = tpu.vector_load %arg6[%get3A_1450, %get3A_1451, %get3A_1452] {strides = array<i32>} : memref<2x128x256xf32, #tpu.memory_space<vmem>>, vector<1x1x16xf32>,
        %get3A_1454 = vector.shape_cast %get3A_1453 : vector<1x1x16xf32> to vector<16xf32>
        %max3A_1455 = arith.maximumf %get3A_1424, %get3A_1434 : vector<16xf32>
        %max3A_1456 = arith.maximumf %get3A_1444, %get3A_1454 : vector<16xf32>
        %max3A_1457 = arith.maximumf %max3A_1455, %max3A_1456 : vector<16xf32>
        %swap3A_1458 = arith.constant 1 : i32
        %swap3A_1459 = arith.index_cast %swap3A_1458 : i32 to index
        %swap3A_1460 = arith.index_cast %add3A_936 : i32 to index
        %swap3A_1461 = arith.constant 160 : index
        %swap3A_1462 = tpu.vector_load %arg7[%swap3A_1459, %swap3A_1460, %swap3A_1461] {strides = array<i32>} : memref<2x32x256xf32, #tpu.memory_space<vmem>>, vector<1x1x16xf32>,
        %swap3A_1463 = vector.shape_cast %swap3A_1462 : vector<1x1x16xf32> to vector<16xf32>
        %swap3A_1464 = vector.shape_cast %max3A_1457 : vector<16xf32> to vector<1x1x16xf32>
        tpu.vector_store %arg7[%swap3A_1459, %swap3A_1460, %swap3A_1461], %swap3A_1464 {strides = array<i32>} : memref<2x32x256xf32, #tpu.memory_space<vmem>>, vector<1x1x16xf32>,
        %mul3A_1465 = arith.constant 4 : i32
        %mul3A_1466 = arith.muli %mul3A_1465, %add3A_936 : i32
        %get3A_1467 = arith.constant 1 : i32
        %get3A_1468 = arith.index_cast %get3A_1467 : i32 to index
        %get3A_1469 = arith.index_cast %mul3A_1466 : i32 to index
        %get3A_1470 = arith.constant 176 : index
        %get3A_1471 = tpu.vector_load %arg6[%get3A_1468, %get3A_1469, %get3A_1470] {strides = array<i32>} : memref<2x128x256xf32, #tpu.memory_space<vmem>>, vector<1x1x16xf32>,
        %get3A_1472 = vector.shape_cast %get3A_1471 : vector<1x1x16xf32> to vector<16xf32>
        %mul3A_1473 = arith.constant 4 : i32
        %mul3A_1474 = arith.muli %mul3A_1473, %add3A_936 : i32
        %add3A_1475 = arith.constant 1 : i32
        %add3A_1476 = arith.addi %mul3A_1474, %add3A_1475 : i32
        %get3A_1477 = arith.constant 1 : i32
        %get3A_1478 = arith.index_cast %get3A_1477 : i32 to index
        %get3A_1479 = arith.index_cast %add3A_1476 : i32 to index
        %get3A_1480 = arith.constant 176 : index
        %get3A_1481 = tpu.vector_load %arg6[%get3A_1478, %get3A_1479, %get3A_1480] {strides = array<i32>} : memref<2x128x256xf32, #tpu.memory_space<vmem>>, vector<1x1x16xf32>,
        %get3A_1482 = vector.shape_cast %get3A_1481 : vector<1x1x16xf32> to vector<16xf32>
        %mul3A_1483 = arith.constant 4 : i32
        %mul3A_1484 = arith.muli %mul3A_1483, %add3A_936 : i32
        %add3A_1485 = arith.constant 2 : i32
        %add3A_1486 = arith.addi %mul3A_1484, %add3A_1485 : i32
        %get3A_1487 = arith.constant 1 : i32
        %get3A_1488 = arith.index_cast %get3A_1487 : i32 to index
        %get3A_1489 = arith.index_cast %add3A_1486 : i32 to index
        %get3A_1490 = arith.constant 176 : index
        %get3A_1491 = tpu.vector_load %arg6[%get3A_1488, %get3A_1489, %get3A_1490] {strides = array<i32>} : memref<2x128x256xf32, #tpu.memory_space<vmem>>, vector<1x1x16xf32>,
        %get3A_1492 = vector.shape_cast %get3A_1491 : vector<1x1x16xf32> to vector<16xf32>
        %mul3A_1493 = arith.constant 4 : i32
        %mul3A_1494 = arith.muli %mul3A_1493, %add3A_936 : i32
        %add3A_1495 = arith.constant 3 : i32
        %add3A_1496 = arith.addi %mul3A_1494, %add3A_1495 : i32
        %get3A_1497 = arith.constant 1 : i32
        %get3A_1498 = arith.index_cast %get3A_1497 : i32 to index
        %get3A_1499 = arith.index_cast %add3A_1496 : i32 to index
        %get3A_1500 = arith.constant 176 : index
        %get3A_1501 = tpu.vector_load %arg6[%get3A_1498, %get3A_1499, %get3A_1500] {strides = array<i32>} : memref<2x128x256xf32, #tpu.memory_space<vmem>>, vector<1x1x16xf32>,
        %get3A_1502 = vector.shape_cast %get3A_1501 : vector<1x1x16xf32> to vector<16xf32>
        %max3A_1503 = arith.maximumf %get3A_1472, %get3A_1482 : vector<16xf32>
        %max3A_1504 = arith.maximumf %get3A_1492, %get3A_1502 : vector<16xf32>
        %max3A_1505 = arith.maximumf %max3A_1503, %max3A_1504 : vector<16xf32>
        %swap3A_1506 = arith.constant 1 : i32
        %swap3A_1507 = arith.index_cast %swap3A_1506 : i32 to index
        %swap3A_1508 = arith.index_cast %add3A_936 : i32 to index
        %swap3A_1509 = arith.constant 176 : index
        %swap3A_1510 = tpu.vector_load %arg7[%swap3A_1507, %swap3A_1508, %swap3A_1509] {strides = array<i32>} : memref<2x32x256xf32, #tpu.memory_space<vmem>>, vector<1x1x16xf32>,
        %swap3A_1511 = vector.shape_cast %swap3A_1510 : vector<1x1x16xf32> to vector<16xf32>
        %swap3A_1512 = vector.shape_cast %max3A_1505 : vector<16xf32> to vector<1x1x16xf32>
        tpu.vector_store %arg7[%swap3A_1507, %swap3A_1508, %swap3A_1509], %swap3A_1512 {strides = array<i32>} : memref<2x32x256xf32, #tpu.memory_space<vmem>>, vector<1x1x16xf32>,
        %mul3A_1513 = arith.constant 4 : i32
        %mul3A_1514 = arith.muli %mul3A_1513, %add3A_936 : i32
        %get3A_1515 = arith.constant 1 : i32
        %get3A_1516 = arith.index_cast %get3A_1515 : i32 to index
        %get3A_1517 = arith.index_cast %mul3A_1514 : i32 to index
        %get3A_1518 = arith.constant 192 : index
        %get3A_1519 = tpu.vector_load %arg6[%get3A_1516, %get3A_1517, %get3A_1518] {strides = array<i32>} : memref<2x128x256xf32, #tpu.memory_space<vmem>>, vector<1x1x16xf32>,
        %get3A_1520 = vector.shape_cast %get3A_1519 : vector<1x1x16xf32> to vector<16xf32>
        %mul3A_1521 = arith.constant 4 : i32
        %mul3A_1522 = arith.muli %mul3A_1521, %add3A_936 : i32
        %add3A_1523 = arith.constant 1 : i32
        %add3A_1524 = arith.addi %mul3A_1522, %add3A_1523 : i32
        %get3A_1525 = arith.constant 1 : i32
        %get3A_1526 = arith.index_cast %get3A_1525 : i32 to index
        %get3A_1527 = arith.index_cast %add3A_1524 : i32 to index
        %get3A_1528 = arith.constant 192 : index
        %get3A_1529 = tpu.vector_load %arg6[%get3A_1526, %get3A_1527, %get3A_1528] {strides = array<i32>} : memref<2x128x256xf32, #tpu.memory_space<vmem>>, vector<1x1x16xf32>,
        %get3A_1530 = vector.shape_cast %get3A_1529 : vector<1x1x16xf32> to vector<16xf32>
        %mul3A_1531 = arith.constant 4 : i32
        %mul3A_1532 = arith.muli %mul3A_1531, %add3A_936 : i32
        %add3A_1533 = arith.constant 2 : i32
        %add3A_1534 = arith.addi %mul3A_1532, %add3A_1533 : i32
        %get3A_1535 = arith.constant 1 : i32
        %get3A_1536 = arith.index_cast %get3A_1535 : i32 to index
        %get3A_1537 = arith.index_cast %add3A_1534 : i32 to index
        %get3A_1538 = arith.constant 192 : index
        %get3A_1539 = tpu.vector_load %arg6[%get3A_1536, %get3A_1537, %get3A_1538] {strides = array<i32>} : memref<2x128x256xf32, #tpu.memory_space<vmem>>, vector<1x1x16xf32>,
        %get3A_1540 = vector.shape_cast %get3A_1539 : vector<1x1x16xf32> to vector<16xf32>
        %mul3A_1541 = arith.constant 4 : i32
        %mul3A_1542 = arith.muli %mul3A_1541, %add3A_936 : i32
        %add3A_1543 = arith.constant 3 : i32
        %add3A_1544 = arith.addi %mul3A_1542, %add3A_1543 : i32
        %get3A_1545 = arith.constant 1 : i32
        %get3A_1546 = arith.index_cast %get3A_1545 : i32 to index
        %get3A_1547 = arith.index_cast %add3A_1544 : i32 to index
        %get3A_1548 = arith.constant 192 : index
        %get3A_1549 = tpu.vector_load %arg6[%get3A_1546, %get3A_1547, %get3A_1548] {strides = array<i32>} : memref<2x128x256xf32, #tpu.memory_space<vmem>>, vector<1x1x16xf32>,
        %get3A_1550 = vector.shape_cast %get3A_1549 : vector<1x1x16xf32> to vector<16xf32>
        %max3A_1551 = arith.maximumf %get3A_1520, %get3A_1530 : vector<16xf32>
        %max3A_1552 = arith.maximumf %get3A_1540, %get3A_1550 : vector<16xf32>
        %max3A_1553 = arith.maximumf %max3A_1551, %max3A_1552 : vector<16xf32>
        %swap3A_1554 = arith.constant 1 : i32
        %swap3A_1555 = arith.index_cast %swap3A_1554 : i32 to index
        %swap3A_1556 = arith.index_cast %add3A_936 : i32 to index
        %swap3A_1557 = arith.constant 192 : index
        %swap3A_1558 = tpu.vector_load %arg7[%swap3A_1555, %swap3A_1556, %swap3A_1557] {strides = array<i32>} : memref<2x32x256xf32, #tpu.memory_space<vmem>>, vector<1x1x16xf32>,
        %swap3A_1559 = vector.shape_cast %swap3A_1558 : vector<1x1x16xf32> to vector<16xf32>
        %swap3A_1560 = vector.shape_cast %max3A_1553 : vector<16xf32> to vector<1x1x16xf32>
        tpu.vector_store %arg7[%swap3A_1555, %swap3A_1556, %swap3A_1557], %swap3A_1560 {strides = array<i32>} : memref<2x32x256xf32, #tpu.memory_space<vmem>>, vector<1x1x16xf32>,
        %mul3A_1561 = arith.constant 4 : i32
        %mul3A_1562 = arith.muli %mul3A_1561, %add3A_936 : i32
        %get3A_1563 = arith.constant 1 : i32
        %get3A_1564 = arith.index_cast %get3A_1563 : i32 to index
        %get3A_1565 = arith.index_cast %mul3A_1562 : i32 to index
        %get3A_1566 = arith.constant 208 : index
        %get3A_1567 = tpu.vector_load %arg6[%get3A_1564, %get3A_1565, %get3A_1566] {strides = array<i32>} : memref<2x128x256xf32, #tpu.memory_space<vmem>>, vector<1x1x16xf32>,
        %get3A_1568 = vector.shape_cast %get3A_1567 : vector<1x1x16xf32> to vector<16xf32>
        %mul3A_1569 = arith.constant 4 : i32
        %mul3A_1570 = arith.muli %mul3A_1569, %add3A_936 : i32
        %add3A_1571 = arith.constant 1 : i32
        %add3A_1572 = arith.addi %mul3A_1570, %add3A_1571 : i32
        %get3A_1573 = arith.constant 1 : i32
        %get3A_1574 = arith.index_cast %get3A_1573 : i32 to index
        %get3A_1575 = arith.index_cast %add3A_1572 : i32 to index
        %get3A_1576 = arith.constant 208 : index
        %get3A_1577 = tpu.vector_load %arg6[%get3A_1574, %get3A_1575, %get3A_1576] {strides = array<i32>} : memref<2x128x256xf32, #tpu.memory_space<vmem>>, vector<1x1x16xf32>,
        %get3A_1578 = vector.shape_cast %get3A_1577 : vector<1x1x16xf32> to vector<16xf32>
        %mul3A_1579 = arith.constant 4 : i32
        %mul3A_1580 = arith.muli %mul3A_1579, %add3A_936 : i32
        %add3A_1581 = arith.constant 2 : i32
        %add3A_1582 = arith.addi %mul3A_1580, %add3A_1581 : i32
        %get3A_1583 = arith.constant 1 : i32
        %get3A_1584 = arith.index_cast %get3A_1583 : i32 to index
        %get3A_1585 = arith.index_cast %add3A_1582 : i32 to index
        %get3A_1586 = arith.constant 208 : index
        %get3A_1587 = tpu.vector_load %arg6[%get3A_1584, %get3A_1585, %get3A_1586] {strides = array<i32>} : memref<2x128x256xf32, #tpu.memory_space<vmem>>, vector<1x1x16xf32>,
        %get3A_1588 = vector.shape_cast %get3A_1587 : vector<1x1x16xf32> to vector<16xf32>
        %mul3A_1589 = arith.constant 4 : i32
        %mul3A_1590 = arith.muli %mul3A_1589, %add3A_936 : i32
        %add3A_1591 = arith.constant 3 : i32
        %add3A_1592 = arith.addi %mul3A_1590, %add3A_1591 : i32
        %get3A_1593 = arith.constant 1 : i32
        %get3A_1594 = arith.index_cast %get3A_1593 : i32 to index
        %get3A_1595 = arith.index_cast %add3A_1592 : i32 to index
        %get3A_1596 = arith.constant 208 : index
        %get3A_1597 = tpu.vector_load %arg6[%get3A_1594, %get3A_1595, %get3A_1596] {strides = array<i32>} : memref<2x128x256xf32, #tpu.memory_space<vmem>>, vector<1x1x16xf32>,
        %get3A_1598 = vector.shape_cast %get3A_1597 : vector<1x1x16xf32> to vector<16xf32>
        %max3A_1599 = arith.maximumf %get3A_1568, %get3A_1578 : vector<16xf32>
        %max3A_1600 = arith.maximumf %get3A_1588, %get3A_1598 : vector<16xf32>
        %max3A_1601 = arith.maximumf %max3A_1599, %max3A_1600 : vector<16xf32>
        %swap3A_1602 = arith.constant 1 : i32
        %swap3A_1603 = arith.index_cast %swap3A_1602 : i32 to index
        %swap3A_1604 = arith.index_cast %add3A_936 : i32 to index
        %swap3A_1605 = arith.constant 208 : index
        %swap3A_1606 = tpu.vector_load %arg7[%swap3A_1603, %swap3A_1604, %swap3A_1605] {strides = array<i32>} : memref<2x32x256xf32, #tpu.memory_space<vmem>>, vector<1x1x16xf32>,
        %swap3A_1607 = vector.shape_cast %swap3A_1606 : vector<1x1x16xf32> to vector<16xf32>
        %swap3A_1608 = vector.shape_cast %max3A_1601 : vector<16xf32> to vector<1x1x16xf32>
        tpu.vector_store %arg7[%swap3A_1603, %swap3A_1604, %swap3A_1605], %swap3A_1608 {strides = array<i32>} : memref<2x32x256xf32, #tpu.memory_space<vmem>>, vector<1x1x16xf32>,
        %mul3A_1609 = arith.constant 4 : i32
        %mul3A_1610 = arith.muli %mul3A_1609, %add3A_936 : i32
        %get3A_1611 = arith.constant 1 : i32
        %get3A_1612 = arith.index_cast %get3A_1611 : i32 to index
        %get3A_1613 = arith.index_cast %mul3A_1610 : i32 to index
        %get3A_1614 = arith.constant 224 : index
        %get3A_1615 = tpu.vector_load %arg6[%get3A_1612, %get3A_1613, %get3A_1614] {strides = array<i32>} : memref<2x128x256xf32, #tpu.memory_space<vmem>>, vector<1x1x16xf32>,
        %get3A_1616 = vector.shape_cast %get3A_1615 : vector<1x1x16xf32> to vector<16xf32>
        %mul3A_1617 = arith.constant 4 : i32
        %mul3A_1618 = arith.muli %mul3A_1617, %add3A_936 : i32
        %add3A_1619 = arith.constant 1 : i32
        %add3A_1620 = arith.addi %mul3A_1618, %add3A_1619 : i32
        %get3A_1621 = arith.constant 1 : i32
        %get3A_1622 = arith.index_cast %get3A_1621 : i32 to index
        %get3A_1623 = arith.index_cast %add3A_1620 : i32 to index
        %get3A_1624 = arith.constant 224 : index
        %get3A_1625 = tpu.vector_load %arg6[%get3A_1622, %get3A_1623, %get3A_1624] {strides = array<i32>} : memref<2x128x256xf32, #tpu.memory_space<vmem>>, vector<1x1x16xf32>,
        %get3A_1626 = vector.shape_cast %get3A_1625 : vector<1x1x16xf32> to vector<16xf32>
        %mul3A_1627 = arith.constant 4 : i32
        %mul3A_1628 = arith.muli %mul3A_1627, %add3A_936 : i32
        %add3A_1629 = arith.constant 2 : i32
        %add3A_1630 = arith.addi %mul3A_1628, %add3A_1629 : i32
        %get3A_1631 = arith.constant 1 : i32
        %get3A_1632 = arith.index_cast %get3A_1631 : i32 to index
        %get3A_1633 = arith.index_cast %add3A_1630 : i32 to index
        %get3A_1634 = arith.constant 224 : index
        %get3A_1635 = tpu.vector_load %arg6[%get3A_1632, %get3A_1633, %get3A_1634] {strides = array<i32>} : memref<2x128x256xf32, #tpu.memory_space<vmem>>, vector<1x1x16xf32>,
        %get3A_1636 = vector.shape_cast %get3A_1635 : vector<1x1x16xf32> to vector<16xf32>
        %mul3A_1637 = arith.constant 4 : i32
        %mul3A_1638 = arith.muli %mul3A_1637, %add3A_936 : i32
        %add3A_1639 = arith.constant 3 : i32
        %add3A_1640 = arith.addi %mul3A_1638, %add3A_1639 : i32
        %get3A_1641 = arith.constant 1 : i32
        %get3A_1642 = arith.index_cast %get3A_1641 : i32 to index
        %get3A_1643 = arith.index_cast %add3A_1640 : i32 to index
        %get3A_1644 = arith.constant 224 : index
        %get3A_1645 = tpu.vector_load %arg6[%get3A_1642, %get3A_1643, %get3A_1644] {strides = array<i32>} : memref<2x128x256xf32, #tpu.memory_space<vmem>>, vector<1x1x16xf32>,
        %get3A_1646 = vector.shape_cast %get3A_1645 : vector<1x1x16xf32> to vector<16xf32>
        %max3A_1647 = arith.maximumf %get3A_1616, %get3A_1626 : vector<16xf32>
        %max3A_1648 = arith.maximumf %get3A_1636, %get3A_1646 : vector<16xf32>
        %max3A_1649 = arith.maximumf %max3A_1647, %max3A_1648 : vector<16xf32>
        %swap3A_1650 = arith.constant 1 : i32
        %swap3A_1651 = arith.index_cast %swap3A_1650 : i32 to index
        %swap3A_1652 = arith.index_cast %add3A_936 : i32 to index
        %swap3A_1653 = arith.constant 224 : index
        %swap3A_1654 = tpu.vector_load %arg7[%swap3A_1651, %swap3A_1652, %swap3A_1653] {strides = array<i32>} : memref<2x32x256xf32, #tpu.memory_space<vmem>>, vector<1x1x16xf32>,
        %swap3A_1655 = vector.shape_cast %swap3A_1654 : vector<1x1x16xf32> to vector<16xf32>
        %swap3A_1656 = vector.shape_cast %max3A_1649 : vector<16xf32> to vector<1x1x16xf32>
        tpu.vector_store %arg7[%swap3A_1651, %swap3A_1652, %swap3A_1653], %swap3A_1656 {strides = array<i32>} : memref<2x32x256xf32, #tpu.memory_space<vmem>>, vector<1x1x16xf32>,
        %mul3A_1657 = arith.constant 4 : i32
        %mul3A_1658 = arith.muli %mul3A_1657, %add3A_936 : i32
        %get3A_1659 = arith.constant 1 : i32
        %get3A_1660 = arith.index_cast %get3A_1659 : i32 to index
        %get3A_1661 = arith.index_cast %mul3A_1658 : i32 to index
        %get3A_1662 = arith.constant 240 : index
        %get3A_1663 = tpu.vector_load %arg6[%get3A_1660, %get3A_1661, %get3A_1662] {strides = array<i32>} : memref<2x128x256xf32, #tpu.memory_space<vmem>>, vector<1x1x16xf32>,
        %get3A_1664 = vector.shape_cast %get3A_1663 : vector<1x1x16xf32> to vector<16xf32>
        %mul3A_1665 = arith.constant 4 : i32
        %mul3A_1666 = arith.muli %mul3A_1665, %add3A_936 : i32
        %add3A_1667 = arith.constant 1 : i32
        %add3A_1668 = arith.addi %mul3A_1666, %add3A_1667 : i32
        %get3A_1669 = arith.constant 1 : i32
        %get3A_1670 = arith.index_cast %get3A_1669 : i32 to index
        %get3A_1671 = arith.index_cast %add3A_1668 : i32 to index
        %get3A_1672 = arith.constant 240 : index
        %get3A_1673 = tpu.vector_load %arg6[%get3A_1670, %get3A_1671, %get3A_1672] {strides = array<i32>} : memref<2x128x256xf32, #tpu.memory_space<vmem>>, vector<1x1x16xf32>,
        %get3A_1674 = vector.shape_cast %get3A_1673 : vector<1x1x16xf32> to vector<16xf32>
        %mul3A_1675 = arith.constant 4 : i32
        %mul3A_1676 = arith.muli %mul3A_1675, %add3A_936 : i32
        %add3A_1677 = arith.constant 2 : i32
        %add3A_1678 = arith.addi %mul3A_1676, %add3A_1677 : i32
        %get3A_1679 = arith.constant 1 : i32
        %get3A_1680 = arith.index_cast %get3A_1679 : i32 to index
        %get3A_1681 = arith.index_cast %add3A_1678 : i32 to index
        %get3A_1682 = arith.constant 240 : index
        %get3A_1683 = tpu.vector_load %arg6[%get3A_1680, %get3A_1681, %get3A_1682] {strides = array<i32>} : memref<2x128x256xf32, #tpu.memory_space<vmem>>, vector<1x1x16xf32>,
        %get3A_1684 = vector.shape_cast %get3A_1683 : vector<1x1x16xf32> to vector<16xf32>
        %mul3A_1685 = arith.constant 4 : i32
        %mul3A_1686 = arith.muli %mul3A_1685, %add3A_936 : i32
        %add3A_1687 = arith.constant 3 : i32
        %add3A_1688 = arith.addi %mul3A_1686, %add3A_1687 : i32
        %get3A_1689 = arith.constant 1 : i32
        %get3A_1690 = arith.index_cast %get3A_1689 : i32 to index
        %get3A_1691 = arith.index_cast %add3A_1688 : i32 to index
        %get3A_1692 = arith.constant 240 : index
        %get3A_1693 = tpu.vector_load %arg6[%get3A_1690, %get3A_1691, %get3A_1692] {strides = array<i32>} : memref<2x128x256xf32, #tpu.memory_space<vmem>>, vector<1x1x16xf32>,
        %get3A_1694 = vector.shape_cast %get3A_1693 : vector<1x1x16xf32> to vector<16xf32>
        %max3A_1695 = arith.maximumf %get3A_1664, %get3A_1674 : vector<16xf32>
        %max3A_1696 = arith.maximumf %get3A_1684, %get3A_1694 : vector<16xf32>
        %max3A_1697 = arith.maximumf %max3A_1695, %max3A_1696 : vector<16xf32>
        %swap3A_1698 = arith.constant 1 : i32
        %swap3A_1699 = arith.index_cast %swap3A_1698 : i32 to index
        %swap3A_1700 = arith.index_cast %add3A_936 : i32 to index
        %swap3A_1701 = arith.constant 240 : index
        %swap3A_1702 = tpu.vector_load %arg7[%swap3A_1699, %swap3A_1700, %swap3A_1701] {strides = array<i32>} : memref<2x32x256xf32, #tpu.memory_space<vmem>>, vector<1x1x16xf32>,
        %swap3A_1703 = vector.shape_cast %swap3A_1702 : vector<1x1x16xf32> to vector<16xf32>
        %swap3A_1704 = vector.shape_cast %max3A_1697 : vector<16xf32> to vector<1x1x16xf32>
        tpu.vector_store %arg7[%swap3A_1699, %swap3A_1700, %swap3A_1701], %swap3A_1704 {strides = array<i32>} : memref<2x32x256xf32, #tpu.memory_space<vmem>>, vector<1x1x16xf32>,
      }
      %scan3A_139 = arith.constant 16 : i32
      %add3A_140 = arith.addi %mul3A_2, %add3A_113 : i32
      %mul3A_141 = arith.constant 32 : i32
      %mul3A_142 = arith.muli %add3A_140, %mul3A_141 : i32
      %dma_start3A_143 = arith.constant 1 : i32
      %dma_start3A_144 = arith.constant 0 : i32
      %dma_start3A_145 = arith.constant 0 : i32
      %dma_start3A_146 = tpu.memref_slice %arg7[%dma_start3A_143, %dma_start3A_144, %dma_start3A_145] : memref<2x32x256xf32, #tpu.memory_space<vmem>> -> memref<1x32x256xf32, #tpu.memory_space<vmem>>
      %dma_start3A_147 = tpu.memref_squeeze %dma_start3A_146 : memref<1x32x256xf32, #tpu.memory_space<vmem>> -> memref<32x256xf32, #tpu.memory_space<vmem>>
      %dma_start3A_148 = arith.constant 0 : i32
      %dma_start3A_149 = tpu.memref_slice %arg4[%mul3A_142, %dma_start3A_148] : memref<49152x256xf32, #tpu.memory_space<hbm>> -> memref<32x256xf32, #tpu.memory_space<hbm>>
      %dma_start3A_150 = arith.constant 0 : i32
      %dma_start3A_151 = tpu.memref_slice %arg4[%mul3A_142, %dma_start3A_150] : memref<49152x256xf32, #tpu.memory_space<hbm>> -> memref<32x256xf32, #tpu.memory_space<hbm>>
      %dma_start3A_152 = arith.constant 0 : i32
      %dma_start3A_153 = arith.constant 0 : i32
      %dma_start3A_154 = tpu.memref_slice %arg7[%dma_start3A_143, %dma_start3A_152, %dma_start3A_153] : memref<2x32x256xf32, #tpu.memory_space<vmem>> -> memref<1x32x256xf32, #tpu.memory_space<vmem>>
      %dma_start3A_155 = tpu.memref_squeeze %dma_start3A_154 : memref<1x32x256xf32, #tpu.memory_space<vmem>> -> memref<32x256xf32, #tpu.memory_space<vmem>>
      tpu.enqueue_dma source(%dma_start3A_155 : memref<32x256xf32, #tpu.memory_space<vmem>>) target(%dma_start3A_151 : memref<32x256xf32, #tpu.memory_space<hbm>>) target_semaphore(%arg11 : memref<!tpu.dma_semaphore, #tpu.memory_space<semaphore_mem>>)
      %add3A_156 = arith.constant 2 : i32
      %add3A_157 = arith.addi %add3A_113, %add3A_156 : i32
      %lt3A_158 = arith.constant 48 : i32
      %lt3A_159 = arith.cmpi slt, %add3A_157, %lt3A_158 : i32
      %convert_element_type3A_160 = arith.extui %lt3A_159 : i1 to i32
      %cond3A_161 = arith.constant 0 : i32
      %cond3A_162 = arith.cmpi ne, %convert_element_type3A_160, %cond3A_161 : i32
      scf.if %cond3A_162 {
        %add3A_163 = arith.constant 2 : i32
        %add3A_164 = arith.addi %add3A_113, %add3A_163 : i32
        %dma_start3A_165 = arith.constant 1 : i32
        %dma_start3A_166 = arith.constant 0 : i32
        %dma_start3A_167 = arith.constant 0 : i32
        %dma_start3A_168 = tpu.memref_slice %arg6[%dma_start3A_165, %dma_start3A_166, %dma_start3A_167] : memref<2x128x256xf32, #tpu.memory_space<vmem>> -> memref<1x128x256xf32, #tpu.memory_space<vmem>>
        %dma_start3A_169 = tpu.memref_squeeze %dma_start3A_168 : memref<1x128x256xf32, #tpu.memory_space<vmem>> -> memref<128x256xf32, #tpu.memory_space<vmem>>
        %dma_start3A_170 = arith.constant 0 : i32
        %dma_start3A_171 = tpu.memref_slice %arg5[%add3A_164, %dma_start3A_170] : memref<48x128xi32, #tpu.memory_space<vmem>> -> memref<1x128xi32, #tpu.memory_space<vmem>>
        %dma_start3A_172 = tpu.memref_squeeze %dma_start3A_171 : memref<1x128xi32, #tpu.memory_space<vmem>> -> memref<128xi32, #tpu.memory_space<vmem>>
        %dma_start3A_173 = arith.constant 0 : i32
        %dma_start3A_174 = arith.constant 0 : i32
        %dma_start3A_175 = tpu.memref_slice %arg2[%dma_start3A_173, %dma_start3A_174] : memref<40960x256xf32, #tpu.memory_space<hbm>> -> memref<40960x256xf32, #tpu.memory_space<hbm>>
        tpu.enqueue_indirect_dma source(%dma_start3A_175 : memref<40960x256xf32, #tpu.memory_space<hbm>>) target(%dma_start3A_169 : memref<128x256xf32, #tpu.memory_space<vmem>>) offsets(%dma_start3A_172 : memref<128xi32, #tpu.memory_space<vmem>>) semaphore(%arg9 : memref<!tpu.dma_semaphore, #tpu.memory_space<semaphore_mem>>)
      } else {
      }
    }
    %scan3A_30 = arith.constant 24 : i32
    %dma_wait3A = arith.constant 0 : i32
    %dma_wait3A_31 = arith.constant 0 : i32
    %dma_wait3A_32 = arith.constant 0 : i32
    %dma_wait3A_33 = tpu.memref_slice %arg7[%dma_wait3A, %dma_wait3A_31, %dma_wait3A_32] : memref<2x32x256xf32, #tpu.memory_space<vmem>> -> memref<1x32x256xf32, #tpu.memory_space<vmem>>
    %dma_wait3A_34 = tpu.memref_squeeze %dma_wait3A_33 : memref<1x32x256xf32, #tpu.memory_space<vmem>> -> memref<32x256xf32, #tpu.memory_space<vmem>>
    %dma_wait3A_35 = arith.constant 0 : i32
    %dma_wait3A_36 = arith.constant 0 : i32
    %dma_wait3A_37 = tpu.memref_slice %arg4[%dma_wait3A_35, %dma_wait3A_36] : memref<49152x256xf32, #tpu.memory_space<hbm>> -> memref<32x256xf32, #tpu.memory_space<hbm>>
    %dma_wait3A_38 = arith.constant 0 : i32
    %dma_wait3A_39 = arith.constant 0 : i32
    %dma_wait3A_40 = tpu.memref_slice %arg4[%dma_wait3A_38, %dma_wait3A_39] : memref<49152x256xf32, #tpu.memory_space<hbm>> -> memref<32x256xf32, #tpu.memory_space<hbm>>
    %dma_wait3A_41 = arith.constant 0 : i32
    %dma_wait3A_42 = arith.constant 0 : i32
    %dma_wait3A_43 = tpu.memref_slice %arg7[%dma_wait3A, %dma_wait3A_41, %dma_wait3A_42] : memref<2x32x256xf32, #tpu.memory_space<vmem>> -> memref<1x32x256xf32, #tpu.memory_space<vmem>>
    %dma_wait3A_44 = tpu.memref_squeeze %dma_wait3A_43 : memref<1x32x256xf32, #tpu.memory_space<vmem>> -> memref<32x256xf32, #tpu.memory_space<vmem>>
    tpu.wait_dma2 semaphore(%arg10 : memref<!tpu.dma_semaphore, #tpu.memory_space<semaphore_mem>>) src(%dma_wait3A_44 : memref<32x256xf32, #tpu.memory_space<vmem>>) dst(%dma_wait3A_40 : memref<32x256xf32, #tpu.memory_space<hbm>>)
    %dma_wait3A_45 = arith.constant 1 : i32
    %dma_wait3A_46 = arith.constant 0 : i32
    %dma_wait3A_47 = arith.constant 0 : i32
    %dma_wait3A_48 = tpu.memref_slice %arg7[%dma_wait3A_45, %dma_wait3A_46, %dma_wait3A_47] : memref<2x32x256xf32, #tpu.memory_space<vmem>> -> memref<1x32x256xf32, #tpu.memory_space<vmem>>
    %dma_wait3A_49 = tpu.memref_squeeze %dma_wait3A_48 : memref<1x32x256xf32, #tpu.memory_space<vmem>> -> memref<32x256xf32, #tpu.memory_space<vmem>>
    %dma_wait3A_50 = arith.constant 0 : i32
    %dma_wait3A_51 = arith.constant 0 : i32
    %dma_wait3A_52 = tpu.memref_slice %arg4[%dma_wait3A_50, %dma_wait3A_51] : memref<49152x256xf32, #tpu.memory_space<hbm>> -> memref<32x256xf32, #tpu.memory_space<hbm>>
    %dma_wait3A_53 = arith.constant 0 : i32
    %dma_wait3A_54 = arith.constant 0 : i32
    %dma_wait3A_55 = tpu.memref_slice %arg4[%dma_wait3A_53, %dma_wait3A_54] : memref<49152x256xf32, #tpu.memory_space<hbm>> -> memref<32x256xf32, #tpu.memory_space<hbm>>
    %dma_wait3A_56 = arith.constant 0 : i32
    %dma_wait3A_57 = arith.constant 0 : i32
    %dma_wait3A_58 = tpu.memref_slice %arg7[%dma_wait3A_45, %dma_wait3A_56, %dma_wait3A_57] : memref<2x32x256xf32, #tpu.memory_space<vmem>> -> memref<1x32x256xf32, #tpu.memory_space<vmem>>
    %dma_wait3A_59 = tpu.memref_squeeze %dma_wait3A_58 : memref<1x32x256xf32, #tpu.memory_space<vmem>> -> memref<32x256xf32, #tpu.memory_space<vmem>>
    tpu.wait_dma2 semaphore(%arg11 : memref<!tpu.dma_semaphore, #tpu.memory_space<semaphore_mem>>) src(%dma_wait3A_59 : memref<32x256xf32, #tpu.memory_space<vmem>>) dst(%dma_wait3A_55 : memref<32x256xf32, #tpu.memory_space<hbm>>)
    return
  }
}

module attributes {stable_mosaic.version = 14 : i64} {
  func.func @_table_body(%arg0: i32, %arg1: memref<2500x256xf32, #tpu.memory_space<vmem>>, %arg2: memref<2560x256xf32, #tpu.memory_space<vmem>>) attributes {dimension_semantics = [#tpu.dimension_semantics<arbitrary>], iteration_bounds = array<i64: 16>, scalar_prefetch = 0 : i64, scratch_operands = 0 : i64, tpu.core_type = #tpu.core_type<tc>, window_params = [{pipeline_mode = #tpu.pipeline_mode<synchronous>, transform_indices = @transform_0, window_bounds = array<i64: 2500, 256>}, {transform_indices = @transform_1, window_bounds = array<i64: 2560, 256>}]} {
    %get3A = arith.constant 0 : index
    %get3A_0 = arith.constant 0 : index
    %get3A_1 = vector.load %arg1[%get3A, %get3A_0] : memref<2500x256xf32, #tpu.memory_space<vmem>>, vector<2500x256xf32>
    %clamp3A = arith.constant 0 : i32
    %clamp3A_2 = arith.constant 15 : i32
    %clamp3A_3 = arith.maxsi %arg0, %clamp3A : i32
    %clamp3A_4 = arith.minsi %clamp3A_3, %clamp3A_2 : i32
    %cond3A = arith.constant 0 : i32
    %cond3A_5 = arith.cmpi ne, %clamp3A_4, %cond3A : i32
    %cond3A_6 = scf.if %cond3A_5 -> (vector<2500x256xf32>) {
      %cond3A_13 = arith.constant 1 : i32
      %cond3A_14 = arith.subi %clamp3A_4, %cond3A_13 : i32
      %cond3A_15 = arith.constant 0 : i32
      %cond3A_16 = arith.cmpi ne, %cond3A_14, %cond3A_15 : i32
      %cond3A_17 = scf.if %cond3A_16 -> (vector<2500x256xf32>) {
        %cond3A_18 = arith.constant 1 : i32
        %cond3A_19 = arith.subi %cond3A_14, %cond3A_18 : i32
        %cond3A_20 = arith.constant 0 : i32
        %cond3A_21 = arith.cmpi ne, %cond3A_19, %cond3A_20 : i32
        %cond3A_22 = scf.if %cond3A_21 -> (vector<2500x256xf32>) {
          %cond3A_23 = arith.constant 1 : i32
          %cond3A_24 = arith.subi %cond3A_19, %cond3A_23 : i32
          %cond3A_25 = arith.constant 0 : i32
          %cond3A_26 = arith.cmpi ne, %cond3A_24, %cond3A_25 : i32
          %cond3A_27 = scf.if %cond3A_26 -> (vector<2500x256xf32>) {
            %cond3A_28 = arith.constant 1 : i32
            %cond3A_29 = arith.subi %cond3A_24, %cond3A_28 : i32
            %cond3A_30 = arith.constant 0 : i32
            %cond3A_31 = arith.cmpi ne, %cond3A_29, %cond3A_30 : i32
            %cond3A_32 = scf.if %cond3A_31 -> (vector<2500x256xf32>) {
              %cond3A_33 = arith.constant 1 : i32
              %cond3A_34 = arith.subi %cond3A_29, %cond3A_33 : i32
              %cond3A_35 = arith.constant 0 : i32
              %cond3A_36 = arith.cmpi ne, %cond3A_34, %cond3A_35 : i32
              %cond3A_37 = scf.if %cond3A_36 -> (vector<2500x256xf32>) {
                %cond3A_38 = arith.constant 1 : i32
                %cond3A_39 = arith.subi %cond3A_34, %cond3A_38 : i32
                %cond3A_40 = arith.constant 0 : i32
                %cond3A_41 = arith.cmpi ne, %cond3A_39, %cond3A_40 : i32
                %cond3A_42 = scf.if %cond3A_41 -> (vector<2500x256xf32>) {
                  %cond3A_43 = arith.constant 1 : i32
                  %cond3A_44 = arith.subi %cond3A_39, %cond3A_43 : i32
                  %cond3A_45 = arith.constant 0 : i32
                  %cond3A_46 = arith.cmpi ne, %cond3A_44, %cond3A_45 : i32
                  %cond3A_47 = scf.if %cond3A_46 -> (vector<2500x256xf32>) {
                    %cond3A_48 = arith.constant 1 : i32
                    %cond3A_49 = arith.subi %cond3A_44, %cond3A_48 : i32
                    %cond3A_50 = arith.constant 0 : i32
                    %cond3A_51 = arith.cmpi ne, %cond3A_49, %cond3A_50 : i32
                    %cond3A_52 = scf.if %cond3A_51 -> (vector<2500x256xf32>) {
                      %cond3A_53 = arith.constant 1 : i32
                      %cond3A_54 = arith.subi %cond3A_49, %cond3A_53 : i32
                      %cond3A_55 = arith.constant 0 : i32
                      %cond3A_56 = arith.cmpi ne, %cond3A_54, %cond3A_55 : i32
                      %cond3A_57 = scf.if %cond3A_56 -> (vector<2500x256xf32>) {
                        %cond3A_58 = arith.constant 1 : i32
                        %cond3A_59 = arith.subi %cond3A_54, %cond3A_58 : i32
                        %cond3A_60 = arith.constant 0 : i32
                        %cond3A_61 = arith.cmpi ne, %cond3A_59, %cond3A_60 : i32
                        %cond3A_62 = scf.if %cond3A_61 -> (vector<2500x256xf32>) {
                          %cond3A_63 = arith.constant 1 : i32
                          %cond3A_64 = arith.subi %cond3A_59, %cond3A_63 : i32
                          %cond3A_65 = arith.constant 0 : i32
                          %cond3A_66 = arith.cmpi ne, %cond3A_64, %cond3A_65 : i32
                          %cond3A_67 = scf.if %cond3A_66 -> (vector<2500x256xf32>) {
                            %cond3A_68 = arith.constant 1 : i32
                            %cond3A_69 = arith.subi %cond3A_64, %cond3A_68 : i32
                            %cond3A_70 = arith.constant 0 : i32
                            %cond3A_71 = arith.cmpi ne, %cond3A_69, %cond3A_70 : i32
                            %cond3A_72 = scf.if %cond3A_71 -> (vector<2500x256xf32>) {
                              %cond3A_73 = arith.constant 1 : i32
                              %cond3A_74 = arith.subi %cond3A_69, %cond3A_73 : i32
                              %cond3A_75 = arith.constant 0 : i32
                              %cond3A_76 = arith.cmpi ne, %cond3A_74, %cond3A_75 : i32
                              %cond3A_77 = scf.if %cond3A_76 -> (vector<2500x256xf32>) {
                                %cond3A_78 = arith.constant 1 : i32
                                %cond3A_79 = arith.subi %cond3A_74, %cond3A_78 : i32
                                %cond3A_80 = arith.constant 0 : i32
                                %cond3A_81 = arith.cmpi ne, %cond3A_79, %cond3A_80 : i32
                                %cond3A_82 = scf.if %cond3A_81 -> (vector<2500x256xf32>) {
                                  %slice3A = vector.extract_strided_slice %get3A_1 {offsets = [50, 0], sizes = [2450, 256], strides = [1, 1]} : vector<2500x256xf32> to vector<2450x256xf32>
                                  %slice3A_83 = vector.extract_strided_slice %get3A_1 {offsets = [0, 0], sizes = [50, 256], strides = [1, 1]} : vector<2500x256xf32> to vector<50x256xf32>
                                  %concatenate3A = tpu.concatenate %slice3A, %slice3A_83 in 0 : vector<2450x256xf32>, vector<50x256xf32> -> vector<2500x256xf32>
                                  %max3A = arith.maximumf %get3A_1, %concatenate3A : vector<2500x256xf32>
                                  %slice3A_84 = vector.extract_strided_slice %max3A {offsets = [100, 0], sizes = [2400, 256], strides = [1, 1]} : vector<2500x256xf32> to vector<2400x256xf32>
                                  %slice3A_85 = vector.extract_strided_slice %max3A {offsets = [0, 0], sizes = [100, 256], strides = [1, 1]} : vector<2500x256xf32> to vector<100x256xf32>
                                  %concatenate3A_86 = tpu.concatenate %slice3A_84, %slice3A_85 in 0 : vector<2400x256xf32>, vector<100x256xf32> -> vector<2500x256xf32>
                                  %max3A_87 = arith.maximumf %max3A, %concatenate3A_86 : vector<2500x256xf32>
                                  %slice3A_88 = vector.extract_strided_slice %max3A_87 {offsets = [200, 0], sizes = [2300, 256], strides = [1, 1]} : vector<2500x256xf32> to vector<2300x256xf32>
                                  %slice3A_89 = vector.extract_strided_slice %max3A_87 {offsets = [0, 0], sizes = [200, 256], strides = [1, 1]} : vector<2500x256xf32> to vector<200x256xf32>
                                  %concatenate3A_90 = tpu.concatenate %slice3A_88, %slice3A_89 in 0 : vector<2300x256xf32>, vector<200x256xf32> -> vector<2500x256xf32>
                                  %max3A_91 = arith.maximumf %max3A_87, %concatenate3A_90 : vector<2500x256xf32>
                                  %slice3A_92 = vector.extract_strided_slice %max3A_91 {offsets = [1, 0], sizes = [2499, 256], strides = [1, 1]} : vector<2500x256xf32> to vector<2499x256xf32>
                                  %slice3A_93 = vector.extract_strided_slice %max3A_91 {offsets = [0, 0], sizes = [1, 256], strides = [1, 1]} : vector<2500x256xf32> to vector<1x256xf32>
                                  %concatenate3A_94 = tpu.concatenate %slice3A_92, %slice3A_93 in 0 : vector<2499x256xf32>, vector<1x256xf32> -> vector<2500x256xf32>
                                  %max3A_95 = arith.maximumf %max3A_91, %concatenate3A_94 : vector<2500x256xf32>
                                  %slice3A_96 = vector.extract_strided_slice %max3A_95 {offsets = [2, 0], sizes = [2498, 256], strides = [1, 1]} : vector<2500x256xf32> to vector<2498x256xf32>
                                  %slice3A_97 = vector.extract_strided_slice %max3A_95 {offsets = [0, 0], sizes = [2, 256], strides = [1, 1]} : vector<2500x256xf32> to vector<2x256xf32>
                                  %concatenate3A_98 = tpu.concatenate %slice3A_96, %slice3A_97 in 0 : vector<2498x256xf32>, vector<2x256xf32> -> vector<2500x256xf32>
                                  %max3A_99 = arith.maximumf %max3A_95, %concatenate3A_98 : vector<2500x256xf32>
                                  %slice3A_100 = vector.extract_strided_slice %max3A_99 {offsets = [4, 0], sizes = [2496, 256], strides = [1, 1]} : vector<2500x256xf32> to vector<2496x256xf32>
                                  %slice3A_101 = vector.extract_strided_slice %max3A_99 {offsets = [0, 0], sizes = [4, 256], strides = [1, 1]} : vector<2500x256xf32> to vector<4x256xf32>
                                  %concatenate3A_102 = tpu.concatenate %slice3A_100, %slice3A_101 in 0 : vector<2496x256xf32>, vector<4x256xf32> -> vector<2500x256xf32>
                                  %max3A_103 = arith.maximumf %max3A_99, %concatenate3A_102 : vector<2500x256xf32>
                                  scf.yield %max3A_103 : vector<2500x256xf32>
                                } else {
                                  %slice3A = vector.extract_strided_slice %get3A_1 {offsets = [50, 0], sizes = [2450, 256], strides = [1, 1]} : vector<2500x256xf32> to vector<2450x256xf32>
                                  %slice3A_83 = vector.extract_strided_slice %get3A_1 {offsets = [0, 0], sizes = [50, 256], strides = [1, 1]} : vector<2500x256xf32> to vector<50x256xf32>
                                  %concatenate3A = tpu.concatenate %slice3A, %slice3A_83 in 0 : vector<2450x256xf32>, vector<50x256xf32> -> vector<2500x256xf32>
                                  %max3A = arith.maximumf %get3A_1, %concatenate3A : vector<2500x256xf32>
                                  %slice3A_84 = vector.extract_strided_slice %max3A {offsets = [100, 0], sizes = [2400, 256], strides = [1, 1]} : vector<2500x256xf32> to vector<2400x256xf32>
                                  %slice3A_85 = vector.extract_strided_slice %max3A {offsets = [0, 0], sizes = [100, 256], strides = [1, 1]} : vector<2500x256xf32> to vector<100x256xf32>
                                  %concatenate3A_86 = tpu.concatenate %slice3A_84, %slice3A_85 in 0 : vector<2400x256xf32>, vector<100x256xf32> -> vector<2500x256xf32>
                                  %max3A_87 = arith.maximumf %max3A, %concatenate3A_86 : vector<2500x256xf32>
                                  %slice3A_88 = vector.extract_strided_slice %max3A_87 {offsets = [200, 0], sizes = [2300, 256], strides = [1, 1]} : vector<2500x256xf32> to vector<2300x256xf32>
                                  %slice3A_89 = vector.extract_strided_slice %max3A_87 {offsets = [0, 0], sizes = [200, 256], strides = [1, 1]} : vector<2500x256xf32> to vector<200x256xf32>
                                  %concatenate3A_90 = tpu.concatenate %slice3A_88, %slice3A_89 in 0 : vector<2300x256xf32>, vector<200x256xf32> -> vector<2500x256xf32>
                                  %max3A_91 = arith.maximumf %max3A_87, %concatenate3A_90 : vector<2500x256xf32>
                                  %slice3A_92 = vector.extract_strided_slice %max3A_91 {offsets = [1, 0], sizes = [2499, 256], strides = [1, 1]} : vector<2500x256xf32> to vector<2499x256xf32>
                                  %slice3A_93 = vector.extract_strided_slice %max3A_91 {offsets = [0, 0], sizes = [1, 256], strides = [1, 1]} : vector<2500x256xf32> to vector<1x256xf32>
                                  %concatenate3A_94 = tpu.concatenate %slice3A_92, %slice3A_93 in 0 : vector<2499x256xf32>, vector<1x256xf32> -> vector<2500x256xf32>
                                  %max3A_95 = arith.maximumf %max3A_91, %concatenate3A_94 : vector<2500x256xf32>
                                  %slice3A_96 = vector.extract_strided_slice %max3A_95 {offsets = [2, 0], sizes = [2498, 256], strides = [1, 1]} : vector<2500x256xf32> to vector<2498x256xf32>
                                  %slice3A_97 = vector.extract_strided_slice %max3A_95 {offsets = [0, 0], sizes = [2, 256], strides = [1, 1]} : vector<2500x256xf32> to vector<2x256xf32>
                                  %concatenate3A_98 = tpu.concatenate %slice3A_96, %slice3A_97 in 0 : vector<2498x256xf32>, vector<2x256xf32> -> vector<2500x256xf32>
                                  %max3A_99 = arith.maximumf %max3A_95, %concatenate3A_98 : vector<2500x256xf32>
                                  scf.yield %max3A_99 : vector<2500x256xf32>
                                }
                                scf.yield %cond3A_82 : vector<2500x256xf32>
                              } else {
                                %slice3A = vector.extract_strided_slice %get3A_1 {offsets = [50, 0], sizes = [2450, 256], strides = [1, 1]} : vector<2500x256xf32> to vector<2450x256xf32>
                                %slice3A_78 = vector.extract_strided_slice %get3A_1 {offsets = [0, 0], sizes = [50, 256], strides = [1, 1]} : vector<2500x256xf32> to vector<50x256xf32>
                                %concatenate3A = tpu.concatenate %slice3A, %slice3A_78 in 0 : vector<2450x256xf32>, vector<50x256xf32> -> vector<2500x256xf32>
                                %max3A = arith.maximumf %get3A_1, %concatenate3A : vector<2500x256xf32>
                                %slice3A_79 = vector.extract_strided_slice %max3A {offsets = [100, 0], sizes = [2400, 256], strides = [1, 1]} : vector<2500x256xf32> to vector<2400x256xf32>
                                %slice3A_80 = vector.extract_strided_slice %max3A {offsets = [0, 0], sizes = [100, 256], strides = [1, 1]} : vector<2500x256xf32> to vector<100x256xf32>
                                %concatenate3A_81 = tpu.concatenate %slice3A_79, %slice3A_80 in 0 : vector<2400x256xf32>, vector<100x256xf32> -> vector<2500x256xf32>
                                %max3A_82 = arith.maximumf %max3A, %concatenate3A_81 : vector<2500x256xf32>
                                %slice3A_83 = vector.extract_strided_slice %max3A_82 {offsets = [200, 0], sizes = [2300, 256], strides = [1, 1]} : vector<2500x256xf32> to vector<2300x256xf32>
                                %slice3A_84 = vector.extract_strided_slice %max3A_82 {offsets = [0, 0], sizes = [200, 256], strides = [1, 1]} : vector<2500x256xf32> to vector<200x256xf32>
                                %concatenate3A_85 = tpu.concatenate %slice3A_83, %slice3A_84 in 0 : vector<2300x256xf32>, vector<200x256xf32> -> vector<2500x256xf32>
                                %max3A_86 = arith.maximumf %max3A_82, %concatenate3A_85 : vector<2500x256xf32>
                                %slice3A_87 = vector.extract_strided_slice %max3A_86 {offsets = [1, 0], sizes = [2499, 256], strides = [1, 1]} : vector<2500x256xf32> to vector<2499x256xf32>
                                %slice3A_88 = vector.extract_strided_slice %max3A_86 {offsets = [0, 0], sizes = [1, 256], strides = [1, 1]} : vector<2500x256xf32> to vector<1x256xf32>
                                %concatenate3A_89 = tpu.concatenate %slice3A_87, %slice3A_88 in 0 : vector<2499x256xf32>, vector<1x256xf32> -> vector<2500x256xf32>
                                %max3A_90 = arith.maximumf %max3A_86, %concatenate3A_89 : vector<2500x256xf32>
                                scf.yield %max3A_90 : vector<2500x256xf32>
                              }
                              scf.yield %cond3A_77 : vector<2500x256xf32>
                            } else {
                              %slice3A = vector.extract_strided_slice %get3A_1 {offsets = [50, 0], sizes = [2450, 256], strides = [1, 1]} : vector<2500x256xf32> to vector<2450x256xf32>
                              %slice3A_73 = vector.extract_strided_slice %get3A_1 {offsets = [0, 0], sizes = [50, 256], strides = [1, 1]} : vector<2500x256xf32> to vector<50x256xf32>
                              %concatenate3A = tpu.concatenate %slice3A, %slice3A_73 in 0 : vector<2450x256xf32>, vector<50x256xf32> -> vector<2500x256xf32>
                              %max3A = arith.maximumf %get3A_1, %concatenate3A : vector<2500x256xf32>
                              %slice3A_74 = vector.extract_strided_slice %max3A {offsets = [100, 0], sizes = [2400, 256], strides = [1, 1]} : vector<2500x256xf32> to vector<2400x256xf32>
                              %slice3A_75 = vector.extract_strided_slice %max3A {offsets = [0, 0], sizes = [100, 256], strides = [1, 1]} : vector<2500x256xf32> to vector<100x256xf32>
                              %concatenate3A_76 = tpu.concatenate %slice3A_74, %slice3A_75 in 0 : vector<2400x256xf32>, vector<100x256xf32> -> vector<2500x256xf32>
                              %max3A_77 = arith.maximumf %max3A, %concatenate3A_76 : vector<2500x256xf32>
                              %slice3A_78 = vector.extract_strided_slice %max3A_77 {offsets = [200, 0], sizes = [2300, 256], strides = [1, 1]} : vector<2500x256xf32> to vector<2300x256xf32>
                              %slice3A_79 = vector.extract_strided_slice %max3A_77 {offsets = [0, 0], sizes = [200, 256], strides = [1, 1]} : vector<2500x256xf32> to vector<200x256xf32>
                              %concatenate3A_80 = tpu.concatenate %slice3A_78, %slice3A_79 in 0 : vector<2300x256xf32>, vector<200x256xf32> -> vector<2500x256xf32>
                              %max3A_81 = arith.maximumf %max3A_77, %concatenate3A_80 : vector<2500x256xf32>
                              scf.yield %max3A_81 : vector<2500x256xf32>
                            }
                            scf.yield %cond3A_72 : vector<2500x256xf32>
                          } else {
                            %slice3A = vector.extract_strided_slice %get3A_1 {offsets = [50, 0], sizes = [2450, 256], strides = [1, 1]} : vector<2500x256xf32> to vector<2450x256xf32>
                            %slice3A_68 = vector.extract_strided_slice %get3A_1 {offsets = [0, 0], sizes = [50, 256], strides = [1, 1]} : vector<2500x256xf32> to vector<50x256xf32>
                            %concatenate3A = tpu.concatenate %slice3A, %slice3A_68 in 0 : vector<2450x256xf32>, vector<50x256xf32> -> vector<2500x256xf32>
                            %max3A = arith.maximumf %get3A_1, %concatenate3A : vector<2500x256xf32>
                            %slice3A_69 = vector.extract_strided_slice %max3A {offsets = [100, 0], sizes = [2400, 256], strides = [1, 1]} : vector<2500x256xf32> to vector<2400x256xf32>
                            %slice3A_70 = vector.extract_strided_slice %max3A {offsets = [0, 0], sizes = [100, 256], strides = [1, 1]} : vector<2500x256xf32> to vector<100x256xf32>
                            %concatenate3A_71 = tpu.concatenate %slice3A_69, %slice3A_70 in 0 : vector<2400x256xf32>, vector<100x256xf32> -> vector<2500x256xf32>
                            %max3A_72 = arith.maximumf %max3A, %concatenate3A_71 : vector<2500x256xf32>
                            %slice3A_73 = vector.extract_strided_slice %max3A_72 {offsets = [1, 0], sizes = [2499, 256], strides = [1, 1]} : vector<2500x256xf32> to vector<2499x256xf32>
                            %slice3A_74 = vector.extract_strided_slice %max3A_72 {offsets = [0, 0], sizes = [1, 256], strides = [1, 1]} : vector<2500x256xf32> to vector<1x256xf32>
                            %concatenate3A_75 = tpu.concatenate %slice3A_73, %slice3A_74 in 0 : vector<2499x256xf32>, vector<1x256xf32> -> vector<2500x256xf32>
                            %max3A_76 = arith.maximumf %max3A_72, %concatenate3A_75 : vector<2500x256xf32>
                            %slice3A_77 = vector.extract_strided_slice %max3A_76 {offsets = [2, 0], sizes = [2498, 256], strides = [1, 1]} : vector<2500x256xf32> to vector<2498x256xf32>
                            %slice3A_78 = vector.extract_strided_slice %max3A_76 {offsets = [0, 0], sizes = [2, 256], strides = [1, 1]} : vector<2500x256xf32> to vector<2x256xf32>
                            %concatenate3A_79 = tpu.concatenate %slice3A_77, %slice3A_78 in 0 : vector<2498x256xf32>, vector<2x256xf32> -> vector<2500x256xf32>
                            %max3A_80 = arith.maximumf %max3A_76, %concatenate3A_79 : vector<2500x256xf32>
                            %slice3A_81 = vector.extract_strided_slice %max3A_80 {offsets = [4, 0], sizes = [2496, 256], strides = [1, 1]} : vector<2500x256xf32> to vector<2496x256xf32>
                            %slice3A_82 = vector.extract_strided_slice %max3A_80 {offsets = [0, 0], sizes = [4, 256], strides = [1, 1]} : vector<2500x256xf32> to vector<4x256xf32>
                            %concatenate3A_83 = tpu.concatenate %slice3A_81, %slice3A_82 in 0 : vector<2496x256xf32>, vector<4x256xf32> -> vector<2500x256xf32>
                            %max3A_84 = arith.maximumf %max3A_80, %concatenate3A_83 : vector<2500x256xf32>
                            scf.yield %max3A_84 : vector<2500x256xf32>
                          }
                          scf.yield %cond3A_67 : vector<2500x256xf32>
                        } else {
                          %slice3A = vector.extract_strided_slice %get3A_1 {offsets = [50, 0], sizes = [2450, 256], strides = [1, 1]} : vector<2500x256xf32> to vector<2450x256xf32>
                          %slice3A_63 = vector.extract_strided_slice %get3A_1 {offsets = [0, 0], sizes = [50, 256], strides = [1, 1]} : vector<2500x256xf32> to vector<50x256xf32>
                          %concatenate3A = tpu.concatenate %slice3A, %slice3A_63 in 0 : vector<2450x256xf32>, vector<50x256xf32> -> vector<2500x256xf32>
                          %max3A = arith.maximumf %get3A_1, %concatenate3A : vector<2500x256xf32>
                          %slice3A_64 = vector.extract_strided_slice %max3A {offsets = [100, 0], sizes = [2400, 256], strides = [1, 1]} : vector<2500x256xf32> to vector<2400x256xf32>
                          %slice3A_65 = vector.extract_strided_slice %max3A {offsets = [0, 0], sizes = [100, 256], strides = [1, 1]} : vector<2500x256xf32> to vector<100x256xf32>
                          %concatenate3A_66 = tpu.concatenate %slice3A_64, %slice3A_65 in 0 : vector<2400x256xf32>, vector<100x256xf32> -> vector<2500x256xf32>
                          %max3A_67 = arith.maximumf %max3A, %concatenate3A_66 : vector<2500x256xf32>
                          %slice3A_68 = vector.extract_strided_slice %max3A_67 {offsets = [1, 0], sizes = [2499, 256], strides = [1, 1]} : vector<2500x256xf32> to vector<2499x256xf32>
                          %slice3A_69 = vector.extract_strided_slice %max3A_67 {offsets = [0, 0], sizes = [1, 256], strides = [1, 1]} : vector<2500x256xf32> to vector<1x256xf32>
                          %concatenate3A_70 = tpu.concatenate %slice3A_68, %slice3A_69 in 0 : vector<2499x256xf32>, vector<1x256xf32> -> vector<2500x256xf32>
                          %max3A_71 = arith.maximumf %max3A_67, %concatenate3A_70 : vector<2500x256xf32>
                          %slice3A_72 = vector.extract_strided_slice %max3A_71 {offsets = [2, 0], sizes = [2498, 256], strides = [1, 1]} : vector<2500x256xf32> to vector<2498x256xf32>
                          %slice3A_73 = vector.extract_strided_slice %max3A_71 {offsets = [0, 0], sizes = [2, 256], strides = [1, 1]} : vector<2500x256xf32> to vector<2x256xf32>
                          %concatenate3A_74 = tpu.concatenate %slice3A_72, %slice3A_73 in 0 : vector<2498x256xf32>, vector<2x256xf32> -> vector<2500x256xf32>
                          %max3A_75 = arith.maximumf %max3A_71, %concatenate3A_74 : vector<2500x256xf32>
                          scf.yield %max3A_75 : vector<2500x256xf32>
                        }
                        scf.yield %cond3A_62 : vector<2500x256xf32>
                      } else {
                        %slice3A = vector.extract_strided_slice %get3A_1 {offsets = [50, 0], sizes = [2450, 256], strides = [1, 1]} : vector<2500x256xf32> to vector<2450x256xf32>
                        %slice3A_58 = vector.extract_strided_slice %get3A_1 {offsets = [0, 0], sizes = [50, 256], strides = [1, 1]} : vector<2500x256xf32> to vector<50x256xf32>
                        %concatenate3A = tpu.concatenate %slice3A, %slice3A_58 in 0 : vector<2450x256xf32>, vector<50x256xf32> -> vector<2500x256xf32>
                        %max3A = arith.maximumf %get3A_1, %concatenate3A : vector<2500x256xf32>
                        %slice3A_59 = vector.extract_strided_slice %max3A {offsets = [100, 0], sizes = [2400, 256], strides = [1, 1]} : vector<2500x256xf32> to vector<2400x256xf32>
                        %slice3A_60 = vector.extract_strided_slice %max3A {offsets = [0, 0], sizes = [100, 256], strides = [1, 1]} : vector<2500x256xf32> to vector<100x256xf32>
                        %concatenate3A_61 = tpu.concatenate %slice3A_59, %slice3A_60 in 0 : vector<2400x256xf32>, vector<100x256xf32> -> vector<2500x256xf32>
                        %max3A_62 = arith.maximumf %max3A, %concatenate3A_61 : vector<2500x256xf32>
                        %slice3A_63 = vector.extract_strided_slice %max3A_62 {offsets = [1, 0], sizes = [2499, 256], strides = [1, 1]} : vector<2500x256xf32> to vector<2499x256xf32>
                        %slice3A_64 = vector.extract_strided_slice %max3A_62 {offsets = [0, 0], sizes = [1, 256], strides = [1, 1]} : vector<2500x256xf32> to vector<1x256xf32>
                        %concatenate3A_65 = tpu.concatenate %slice3A_63, %slice3A_64 in 0 : vector<2499x256xf32>, vector<1x256xf32> -> vector<2500x256xf32>
                        %max3A_66 = arith.maximumf %max3A_62, %concatenate3A_65 : vector<2500x256xf32>
                        scf.yield %max3A_66 : vector<2500x256xf32>
                      }
                      scf.yield %cond3A_57 : vector<2500x256xf32>
                    } else {
                      %slice3A = vector.extract_strided_slice %get3A_1 {offsets = [50, 0], sizes = [2450, 256], strides = [1, 1]} : vector<2500x256xf32> to vector<2450x256xf32>
                      %slice3A_53 = vector.extract_strided_slice %get3A_1 {offsets = [0, 0], sizes = [50, 256], strides = [1, 1]} : vector<2500x256xf32> to vector<50x256xf32>
                      %concatenate3A = tpu.concatenate %slice3A, %slice3A_53 in 0 : vector<2450x256xf32>, vector<50x256xf32> -> vector<2500x256xf32>
                      %max3A = arith.maximumf %get3A_1, %concatenate3A : vector<2500x256xf32>
                      %slice3A_54 = vector.extract_strided_slice %max3A {offsets = [100, 0], sizes = [2400, 256], strides = [1, 1]} : vector<2500x256xf32> to vector<2400x256xf32>
                      %slice3A_55 = vector.extract_strided_slice %max3A {offsets = [0, 0], sizes = [100, 256], strides = [1, 1]} : vector<2500x256xf32> to vector<100x256xf32>
                      %concatenate3A_56 = tpu.concatenate %slice3A_54, %slice3A_55 in 0 : vector<2400x256xf32>, vector<100x256xf32> -> vector<2500x256xf32>
                      %max3A_57 = arith.maximumf %max3A, %concatenate3A_56 : vector<2500x256xf32>
                      scf.yield %max3A_57 : vector<2500x256xf32>
                    }
                    scf.yield %cond3A_52 : vector<2500x256xf32>
                  } else {
                    %slice3A = vector.extract_strided_slice %get3A_1 {offsets = [50, 0], sizes = [2450, 256], strides = [1, 1]} : vector<2500x256xf32> to vector<2450x256xf32>
                    %slice3A_48 = vector.extract_strided_slice %get3A_1 {offsets = [0, 0], sizes = [50, 256], strides = [1, 1]} : vector<2500x256xf32> to vector<50x256xf32>
                    %concatenate3A = tpu.concatenate %slice3A, %slice3A_48 in 0 : vector<2450x256xf32>, vector<50x256xf32> -> vector<2500x256xf32>
                    %max3A = arith.maximumf %get3A_1, %concatenate3A : vector<2500x256xf32>
                    %slice3A_49 = vector.extract_strided_slice %max3A {offsets = [1, 0], sizes = [2499, 256], strides = [1, 1]} : vector<2500x256xf32> to vector<2499x256xf32>
                    %slice3A_50 = vector.extract_strided_slice %max3A {offsets = [0, 0], sizes = [1, 256], strides = [1, 1]} : vector<2500x256xf32> to vector<1x256xf32>
                    %concatenate3A_51 = tpu.concatenate %slice3A_49, %slice3A_50 in 0 : vector<2499x256xf32>, vector<1x256xf32> -> vector<2500x256xf32>
                    %max3A_52 = arith.maximumf %max3A, %concatenate3A_51 : vector<2500x256xf32>
                    %slice3A_53 = vector.extract_strided_slice %max3A_52 {offsets = [2, 0], sizes = [2498, 256], strides = [1, 1]} : vector<2500x256xf32> to vector<2498x256xf32>
                    %slice3A_54 = vector.extract_strided_slice %max3A_52 {offsets = [0, 0], sizes = [2, 256], strides = [1, 1]} : vector<2500x256xf32> to vector<2x256xf32>
                    %concatenate3A_55 = tpu.concatenate %slice3A_53, %slice3A_54 in 0 : vector<2498x256xf32>, vector<2x256xf32> -> vector<2500x256xf32>
                    %max3A_56 = arith.maximumf %max3A_52, %concatenate3A_55 : vector<2500x256xf32>
                    %slice3A_57 = vector.extract_strided_slice %max3A_56 {offsets = [4, 0], sizes = [2496, 256], strides = [1, 1]} : vector<2500x256xf32> to vector<2496x256xf32>
                    %slice3A_58 = vector.extract_strided_slice %max3A_56 {offsets = [0, 0], sizes = [4, 256], strides = [1, 1]} : vector<2500x256xf32> to vector<4x256xf32>
                    %concatenate3A_59 = tpu.concatenate %slice3A_57, %slice3A_58 in 0 : vector<2496x256xf32>, vector<4x256xf32> -> vector<2500x256xf32>
                    %max3A_60 = arith.maximumf %max3A_56, %concatenate3A_59 : vector<2500x256xf32>
                    scf.yield %max3A_60 : vector<2500x256xf32>
                  }
                  scf.yield %cond3A_47 : vector<2500x256xf32>
                } else {
                  %slice3A = vector.extract_strided_slice %get3A_1 {offsets = [50, 0], sizes = [2450, 256], strides = [1, 1]} : vector<2500x256xf32> to vector<2450x256xf32>
                  %slice3A_43 = vector.extract_strided_slice %get3A_1 {offsets = [0, 0], sizes = [50, 256], strides = [1, 1]} : vector<2500x256xf32> to vector<50x256xf32>
                  %concatenate3A = tpu.concatenate %slice3A, %slice3A_43 in 0 : vector<2450x256xf32>, vector<50x256xf32> -> vector<2500x256xf32>
                  %max3A = arith.maximumf %get3A_1, %concatenate3A : vector<2500x256xf32>
                  %slice3A_44 = vector.extract_strided_slice %max3A {offsets = [1, 0], sizes = [2499, 256], strides = [1, 1]} : vector<2500x256xf32> to vector<2499x256xf32>
                  %slice3A_45 = vector.extract_strided_slice %max3A {offsets = [0, 0], sizes = [1, 256], strides = [1, 1]} : vector<2500x256xf32> to vector<1x256xf32>
                  %concatenate3A_46 = tpu.concatenate %slice3A_44, %slice3A_45 in 0 : vector<2499x256xf32>, vector<1x256xf32> -> vector<2500x256xf32>
                  %max3A_47 = arith.maximumf %max3A, %concatenate3A_46 : vector<2500x256xf32>
                  %slice3A_48 = vector.extract_strided_slice %max3A_47 {offsets = [2, 0], sizes = [2498, 256], strides = [1, 1]} : vector<2500x256xf32> to vector<2498x256xf32>
                  %slice3A_49 = vector.extract_strided_slice %max3A_47 {offsets = [0, 0], sizes = [2, 256], strides = [1, 1]} : vector<2500x256xf32> to vector<2x256xf32>
                  %concatenate3A_50 = tpu.concatenate %slice3A_48, %slice3A_49 in 0 : vector<2498x256xf32>, vector<2x256xf32> -> vector<2500x256xf32>
                  %max3A_51 = arith.maximumf %max3A_47, %concatenate3A_50 : vector<2500x256xf32>
                  scf.yield %max3A_51 : vector<2500x256xf32>
                }
                scf.yield %cond3A_42 : vector<2500x256xf32>
              } else {
                %slice3A = vector.extract_strided_slice %get3A_1 {offsets = [50, 0], sizes = [2450, 256], strides = [1, 1]} : vector<2500x256xf32> to vector<2450x256xf32>
                %slice3A_38 = vector.extract_strided_slice %get3A_1 {offsets = [0, 0], sizes = [50, 256], strides = [1, 1]} : vector<2500x256xf32> to vector<50x256xf32>
                %concatenate3A = tpu.concatenate %slice3A, %slice3A_38 in 0 : vector<2450x256xf32>, vector<50x256xf32> -> vector<2500x256xf32>
                %max3A = arith.maximumf %get3A_1, %concatenate3A : vector<2500x256xf32>
                %slice3A_39 = vector.extract_strided_slice %max3A {offsets = [1, 0], sizes = [2499, 256], strides = [1, 1]} : vector<2500x256xf32> to vector<2499x256xf32>
                %slice3A_40 = vector.extract_strided_slice %max3A {offsets = [0, 0], sizes = [1, 256], strides = [1, 1]} : vector<2500x256xf32> to vector<1x256xf32>
                %concatenate3A_41 = tpu.concatenate %slice3A_39, %slice3A_40 in 0 : vector<2499x256xf32>, vector<1x256xf32> -> vector<2500x256xf32>
                %max3A_42 = arith.maximumf %max3A, %concatenate3A_41 : vector<2500x256xf32>
                scf.yield %max3A_42 : vector<2500x256xf32>
              }
              scf.yield %cond3A_37 : vector<2500x256xf32>
            } else {
              %slice3A = vector.extract_strided_slice %get3A_1 {offsets = [50, 0], sizes = [2450, 256], strides = [1, 1]} : vector<2500x256xf32> to vector<2450x256xf32>
              %slice3A_33 = vector.extract_strided_slice %get3A_1 {offsets = [0, 0], sizes = [50, 256], strides = [1, 1]} : vector<2500x256xf32> to vector<50x256xf32>
              %concatenate3A = tpu.concatenate %slice3A, %slice3A_33 in 0 : vector<2450x256xf32>, vector<50x256xf32> -> vector<2500x256xf32>
              %max3A = arith.maximumf %get3A_1, %concatenate3A : vector<2500x256xf32>
              scf.yield %max3A : vector<2500x256xf32>
            }
            scf.yield %cond3A_32 : vector<2500x256xf32>
          } else {
            %slice3A = vector.extract_strided_slice %get3A_1 {offsets = [1, 0], sizes = [2499, 256], strides = [1, 1]} : vector<2500x256xf32> to vector<2499x256xf32>
            %slice3A_28 = vector.extract_strided_slice %get3A_1 {offsets = [0, 0], sizes = [1, 256], strides = [1, 1]} : vector<2500x256xf32> to vector<1x256xf32>
            %concatenate3A = tpu.concatenate %slice3A, %slice3A_28 in 0 : vector<2499x256xf32>, vector<1x256xf32> -> vector<2500x256xf32>
            %max3A = arith.maximumf %get3A_1, %concatenate3A : vector<2500x256xf32>
            %slice3A_29 = vector.extract_strided_slice %max3A {offsets = [2, 0], sizes = [2498, 256], strides = [1, 1]} : vector<2500x256xf32> to vector<2498x256xf32>
            %slice3A_30 = vector.extract_strided_slice %max3A {offsets = [0, 0], sizes = [2, 256], strides = [1, 1]} : vector<2500x256xf32> to vector<2x256xf32>
            %concatenate3A_31 = tpu.concatenate %slice3A_29, %slice3A_30 in 0 : vector<2498x256xf32>, vector<2x256xf32> -> vector<2500x256xf32>
            %max3A_32 = arith.maximumf %max3A, %concatenate3A_31 : vector<2500x256xf32>
            %slice3A_33 = vector.extract_strided_slice %max3A_32 {offsets = [4, 0], sizes = [2496, 256], strides = [1, 1]} : vector<2500x256xf32> to vector<2496x256xf32>
            %slice3A_34 = vector.extract_strided_slice %max3A_32 {offsets = [0, 0], sizes = [4, 256], strides = [1, 1]} : vector<2500x256xf32> to vector<4x256xf32>
            %concatenate3A_35 = tpu.concatenate %slice3A_33, %slice3A_34 in 0 : vector<2496x256xf32>, vector<4x256xf32> -> vector<2500x256xf32>
            %max3A_36 = arith.maximumf %max3A_32, %concatenate3A_35 : vector<2500x256xf32>
            scf.yield %max3A_36 : vector<2500x256xf32>
          }
          scf.yield %cond3A_27 : vector<2500x256xf32>
        } else {
          %slice3A = vector.extract_strided_slice %get3A_1 {offsets = [1, 0], sizes = [2499, 256], strides = [1, 1]} : vector<2500x256xf32> to vector<2499x256xf32>
          %slice3A_23 = vector.extract_strided_slice %get3A_1 {offsets = [0, 0], sizes = [1, 256], strides = [1, 1]} : vector<2500x256xf32> to vector<1x256xf32>
          %concatenate3A = tpu.concatenate %slice3A, %slice3A_23 in 0 : vector<2499x256xf32>, vector<1x256xf32> -> vector<2500x256xf32>
          %max3A = arith.maximumf %get3A_1, %concatenate3A : vector<2500x256xf32>
          %slice3A_24 = vector.extract_strided_slice %max3A {offsets = [2, 0], sizes = [2498, 256], strides = [1, 1]} : vector<2500x256xf32> to vector<2498x256xf32>
          %slice3A_25 = vector.extract_strided_slice %max3A {offsets = [0, 0], sizes = [2, 256], strides = [1, 1]} : vector<2500x256xf32> to vector<2x256xf32>
          %concatenate3A_26 = tpu.concatenate %slice3A_24, %slice3A_25 in 0 : vector<2498x256xf32>, vector<2x256xf32> -> vector<2500x256xf32>
          %max3A_27 = arith.maximumf %max3A, %concatenate3A_26 : vector<2500x256xf32>
          scf.yield %max3A_27 : vector<2500x256xf32>
        }
        scf.yield %cond3A_22 : vector<2500x256xf32>
      } else {
        %slice3A = vector.extract_strided_slice %get3A_1 {offsets = [1, 0], sizes = [2499, 256], strides = [1, 1]} : vector<2500x256xf32> to vector<2499x256xf32>
        %slice3A_18 = vector.extract_strided_slice %get3A_1 {offsets = [0, 0], sizes = [1, 256], strides = [1, 1]} : vector<2500x256xf32> to vector<1x256xf32>
        %concatenate3A = tpu.concatenate %slice3A, %slice3A_18 in 0 : vector<2499x256xf32>, vector<1x256xf32> -> vector<2500x256xf32>
        %max3A = arith.maximumf %get3A_1, %concatenate3A : vector<2500x256xf32>
        scf.yield %max3A : vector<2500x256xf32>
      }
      scf.yield %cond3A_17 : vector<2500x256xf32>
    } else {
      scf.yield %get3A_1 : vector<2500x256xf32>
    }
    %swap3A = arith.constant 0 : index
    %swap3A_7 = arith.constant 0 : index
    %swap3A_8 = vector.load %arg2[%swap3A, %swap3A_7] : memref<2560x256xf32, #tpu.memory_space<vmem>>, vector<2500x256xf32>
    tpu.vector_store %arg2[%swap3A, %swap3A_7], %cond3A_6 {strides = array<i32>} : memref<2560x256xf32, #tpu.memory_space<vmem>>, vector<2500x256xf32>,
    %broadcast_in_dim3A = arith.constant 0.000000e+00 : f32
    %broadcast_in_dim3A_9 = vector.broadcast %broadcast_in_dim3A : f32 to vector<60x256xf32>
    %swap3A_10 = arith.constant 2500 : index
    %swap3A_11 = arith.constant 0 : index
    %swap3A_12 = vector.load %arg2[%swap3A_10, %swap3A_11] : memref<2560x256xf32, #tpu.memory_space<vmem>>, vector<60x256xf32>
    tpu.vector_store %arg2[%swap3A_10, %swap3A_11], %broadcast_in_dim3A_9 {strides = array<i32>} : memref<2560x256xf32, #tpu.memory_space<vmem>>, vector<60x256xf32>,
    return
  }
  func.func @transform_0(%arg0: i32) -> (i32, i32) {
    %c0_i32 = arith.constant 0 : i32
    %c0_i32_0 = arith.constant 0 : i32
    %c0_i32_1 = arith.constant 0 : i32
    return %c0_i32, %c0_i32_0 : i32, i32
  }
  func.func @transform_1(%arg0: i32) -> (i32, i32) {
    %c0_i32 = arith.constant 0 : i32
    %c0_i32_0 = arith.constant 0 : i32
    return %arg0, %c0_i32 : i32, i32
  }
}

module attributes {stable_mosaic.version = 14 : i64} {
  func.func @_fc_body(%arg0: i32, %arg1: memref<1000x256xf32, #tpu.memory_space<vmem>>, %arg2: memref<1024x256xbf16, #tpu.memory_space<vmem>>, %arg3: memref<1024x1024xf32, #tpu.memory_space<vmem>>, %arg4: memref<128x1024xf32, #tpu.memory_space<vmem>>, %arg5: memref<1x1024xf32, #tpu.memory_space<vmem>>, %arg6: memref<1x1024xf32, #tpu.memory_space<vmem>>, %arg7: memref<1x128xf32, #tpu.memory_space<vmem>>, %arg8: memref<1000x128xf32, #tpu.memory_space<vmem>>, %arg9: memref<1000x1024xf32, #tpu.memory_space<vmem>>) attributes {dimension_semantics = [#tpu.dimension_semantics<arbitrary>], iteration_bounds = array<i64: 49>, scalar_prefetch = 0 : i64, scratch_operands = 1 : i64, tpu.core_type = #tpu.core_type<tc>, window_params = [{transform_indices = @transform_0, window_bounds = array<i64: 1000, 256>}, {transform_indices = @transform_1, window_bounds = array<i64: 1024, 256>}, {pipeline_mode = #tpu.pipeline_mode<synchronous>, transform_indices = @transform_2, window_bounds = array<i64: 1024, 1024>}, {pipeline_mode = #tpu.pipeline_mode<synchronous>, transform_indices = @transform_3, window_bounds = array<i64: 128, 1024>}, {pipeline_mode = #tpu.pipeline_mode<synchronous>, transform_indices = @transform_4, window_bounds = array<i64: 1, 1024>}, {pipeline_mode = #tpu.pipeline_mode<synchronous>, transform_indices = @transform_5, window_bounds = array<i64: 1, 1024>}, {pipeline_mode = #tpu.pipeline_mode<synchronous>, transform_indices = @transform_6, window_bounds = array<i64: 1, 128>}, {pipeline_mode = #tpu.pipeline_mode<synchronous>, transform_indices = @transform_7, window_bounds = array<i64: 1000, 128>}]} {
    %get3A = arith.constant 0 : index
    %get3A_0 = arith.constant 0 : index
    %get3A_1 = vector.load %arg1[%get3A, %get3A_0] : memref<1000x256xf32, #tpu.memory_space<vmem>>, vector<1000x256xf32>
    %convert_element_type3A = arith.truncf %get3A_1 : vector<1000x256xf32> to vector<1000x256xbf16>
    %get3A_2 = arith.constant 0 : index
    %get3A_3 = arith.constant 0 : index
    %get3A_4 = vector.load %arg2[%get3A_2, %get3A_3] : memref<1024x256xbf16, #tpu.memory_space<vmem>>, vector<1024x256xbf16>
    %dot_general3A = arith.constant dense<0.000000e+00> : vector<1000x1024xf32>
    %dot_general3A_5 = tpu.matmul %convert_element_type3A, %get3A_4, %dot_general3A {dimension_numbers = #tpu.dot_dimension_numbers<[1], [1], [0], [0], [0, 0, 1, 0], [], []>, transpose_lhs_hint = false} : vector<1000x256xbf16>, vector<1024x256xbf16>, vector<1000x1024xf32> -> vector<1000x1024xf32>
    %eq3A = arith.constant 0 : i32
    %eq3A_6 = arith.cmpi eq, %arg0, %eq3A : i32
    %convert_element_type3A_7 = arith.extui %eq3A_6 : i1 to i32
    %cond3A = arith.constant 0 : i32
    %cond3A_8 = arith.cmpi ne, %convert_element_type3A_7, %cond3A : i32
    scf.if %cond3A_8 {
      %swap3A = arith.constant 0 : index
      %swap3A_18 = arith.constant 0 : index
      %swap3A_19 = vector.load %arg9[%swap3A, %swap3A_18] : memref<1000x1024xf32, #tpu.memory_space<vmem>>, vector<1000x1024xf32>
      tpu.vector_store %arg9[%swap3A, %swap3A_18], %dot_general3A_5 {strides = array<i32>} : memref<1000x1024xf32, #tpu.memory_space<vmem>>, vector<1000x1024xf32>,
    } else {
    }
    %gt3A = arith.constant 0 : i32
    %gt3A_9 = arith.cmpi sgt, %arg0, %gt3A : i32
    %convert_element_type3A_10 = arith.extui %gt3A_9 : i1 to i32
    %cond3A_11 = arith.constant 0 : i32
    %cond3A_12 = arith.cmpi ne, %convert_element_type3A_10, %cond3A_11 : i32
    scf.if %cond3A_12 {
      %get3A_18 = arith.constant 0 : index
      %get3A_19 = arith.constant 0 : index
      %get3A_20 = vector.load %arg9[%get3A_18, %get3A_19] : memref<1000x1024xf32, #tpu.memory_space<vmem>>, vector<1000x1024xf32>
      %add3A = arith.addf %get3A_20, %dot_general3A_5 : vector<1000x1024xf32>
      %swap3A = arith.constant 0 : index
      %swap3A_21 = arith.constant 0 : index
      %swap3A_22 = vector.load %arg9[%swap3A, %swap3A_21] : memref<1000x1024xf32, #tpu.memory_space<vmem>>, vector<1000x1024xf32>
      tpu.vector_store %arg9[%swap3A, %swap3A_21], %add3A {strides = array<i32>} : memref<1000x1024xf32, #tpu.memory_space<vmem>>, vector<1000x1024xf32>,
    } else {
    }
    %eq3A_13 = arith.constant 48 : i32
    %eq3A_14 = arith.cmpi eq, %arg0, %eq3A_13 : i32
    %convert_element_type3A_15 = arith.extui %eq3A_14 : i1 to i32
    %cond3A_16 = arith.constant 0 : i32
    %cond3A_17 = arith.cmpi ne, %convert_element_type3A_15, %cond3A_16 : i32
    scf.if %cond3A_17 {
      %get3A_18 = arith.constant 0 : index
      %get3A_19 = arith.constant 0 : index
      %get3A_20 = vector.load %arg9[%get3A_18, %get3A_19] : memref<1000x1024xf32, #tpu.memory_space<vmem>>, vector<1000x1024xf32>
      %get3A_21 = arith.constant 0 : index
      %get3A_22 = arith.constant 0 : index
      %get3A_23 = vector.load %arg5[%get3A_21, %get3A_22] : memref<1x1024xf32, #tpu.memory_space<vmem>>, vector<1x1024xf32>
      %add3A = vector.broadcast %get3A_23 : vector<1x1024xf32> to vector<1000x1024xf32>
      %add3A_24 = arith.addf %get3A_20, %add3A : vector<1000x1024xf32>
      %max3A = arith.constant 0.000000e+00 : f32
      %max3A_25 = vector.broadcast %max3A : f32 to vector<1000x1024xf32>
      %max3A_26 = arith.maximumf %add3A_24, %max3A_25 : vector<1000x1024xf32>
      %get3A_27 = arith.constant 0 : index
      %get3A_28 = arith.constant 0 : index
      %get3A_29 = vector.load %arg3[%get3A_27, %get3A_28] : memref<1024x1024xf32, #tpu.memory_space<vmem>>, vector<1024x1024xf32>
      %dot_general3A_30 = arith.constant dense<0.000000e+00> : vector<1000x1024xf32>
      %dot_general3A_31 = tpu.matmul %max3A_26, %get3A_29, %dot_general3A_30 {dimension_numbers = #tpu.dot_dimension_numbers<[1], [1], [0], [0], [0, 0, 1, 0], [], []>, transpose_lhs_hint = false} : vector<1000x1024xf32>, vector<1024x1024xf32>, vector<1000x1024xf32> -> vector<1000x1024xf32>
      %get3A_32 = arith.constant 0 : index
      %get3A_33 = arith.constant 0 : index
      %get3A_34 = vector.load %arg6[%get3A_32, %get3A_33] : memref<1x1024xf32, #tpu.memory_space<vmem>>, vector<1x1024xf32>
      %add3A_35 = vector.broadcast %get3A_34 : vector<1x1024xf32> to vector<1000x1024xf32>
      %add3A_36 = arith.addf %dot_general3A_31, %add3A_35 : vector<1000x1024xf32>
      %max3A_37 = arith.constant 0.000000e+00 : f32
      %max3A_38 = vector.broadcast %max3A_37 : f32 to vector<1000x1024xf32>
      %max3A_39 = arith.maximumf %add3A_36, %max3A_38 : vector<1000x1024xf32>
      %get3A_40 = arith.constant 0 : index
      %get3A_41 = arith.constant 0 : index
      %get3A_42 = vector.load %arg4[%get3A_40, %get3A_41] : memref<128x1024xf32, #tpu.memory_space<vmem>>, vector<128x1024xf32>
      %dot_general3A_43 = arith.constant dense<0.000000e+00> : vector<1000x128xf32>
      %dot_general3A_44 = tpu.matmul %max3A_39, %get3A_42, %dot_general3A_43 {dimension_numbers = #tpu.dot_dimension_numbers<[1], [1], [0], [0], [0, 0, 1, 0], [], []>, transpose_lhs_hint = false} : vector<1000x1024xf32>, vector<128x1024xf32>, vector<1000x128xf32> -> vector<1000x128xf32>
      %get3A_45 = arith.constant 0 : index
      %get3A_46 = arith.constant 0 : index
      %get3A_47 = vector.load %arg7[%get3A_45, %get3A_46] : memref<1x128xf32, #tpu.memory_space<vmem>>, vector<1x128xf32>
      %add3A_48 = vector.broadcast %get3A_47 : vector<1x128xf32> to vector<1000x128xf32>
      %add3A_49 = arith.addf %dot_general3A_44, %add3A_48 : vector<1000x128xf32>
      %swap3A = arith.constant 0 : index
      %swap3A_50 = arith.constant 0 : index
      %swap3A_51 = vector.load %arg8[%swap3A, %swap3A_50] : memref<1000x128xf32, #tpu.memory_space<vmem>>, vector<1000x128xf32>
      tpu.vector_store %arg8[%swap3A, %swap3A_50], %add3A_49 {strides = array<i32>} : memref<1000x128xf32, #tpu.memory_space<vmem>>, vector<1000x128xf32>,
    } else {
    }
    return
  }
  func.func @transform_0(%arg0: i32) -> (i32, i32) {
    %c0_i32 = arith.constant 0 : i32
    %c0_i32_0 = arith.constant 0 : i32
    return %arg0, %c0_i32 : i32, i32
  }
  func.func @transform_1(%arg0: i32) -> (i32, i32) {
    %c0_i32 = arith.constant 0 : i32
    %c0_i32_0 = arith.constant 0 : i32
    return %c0_i32, %arg0 : i32, i32
  }
  func.func @transform_2(%arg0: i32) -> (i32, i32) {
    %c0_i32 = arith.constant 0 : i32
    %c0_i32_0 = arith.constant 0 : i32
    %c0_i32_1 = arith.constant 0 : i32
    return %c0_i32, %c0_i32_0 : i32, i32
  }
  func.func @transform_3(%arg0: i32) -> (i32, i32) {
    %c0_i32 = arith.constant 0 : i32
    %c0_i32_0 = arith.constant 0 : i32
    %c0_i32_1 = arith.constant 0 : i32
    return %c0_i32, %c0_i32_0 : i32, i32
  }
  func.func @transform_4(%arg0: i32) -> (i32, i32) {
    %c0_i32 = arith.constant 0 : i32
    %c0_i32_0 = arith.constant 0 : i32
    %c0_i32_1 = arith.constant 0 : i32
    return %c0_i32, %c0_i32_0 : i32, i32
  }
  func.func @transform_5(%arg0: i32) -> (i32, i32) {
    %c0_i32 = arith.constant 0 : i32
    %c0_i32_0 = arith.constant 0 : i32
    %c0_i32_1 = arith.constant 0 : i32
    return %c0_i32, %c0_i32_0 : i32, i32
  }
  func.func @transform_6(%arg0: i32) -> (i32, i32) {
    %c0_i32 = arith.constant 0 : i32
    %c0_i32_0 = arith.constant 0 : i32
    %c0_i32_1 = arith.constant 0 : i32
    return %c0_i32, %c0_i32_0 : i32, i32
  }
  func.func @transform_7(%arg0: i32) -> (i32, i32) {
    %c0_i32 = arith.constant 0 : i32
    %c0_i32_0 = arith.constant 0 : i32
    %c0_i32_1 = arith.constant 0 : i32
    return %c0_i32, %c0_i32_0 : i32, i32
  }
}

</mosaic_0001>

<sc_bundles>
// kernel: kernel.5.cloned.1.call-start
scs
__scs_entry_jumppad:
0x0: {  	(pc) =	sbr.rel $0x88, $3  }
0x1: {  	(tag) =	ssettag $0x0;
	lr =	simm.s32 $0x1  }
0x2: {  	[smem:$0x3F96] =	sst lr;
	_ =	strace $0xD0000000  }
0x3: {  	_ = 	snop  }
0x4: {  	_ = 	snop  }
0x5: {  	_ = 	snop  }
0x6: {  	_ = 	snop  }
0x7: {  	_ = 	snop  }
__scs_overlays_trampoline_lowered:
0x8: {  	[smem:$0x3FA5] =	sst s0  }
0x9: {  	[smem:$0x3FA6] =	sst s1  }
0xa: {  	[smem:$0x3FA7] =	sst s2  }
0xb: {  	[smem:$0x3FA8] =	sst s3  }
0xc: {  	[smem:$0x3FA9] =	sst s4  }
0xd: {  	[smem:$0x3FAA] =	sst s5  }
0xe: {  	[smem:$0x3FAB] =	sst s6  }
0xf: {  	[smem:$0x3FAC] =	sst s7  }
0x10: {  	[smem:$0x3FAD] =	sst s8  }
0x11: {  	[smem:$0x3FAE] =	sst s9;
	s0 =	simm.s32 @!p0 $0x0  }
0x12: {  	s1 =	sld [smem:$0x3F94];
	s0 =	simm.s32 @p0 $0x1  }
0x13: {  	[smem:$0x3FAF] =	sst s0;
	s0 =	simm.s32 @!p1 $0x0  }
0x14: {  	s2 =	sld [smem:$0x3F93];
	s0 =	simm.s32 @p1 $0x1  }
0x15: {  	[smem:$0x3FB0] =	sst s0;
	s0 =	simm.s32 @!p2 $0x0  }
0x16: {  	s3 =	sld [smem:$0x3FDB];
	s0 =	simm.s32 @p2 $0x1  }
0x17: {  	s4 =	simm.s32 $0x1BF5;
	[smem:$0x3FB2] =	sst s0  }
0x18: {  	s0 =	sld [smem:$0x3F95];
	_ =	swait.ge [sflag:s4], $0x0  }
0x19: {  	s7 =	sld [smem:$0x3F96]  }
0x1a: {  	s8 =	sadd.s32 $0xFFFFE003, lr  }
0x1b: {  	s9 =	sadd.s32 $0xFFFFFEF7, lr;
	s5 =	simm.s32 $0xFFFFFFFF;
	p2 =	slt.u32 s8, $0xFFFFF086  }
0x1c: {  	p1 =	slt.u32 s9, $0xF7A;
	s5 =	simm.s32 @!p2 $0x0  }
0x1d: {  	s5 =	simm.s32 @p1 $0x1;
	p0 =	seq.s32 s7, s2  }
0x1e: {  	s7 =	smul.u32 @!p0 $0xF7A, s2;
	p2 =	seq.s32 @!p0 s5, $0x0  }
0x1f: {  	s9 =	smul.u32 $0xF7A, s1;
	s8 =	simm.s32 @!p0 $0x1BF5;
	p2 =	por !p2, p0  }
0x20: {  	[sflag:s8] =	ssyncset.s32 @!p0 $0xFFFFF086;
	s6 =	sadd.s32 @!p0 s3, s7;
	s7 =	simm.s32 @!p0 $0x108  }
0x21: {  	s3 =	sadd.s32 s3, s9;
	s6 =	sadd.s32 @!p0 $0x88, s6;
	s7 =	simm.s32 @p2 $0x1082  }
0x22: {  	[simem:s7], [sflag:s8] =	dma.local @!p0 [hbm:s6], $0xF7A  }
0x23: {  	s9 =	sor.u32 $0xD0000000, s2;
	s6 =	simm.s32 $0x108;
	_ =	swait.ge @!p0 [sflag:s8], $0x0  }
0x24: {  	s3 =	sadd.s32 $0x88, s3;
	s6 =	simm.s32 @!p1 $0x1082;
	[sflag:s4] =	ssyncset.s32 $0xFFFFF086  }
0x25: {  	[simem:s6], [sflag:s4] =	dma.local [hbm:s3], $0xF7A  }
0x26: {  	[smem:$0x3F96] =	sst s1;
	(tag) =	ssettag s2;
	_ =	strace s9  }
0x27: {  	s1 =	sld [smem:$0x3FA6]  }
0x28: {  	s2 =	sld [smem:$0x3FA7]  }
0x29: {  	s4 =	sld [smem:$0x3FA9]  }
0x2a: {  	p0 =	seq.s32 s5, $0x0;
	s5 =	sld [smem:$0x3FAA]  }
0x2b: {  	s6 =	sld [smem:$0x3FAB]  }
0x2c: {  	s7 =	sld [smem:$0x3FAC]  }
0x2d: {  	s3 =	simm.s32 $0x108;
	s8 =	sld [smem:$0x3FAD]  }
0x2e: {  	s3 =	simm.s32 @!p0 $0x1082;
	s9 =	sld [smem:$0x3FAE]  }
0x2f: {  	lr =	sadd.s32 s0, s3;
	s0 =	sld [smem:$0x3FA5]  }
0x30: {  	s3 =	sld [smem:$0x3FA8]  }
0x31: {  	[smem:$0x3FB1] =	sst s10  }
0x32: {  	s10 =	sld [smem:$0x3FAF];
	_ =	sdelay $0x3  }
0x33: {  	p0 =	seq.s32 s10, $0x1;
	s10 =	sld [smem:$0x3FB1];
	_ =	sdelay $0x3  }
0x34: {  	[smem:$0x3FB1] =	sst s10  }
0x35: {  	s10 =	sld [smem:$0x3FB0];
	_ =	sdelay $0x3  }
0x36: {  	p1 =	seq.s32 s10, $0x1;
	s10 =	sld [smem:$0x3FB1];
	_ =	sdelay $0x3  }
0x37: {  	[smem:$0x3FB1] =	sst s10  }
0x38: {  	s10 =	sld [smem:$0x3FB2]  }
0x39: {  	_ = 	snop;
	(pc) =	sbr.ind lr, $3  }
0x3a: {  	_ = 	snop  }
0x3b: {  	_ = 	snop  }
0x3c: {  	p2 =	seq.s32 s10, $0x1;
	s10 =	sld [smem:$0x3FB1]  }
0x3d: {  	_ =	shalt  }
0x3e: {  	_ =	shalt  }
0x3f: {  	_ =	shalt  }
0x40: {  	_ =	shalt  }
0x41: {  	_ =	shalt  }
0x42: {  	_ =	shalt  }
0x43: {  	_ =	shalt  }
0x44: {  	_ =	shalt  }
0x45: {  	_ =	shalt  }
0x46: {  	_ =	shalt  }
0x47: {  	_ =	shalt  }
0x48: {  	_ =	shalt  }
0x49: {  	_ =	shalt  }
0x4a: {  	_ =	shalt  }
0x4b: {  	_ =	shalt  }
0x4c: {  	_ =	shalt  }
0x4d: {  	_ =	shalt  }
0x4e: {  	_ =	shalt  }
0x4f: {  	_ =	shalt  }
0x50: {  	_ =	shalt  }
0x51: {  	_ =	shalt  }
0x52: {  	_ =	shalt  }
0x53: {  	_ =	shalt  }
0x54: {  	_ =	shalt  }
0x55: {  	_ =	shalt  }
0x56: {  	_ =	shalt  }
0x57: {  	_ =	shalt  }
0x58: {  	_ =	shalt  }
0x59: {  	_ =	shalt  }
0x5a: {  	_ =	shalt  }
0x5b: {  	_ =	shalt  }
0x5c: {  	_ =	shalt  }
0x5d: {  	_ =	shalt  }
0x5e: {  	_ =	shalt  }
0x5f: {  	_ =	shalt  }
0x60: {  	_ =	shalt  }
0x61: {  	_ =	shalt  }
0x62: {  	_ =	shalt  }
0x63: {  	_ =	shalt  }
0x64: {  	_ =	shalt  }
0x65: {  	_ =	shalt  }
0x66: {  	_ =	shalt  }
0x67: {  	_ =	shalt  }
0x68: {  	_ =	shalt  }
0x69: {  	_ =	shalt  }
0x6a: {  	_ =	shalt  }
0x6b: {  	_ =	shalt  }
0x6c: {  	_ =	shalt  }
0x6d: {  	_ =	shalt  }
0x6e: {  	_ =	shalt  }
0x6f: {  	_ =	shalt  }
0x70: {  	_ =	shalt  }
0x71: {  	_ =	shalt  }
0x72: {  	_ =	shalt  }
0x73: {  	_ =	shalt  }
0x74: {  	_ =	shalt  }
0x75: {  	_ =	shalt  }
0x76: {  	_ =	shalt  }
0x77: {  	_ =	shalt  }
0x78: {  	_ =	shalt  }
0x79: {  	_ =	shalt  }
0x7a: {  	_ =	shalt  }
0x7b: {  	_ =	shalt  }
0x7c: {  	_ =	shalt  }
0x7d: {  	_ =	shalt  }
0x7e: {  	_ =	shalt  }
0x7f: {  	_ =	shalt  }
0x80: {  	_ =	shalt  }
0x81: {  	_ =	shalt  }
0x82: {  	_ =	shalt  }
0x83: {  	_ =	shalt  }
0x84: {  	_ =	shalt  }
0x85: {  	_ =	shalt  }
0x86: {  	_ =	shalt  }
0x87: {  	_ =	shalt  }
.Lfunc_end0:
.L_simem_size_0:
called_computation_lowered:
.L_overlay_start_0:
0x88: {  	s2 =	sld [smem:$0x3FD9]  }
0x89: {  	s3 =	sld [smem:$0x3FFE];
	_ =	sdelay $0x1  }
0x8a: {  	s1 =	srdreg.scid  }
0x8b: {  	s0 =	sand.u32 $0x1, s1  }
0x8c: {  	s16 =	sshll.u32 s0, $0xA;
	s2 =	sadd.s32 s3, s2  }
0x8d: {  	s2 =	sadd.s32 s2, s16  }
0x8e: {  	[smem:$0x3FBD] =	sst s2  }
0x8f: {  	_ = 	snop  }
0x90: {  	(tm) =	ssettm $0x1  }
0x91: {  	s17 =	sld [smem:$0x3FFB];
	_ =	sdelay $0x3  }
0x92: {  	_ =	strace s17  }
0x93: {  	s2 =	sld [smem:$0x3FFC];
	_ =	sdelay $0x3  }
0x94: {  	_ =	strace s2  }
0x95: {  	s2 =	sld [smem:$0x3FFD];
	_ =	sdelay $0x3  }
0x96: {  	_ =	strace s2  }
0x97: {  	_ =	strace $0x8FFFFFFF  }
0x98: {  	s18 =	sld [smem:$0x3FDB];
	_ =	sdelay $0x1  }
0x99: {  	s19 =	simm.s32 $_scs_section_size  }
0x9a: {  	s4 =	simm.s32 $_size__tile_overlayer_lowered;
	s5 =	simm.s32 $_tile_overlayer_lowered  }
0x9b: {  	s22 =	simm.s32 $0x1BFF;
	s21 =	sshll.u32 s5, $0x1;
	s2 =	sadd.s32 s19, s18  }
0x9c: {  	s6 =	simm.s32 $0x0;
	s20 =	sshll.u32 s4, $0x1;
	s4 =	sadd.s32 s21, s2  }
0x9d: {  	[timem:s6], [sflag:s22] =	dma.local [hbm:s4], s20  }
0x9e: {  	_ =	swait.ge [sflag:s22], s20  }
0x9f: {  	s3 =	ssub.s32 $0x0, s20;
	[sflag:s22] =	ssyncset.done $0x0  }
0xa0: {  	[sflag:s22] =	ssyncadd.s32 s3;
	_ =	sdelay $0x1  }
0xa1: {  	s23 =	simm.s32 $0x1B8B  }
0xa2: {  	_ =	swait.ge [sflag:s23], $0x1  }
0xa3: {  	[sflag:s23] =	ssyncset.done $0x0  }
0xa4: {  	s25 =	simm.s32 $0x1B8E;
	s24 =	sld [smem:$0x3FFE];
	[sflag:s23] =	ssyncadd.s32 $0xFFFFFFFF  }
0xa5: {  	s26 =	simm.s32 $execute0_lowered;
	[smem:$0x3FD2] =	sst s25  }
0xa6: {  	s4 =	sshll.u32 s26, $0x1;
	_ =	strace $0x80000046;
	[dreg:$0x1] =	wrdreg $0xFFFFFFFF  }
0xa7: {  	s28 =	simm.s32 $_size_execute0_lowered;
	s2 =	sadd.s32 s2, s4;
	[dreg:$0x0] =	wrdreg $0x0  }
0xa8: {  	s4 =	sshll.u32 s28, $0x1;
	[dreg:$0x2] =	wrdreg s2  }
0xa9: {  	[dreg:$0x3] =	wrdreg s4  }
0xaa: {  	[dreg:$0x4] =	wrdreg $0xC0  }
0xab: {  	_ =	task [dreg:s6], $0x5FFFF  }
0xac: {  	[dreg:$0x1] =	wrdreg $0xFFFFFFFF  }
0xad: {  	[dreg:$0x0] =	wrdreg $0x60  }
0xae: {  	[dreg:$0x2] =	wrdreg s24  }
0xaf: {  	[dreg:$0x3] =	wrdreg $0x9  }
0xb0: {  	_ =	task.clear_ibuf [dreg:s6], $0x4FFFF;
	_ =	strace $0x90000046  }
0xb1: {  	s29 =	simm.s32 $0x9;
	_ =	strace $0x80000048  }
0xb2: {  	_ =	swait.ge [sflag:s29], $0x1  }
0xb3: {  	[sflag:s29] =	ssyncadd.s32 $0xFFFFFFFF  }
0xb4: {  	_ =	strace $0x90000048  }
0xb5: {  	_ =	sfence  }
0xb6: {  	s30 =	sld [smem:$0x0];
	_ =	sdelay $0x2  }
0xb7: {  	s31 =	sshll.u32 s1, $0xD;
	s1 =	sshrl.u32 s1, $0x2  }
0xb8: {  	s3 =	sand.u32 $0x4000, s31;
	s1 =	sadd.s32 s1, s30  }
0xb9: {  	s0 =	sor.u32 s3, s0;
	s1 =	sshll.u32 s1, $0x11  }
0xba: {  	s0 =	sor.u32 s1, s0  }
0xbb: {  	s0 =	sadd.s32 $0x8F2B, s0  }
0xbc: {  	[sflag:s0] =	ssyncadd.remote.s32 $0x1  }
0xbd: {  	_ =	sfence.sel $0xFFFF  }
0xbe: {  	[dreg:$0x0] =	wrdreg $0xFFFFFFFF;
	(pc) =	sbr.abs _section_cstart, $3  }
0xbf: {  	[dreg:$0x1] =	wrdreg $0xFFFFFFFF  }
0xc0: {  	_ =	task.clear_ibuf [dreg:s6], $0x2FFFF;
	_ =	strace $0x9FFFFFFF  }
0xc1: {  	(tm) =	ssettm $0x7FFFFFFF  }
tec
execute0_lowered:
.L_overlay_start_1:
0x0: {  	(tag) =	ssettag $0x1  }
0x1: {  	s0 =	srdreg.scid  }
0x2: {  	s2 =	stileid.u32;
	s1 =	rddreg [dreg:$0x0]  }
0x3: {  	s30 =	simm.s32 $0xB000;
	s31 =	simm.s32 $0xB800;
	s8 =	simm.s32 $0xD800  }
0x4: {  	s9 =	simm.s32 $0xE000;
	s10 =	simm.s32 $0xE800;
	s11 =	simm.s32 $0xF000  }
0x5: {  	s12 =	simm.s32 $0xF800;
	s13 =	simm.s32 $0x10000;
	s14 =	simm.s32 $0x10800  }
0x6: {  	s15 =	simm.s32 $0x11000;
	s16 =	simm.s32 $0x1;
	s17 =	simm.s32 $0x11800  }
0x7: {  	s18 =	simm.s32 $0x2;
	s0 =	sand.u32 $0x1, s0;
	s3 =	sshll.u32 s2, $0x1  }
0x8: {  	s19 =	simm.s32 $0x4;
	s20 =	simm.s32 $0x13800;
	s4 =	sor.u32 s0, s3  }
0x9: {  	s22 =	simm.s32 $0x0;
	s2 =	simm.s32 $0x0;
	s5 =	smul.u32 $0x300, s4  }
0xa: {  	[smem:$0x7FF] =	sst s2;
	s0 =	ssub.s32 $0x2, s0;
	s4 =	smul.u32 $0x30, s4  }
.Ltmp0:
0xb: {  	s3 =	sadd.s32 $0x7E00, s1;
	s7 =	sshrl.u32 s0, $0x1;
	(pc) =	sbr.rel .LBB2_1-.Ltmp0, $4  }
0xc: {  	_ =	strace $0x80000047;
	s0 =	ssub.s32 s0, s7;
	s6 =	sadd.s32 s5, s1  }
0xd: {  	v2 =	vlaneseq.u32;
	s5 =	sadd.s32 $0x147E00, s1;
	s7 =	sor.u32 $0x1, s4;
	s0 =	smax.u32 s0, $0x1  }
0xe: {  	vm0 =	vmmov $0xffff;
	v1 =	vshrl.u32 v2, $0x3;
	s1 =	simm.s32 $0xC000;
	s29 =	sadd.s32 $0x1E00, s6;
	[dreg:$0x3] =	wrdreg s0  }
0xf: {  	v0 =	vand.u32 $0x7, v2;
	v2 =	vor.u32 $0x8, v2;
	v1 =	vmul.u32 $0x8, v1;
	s0 =	simm.s32 $0xC800;
	s6 =	simm.s32 $0xD000;
	[dreg:$0x2] =	wrdreg s29  }
.LBB2_12:
0x10: {  	s21 =	simm.s32 $0x3  }
0x11: {  	_ =	swait.ge [sflag:s21], $0x2000  }
0x12: {  	[sflag:s21] =	ssyncset.done $0x0  }
0x13: {  	[sflag:s21] =	ssyncadd.s32 $0xFFFFE000  }
0x14: {  	_ =	swait.ge [sflag:s19], $0x2000  }
0x15: {  	s22 =	rddreg [dreg:$0x4]  }
0x16: {  	s29 =	rddreg [dreg:$0x3];
	s22 =	sadd.s32 $0x1, s22  }
0x17: {  	p0 =	sne.s32 s22, s29  }
.Ltmp1:
0x18: {  	_ = 	snop;
	(pc) =	sbr.rel @!p0 .LBB2_13-.Ltmp1, $3  }
0x19: {  	_ =	sdelay $0x1  }
0x1a: {  	[sflag:s19] =	ssyncset.done $0x0  }
0x1b: {  	[sflag:s19] =	ssyncadd.s32 $0xFFFFE000  }
.LBB2_1:
0x1c: {  	[dreg:$0x4] =	wrdreg s22  }
0x1d: {  	s21 =	rddreg [dreg:$0x2];
	s23 =	simm.s32 $0x5  }
0x1e: {  	[tilespmem:s2], [sflag:$0x5] =	stream.linear.gather [hbm4b:s21+s2], $0x1800, $0x38;
	[tilespmem:$0x15800] =	vst v63  }
0x1f: {  	_ =	swait.ge [sflag:s23], $0x1800  }
0x20: {  	[sflag:s23] =	ssyncset.done $0x0  }
0x21: {  	[sflag:s23] =	ssyncadd.s32 $0xFFFFE800  }
0x22: {  	v3 =	vld [tilespmem:$0x0];
	_ =	sdelay $0x4  }
0x23: {  	v4 =	vshll.u32 v3, $0x1  }
0x24: {  	v3 =	vand.u32 $0x7, v3;
	v4 =	vand.u32 $0xFFFFFFF0, v4  }
0x25: {  	v3 =	vor.u32 v3, v4  }
0x26: {  	v4 =	vperm.xlane v3, v0;
	_ =	sdelay $0x1  }
0x27: {  	v3 =	vperm.xlane v3, v2;
	v4 =	vadd.s32 v1, v4;
	_ =	sdelay $0x1  }
0x28: {  	v3 =	vadd.s32 v1, v3;
	_ =	sdelay $0x1  }
0x29: {  	s24 =	simm.s32 $0x1800  }
0x2a: {  	[tilespmem:s24], [sflag:$0x1] =	stream.indirect_vreg.gather [hbm4b:s3+s2], $0x80, v4, vm0, $0xb8;
	[tilespmem:$0x15800] =	vst v63  }
0x2b: {  	s25 =	simm.s32 $0x2000  }
0x2c: {  	[tilespmem:s25], [sflag:$0x1] =	stream.indirect_vreg.gather [hbm4b:s3+s2], $0x80, v3, vm0, $0xb8;
	[tilespmem:$0x15800] =	vst v63  }
0x2d: {  	v3 =	vld [tilespmem:$0x10];
	_ =	sdelay $0x4  }
0x2e: {  	v49 =	vshll.u32 v3, $0x1  }
0x2f: {  	v3 =	vand.u32 $0x7, v3;
	v4 =	vand.u32 $0xFFFFFFF0, v49  }
0x30: {  	v3 =	vor.u32 v3, v4  }
0x31: {  	v4 =	vperm.xlane v3, v0;
	_ =	sdelay $0x1  }
0x32: {  	v3 =	vperm.xlane v3, v2;
	v4 =	vadd.s32 v1, v4;
	_ =	sdelay $0x1  }
0x33: {  	v3 =	vadd.s32 v1, v3;
	_ =	sdelay $0x1  }
0x34: {  	s26 =	simm.s32 $0x2800  }
0x35: {  	[tilespmem:s26], [sflag:$0x1] =	stream.indirect_vreg.gather [hbm4b:s3+s2], $0x80, v4, vm0, $0xb8;
	[tilespmem:$0x15800] =	vst v63  }
0x36: {  	s28 =	simm.s32 $0x3000  }
0x37: {  	[tilespmem:s28], [sflag:$0x1] =	stream.indirect_vreg.gather [hbm4b:s3+s2], $0x80, v3, vm0, $0xb8;
	[tilespmem:$0x15800] =	vst v63  }
0x38: {  	v3 =	vld [tilespmem:$0x20];
	_ =	sdelay $0x4  }
0x39: {  	v50 =	vshll.u32 v3, $0x1  }
0x3a: {  	v3 =	vand.u32 $0x7, v3;
	v4 =	vand.u32 $0xFFFFFFF0, v50  }
0x3b: {  	v3 =	vor.u32 v3, v4  }
0x3c: {  	v4 =	vperm.xlane v3, v0;
	_ =	sdelay $0x1  }
0x3d: {  	v3 =	vperm.xlane v3, v2;
	v4 =	vadd.s32 v1, v4;
	_ =	sdelay $0x1  }
0x3e: {  	v3 =	vadd.s32 v1, v3;
	_ =	sdelay $0x1  }
0x3f: {  	s29 =	simm.s32 $0x3800  }
0x40: {  	[tilespmem:s29], [sflag:$0x1] =	stream.indirect_vreg.gather [hbm4b:s3+s2], $0x80, v4, vm0, $0xb8;
	[tilespmem:$0x15800] =	vst v63  }
0x41: {  	s22 =	simm.s32 $0x4000  }
0x42: {  	[tilespmem:s22], [sflag:$0x1] =	stream.indirect_vreg.gather [hbm4b:s3+s2], $0x80, v3, vm0, $0xb8;
	[tilespmem:$0x15800] =	vst v63  }
0x43: {  	v3 =	vld [tilespmem:$0x30];
	_ =	sdelay $0x4  }
0x44: {  	v51 =	vshll.u32 v3, $0x1  }
0x45: {  	v3 =	vand.u32 $0x7, v3;
	v4 =	vand.u32 $0xFFFFFFF0, v51  }
0x46: {  	v3 =	vor.u32 v3, v4  }
0x47: {  	v4 =	vperm.xlane v3, v0;
	_ =	sdelay $0x1  }
0x48: {  	v3 =	vperm.xlane v3, v2;
	v4 =	vadd.s32 v1, v4;
	_ =	sdelay $0x1  }
0x49: {  	v3 =	vadd.s32 v1, v3;
	_ =	sdelay $0x1  }
0x4a: {  	s23 =	simm.s32 $0x4800  }
0x4b: {  	[tilespmem:s23], [sflag:$0x1] =	stream.indirect_vreg.gather [hbm4b:s3+s2], $0x80, v4, vm0, $0xb8;
	[tilespmem:$0x15800] =	vst v63  }
0x4c: {  	s24 =	simm.s32 $0x5000  }
0x4d: {  	[tilespmem:s24], [sflag:$0x1] =	stream.indirect_vreg.gather [hbm4b:s3+s2], $0x80, v3, vm0, $0xb8;
	[tilespmem:$0x15800] =	vst v63  }
0x4e: {  	v3 =	vld [tilespmem:$0x40];
	_ =	sdelay $0x4  }
0x4f: {  	v52 =	vshll.u32 v3, $0x1  }
0x50: {  	v3 =	vand.u32 $0x7, v3;
	v4 =	vand.u32 $0xFFFFFFF0, v52  }
0x51: {  	v3 =	vor.u32 v3, v4  }
0x52: {  	v4 =	vperm.xlane v3, v0;
	_ =	sdelay $0x1  }
0x53: {  	v3 =	vperm.xlane v3, v2;
	v4 =	vadd.s32 v1, v4;
	_ =	sdelay $0x1  }
0x54: {  	v3 =	vadd.s32 v1, v3;
	_ =	sdelay $0x1  }
0x55: {  	s25 =	simm.s32 $0x5800  }
0x56: {  	[tilespmem:s25], [sflag:$0x1] =	stream.indirect_vreg.gather [hbm4b:s3+s2], $0x80, v4, vm0, $0xb8;
	[tilespmem:$0x15800] =	vst v63  }
0x57: {  	s26 =	simm.s32 $0x6000  }
0x58: {  	[tilespmem:s26], [sflag:$0x1] =	stream.indirect_vreg.gather [hbm4b:s3+s2], $0x80, v3, vm0, $0xb8;
	[tilespmem:$0x15800] =	vst v63  }
0x59: {  	v3 =	vld [tilespmem:$0x50];
	_ =	sdelay $0x4  }
0x5a: {  	v53 =	vshll.u32 v3, $0x1  }
0x5b: {  	v3 =	vand.u32 $0x7, v3;
	v4 =	vand.u32 $0xFFFFFFF0, v53  }
0x5c: {  	v3 =	vor.u32 v3, v4  }
0x5d: {  	v4 =	vperm.xlane v3, v0;
	_ =	sdelay $0x1  }
0x5e: {  	v3 =	vperm.xlane v3, v2;
	v4 =	vadd.s32 v1, v4;
	_ =	sdelay $0x1  }
0x5f: {  	v3 =	vadd.s32 v1, v3;
	_ =	sdelay $0x1  }
0x60: {  	s28 =	simm.s32 $0x6800  }
0x61: {  	[tilespmem:s28], [sflag:$0x1] =	stream.indirect_vreg.gather [hbm4b:s3+s2], $0x80, v4, vm0, $0xb8;
	[tilespmem:$0x15800] =	vst v63  }
0x62: {  	s29 =	simm.s32 $0x7000  }
0x63: {  	[tilespmem:s29], [sflag:$0x1] =	stream.indirect_vreg.gather [hbm4b:s3+s2], $0x80, v3, vm0, $0xb8;
	[tilespmem:$0x15800] =	vst v63  }
0x64: {  	v3 =	vld [tilespmem:$0x60];
	_ =	sdelay $0x4  }
0x65: {  	v54 =	vshll.u32 v3, $0x1  }
0x66: {  	v3 =	vand.u32 $0x7, v3;
	v4 =	vand.u32 $0xFFFFFFF0, v54  }
0x67: {  	v3 =	vor.u32 v3, v4  }
0x68: {  	v4 =	vperm.xlane v3, v0;
	_ =	sdelay $0x1  }
0x69: {  	v3 =	vperm.xlane v3, v2;
	v4 =	vadd.s32 v1, v4;
	_ =	sdelay $0x1  }
0x6a: {  	v3 =	vadd.s32 v1, v3;
	_ =	sdelay $0x1  }
0x6b: {  	s22 =	simm.s32 $0x7800  }
0x6c: {  	[tilespmem:s22], [sflag:$0x1] =	stream.indirect_vreg.gather [hbm4b:s3+s2], $0x80, v4, vm0, $0xb8;
	[tilespmem:$0x15800] =	vst v63  }
0x6d: {  	s23 =	simm.s32 $0x8000  }
0x6e: {  	[tilespmem:s23], [sflag:$0x1] =	stream.indirect_vreg.gather [hbm4b:s3+s2], $0x80, v3, vm0, $0xb8;
	[tilespmem:$0x15800] =	vst v63  }
0x6f: {  	v3 =	vld [tilespmem:$0x70];
	_ =	sdelay $0x4  }
0x70: {  	v55 =	vshll.u32 v3, $0x1  }
0x71: {  	v3 =	vand.u32 $0x7, v3;
	v4 =	vand.u32 $0xFFFFFFF0, v55  }
0x72: {  	v3 =	vor.u32 v3, v4  }
0x73: {  	v4 =	vperm.xlane v3, v0;
	_ =	sdelay $0x1  }
0x74: {  	v3 =	vperm.xlane v3, v2;
	v4 =	vadd.s32 v1, v4;
	_ =	sdelay $0x1  }
0x75: {  	v3 =	vadd.s32 v1, v3;
	_ =	sdelay $0x1  }
0x76: {  	s24 =	simm.s32 $0x8800  }
0x77: {  	[tilespmem:s24], [sflag:$0x1] =	stream.indirect_vreg.gather [hbm4b:s3+s2], $0x80, v4, vm0, $0xb8;
	[tilespmem:$0x15800] =	vst v63  }
0x78: {  	s25 =	simm.s32 $0x9000  }
0x79: {  	[tilespmem:s25], [sflag:$0x1] =	stream.indirect_vreg.gather [hbm4b:s3+s2], $0x80, v3, vm0, $0xb8;
	[tilespmem:$0x15800] =	vst v63  }
0x7a: {  	v3 =	vld [tilespmem:$0x80];
	_ =	sdelay $0x4  }
0x7b: {  	v56 =	vshll.u32 v3, $0x1  }
0x7c: {  	v3 =	vand.u32 $0x7, v3;
	v4 =	vand.u32 $0xFFFFFFF0, v56  }
0x7d: {  	v3 =	vor.u32 v3, v4  }
0x7e: {  	v4 =	vperm.xlane v3, v0;
	_ =	sdelay $0x1  }
0x7f: {  	v3 =	vperm.xlane v3, v2;
	v4 =	vadd.s32 v1, v4;
	_ =	sdelay $0x1  }
0x80: {  	v3 =	vadd.s32 v1, v3;
	_ =	sdelay $0x1  }
0x81: {  	s26 =	simm.s32 $0x9800  }
0x82: {  	[tilespmem:s26], [sflag:$0x2] =	stream.indirect_vreg.gather [hbm4b:s3+s2], $0x80, v4, vm0, $0xb8;
	[tilespmem:$0x15800] =	vst v63  }
0x83: {  	s28 =	simm.s32 $0xA000  }
0x84: {  	[tilespmem:s28], [sflag:$0x2] =	stream.indirect_vreg.gather [hbm4b:s3+s2], $0x80, v3, vm0, $0xb8;
	[tilespmem:$0x15800] =	vst v63  }
0x85: {  	v3 =	vld [tilespmem:$0x90];
	_ =	sdelay $0x4  }
0x86: {  	v57 =	vshll.u32 v3, $0x1  }
0x87: {  	v3 =	vand.u32 $0x7, v3;
	v4 =	vand.u32 $0xFFFFFFF0, v57  }
0x88: {  	v3 =	vor.u32 v3, v4  }
0x89: {  	v4 =	vperm.xlane v3, v0;
	_ =	sdelay $0x1  }
0x8a: {  	v3 =	vperm.xlane v3, v2;
	v4 =	vadd.s32 v1, v4;
	_ =	sdelay $0x1  }
0x8b: {  	v3 =	vadd.s32 v1, v3;
	_ =	sdelay $0x1  }
0x8c: {  	s29 =	simm.s32 $0xA800  }
0x8d: {  	[tilespmem:s29], [sflag:$0x2] =	stream.indirect_vreg.gather [hbm4b:s3+s2], $0x80, v4, vm0, $0xb8;
	[tilespmem:$0x15800] =	vst v63  }
0x8e: {  	_ = 	snop  }
0x8f: {  	[tilespmem:s30], [sflag:$0x2] =	stream.indirect_vreg.gather [hbm4b:s3+s2], $0x80, v3, vm0, $0xb8;
	[tilespmem:$0x15800] =	vst v63  }
0x90: {  	v3 =	vld [tilespmem:$0xA0];
	_ =	sdelay $0x4  }
0x91: {  	v58 =	vshll.u32 v3, $0x1  }
0x92: {  	v3 =	vand.u32 $0x7, v3;
	v4 =	vand.u32 $0xFFFFFFF0, v58  }
0x93: {  	v3 =	vor.u32 v3, v4  }
0x94: {  	v4 =	vperm.xlane v3, v0;
	_ =	sdelay $0x1  }
0x95: {  	v3 =	vperm.xlane v3, v2;
	v4 =	vadd.s32 v1, v4;
	_ =	sdelay $0x1  }
0x96: {  	v3 =	vadd.s32 v1, v3;
	_ =	sdelay $0x2  }
0x97: {  	[tilespmem:s31], [sflag:$0x2] =	stream.indirect_vreg.gather [hbm4b:s3+s2], $0x80, v4, vm0, $0xb8;
	[tilespmem:$0x15800] =	vst v63  }
0x98: {  	_ = 	snop  }
0x99: {  	[tilespmem:s1], [sflag:$0x2] =	stream.indirect_vreg.gather [hbm4b:s3+s2], $0x80, v3, vm0, $0xb8;
	[tilespmem:$0x15800] =	vst v63  }
0x9a: {  	v3 =	vld [tilespmem:$0xB0];
	_ =	sdelay $0x4  }
0x9b: {  	v59 =	vshll.u32 v3, $0x1  }
0x9c: {  	v3 =	vand.u32 $0x7, v3;
	v4 =	vand.u32 $0xFFFFFFF0, v59  }
0x9d: {  	v3 =	vor.u32 v3, v4  }
0x9e: {  	v4 =	vperm.xlane v3, v0;
	_ =	sdelay $0x1  }
0x9f: {  	v3 =	vperm.xlane v3, v2;
	v4 =	vadd.s32 v1, v4;
	_ =	sdelay $0x1  }
0xa0: {  	v3 =	vadd.s32 v1, v3;
	_ =	sdelay $0x2  }
0xa1: {  	[tilespmem:s0], [sflag:$0x2] =	stream.indirect_vreg.gather [hbm4b:s3+s2], $0x80, v4, vm0, $0xb8;
	[tilespmem:$0x15800] =	vst v63  }
0xa2: {  	_ = 	snop  }
0xa3: {  	[tilespmem:s6], [sflag:$0x2] =	stream.indirect_vreg.gather [hbm4b:s3+s2], $0x80, v3, vm0, $0xb8;
	[tilespmem:$0x15800] =	vst v63  }
0xa4: {  	v3 =	vld [tilespmem:$0xC0];
	_ =	sdelay $0x4  }
0xa5: {  	v60 =	vshll.u32 v3, $0x1  }
0xa6: {  	v3 =	vand.u32 $0x7, v3;
	v4 =	vand.u32 $0xFFFFFFF0, v60  }
0xa7: {  	v3 =	vor.u32 v3, v4  }
0xa8: {  	v4 =	vperm.xlane v3, v0;
	_ =	sdelay $0x1  }
0xa9: {  	v3 =	vperm.xlane v3, v2;
	v4 =	vadd.s32 v1, v4;
	_ =	sdelay $0x1  }
0xaa: {  	v3 =	vadd.s32 v1, v3;
	_ =	sdelay $0x2  }
0xab: {  	[tilespmem:s8], [sflag:$0x2] =	stream.indirect_vreg.gather [hbm4b:s3+s2], $0x80, v4, vm0, $0xb8;
	[tilespmem:$0x15800] =	vst v63  }
0xac: {  	_ = 	snop  }
0xad: {  	[tilespmem:s9], [sflag:$0x2] =	stream.indirect_vreg.gather [hbm4b:s3+s2], $0x80, v3, vm0, $0xb8;
	[tilespmem:$0x15800] =	vst v63  }
0xae: {  	v3 =	vld [tilespmem:$0xD0];
	_ =	sdelay $0x4  }
0xaf: {  	v61 =	vshll.u32 v3, $0x1  }
0xb0: {  	v3 =	vand.u32 $0x7, v3;
	v4 =	vand.u32 $0xFFFFFFF0, v61  }
0xb1: {  	v3 =	vor.u32 v3, v4  }
0xb2: {  	v4 =	vperm.xlane v3, v0;
	_ =	sdelay $0x1  }
0xb3: {  	v3 =	vperm.xlane v3, v2;
	v4 =	vadd.s32 v1, v4;
	_ =	sdelay $0x1  }
0xb4: {  	v3 =	vadd.s32 v1, v3;
	_ =	sdelay $0x2  }
0xb5: {  	[tilespmem:s10], [sflag:$0x2] =	stream.indirect_vreg.gather [hbm4b:s3+s2], $0x80, v4, vm0, $0xb8;
	[tilespmem:$0x15800] =	vst v63  }
0xb6: {  	_ = 	snop  }
0xb7: {  	[tilespmem:s11], [sflag:$0x2] =	stream.indirect_vreg.gather [hbm4b:s3+s2], $0x80, v3, vm0, $0xb8;
	[tilespmem:$0x15800] =	vst v63  }
0xb8: {  	v3 =	vld [tilespmem:$0xE0];
	_ =	sdelay $0x4  }
0xb9: {  	v62 =	vshll.u32 v3, $0x1  }
0xba: {  	v3 =	vand.u32 $0x7, v3;
	v4 =	vand.u32 $0xFFFFFFF0, v62  }
0xbb: {  	v3 =	vor.u32 v3, v4  }
0xbc: {  	v4 =	vperm.xlane v3, v0;
	_ =	sdelay $0x1  }
0xbd: {  	v3 =	vperm.xlane v3, v2;
	v4 =	vadd.s32 v1, v4;
	_ =	sdelay $0x1  }
0xbe: {  	v3 =	vadd.s32 v1, v3;
	_ =	sdelay $0x2  }
0xbf: {  	[tilespmem:s12], [sflag:$0x2] =	stream.indirect_vreg.gather [hbm4b:s3+s2], $0x80, v4, vm0, $0xb8;
	[tilespmem:$0x15800] =	vst v63  }
0xc0: {  	_ = 	snop  }
0xc1: {  	[tilespmem:s13], [sflag:$0x2] =	stream.indirect_vreg.gather [hbm4b:s3+s2], $0x80, v3, vm0, $0xb8;
	[tilespmem:$0x15800] =	vst v63  }
0xc2: {  	v3 =	vld [tilespmem:$0xF0];
	_ =	sdelay $0x4  }
0xc3: {  	v63 =	vshll.u32 v3, $0x1  }
0xc4: {  	v3 =	vand.u32 $0x7, v3;
	v4 =	vand.u32 $0xFFFFFFF0, v63  }
0xc5: {  	v3 =	vor.u32 v3, v4  }
0xc6: {  	v4 =	vperm.xlane v3, v0;
	_ =	sdelay $0x1  }
0xc7: {  	v3 =	vperm.xlane v3, v2;
	v4 =	vadd.s32 v1, v4;
	_ =	sdelay $0x1  }
0xc8: {  	v3 =	vadd.s32 v1, v3;
	_ =	sdelay $0x2  }
0xc9: {  	[tilespmem:s14], [sflag:$0x2] =	stream.indirect_vreg.gather [hbm4b:s3+s2], $0x80, v4, vm0, $0xb8;
	[tilespmem:$0x15800] =	vst v63  }
0xca: {  	s21 =	simm.s32 $0x0  }
0xcb: {  	[tilespmem:s15], [sflag:$0x2] =	stream.indirect_vreg.gather [hbm4b:s3+s2], $0x80, v3, vm0, $0xb8;
	[tilespmem:$0x15800] =	vst v63  }
.LBB2_2:
0xcc: {  	_ =	swait.ge [sflag:s16], $0x8000  }
0xcd: {  	p0 =	seq.s32 s21, $0x0;
	[sflag:s16] =	ssyncset.done $0x0  }
0xce: {  	s22 =	simm.s32 @!p0 $0x3;
	[sflag:s16] =	ssyncadd.s32 $0xFFFF8000  }
0xcf: {  	_ =	swait.ge @!p0 [sflag:s22], $0x2000  }
0xd0: {  	[sflag:s22] =	ssyncset.done @!p0 $0x0  }
0xd1: {  	s24 =	simm.s32 $0x1C00;
	[sflag:s22] =	ssyncadd.s32 @!p0 $0xFFFFE000  }
0xd2: {  	v3 =	vld [tilespmem:s24+$0xFFFFFC00]  }
0xd3: {  	v4 =	vld [tilespmem:s24+$0xFFFFFD80]  }
0xd4: {  	v5 =	vld [tilespmem:s24+$0xFFFFFD00]  }
0xd5: {  	v6 =	vld [tilespmem:s24+$0xFFFFFC80];
	_ =	sdelay $0x3  }
0xd6: {  	s25 =	simm.s32 $0x0  }
0xd7: {  	s29 =	sand.u32 $0x1800, s25;
	s23 =	sand.u32 $0x300, s25;
	v4 =	vmax.f32 v5, v4;
	v3 =	vmax.f32 v3, v6  }
0xd8: {  	s22 =	sor.u32 s23, s29;
	v3 =	vmax.f32 v3, v4  }
0xd9: {  	[tilespmem:s22+$0x11800] =	vst v3  }
0xda: {  	v3 =	vld [tilespmem:s24+$0xFFFFFD90]  }
0xdb: {  	v4 =	vld [tilespmem:s24+$0xFFFFFC90]  }
0xdc: {  	v5 =	vld [tilespmem:s24+$0xFFFFFD10]  }
0xdd: {  	v6 =	vld [tilespmem:s24+$0xFFFFFC10];
	_ =	sdelay $0x4  }
0xde: {  	v3 =	vmax.f32 v5, v3;
	v4 =	vmax.f32 v6, v4  }
0xdf: {  	s23 =	sadd.s32 $0x11800, s22;
	v3 =	vmax.f32 v4, v3  }
0xe0: {  	[tilespmem:s23+$0x10] =	vst v3  }
0xe1: {  	v3 =	vld [tilespmem:s24+$0xFFFFFD20]  }
0xe2: {  	v4 =	vld [tilespmem:s24+$0xFFFFFCA0]  }
0xe3: {  	v5 =	vld [tilespmem:s24+$0xFFFFFC20]  }
0xe4: {  	v6 =	vld [tilespmem:s24+$0xFFFFFDA0];
	_ =	sdelay $0x4  }
0xe5: {  	v4 =	vmax.f32 v5, v4;
	v3 =	vmax.f32 v3, v6  }
0xe6: {  	v3 =	vmax.f32 v4, v3  }
0xe7: {  	[tilespmem:s23+$0x20] =	vst v3  }
0xe8: {  	v3 =	vld [tilespmem:s24+$0xFFFFFDB0]  }
0xe9: {  	v4 =	vld [tilespmem:s24+$0xFFFFFCB0]  }
0xea: {  	v5 =	vld [tilespmem:s24+$0xFFFFFC30]  }
0xeb: {  	v6 =	vld [tilespmem:s24+$0xFFFFFD30];
	_ =	sdelay $0x4  }
0xec: {  	v4 =	vmax.f32 v5, v4;
	v3 =	vmax.f32 v6, v3  }
0xed: {  	v3 =	vmax.f32 v4, v3  }
0xee: {  	[tilespmem:s23+$0x30] =	vst v3  }
0xef: {  	v3 =	vld [tilespmem:s24+$0xFFFFFD40]  }
0xf0: {  	v4 =	vld [tilespmem:s24+$0xFFFFFCC0]  }
0xf1: {  	v5 =	vld [tilespmem:s24+$0xFFFFFC40]  }
0xf2: {  	v6 =	vld [tilespmem:s24+$0xFFFFFDC0];
	_ =	sdelay $0x4  }
0xf3: {  	v4 =	vmax.f32 v5, v4;
	v3 =	vmax.f32 v3, v6  }
0xf4: {  	v3 =	vmax.f32 v4, v3  }
0xf5: {  	[tilespmem:s23+$0x40] =	vst v3  }
0xf6: {  	v3 =	vld [tilespmem:s24+$0xFFFFFDD0]  }
0xf7: {  	v4 =	vld [tilespmem:s24+$0xFFFFFCD0]  }
0xf8: {  	v5 =	vld [tilespmem:s24+$0xFFFFFC50]  }
0xf9: {  	v6 =	vld [tilespmem:s24+$0xFFFFFD50];
	_ =	sdelay $0x4  }
0xfa: {  	v4 =	vmax.f32 v5, v4;
	v3 =	vmax.f32 v6, v3  }
0xfb: {  	v3 =	vmax.f32 v4, v3  }
0xfc: {  	[tilespmem:s23+$0x50] =	vst v3  }
0xfd: {  	v3 =	vld [tilespmem:s24+$0xFFFFFD60]  }
0xfe: {  	v4 =	vld [tilespmem:s24+$0xFFFFFCE0]  }
0xff: {  	v5 =	vld [tilespmem:s24+$0xFFFFFC60]  }
0x100: {  	v6 =	vld [tilespmem:s24+$0xFFFFFDE0];
	_ =	sdelay $0x4  }
0x101: {  	v4 =	vmax.f32 v5, v4;
	v3 =	vmax.f32 v3, v6  }
0x102: {  	v3 =	vmax.f32 v4, v3  }
0x103: {  	[tilespmem:s23+$0x60] =	vst v3  }
0x104: {  	v3 =	vld [tilespmem:s24+$0xFFFFFDF0]  }
0x105: {  	v4 =	vld [tilespmem:s24+$0xFFFFFCF0]  }
0x106: {  	v5 =	vld [tilespmem:s24+$0xFFFFFC70]  }
0x107: {  	v6 =	vld [tilespmem:s24+$0xFFFFFD70];
	_ =	sdelay $0x4  }
0x108: {  	v4 =	vmax.f32 v5, v4;
	v3 =	vmax.f32 v6, v3  }
0x109: {  	v3 =	vmax.f32 v4, v3  }
0x10a: {  	[tilespmem:s23+$0x70] =	vst v3  }
0x10b: {  	v3 =	vld [tilespmem:s24+$0x100]  }
0x10c: {  	v4 =	vld [tilespmem:s24+$0x80]  }
0x10d: {  	v5 =	vld [tilespmem:s24+$0x0]  }
0x10e: {  	v6 =	vld [tilespmem:s24+$0x180];
	_ =	sdelay $0x4  }
0x10f: {  	v4 =	vmax.f32 v5, v4;
	v3 =	vmax.f32 v3, v6  }
0x110: {  	v3 =	vmax.f32 v4, v3  }
0x111: {  	[tilespmem:s23+$0x400] =	vst v3  }
0x112: {  	v3 =	vld [tilespmem:s24+$0x190]  }
0x113: {  	v4 =	vld [tilespmem:s24+$0x90]  }
0x114: {  	v5 =	vld [tilespmem:s24+$0x10]  }
0x115: {  	v6 =	vld [tilespmem:s24+$0x110];
	_ =	sdelay $0x4  }
0x116: {  	v4 =	vmax.f32 v5, v4;
	v3 =	vmax.f32 v6, v3  }
0x117: {  	v3 =	vmax.f32 v4, v3  }
0x118: {  	[tilespmem:s23+$0x410] =	vst v3  }
0x119: {  	v3 =	vld [tilespmem:s24+$0x120]  }
0x11a: {  	v4 =	vld [tilespmem:s24+$0xA0]  }
0x11b: {  	v5 =	vld [tilespmem:s24+$0x20]  }
0x11c: {  	v6 =	vld [tilespmem:s24+$0x1A0];
	_ =	sdelay $0x4  }
0x11d: {  	v4 =	vmax.f32 v5, v4;
	v3 =	vmax.f32 v3, v6  }
0x11e: {  	v3 =	vmax.f32 v4, v3  }
0x11f: {  	[tilespmem:s23+$0x420] =	vst v3  }
0x120: {  	v3 =	vld [tilespmem:s24+$0x1B0]  }
0x121: {  	v4 =	vld [tilespmem:s24+$0xB0]  }
0x122: {  	v5 =	vld [tilespmem:s24+$0x30]  }
0x123: {  	v6 =	vld [tilespmem:s24+$0x130];
	_ =	sdelay $0x4  }
0x124: {  	v4 =	vmax.f32 v5, v4;
	v3 =	vmax.f32 v6, v3  }
0x125: {  	v3 =	vmax.f32 v4, v3  }
0x126: {  	[tilespmem:s23+$0x430] =	vst v3  }
0x127: {  	v3 =	vld [tilespmem:s24+$0x140]  }
0x128: {  	v4 =	vld [tilespmem:s24+$0xC0]  }
0x129: {  	v5 =	vld [tilespmem:s24+$0x40]  }
0x12a: {  	v6 =	vld [tilespmem:s24+$0x1C0];
	_ =	sdelay $0x4  }
0x12b: {  	v4 =	vmax.f32 v5, v4;
	v3 =	vmax.f32 v3, v6  }
0x12c: {  	v3 =	vmax.f32 v4, v3  }
0x12d: {  	[tilespmem:s23+$0x440] =	vst v3  }
0x12e: {  	v3 =	vld [tilespmem:s24+$0x1D0]  }
0x12f: {  	v4 =	vld [tilespmem:s24+$0xD0]  }
0x130: {  	v5 =	vld [tilespmem:s24+$0x50]  }
0x131: {  	v6 =	vld [tilespmem:s24+$0x150];
	_ =	sdelay $0x4  }
0x132: {  	v4 =	vmax.f32 v5, v4;
	v3 =	vmax.f32 v6, v3  }
0x133: {  	v3 =	vmax.f32 v4, v3  }
0x134: {  	[tilespmem:s23+$0x450] =	vst v3  }
0x135: {  	v3 =	vld [tilespmem:s24+$0x160]  }
0x136: {  	v4 =	vld [tilespmem:s24+$0xE0]  }
0x137: {  	v5 =	vld [tilespmem:s24+$0x60]  }
0x138: {  	v6 =	vld [tilespmem:s24+$0x1E0];
	_ =	sdelay $0x4  }
0x139: {  	v4 =	vmax.f32 v5, v4;
	v3 =	vmax.f32 v3, v6  }
0x13a: {  	v3 =	vmax.f32 v4, v3  }
0x13b: {  	[tilespmem:s23+$0x460] =	vst v3  }
0x13c: {  	v3 =	vld [tilespmem:s24+$0x1F0]  }
0x13d: {  	v4 =	vld [tilespmem:s24+$0xF0]  }
0x13e: {  	v5 =	vld [tilespmem:s24+$0x70]  }
0x13f: {  	v6 =	vld [tilespmem:s24+$0x170];
	_ =	sdelay $0x4  }
0x140: {  	v4 =	vmax.f32 v5, v4;
	v3 =	vmax.f32 v6, v3  }
0x141: {  	v3 =	vmax.f32 v4, v3  }
0x142: {  	[tilespmem:s23+$0x470] =	vst v3  }
0x143: {  	v3 =	vld [tilespmem:s24+$0xFFFFFF00]  }
0x144: {  	v4 =	vld [tilespmem:s24+$0xFFFFFE80]  }
0x145: {  	v5 =	vld [tilespmem:s24+$0xFFFFFE00]  }
0x146: {  	v6 =	vld [tilespmem:s24+$0xFFFFFF80];
	_ =	sdelay $0x4  }
0x147: {  	v4 =	vmax.f32 v5, v4;
	v3 =	vmax.f32 v3, v6  }
0x148: {  	v3 =	vmax.f32 v4, v3  }
0x149: {  	[tilespmem:s23+$0x80] =	vst v3  }
0x14a: {  	v3 =	vld [tilespmem:s24+$0xFFFFFF90]  }
0x14b: {  	v4 =	vld [tilespmem:s24+$0xFFFFFE90]  }
0x14c: {  	v5 =	vld [tilespmem:s24+$0xFFFFFE10]  }
0x14d: {  	v6 =	vld [tilespmem:s24+$0xFFFFFF10];
	_ =	sdelay $0x4  }
0x14e: {  	v4 =	vmax.f32 v5, v4;
	v3 =	vmax.f32 v6, v3  }
0x14f: {  	v3 =	vmax.f32 v4, v3  }
0x150: {  	[tilespmem:s23+$0x90] =	vst v3  }
0x151: {  	v3 =	vld [tilespmem:s24+$0xFFFFFEA0]  }
0x152: {  	v4 =	vld [tilespmem:s24+$0xFFFFFFA0]  }
0x153: {  	v5 =	vld [tilespmem:s24+$0xFFFFFF20]  }
0x154: {  	v6 =	vld [tilespmem:s24+$0xFFFFFE20];
	_ =	sdelay $0x4  }
0x155: {  	v4 =	vmax.f32 v5, v4;
	v3 =	vmax.f32 v6, v3  }
0x156: {  	v3 =	vmax.f32 v3, v4  }
0x157: {  	[tilespmem:s23+$0xA0] =	vst v3  }
0x158: {  	v3 =	vld [tilespmem:s24+$0xFFFFFFB0]  }
0x159: {  	v4 =	vld [tilespmem:s24+$0xFFFFFEB0]  }
0x15a: {  	v5 =	vld [tilespmem:s24+$0xFFFFFE30]  }
0x15b: {  	v6 =	vld [tilespmem:s24+$0xFFFFFF30];
	_ =	sdelay $0x4  }
0x15c: {  	v4 =	vmax.f32 v5, v4;
	v3 =	vmax.f32 v6, v3  }
0x15d: {  	v3 =	vmax.f32 v4, v3  }
0x15e: {  	[tilespmem:s23+$0xB0] =	vst v3  }
0x15f: {  	v3 =	vld [tilespmem:s24+$0xFFFFFF40]  }
0x160: {  	v4 =	vld [tilespmem:s24+$0xFFFFFEC0]  }
0x161: {  	v5 =	vld [tilespmem:s24+$0xFFFFFE40]  }
0x162: {  	v6 =	vld [tilespmem:s24+$0xFFFFFFC0];
	_ =	sdelay $0x4  }
0x163: {  	v4 =	vmax.f32 v5, v4;
	v3 =	vmax.f32 v3, v6  }
0x164: {  	v3 =	vmax.f32 v4, v3  }
0x165: {  	[tilespmem:s23+$0xC0] =	vst v3  }
0x166: {  	v3 =	vld [tilespmem:s24+$0xFFFFFFD0]  }
0x167: {  	v4 =	vld [tilespmem:s24+$0xFFFFFED0]  }
0x168: {  	v5 =	vld [tilespmem:s24+$0xFFFFFE50]  }
0x169: {  	v6 =	vld [tilespmem:s24+$0xFFFFFF50];
	_ =	sdelay $0x4  }
0x16a: {  	v4 =	vmax.f32 v5, v4;
	v3 =	vmax.f32 v6, v3  }
0x16b: {  	v3 =	vmax.f32 v4, v3  }
0x16c: {  	[tilespmem:s23+$0xD0] =	vst v3  }
0x16d: {  	v3 =	vld [tilespmem:s24+$0xFFFFFF60]  }
0x16e: {  	v4 =	vld [tilespmem:s24+$0xFFFFFEE0]  }
0x16f: {  	v5 =	vld [tilespmem:s24+$0xFFFFFE60]  }
0x170: {  	v6 =	vld [tilespmem:s24+$0xFFFFFFE0];
	_ =	sdelay $0x4  }
0x171: {  	v4 =	vmax.f32 v5, v4;
	v3 =	vmax.f32 v3, v6  }
0x172: {  	v3 =	vmax.f32 v4, v3  }
0x173: {  	[tilespmem:s23+$0xE0] =	vst v3  }
0x174: {  	v3 =	vld [tilespmem:s24+$0xFFFFFFF0]  }
0x175: {  	v4 =	vld [tilespmem:s24+$0xFFFFFEF0]  }
0x176: {  	v5 =	vld [tilespmem:s24+$0xFFFFFF70]  }
0x177: {  	s28 =	simm.s32 $0x100;
	s26 =	simm.s32 $0x1C00;
	s22 =	sshll.u32 s21, $0x1;
	v6 =	vld [tilespmem:s24+$0xFFFFFE70]  }
.LBB2_3:
0x178: {  	_ = 	snop  }
0x179: {  	p1 =	sne.s32 s28, $0xF00;
	s25 =	sadd.s32 $0x200, s25;
	s24 =	sadd.s32 $0x800, s24  }
0x17a: {  	s29 =	smov.u32 s28;
	s28 =	sadd.s32 $0x100, s28  }
0x17b: {  	v3 =	vmax.f32 v5, v3  }
0x17c: {  	v4 =	vmax.f32 v6, v4  }
0x17d: {  	v3 =	vmax.f32 v4, v3  }
0x17e: {  	[tilespmem:s23+$0xF0] =	vst v3  }
0x17f: {  	v3 =	vld [tilespmem:s26+$0x300]  }
0x180: {  	v4 =	vld [tilespmem:s26+$0x280]  }
0x181: {  	v5 =	vld [tilespmem:s26+$0x200]  }
0x182: {  	v6 =	vld [tilespmem:s26+$0x380];
	_ =	sdelay $0x3  }
0x183: {  	v4 =	vmax.f32 v5, v4  }
0x184: {  	v3 =	vmax.f32 v3, v6  }
0x185: {  	v3 =	vmax.f32 v4, v3  }
0x186: {  	[tilespmem:s23+$0x480] =	vst v3  }
0x187: {  	v3 =	vld [tilespmem:s26+$0x390]  }
0x188: {  	v4 =	vld [tilespmem:s26+$0x290]  }
0x189: {  	v5 =	vld [tilespmem:s26+$0x210]  }
0x18a: {  	v6 =	vld [tilespmem:s26+$0x310];
	_ =	sdelay $0x3  }
0x18b: {  	v4 =	vmax.f32 v5, v4  }
0x18c: {  	v3 =	vmax.f32 v6, v3  }
0x18d: {  	v3 =	vmax.f32 v4, v3  }
0x18e: {  	[tilespmem:s23+$0x490] =	vst v3  }
0x18f: {  	v3 =	vld [tilespmem:s26+$0x320]  }
0x190: {  	v4 =	vld [tilespmem:s26+$0x2A0]  }
0x191: {  	v5 =	vld [tilespmem:s26+$0x220]  }
0x192: {  	v6 =	vld [tilespmem:s26+$0x3A0];
	_ =	sdelay $0x3  }
0x193: {  	v4 =	vmax.f32 v5, v4  }
0x194: {  	v3 =	vmax.f32 v3, v6  }
0x195: {  	v3 =	vmax.f32 v4, v3  }
0x196: {  	[tilespmem:s23+$0x4A0] =	vst v3  }
0x197: {  	v3 =	vld [tilespmem:s26+$0x3B0]  }
0x198: {  	v4 =	vld [tilespmem:s26+$0x2B0]  }
0x199: {  	v5 =	vld [tilespmem:s26+$0x230]  }
0x19a: {  	v6 =	vld [tilespmem:s26+$0x330];
	_ =	sdelay $0x3  }
0x19b: {  	v4 =	vmax.f32 v5, v4  }
0x19c: {  	v3 =	vmax.f32 v6, v3  }
0x19d: {  	v3 =	vmax.f32 v4, v3  }
0x19e: {  	[tilespmem:s23+$0x4B0] =	vst v3  }
0x19f: {  	v3 =	vld [tilespmem:s26+$0x340]  }
0x1a0: {  	v4 =	vld [tilespmem:s26+$0x2C0]  }
0x1a1: {  	v5 =	vld [tilespmem:s26+$0x240]  }
0x1a2: {  	v6 =	vld [tilespmem:s26+$0x3C0];
	_ =	sdelay $0x3  }
0x1a3: {  	v4 =	vmax.f32 v5, v4  }
0x1a4: {  	v3 =	vmax.f32 v3, v6  }
0x1a5: {  	v3 =	vmax.f32 v4, v3  }
0x1a6: {  	[tilespmem:s23+$0x4C0] =	vst v3  }
0x1a7: {  	v3 =	vld [tilespmem:s26+$0x3D0]  }
0x1a8: {  	v4 =	vld [tilespmem:s26+$0x2D0]  }
0x1a9: {  	v5 =	vld [tilespmem:s26+$0x350]  }
0x1aa: {  	v6 =	vld [tilespmem:s26+$0x250];
	_ =	sdelay $0x3  }
0x1ab: {  	v3 =	vmax.f32 v5, v3  }
0x1ac: {  	v4 =	vmax.f32 v6, v4  }
0x1ad: {  	v3 =	vmax.f32 v4, v3  }
0x1ae: {  	[tilespmem:s23+$0x4D0] =	vst v3  }
0x1af: {  	v3 =	vld [tilespmem:s26+$0x360]  }
0x1b0: {  	v4 =	vld [tilespmem:s26+$0x2E0]  }
0x1b1: {  	v5 =	vld [tilespmem:s26+$0x260]  }
0x1b2: {  	v6 =	vld [tilespmem:s26+$0x3E0];
	_ =	sdelay $0x3  }
0x1b3: {  	v4 =	vmax.f32 v5, v4  }
0x1b4: {  	v3 =	vmax.f32 v3, v6  }
0x1b5: {  	v3 =	vmax.f32 v4, v3  }
0x1b6: {  	[tilespmem:s23+$0x4E0] =	vst v3  }
0x1b7: {  	v3 =	vld [tilespmem:s26+$0x3F0]  }
0x1b8: {  	v4 =	vld [tilespmem:s26+$0x2F0]  }
0x1b9: {  	v5 =	vld [tilespmem:s26+$0x270]  }
0x1ba: {  	v6 =	vld [tilespmem:s26+$0x370];
	s26 =	smov.u32 s24;
	_ =	sdelay $0x3  }
0x1bb: {  	v4 =	vmax.f32 v5, v4  }
0x1bc: {  	v3 =	vmax.f32 v6, v3  }
0x1bd: {  	v3 =	vmax.f32 v4, v3  }
0x1be: {  	[tilespmem:s23+$0x4F0] =	vst v3  }
0x1bf: {  	v3 =	vld [tilespmem:s24+$0xFFFFFC00]  }
0x1c0: {  	v4 =	vld [tilespmem:s24+$0xFFFFFD80]  }
0x1c1: {  	v5 =	vld [tilespmem:s24+$0xFFFFFD00]  }
0x1c2: {  	v6 =	vld [tilespmem:s24+$0xFFFFFC80];
	_ =	sdelay $0x3  }
0x1c3: {  	v4 =	vmax.f32 v5, v4  }
0x1c4: {  	s29 =	sand.u32 $0x300, s29;
	s23 =	sand.u32 $0x1800, s25;
	v3 =	vmax.f32 v3, v6  }
0x1c5: {  	s23 =	sor.u32 s29, s23;
	v3 =	vmax.f32 v3, v4  }
0x1c6: {  	[tilespmem:s23+$0x11800] =	vst v3  }
0x1c7: {  	v3 =	vld [tilespmem:s24+$0xFFFFFD90]  }
0x1c8: {  	v4 =	vld [tilespmem:s24+$0xFFFFFC90]  }
0x1c9: {  	v5 =	vld [tilespmem:s24+$0xFFFFFD10]  }
0x1ca: {  	v6 =	vld [tilespmem:s24+$0xFFFFFC10];
	_ =	sdelay $0x3  }
0x1cb: {  	v3 =	vmax.f32 v5, v3  }
0x1cc: {  	v4 =	vmax.f32 v6, v4  }
0x1cd: {  	s23 =	sadd.s32 $0x11800, s23;
	v3 =	vmax.f32 v4, v3  }
0x1ce: {  	[tilespmem:s23+$0x10] =	vst v3  }
0x1cf: {  	v3 =	vld [tilespmem:s24+$0xFFFFFD20]  }
0x1d0: {  	v4 =	vld [tilespmem:s24+$0xFFFFFCA0]  }
0x1d1: {  	v5 =	vld [tilespmem:s24+$0xFFFFFC20]  }
0x1d2: {  	v6 =	vld [tilespmem:s24+$0xFFFFFDA0];
	_ =	sdelay $0x3  }
0x1d3: {  	v4 =	vmax.f32 v5, v4  }
0x1d4: {  	v3 =	vmax.f32 v3, v6  }
0x1d5: {  	v3 =	vmax.f32 v4, v3  }
0x1d6: {  	[tilespmem:s23+$0x20] =	vst v3  }
0x1d7: {  	v3 =	vld [tilespmem:s24+$0xFFFFFDB0]  }
0x1d8: {  	v4 =	vld [tilespmem:s24+$0xFFFFFCB0]  }
0x1d9: {  	v5 =	vld [tilespmem:s24+$0xFFFFFC30]  }
0x1da: {  	v6 =	vld [tilespmem:s24+$0xFFFFFD30];
	_ =	sdelay $0x3  }
0x1db: {  	v4 =	vmax.f32 v5, v4  }
0x1dc: {  	v3 =	vmax.f32 v6, v3  }
0x1dd: {  	v3 =	vmax.f32 v4, v3  }
0x1de: {  	[tilespmem:s23+$0x30] =	vst v3  }
0x1df: {  	v3 =	vld [tilespmem:s24+$0xFFFFFD40]  }
0x1e0: {  	v4 =	vld [tilespmem:s24+$0xFFFFFCC0]  }
0x1e1: {  	v5 =	vld [tilespmem:s24+$0xFFFFFC40]  }
0x1e2: {  	v6 =	vld [tilespmem:s24+$0xFFFFFDC0];
	_ =	sdelay $0x3  }
0x1e3: {  	v4 =	vmax.f32 v5, v4  }
0x1e4: {  	v3 =	vmax.f32 v3, v6  }
0x1e5: {  	v3 =	vmax.f32 v4, v3  }
0x1e6: {  	[tilespmem:s23+$0x40] =	vst v3  }
0x1e7: {  	v3 =	vld [tilespmem:s24+$0xFFFFFDD0]  }
0x1e8: {  	v4 =	vld [tilespmem:s24+$0xFFFFFCD0]  }
0x1e9: {  	v5 =	vld [tilespmem:s24+$0xFFFFFC50]  }
0x1ea: {  	v6 =	vld [tilespmem:s24+$0xFFFFFD50];
	_ =	sdelay $0x3  }
0x1eb: {  	v4 =	vmax.f32 v5, v4  }
0x1ec: {  	v3 =	vmax.f32 v6, v3  }
0x1ed: {  	v3 =	vmax.f32 v4, v3  }
0x1ee: {  	[tilespmem:s23+$0x50] =	vst v3  }
0x1ef: {  	v3 =	vld [tilespmem:s24+$0xFFFFFD60]  }
0x1f0: {  	v4 =	vld [tilespmem:s24+$0xFFFFFCE0]  }
0x1f1: {  	v5 =	vld [tilespmem:s24+$0xFFFFFC60]  }
0x1f2: {  	v6 =	vld [tilespmem:s24+$0xFFFFFDE0];
	_ =	sdelay $0x3  }
0x1f3: {  	v4 =	vmax.f32 v5, v4  }
0x1f4: {  	v3 =	vmax.f32 v3, v6  }
0x1f5: {  	v3 =	vmax.f32 v4, v3  }
0x1f6: {  	[tilespmem:s23+$0x60] =	vst v3  }
0x1f7: {  	v3 =	vld [tilespmem:s24+$0xFFFFFDF0]  }
0x1f8: {  	v4 =	vld [tilespmem:s24+$0xFFFFFCF0]  }
0x1f9: {  	v5 =	vld [tilespmem:s24+$0xFFFFFC70]  }
0x1fa: {  	v6 =	vld [tilespmem:s24+$0xFFFFFD70];
	_ =	sdelay $0x3  }
0x1fb: {  	v4 =	vmax.f32 v5, v4  }
0x1fc: {  	v3 =	vmax.f32 v6, v3  }
0x1fd: {  	v3 =	vmax.f32 v4, v3  }
0x1fe: {  	[tilespmem:s23+$0x70] =	vst v3  }
0x1ff: {  	v3 =	vld [tilespmem:s24+$0x100]  }
0x200: {  	v4 =	vld [tilespmem:s24+$0x80]  }
0x201: {  	v5 =	vld [tilespmem:s24+$0x0]  }
0x202: {  	v6 =	vld [tilespmem:s24+$0x180];
	_ =	sdelay $0x3  }
0x203: {  	v4 =	vmax.f32 v5, v4  }
0x204: {  	v3 =	vmax.f32 v3, v6  }
0x205: {  	v3 =	vmax.f32 v4, v3  }
0x206: {  	[tilespmem:s23+$0x400] =	vst v3  }
0x207: {  	v3 =	vld [tilespmem:s24+$0x190]  }
0x208: {  	v4 =	vld [tilespmem:s24+$0x90]  }
0x209: {  	v5 =	vld [tilespmem:s24+$0x10]  }
0x20a: {  	v6 =	vld [tilespmem:s24+$0x110];
	_ =	sdelay $0x3  }
0x20b: {  	v4 =	vmax.f32 v5, v4  }
0x20c: {  	v3 =	vmax.f32 v6, v3  }
0x20d: {  	v3 =	vmax.f32 v4, v3  }
0x20e: {  	[tilespmem:s23+$0x410] =	vst v3  }
0x20f: {  	v3 =	vld [tilespmem:s24+$0x120]  }
0x210: {  	v4 =	vld [tilespmem:s24+$0xA0]  }
0x211: {  	v5 =	vld [tilespmem:s24+$0x20]  }
0x212: {  	v6 =	vld [tilespmem:s24+$0x1A0];
	_ =	sdelay $0x3  }
0x213: {  	v4 =	vmax.f32 v5, v4  }
0x214: {  	v3 =	vmax.f32 v3, v6  }
0x215: {  	v3 =	vmax.f32 v4, v3  }
0x216: {  	[tilespmem:s23+$0x420] =	vst v3  }
0x217: {  	v3 =	vld [tilespmem:s24+$0x1B0]  }
0x218: {  	v4 =	vld [tilespmem:s24+$0xB0]  }
0x219: {  	v5 =	vld [tilespmem:s24+$0x30]  }
0x21a: {  	v6 =	vld [tilespmem:s24+$0x130];
	_ =	sdelay $0x3  }
0x21b: {  	v4 =	vmax.f32 v5, v4  }
0x21c: {  	v3 =	vmax.f32 v6, v3  }
0x21d: {  	v3 =	vmax.f32 v4, v3  }
0x21e: {  	[tilespmem:s23+$0x430] =	vst v3  }
0x21f: {  	v3 =	vld [tilespmem:s24+$0x140]  }
0x220: {  	v4 =	vld [tilespmem:s24+$0xC0]  }
0x221: {  	v5 =	vld [tilespmem:s24+$0x40]  }
0x222: {  	v6 =	vld [tilespmem:s24+$0x1C0];
	_ =	sdelay $0x3  }
0x223: {  	v4 =	vmax.f32 v5, v4  }
0x224: {  	v3 =	vmax.f32 v3, v6  }
0x225: {  	v3 =	vmax.f32 v4, v3  }
0x226: {  	[tilespmem:s23+$0x440] =	vst v3  }
0x227: {  	v3 =	vld [tilespmem:s24+$0x1D0]  }
0x228: {  	v4 =	vld [tilespmem:s24+$0xD0]  }
0x229: {  	v5 =	vld [tilespmem:s24+$0x50]  }
0x22a: {  	v6 =	vld [tilespmem:s24+$0x150];
	_ =	sdelay $0x3  }
0x22b: {  	v4 =	vmax.f32 v5, v4  }
0x22c: {  	v3 =	vmax.f32 v6, v3  }
0x22d: {  	v3 =	vmax.f32 v4, v3  }
0x22e: {  	[tilespmem:s23+$0x450] =	vst v3  }
0x22f: {  	v3 =	vld [tilespmem:s24+$0x160]  }
0x230: {  	v4 =	vld [tilespmem:s24+$0xE0]  }
0x231: {  	v5 =	vld [tilespmem:s24+$0x60]  }
0x232: {  	v6 =	vld [tilespmem:s24+$0x1E0];
	_ =	sdelay $0x3  }
0x233: {  	v4 =	vmax.f32 v5, v4  }
0x234: {  	v3 =	vmax.f32 v3, v6  }
0x235: {  	v3 =	vmax.f32 v4, v3  }
0x236: {  	[tilespmem:s23+$0x460] =	vst v3  }
0x237: {  	v3 =	vld [tilespmem:s24+$0x1F0]  }
0x238: {  	v4 =	vld [tilespmem:s24+$0xF0]  }
0x239: {  	v5 =	vld [tilespmem:s24+$0x70]  }
0x23a: {  	v6 =	vld [tilespmem:s24+$0x170];
	_ =	sdelay $0x3  }
0x23b: {  	v4 =	vmax.f32 v5, v4  }
0x23c: {  	v3 =	vmax.f32 v6, v3  }
0x23d: {  	v3 =	vmax.f32 v4, v3  }
0x23e: {  	[tilespmem:s23+$0x470] =	vst v3  }
0x23f: {  	v3 =	vld [tilespmem:s24+$0xFFFFFF00]  }
0x240: {  	v4 =	vld [tilespmem:s24+$0xFFFFFE80]  }
0x241: {  	v5 =	vld [tilespmem:s24+$0xFFFFFE00]  }
0x242: {  	v6 =	vld [tilespmem:s24+$0xFFFFFF80];
	_ =	sdelay $0x3  }
0x243: {  	v4 =	vmax.f32 v5, v4  }
0x244: {  	v3 =	vmax.f32 v3, v6  }
0x245: {  	v3 =	vmax.f32 v4, v3  }
0x246: {  	[tilespmem:s23+$0x80] =	vst v3  }
0x247: {  	v3 =	vld [tilespmem:s24+$0xFFFFFF90]  }
0x248: {  	v4 =	vld [tilespmem:s24+$0xFFFFFE90]  }
0x249: {  	v5 =	vld [tilespmem:s24+$0xFFFFFE10]  }
0x24a: {  	v6 =	vld [tilespmem:s24+$0xFFFFFF10];
	_ =	sdelay $0x3  }
0x24b: {  	v4 =	vmax.f32 v5, v4  }
0x24c: {  	v3 =	vmax.f32 v6, v3  }
0x24d: {  	v3 =	vmax.f32 v4, v3  }
0x24e: {  	[tilespmem:s23+$0x90] =	vst v3  }
0x24f: {  	v3 =	vld [tilespmem:s24+$0xFFFFFEA0]  }
0x250: {  	v4 =	vld [tilespmem:s24+$0xFFFFFFA0]  }
0x251: {  	v5 =	vld [tilespmem:s24+$0xFFFFFF20]  }
0x252: {  	v6 =	vld [tilespmem:s24+$0xFFFFFE20];
	_ =	sdelay $0x3  }
0x253: {  	v4 =	vmax.f32 v5, v4  }
0x254: {  	v3 =	vmax.f32 v6, v3  }
0x255: {  	v3 =	vmax.f32 v3, v4  }
0x256: {  	[tilespmem:s23+$0xA0] =	vst v3  }
0x257: {  	v3 =	vld [tilespmem:s24+$0xFFFFFFB0]  }
0x258: {  	v4 =	vld [tilespmem:s24+$0xFFFFFEB0]  }
0x259: {  	v5 =	vld [tilespmem:s24+$0xFFFFFE30]  }
0x25a: {  	v6 =	vld [tilespmem:s24+$0xFFFFFF30];
	_ =	sdelay $0x3  }
0x25b: {  	v4 =	vmax.f32 v5, v4  }
0x25c: {  	v3 =	vmax.f32 v6, v3  }
0x25d: {  	v3 =	vmax.f32 v4, v3  }
0x25e: {  	[tilespmem:s23+$0xB0] =	vst v3  }
0x25f: {  	v3 =	vld [tilespmem:s24+$0xFFFFFF40]  }
0x260: {  	v4 =	vld [tilespmem:s24+$0xFFFFFEC0]  }
0x261: {  	v5 =	vld [tilespmem:s24+$0xFFFFFE40]  }
0x262: {  	v6 =	vld [tilespmem:s24+$0xFFFFFFC0];
	_ =	sdelay $0x3  }
0x263: {  	v4 =	vmax.f32 v5, v4  }
0x264: {  	v3 =	vmax.f32 v3, v6  }
0x265: {  	v3 =	vmax.f32 v4, v3  }
0x266: {  	[tilespmem:s23+$0xC0] =	vst v3  }
0x267: {  	v3 =	vld [tilespmem:s24+$0xFFFFFFD0]  }
0x268: {  	v4 =	vld [tilespmem:s24+$0xFFFFFED0]  }
0x269: {  	v5 =	vld [tilespmem:s24+$0xFFFFFE50]  }
0x26a: {  	v6 =	vld [tilespmem:s24+$0xFFFFFF50];
	_ =	sdelay $0x3  }
0x26b: {  	v4 =	vmax.f32 v5, v4  }
0x26c: {  	v3 =	vmax.f32 v6, v3  }
0x26d: {  	v3 =	vmax.f32 v4, v3  }
0x26e: {  	[tilespmem:s23+$0xD0] =	vst v3  }
0x26f: {  	v3 =	vld [tilespmem:s24+$0xFFFFFF60]  }
0x270: {  	v4 =	vld [tilespmem:s24+$0xFFFFFEE0]  }
0x271: {  	v5 =	vld [tilespmem:s24+$0xFFFFFE60]  }
0x272: {  	v6 =	vld [tilespmem:s24+$0xFFFFFFE0];
	_ =	sdelay $0x3  }
0x273: {  	v4 =	vmax.f32 v5, v4  }
0x274: {  	v3 =	vmax.f32 v3, v6  }
0x275: {  	v3 =	vmax.f32 v4, v3  }
.Ltmp2:
0x276: {  	[tilespmem:s23+$0xE0] =	vst v3;
	(pc) =	sbr.rel @p1 .LBB2_3-.Ltmp2, $4  }
0x277: {  	v3 =	vld [tilespmem:s24+$0xFFFFFFF0]  }
0x278: {  	v4 =	vld [tilespmem:s24+$0xFFFFFEF0]  }
0x279: {  	v5 =	vld [tilespmem:s24+$0xFFFFFF70]  }
0x27a: {  	v6 =	vld [tilespmem:s24+$0xFFFFFE70]  }
0x27b: {  	_ =	sdelay $0x3  }
0x27c: {  	v3 =	vmax.f32 v5, v3;
	v4 =	vmax.f32 v6, v4  }
0x27d: {  	v3 =	vmax.f32 v4, v3  }
0x27e: {  	[tilespmem:s23+$0xF0] =	vst v3  }
0x27f: {  	v3 =	vld [tilespmem:s26+$0x300]  }
0x280: {  	v40 =	vld [tilespmem:s26+$0x280]  }
0x281: {  	v41 =	vld [tilespmem:s26+$0x200]  }
0x282: {  	v42 =	vld [tilespmem:s26+$0x380];
	_ =	sdelay $0x4  }
0x283: {  	v4 =	vmax.f32 v41, v40;
	v3 =	vmax.f32 v3, v42  }
0x284: {  	v3 =	vmax.f32 v4, v3  }
0x285: {  	[tilespmem:s23+$0x480] =	vst v3  }
0x286: {  	v3 =	vld [tilespmem:s26+$0x390]  }
0x287: {  	v43 =	vld [tilespmem:s26+$0x290]  }
0x288: {  	v44 =	vld [tilespmem:s26+$0x210]  }
0x289: {  	v45 =	vld [tilespmem:s26+$0x310];
	_ =	sdelay $0x4  }
0x28a: {  	v4 =	vmax.f32 v44, v43;
	v3 =	vmax.f32 v45, v3  }
0x28b: {  	v3 =	vmax.f32 v4, v3  }
0x28c: {  	[tilespmem:s23+$0x490] =	vst v3  }
0x28d: {  	v3 =	vld [tilespmem:s26+$0x320]  }
0x28e: {  	v46 =	vld [tilespmem:s26+$0x2A0]  }
0x28f: {  	v47 =	vld [tilespmem:s26+$0x220]  }
0x290: {  	v48 =	vld [tilespmem:s26+$0x3A0];
	_ =	sdelay $0x4  }
0x291: {  	v4 =	vmax.f32 v47, v46;
	v3 =	vmax.f32 v3, v48  }
0x292: {  	v3 =	vmax.f32 v4, v3  }
0x293: {  	[tilespmem:s23+$0x4A0] =	vst v3  }
0x294: {  	v3 =	vld [tilespmem:s26+$0x3B0]  }
0x295: {  	v49 =	vld [tilespmem:s26+$0x2B0]  }
0x296: {  	v50 =	vld [tilespmem:s26+$0x230]  }
0x297: {  	v51 =	vld [tilespmem:s26+$0x330];
	_ =	sdelay $0x4  }
0x298: {  	v4 =	vmax.f32 v50, v49;
	v3 =	vmax.f32 v51, v3  }
0x299: {  	v3 =	vmax.f32 v4, v3  }
0x29a: {  	[tilespmem:s23+$0x4B0] =	vst v3  }
0x29b: {  	v3 =	vld [tilespmem:s26+$0x340]  }
0x29c: {  	v52 =	vld [tilespmem:s26+$0x2C0]  }
0x29d: {  	v53 =	vld [tilespmem:s26+$0x240]  }
0x29e: {  	v54 =	vld [tilespmem:s26+$0x3C0];
	_ =	sdelay $0x4  }
0x29f: {  	v4 =	vmax.f32 v53, v52;
	v3 =	vmax.f32 v3, v54  }
0x2a0: {  	v3 =	vmax.f32 v4, v3  }
0x2a1: {  	[tilespmem:s23+$0x4C0] =	vst v3  }
0x2a2: {  	v3 =	vld [tilespmem:s26+$0x3D0]  }
0x2a3: {  	v55 =	vld [tilespmem:s26+$0x2D0]  }
0x2a4: {  	v56 =	vld [tilespmem:s26+$0x350]  }
0x2a5: {  	v57 =	vld [tilespmem:s26+$0x250];
	_ =	sdelay $0x4  }
0x2a6: {  	v3 =	vmax.f32 v56, v3;
	v4 =	vmax.f32 v57, v55  }
0x2a7: {  	v3 =	vmax.f32 v4, v3  }
0x2a8: {  	[tilespmem:s23+$0x4D0] =	vst v3  }
0x2a9: {  	v3 =	vld [tilespmem:s26+$0x360]  }
0x2aa: {  	v58 =	vld [tilespmem:s26+$0x2E0]  }
0x2ab: {  	v59 =	vld [tilespmem:s26+$0x260]  }
0x2ac: {  	v60 =	vld [tilespmem:s26+$0x3E0];
	_ =	sdelay $0x4  }
0x2ad: {  	v4 =	vmax.f32 v59, v58;
	v3 =	vmax.f32 v3, v60  }
0x2ae: {  	v3 =	vmax.f32 v4, v3  }
0x2af: {  	[tilespmem:s23+$0x4E0] =	vst v3  }
0x2b0: {  	v3 =	vld [tilespmem:s26+$0x3F0]  }
0x2b1: {  	v61 =	vld [tilespmem:s26+$0x2F0]  }
0x2b2: {  	v62 =	vld [tilespmem:s26+$0x270]  }
0x2b3: {  	v63 =	vld [tilespmem:s26+$0x370];
	_ =	sdelay $0x2  }
0x2b4: {  	p1 =	sne.s32 s21, $0x17  }
.Ltmp3:
0x2b5: {  	_ = 	snop;
	(pc) =	sbr.rel @p1 .LBB2_6-.Ltmp3, $4  }
0x2b6: {  	s24 =	sadd.s32 s4, s22;
	v4 =	vmax.f32 v62, v61;
	v3 =	vmax.f32 v63, v3  }
0x2b7: {  	s24 =	sshll.u32 s24, $0xA;
	v3 =	vmax.f32 v4, v3  }
0x2b8: {  	s29 =	sadd.s32 s5, s24;
	[tilespmem:s23+$0x4F0] =	vst v3  }
0x2b9: {  	[hbm4b:s29+s2] =	stream.linear.scatter [tilespmem:s17], [sflag:$0x3], $0x2000, $0x38;
	[tilespmem:$0x15800] =	vst v63  }
.Ltmp4:
0x2ba: {  	(pc) =	sbr.rel .LBB2_7-.Ltmp4, $4  }
0x2bb: {  	_ = 	snop  }
0x2bc: {  	_ =	swait.ge [sflag:s18], $0x8000  }
0x2bd: {  	[sflag:s18] =	ssyncset.done $0x0  }
0x2be: {  	[sflag:s18] =	ssyncadd.s32 $0xFFFF8000  }
.LBB2_6:
0x2bf: {  	s23 =	sshll.u32 s21, $0x8  }
0x2c0: {  	s23 =	sand.u32 $0x3FFFFF00, s23  }
0x2c1: {  	v3 =	vld [tilespmem:s23+$0x100];
	_ =	sdelay $0x4  }
0x2c2: {  	v4 =	vshll.u32 v3, $0x1  }
0x2c3: {  	v3 =	vand.u32 $0x7, v3;
	v4 =	vand.u32 $0xFFFFFFF0, v4  }
0x2c4: {  	v3 =	vor.u32 v3, v4  }
0x2c5: {  	v4 =	vperm.xlane v3, v0;
	_ =	sdelay $0x1  }
0x2c6: {  	v3 =	vperm.xlane v3, v2;
	v4 =	vadd.s32 v1, v4;
	_ =	sdelay $0x1  }
0x2c7: {  	v3 =	vadd.s32 v1, v3;
	_ =	sdelay $0x1  }
0x2c8: {  	s24 =	simm.s32 $0x1800  }
0x2c9: {  	[tilespmem:s24], [sflag:$0x1] =	stream.indirect_vreg.gather [hbm4b:s3+s2], $0x80, v4, vm0, $0xb8;
	[tilespmem:$0x15800] =	vst v63  }
0x2ca: {  	s26 =	simm.s32 $0x2000  }
0x2cb: {  	[tilespmem:s26], [sflag:$0x1] =	stream.indirect_vreg.gather [hbm4b:s3+s2], $0x80, v3, vm0, $0xb8;
	[tilespmem:$0x15800] =	vst v63  }
0x2cc: {  	v3 =	vld [tilespmem:s23+$0x110];
	_ =	sdelay $0x4  }
0x2cd: {  	v57 =	vshll.u32 v3, $0x1  }
0x2ce: {  	v3 =	vand.u32 $0x7, v3;
	v4 =	vand.u32 $0xFFFFFFF0, v57  }
0x2cf: {  	v3 =	vor.u32 v3, v4  }
0x2d0: {  	v4 =	vperm.xlane v3, v0;
	_ =	sdelay $0x1  }
0x2d1: {  	v3 =	vperm.xlane v3, v2;
	v4 =	vadd.s32 v1, v4;
	_ =	sdelay $0x1  }
0x2d2: {  	v3 =	vadd.s32 v1, v3;
	_ =	sdelay $0x1  }
0x2d3: {  	s28 =	simm.s32 $0x2800  }
0x2d4: {  	[tilespmem:s28], [sflag:$0x1] =	stream.indirect_vreg.gather [hbm4b:s3+s2], $0x80, v4, vm0, $0xb8;
	[tilespmem:$0x15800] =	vst v63  }
0x2d5: {  	s29 =	simm.s32 $0x3000  }
0x2d6: {  	[tilespmem:s29], [sflag:$0x1] =	stream.indirect_vreg.gather [hbm4b:s3+s2], $0x80, v3, vm0, $0xb8;
	[tilespmem:$0x15800] =	vst v63  }
0x2d7: {  	v3 =	vld [tilespmem:s23+$0x120];
	_ =	sdelay $0x4  }
0x2d8: {  	v58 =	vshll.u32 v3, $0x1  }
0x2d9: {  	v3 =	vand.u32 $0x7, v3;
	v4 =	vand.u32 $0xFFFFFFF0, v58  }
0x2da: {  	v3 =	vor.u32 v3, v4  }
0x2db: {  	v4 =	vperm.xlane v3, v0;
	_ =	sdelay $0x1  }
0x2dc: {  	v3 =	vperm.xlane v3, v2;
	v4 =	vadd.s32 v1, v4;
	_ =	sdelay $0x1  }
0x2dd: {  	v3 =	vadd.s32 v1, v3;
	_ =	sdelay $0x1  }
0x2de: {  	s25 =	simm.s32 $0x3800  }
0x2df: {  	[tilespmem:s25], [sflag:$0x1] =	stream.indirect_vreg.gather [hbm4b:s3+s2], $0x80, v4, vm0, $0xb8;
	[tilespmem:$0x15800] =	vst v63  }
0x2e0: {  	s26 =	simm.s32 $0x4000  }
0x2e1: {  	[tilespmem:s26], [sflag:$0x1] =	stream.indirect_vreg.gather [hbm4b:s3+s2], $0x80, v3, vm0, $0xb8;
	[tilespmem:$0x15800] =	vst v63  }
0x2e2: {  	v3 =	vld [tilespmem:s23+$0x130];
	_ =	sdelay $0x4  }
0x2e3: {  	v59 =	vshll.u32 v3, $0x1  }
0x2e4: {  	v3 =	vand.u32 $0x7, v3;
	v4 =	vand.u32 $0xFFFFFFF0, v59  }
0x2e5: {  	v3 =	vor.u32 v3, v4  }
0x2e6: {  	v4 =	vperm.xlane v3, v0;
	_ =	sdelay $0x1  }
0x2e7: {  	v3 =	vperm.xlane v3, v2;
	v4 =	vadd.s32 v1, v4;
	_ =	sdelay $0x1  }
0x2e8: {  	v3 =	vadd.s32 v1, v3;
	_ =	sdelay $0x1  }
0x2e9: {  	s28 =	simm.s32 $0x4800  }
0x2ea: {  	[tilespmem:s28], [sflag:$0x1] =	stream.indirect_vreg.gather [hbm4b:s3+s2], $0x80, v4, vm0, $0xb8;
	[tilespmem:$0x15800] =	vst v63  }
0x2eb: {  	s29 =	simm.s32 $0x5000  }
0x2ec: {  	[tilespmem:s29], [sflag:$0x1] =	stream.indirect_vreg.gather [hbm4b:s3+s2], $0x80, v3, vm0, $0xb8;
	[tilespmem:$0x15800] =	vst v63  }
0x2ed: {  	v3 =	vld [tilespmem:s23+$0x140];
	_ =	sdelay $0x4  }
0x2ee: {  	v60 =	vshll.u32 v3, $0x1  }
0x2ef: {  	v3 =	vand.u32 $0x7, v3;
	v4 =	vand.u32 $0xFFFFFFF0, v60  }
0x2f0: {  	v3 =	vor.u32 v3, v4  }
0x2f1: {  	v4 =	vperm.xlane v3, v0;
	_ =	sdelay $0x1  }
0x2f2: {  	v3 =	vperm.xlane v3, v2;
	v4 =	vadd.s32 v1, v4;
	_ =	sdelay $0x1  }
0x2f3: {  	v3 =	vadd.s32 v1, v3;
	_ =	sdelay $0x1  }
0x2f4: {  	s25 =	simm.s32 $0x5800  }
0x2f5: {  	[tilespmem:s25], [sflag:$0x1] =	stream.indirect_vreg.gather [hbm4b:s3+s2], $0x80, v4, vm0, $0xb8;
	[tilespmem:$0x15800] =	vst v63  }
0x2f6: {  	s26 =	simm.s32 $0x6000  }
0x2f7: {  	[tilespmem:s26], [sflag:$0x1] =	stream.indirect_vreg.gather [hbm4b:s3+s2], $0x80, v3, vm0, $0xb8;
	[tilespmem:$0x15800] =	vst v63  }
0x2f8: {  	v3 =	vld [tilespmem:s23+$0x150];
	_ =	sdelay $0x4  }
0x2f9: {  	v61 =	vshll.u32 v3, $0x1  }
0x2fa: {  	v3 =	vand.u32 $0x7, v3;
	v4 =	vand.u32 $0xFFFFFFF0, v61  }
0x2fb: {  	v3 =	vor.u32 v3, v4  }
0x2fc: {  	v4 =	vperm.xlane v3, v0;
	_ =	sdelay $0x1  }
0x2fd: {  	v3 =	vperm.xlane v3, v2;
	v4 =	vadd.s32 v1, v4;
	_ =	sdelay $0x1  }
0x2fe: {  	v3 =	vadd.s32 v1, v3;
	_ =	sdelay $0x1  }
0x2ff: {  	s28 =	simm.s32 $0x6800  }
0x300: {  	[tilespmem:s28], [sflag:$0x1] =	stream.indirect_vreg.gather [hbm4b:s3+s2], $0x80, v4, vm0, $0xb8;
	[tilespmem:$0x15800] =	vst v63  }
0x301: {  	s29 =	simm.s32 $0x7000  }
0x302: {  	[tilespmem:s29], [sflag:$0x1] =	stream.indirect_vreg.gather [hbm4b:s3+s2], $0x80, v3, vm0, $0xb8;
	[tilespmem:$0x15800] =	vst v63  }
0x303: {  	v3 =	vld [tilespmem:s23+$0x160];
	_ =	sdelay $0x4  }
0x304: {  	v62 =	vshll.u32 v3, $0x1  }
0x305: {  	v3 =	vand.u32 $0x7, v3;
	v4 =	vand.u32 $0xFFFFFFF0, v62  }
0x306: {  	v3 =	vor.u32 v3, v4  }
0x307: {  	v4 =	vperm.xlane v3, v0;
	_ =	sdelay $0x1  }
0x308: {  	v3 =	vperm.xlane v3, v2;
	v4 =	vadd.s32 v1, v4;
	_ =	sdelay $0x1  }
0x309: {  	v3 =	vadd.s32 v1, v3;
	_ =	sdelay $0x1  }
0x30a: {  	s25 =	simm.s32 $0x7800  }
0x30b: {  	[tilespmem:s25], [sflag:$0x1] =	stream.indirect_vreg.gather [hbm4b:s3+s2], $0x80, v4, vm0, $0xb8;
	[tilespmem:$0x15800] =	vst v63  }
0x30c: {  	s26 =	simm.s32 $0x8000  }
0x30d: {  	[tilespmem:s26], [sflag:$0x1] =	stream.indirect_vreg.gather [hbm4b:s3+s2], $0x80, v3, vm0, $0xb8;
	[tilespmem:$0x15800] =	vst v63  }
0x30e: {  	v3 =	vld [tilespmem:s23+$0x170];
	_ =	sdelay $0x4  }
0x30f: {  	v63 =	vshll.u32 v3, $0x1  }
0x310: {  	v3 =	vand.u32 $0x7, v3;
	v4 =	vand.u32 $0xFFFFFFF0, v63  }
0x311: {  	v3 =	vor.u32 v3, v4  }
0x312: {  	v4 =	vperm.xlane v3, v0;
	_ =	sdelay $0x1  }
0x313: {  	v3 =	vperm.xlane v3, v2;
	v4 =	vadd.s32 v1, v4;
	_ =	sdelay $0x1  }
0x314: {  	v3 =	vadd.s32 v1, v3;
	_ =	sdelay $0x1  }
0x315: {  	s28 =	simm.s32 $0x8800  }
0x316: {  	[tilespmem:s28], [sflag:$0x1] =	stream.indirect_vreg.gather [hbm4b:s3+s2], $0x80, v4, vm0, $0xb8;
	[tilespmem:$0x15800] =	vst v63  }
.Ltmp5:
0x317: {  	s29 =	simm.s32 $0x9000;
	(pc) =	sbr.rel @p0 .LBB2_8-.Ltmp5, $4  }
0x318: {  	[tilespmem:s29], [sflag:$0x1] =	stream.indirect_vreg.gather [hbm4b:s3+s2], $0x80, v3, vm0, $0xb8;
	[tilespmem:$0x15800] =	vst v63  }
0x319: {  	_ =	swait.ge [sflag:s18], $0x8000  }
0x31a: {  	[sflag:s18] =	ssyncset.done $0x0  }
0x31b: {  	[sflag:s18] =	ssyncadd.s32 $0xFFFF8000  }
.LBB2_7:
0x31c: {  	_ =	swait.ge [sflag:s19], $0x2000  }
0x31d: {  	[sflag:s19] =	ssyncset.done $0x0  }
0x31e: {  	[sflag:s19] =	ssyncadd.s32 $0xFFFFE000  }
.LBB2_8:
0x31f: {  	s23 =	simm.s32 $0x0  }
0x320: {  	v3 =	vld [tilespmem:s23+$0x9980]  }
0x321: {  	v4 =	vld [tilespmem:s23+$0x9800]  }
0x322: {  	v5 =	vld [tilespmem:s23+$0x9900]  }
0x323: {  	v6 =	vld [tilespmem:s23+$0x9880];
	_ =	sdelay $0x2  }
0x324: {  	s25 =	simm.s32 $0x0  }
0x325: {  	s24 =	sand.u32 $0x1800, s25;
	s26 =	sand.u32 $0x300, s25  }
0x326: {  	s24 =	sor.u32 s26, s24;
	v3 =	vmax.f32 v5, v3;
	v4 =	vmax.f32 v4, v6  }
0x327: {  	s24 =	sadd.s32 $0x11800, s24;
	v3 =	vmax.f32 v4, v3  }
0x328: {  	[tilespmem:s24+$0x2000] =	vst v3  }
0x329: {  	v3 =	vld [tilespmem:s23+$0x9810]  }
0x32a: {  	v4 =	vld [tilespmem:s23+$0x9890]  }
0x32b: {  	v5 =	vld [tilespmem:s23+$0x9990]  }
0x32c: {  	v6 =	vld [tilespmem:s23+$0x9910];
	_ =	sdelay $0x4  }
0x32d: {  	v3 =	vmax.f32 v3, v4;
	v4 =	vmax.f32 v6, v5  }
0x32e: {  	v3 =	vmax.f32 v3, v4  }
0x32f: {  	[tilespmem:s24+$0x2010] =	vst v3  }
0x330: {  	v3 =	vld [tilespmem:s23+$0x99A0]  }
0x331: {  	v4 =	vld [tilespmem:s23+$0x98A0]  }
0x332: {  	v5 =	vld [tilespmem:s23+$0x9820]  }
0x333: {  	v6 =	vld [tilespmem:s23+$0x9920];
	_ =	sdelay $0x4  }
0x334: {  	v4 =	vmax.f32 v5, v4;
	v3 =	vmax.f32 v6, v3  }
0x335: {  	v3 =	vmax.f32 v4, v3  }
0x336: {  	[tilespmem:s24+$0x2020] =	vst v3  }
0x337: {  	v3 =	vld [tilespmem:s23+$0x9930]  }
0x338: {  	v4 =	vld [tilespmem:s23+$0x98B0]  }
0x339: {  	v5 =	vld [tilespmem:s23+$0x9830]  }
0x33a: {  	v6 =	vld [tilespmem:s23+$0x99B0];
	_ =	sdelay $0x4  }
0x33b: {  	v4 =	vmax.f32 v5, v4;
	v3 =	vmax.f32 v3, v6  }
0x33c: {  	v3 =	vmax.f32 v4, v3  }
0x33d: {  	[tilespmem:s24+$0x2030] =	vst v3  }
0x33e: {  	v3 =	vld [tilespmem:s23+$0x99C0]  }
0x33f: {  	v4 =	vld [tilespmem:s23+$0x98C0]  }
0x340: {  	v5 =	vld [tilespmem:s23+$0x9840]  }
0x341: {  	v6 =	vld [tilespmem:s23+$0x9940];
	_ =	sdelay $0x4  }
0x342: {  	v4 =	vmax.f32 v5, v4;
	v3 =	vmax.f32 v6, v3  }
0x343: {  	v3 =	vmax.f32 v4, v3  }
0x344: {  	[tilespmem:s24+$0x2040] =	vst v3  }
0x345: {  	v3 =	vld [tilespmem:s23+$0x9950]  }
0x346: {  	v4 =	vld [tilespmem:s23+$0x98D0]  }
0x347: {  	v5 =	vld [tilespmem:s23+$0x9850]  }
0x348: {  	v6 =	vld [tilespmem:s23+$0x99D0];
	_ =	sdelay $0x4  }
0x349: {  	v4 =	vmax.f32 v5, v4;
	v3 =	vmax.f32 v3, v6  }
0x34a: {  	v3 =	vmax.f32 v4, v3  }
0x34b: {  	[tilespmem:s24+$0x2050] =	vst v3  }
0x34c: {  	v3 =	vld [tilespmem:s23+$0x99E0]  }
0x34d: {  	v4 =	vld [tilespmem:s23+$0x98E0]  }
0x34e: {  	v5 =	vld [tilespmem:s23+$0x9860]  }
0x34f: {  	v6 =	vld [tilespmem:s23+$0x9960];
	_ =	sdelay $0x4  }
0x350: {  	v4 =	vmax.f32 v5, v4;
	v3 =	vmax.f32 v6, v3  }
0x351: {  	v3 =	vmax.f32 v4, v3  }
0x352: {  	[tilespmem:s24+$0x2060] =	vst v3  }
0x353: {  	v3 =	vld [tilespmem:s23+$0x9970]  }
0x354: {  	v4 =	vld [tilespmem:s23+$0x98F0]  }
0x355: {  	v5 =	vld [tilespmem:s23+$0x9870]  }
0x356: {  	v6 =	vld [tilespmem:s23+$0x99F0];
	_ =	sdelay $0x4  }
0x357: {  	v4 =	vmax.f32 v5, v4;
	v3 =	vmax.f32 v3, v6  }
0x358: {  	v3 =	vmax.f32 v4, v3  }
0x359: {  	[tilespmem:s24+$0x2070] =	vst v3  }
0x35a: {  	v3 =	vld [tilespmem:s23+$0x9D80]  }
0x35b: {  	v4 =	vld [tilespmem:s23+$0x9C80]  }
0x35c: {  	v5 =	vld [tilespmem:s23+$0x9C00]  }
0x35d: {  	v6 =	vld [tilespmem:s23+$0x9D00];
	_ =	sdelay $0x4  }
0x35e: {  	v4 =	vmax.f32 v5, v4;
	v3 =	vmax.f32 v6, v3  }
0x35f: {  	v3 =	vmax.f32 v4, v3  }
0x360: {  	[tilespmem:s24+$0x2400] =	vst v3  }
0x361: {  	v3 =	vld [tilespmem:s23+$0x9D10]  }
0x362: {  	v4 =	vld [tilespmem:s23+$0x9C90]  }
0x363: {  	v5 =	vld [tilespmem:s23+$0x9C10]  }
0x364: {  	v6 =	vld [tilespmem:s23+$0x9D90];
	_ =	sdelay $0x4  }
0x365: {  	v4 =	vmax.f32 v5, v4;
	v3 =	vmax.f32 v3, v6  }
0x366: {  	v3 =	vmax.f32 v4, v3  }
0x367: {  	[tilespmem:s24+$0x2410] =	vst v3  }
0x368: {  	v3 =	vld [tilespmem:s23+$0x9DA0]  }
0x369: {  	v4 =	vld [tilespmem:s23+$0x9CA0]  }
0x36a: {  	v5 =	vld [tilespmem:s23+$0x9C20]  }
0x36b: {  	v6 =	vld [tilespmem:s23+$0x9D20];
	_ =	sdelay $0x4  }
0x36c: {  	v4 =	vmax.f32 v5, v4;
	v3 =	vmax.f32 v6, v3  }
0x36d: {  	v3 =	vmax.f32 v4, v3  }
0x36e: {  	[tilespmem:s24+$0x2420] =	vst v3  }
0x36f: {  	v3 =	vld [tilespmem:s23+$0x9DB0]  }
0x370: {  	v4 =	vld [tilespmem:s23+$0x9C30]  }
0x371: {  	v5 =	vld [tilespmem:s23+$0x9D30]  }
0x372: {  	v6 =	vld [tilespmem:s23+$0x9CB0];
	_ =	sdelay $0x4  }
0x373: {  	v3 =	vmax.f32 v5, v3;
	v4 =	vmax.f32 v4, v6  }
0x374: {  	v3 =	vmax.f32 v4, v3  }
0x375: {  	[tilespmem:s24+$0x2430] =	vst v3  }
0x376: {  	v3 =	vld [tilespmem:s23+$0x9DC0]  }
0x377: {  	v4 =	vld [tilespmem:s23+$0x9CC0]  }
0x378: {  	v5 =	vld [tilespmem:s23+$0x9C40]  }
0x379: {  	v6 =	vld [tilespmem:s23+$0x9D40];
	_ =	sdelay $0x4  }
0x37a: {  	v4 =	vmax.f32 v5, v4;
	v3 =	vmax.f32 v6, v3  }
0x37b: {  	v3 =	vmax.f32 v4, v3  }
0x37c: {  	[tilespmem:s24+$0x2440] =	vst v3  }
0x37d: {  	v3 =	vld [tilespmem:s23+$0x9D50]  }
0x37e: {  	v4 =	vld [tilespmem:s23+$0x9CD0]  }
0x37f: {  	v5 =	vld [tilespmem:s23+$0x9C50]  }
0x380: {  	v6 =	vld [tilespmem:s23+$0x9DD0];
	_ =	sdelay $0x4  }
0x381: {  	v4 =	vmax.f32 v5, v4;
	v3 =	vmax.f32 v3, v6  }
0x382: {  	v3 =	vmax.f32 v4, v3  }
0x383: {  	[tilespmem:s24+$0x2450] =	vst v3  }
0x384: {  	v3 =	vld [tilespmem:s23+$0x9DE0]  }
0x385: {  	v4 =	vld [tilespmem:s23+$0x9CE0]  }
0x386: {  	v5 =	vld [tilespmem:s23+$0x9C60]  }
0x387: {  	v6 =	vld [tilespmem:s23+$0x9D60];
	_ =	sdelay $0x4  }
0x388: {  	v4 =	vmax.f32 v5, v4;
	v3 =	vmax.f32 v6, v3  }
0x389: {  	v3 =	vmax.f32 v4, v3  }
0x38a: {  	[tilespmem:s24+$0x2460] =	vst v3  }
0x38b: {  	v3 =	vld [tilespmem:s23+$0x9D70]  }
0x38c: {  	v4 =	vld [tilespmem:s23+$0x9CF0]  }
0x38d: {  	v5 =	vld [tilespmem:s23+$0x9C70]  }
0x38e: {  	v6 =	vld [tilespmem:s23+$0x9DF0];
	_ =	sdelay $0x4  }
0x38f: {  	v4 =	vmax.f32 v5, v4;
	v3 =	vmax.f32 v3, v6  }
0x390: {  	v3 =	vmax.f32 v4, v3  }
0x391: {  	[tilespmem:s24+$0x2470] =	vst v3  }
0x392: {  	v3 =	vld [tilespmem:s23+$0x9B80]  }
0x393: {  	v4 =	vld [tilespmem:s23+$0x9A80]  }
0x394: {  	v5 =	vld [tilespmem:s23+$0x9A00]  }
0x395: {  	v6 =	vld [tilespmem:s23+$0x9B00];
	_ =	sdelay $0x4  }
0x396: {  	v4 =	vmax.f32 v5, v4;
	v3 =	vmax.f32 v6, v3  }
0x397: {  	v3 =	vmax.f32 v4, v3  }
0x398: {  	[tilespmem:s24+$0x2080] =	vst v3  }
0x399: {  	v3 =	vld [tilespmem:s23+$0x9B10]  }
0x39a: {  	v4 =	vld [tilespmem:s23+$0x9A90]  }
0x39b: {  	v5 =	vld [tilespmem:s23+$0x9A10]  }
0x39c: {  	v6 =	vld [tilespmem:s23+$0x9B90];
	_ =	sdelay $0x4  }
0x39d: {  	v4 =	vmax.f32 v5, v4;
	v3 =	vmax.f32 v3, v6  }
0x39e: {  	v3 =	vmax.f32 v4, v3  }
0x39f: {  	[tilespmem:s24+$0x2090] =	vst v3  }
0x3a0: {  	v3 =	vld [tilespmem:s23+$0x9BA0]  }
0x3a1: {  	v4 =	vld [tilespmem:s23+$0x9A20]  }
0x3a2: {  	v5 =	vld [tilespmem:s23+$0x9AA0]  }
0x3a3: {  	v6 =	vld [tilespmem:s23+$0x9B20];
	_ =	sdelay $0x4  }
0x3a4: {  	v4 =	vmax.f32 v4, v5;
	v3 =	vmax.f32 v6, v3  }
0x3a5: {  	v3 =	vmax.f32 v4, v3  }
0x3a6: {  	[tilespmem:s24+$0x20A0] =	vst v3  }
0x3a7: {  	v3 =	vld [tilespmem:s23+$0x9B30]  }
0x3a8: {  	v4 =	vld [tilespmem:s23+$0x9AB0]  }
0x3a9: {  	v5 =	vld [tilespmem:s23+$0x9A30]  }
0x3aa: {  	v6 =	vld [tilespmem:s23+$0x9BB0];
	_ =	sdelay $0x4  }
0x3ab: {  	v4 =	vmax.f32 v5, v4;
	v3 =	vmax.f32 v3, v6  }
0x3ac: {  	v3 =	vmax.f32 v4, v3  }
0x3ad: {  	[tilespmem:s24+$0x20B0] =	vst v3  }
0x3ae: {  	v3 =	vld [tilespmem:s23+$0x9BC0]  }
0x3af: {  	v4 =	vld [tilespmem:s23+$0x9AC0]  }
0x3b0: {  	v5 =	vld [tilespmem:s23+$0x9A40]  }
0x3b1: {  	v6 =	vld [tilespmem:s23+$0x9B40];
	_ =	sdelay $0x4  }
0x3b2: {  	v4 =	vmax.f32 v5, v4;
	v3 =	vmax.f32 v6, v3  }
0x3b3: {  	v3 =	vmax.f32 v4, v3  }
0x3b4: {  	[tilespmem:s24+$0x20C0] =	vst v3  }
0x3b5: {  	v3 =	vld [tilespmem:s23+$0x9B50]  }
0x3b6: {  	v4 =	vld [tilespmem:s23+$0x9AD0]  }
0x3b7: {  	v5 =	vld [tilespmem:s23+$0x9A50]  }
0x3b8: {  	v6 =	vld [tilespmem:s23+$0x9BD0];
	_ =	sdelay $0x4  }
0x3b9: {  	v4 =	vmax.f32 v5, v4;
	v3 =	vmax.f32 v3, v6  }
0x3ba: {  	v3 =	vmax.f32 v4, v3  }
0x3bb: {  	[tilespmem:s24+$0x20D0] =	vst v3  }
0x3bc: {  	v3 =	vld [tilespmem:s23+$0x9AE0]  }
0x3bd: {  	v4 =	vld [tilespmem:s23+$0x9BE0]  }
0x3be: {  	v5 =	vld [tilespmem:s23+$0x9B60]  }
0x3bf: {  	v6 =	vld [tilespmem:s23+$0x9A60];
	_ =	sdelay $0x4  }
0x3c0: {  	v4 =	vmax.f32 v5, v4;
	v3 =	vmax.f32 v6, v3  }
0x3c1: {  	v3 =	vmax.f32 v3, v4  }
0x3c2: {  	[tilespmem:s24+$0x20E0] =	vst v3  }
0x3c3: {  	v3 =	vld [tilespmem:s23+$0x9BF0]  }
0x3c4: {  	s28 =	simm.s32 $0x0;
	s26 =	simm.s32 $0x2000;
	v4 =	vld [tilespmem:s23+$0x9AF0]  }
.LBB2_9:
0x3c5: {  	p0 =	sne.s32 s26, $0x1E000;
	v5 =	vld [tilespmem:s23+$0x9A70];
	s25 =	sadd.s32 $0x200, s25;
	s28 =	sadd.s32 $0x100, s28  }
0x3c6: {  	s29 =	smov.u32 s26;
	s26 =	sadd.s32 $0x2000, s26;
	v6 =	vld [tilespmem:s23+$0x9B70];
	_ =	sdelay $0x3  }
0x3c7: {  	v4 =	vmax.f32 v5, v4  }
0x3c8: {  	v3 =	vmax.f32 v6, v3  }
0x3c9: {  	v3 =	vmax.f32 v4, v3  }
0x3ca: {  	[tilespmem:s24+$0x20F0] =	vst v3  }
0x3cb: {  	v3 =	vld [tilespmem:s23+$0x9F00]  }
0x3cc: {  	v4 =	vld [tilespmem:s23+$0x9E80]  }
0x3cd: {  	v5 =	vld [tilespmem:s23+$0x9E00]  }
0x3ce: {  	v6 =	vld [tilespmem:s23+$0x9F80];
	_ =	sdelay $0x3  }
0x3cf: {  	v4 =	vmax.f32 v5, v4  }
0x3d0: {  	v3 =	vmax.f32 v3, v6  }
0x3d1: {  	v3 =	vmax.f32 v4, v3  }
0x3d2: {  	[tilespmem:s24+$0x2480] =	vst v3  }
0x3d3: {  	v3 =	vld [tilespmem:s23+$0x9E90]  }
0x3d4: {  	v4 =	vld [tilespmem:s23+$0x9F90]  }
0x3d5: {  	v5 =	vld [tilespmem:s23+$0x9F10]  }
0x3d6: {  	v6 =	vld [tilespmem:s23+$0x9E10];
	_ =	sdelay $0x3  }
0x3d7: {  	v4 =	vmax.f32 v5, v4  }
0x3d8: {  	v3 =	vmax.f32 v6, v3  }
0x3d9: {  	v3 =	vmax.f32 v3, v4  }
0x3da: {  	[tilespmem:s24+$0x2490] =	vst v3  }
0x3db: {  	v3 =	vld [tilespmem:s23+$0x9FA0]  }
0x3dc: {  	v4 =	vld [tilespmem:s23+$0x9EA0]  }
0x3dd: {  	v5 =	vld [tilespmem:s23+$0x9E20]  }
0x3de: {  	v6 =	vld [tilespmem:s23+$0x9F20];
	_ =	sdelay $0x3  }
0x3df: {  	v4 =	vmax.f32 v5, v4  }
0x3e0: {  	v3 =	vmax.f32 v6, v3  }
0x3e1: {  	v3 =	vmax.f32 v4, v3  }
0x3e2: {  	[tilespmem:s24+$0x24A0] =	vst v3  }
0x3e3: {  	v3 =	vld [tilespmem:s23+$0x9EB0]  }
0x3e4: {  	v4 =	vld [tilespmem:s23+$0x9FB0]  }
0x3e5: {  	v5 =	vld [tilespmem:s23+$0x9F30]  }
0x3e6: {  	v6 =	vld [tilespmem:s23+$0x9E30];
	_ =	sdelay $0x3  }
0x3e7: {  	v4 =	vmax.f32 v5, v4  }
0x3e8: {  	v3 =	vmax.f32 v6, v3  }
0x3e9: {  	v3 =	vmax.f32 v3, v4  }
0x3ea: {  	[tilespmem:s24+$0x24B0] =	vst v3  }
0x3eb: {  	v3 =	vld [tilespmem:s23+$0x9FC0]  }
0x3ec: {  	v4 =	vld [tilespmem:s23+$0x9EC0]  }
0x3ed: {  	v5 =	vld [tilespmem:s23+$0x9E40]  }
0x3ee: {  	v6 =	vld [tilespmem:s23+$0x9F40];
	_ =	sdelay $0x3  }
0x3ef: {  	v4 =	vmax.f32 v5, v4  }
0x3f0: {  	v3 =	vmax.f32 v6, v3  }
0x3f1: {  	v3 =	vmax.f32 v4, v3  }
0x3f2: {  	[tilespmem:s24+$0x24C0] =	vst v3  }
0x3f3: {  	v3 =	vld [tilespmem:s23+$0x9F50]  }
0x3f4: {  	v4 =	vld [tilespmem:s23+$0x9ED0]  }
0x3f5: {  	v5 =	vld [tilespmem:s23+$0x9E50]  }
0x3f6: {  	v6 =	vld [tilespmem:s23+$0x9FD0];
	_ =	sdelay $0x3  }
0x3f7: {  	v4 =	vmax.f32 v5, v4  }
0x3f8: {  	v3 =	vmax.f32 v3, v6  }
0x3f9: {  	v3 =	vmax.f32 v4, v3  }
0x3fa: {  	[tilespmem:s24+$0x24D0] =	vst v3  }
0x3fb: {  	v3 =	vld [tilespmem:s23+$0x9E60]  }
0x3fc: {  	v4 =	vld [tilespmem:s23+$0x9FE0]  }
0x3fd: {  	v5 =	vld [tilespmem:s23+$0x9EE0]  }
0x3fe: {  	v6 =	vld [tilespmem:s23+$0x9F60];
	_ =	sdelay $0x3  }
0x3ff: {  	v3 =	vmax.f32 v3, v5  }
0x400: {  	v4 =	vmax.f32 v6, v4  }
0x401: {  	v3 =	vmax.f32 v3, v4  }
0x402: {  	[tilespmem:s24+$0x24E0] =	vst v3  }
0x403: {  	v3 =	vld [tilespmem:s23+$0x9E70]  }
0x404: {  	v4 =	vld [tilespmem:s23+$0x9FF0]  }
0x405: {  	v5 =	vld [tilespmem:s23+$0x9EF0]  }
0x406: {  	v6 =	vld [tilespmem:s23+$0x9F70];
	_ =	sdelay $0x3  }
0x407: {  	v3 =	vmax.f32 v3, v5  }
0x408: {  	v4 =	vmax.f32 v6, v4  }
0x409: {  	v3 =	vmax.f32 v3, v4  }
0x40a: {  	s23 =	sshra.s32 s29, $0x2;
	[tilespmem:s24+$0x24F0] =	vst v3  }
0x40b: {  	v3 =	vld [tilespmem:s23+$0x9980]  }
0x40c: {  	v4 =	vld [tilespmem:s23+$0x9800]  }
0x40d: {  	v5 =	vld [tilespmem:s23+$0x9900]  }
0x40e: {  	v6 =	vld [tilespmem:s23+$0x9880];
	_ =	sdelay $0x3  }
0x40f: {  	s29 =	sand.u32 $0x300, s28;
	s24 =	sand.u32 $0x1800, s25;
	v3 =	vmax.f32 v5, v3  }
0x410: {  	s24 =	sor.u32 s29, s24;
	v4 =	vmax.f32 v4, v6  }
0x411: {  	s24 =	sadd.s32 $0x11800, s24;
	v3 =	vmax.f32 v4, v3  }
0x412: {  	[tilespmem:s24+$0x2000] =	vst v3  }
0x413: {  	v3 =	vld [tilespmem:s23+$0x9810]  }
0x414: {  	v4 =	vld [tilespmem:s23+$0x9890]  }
0x415: {  	v5 =	vld [tilespmem:s23+$0x9990]  }
0x416: {  	v6 =	vld [tilespmem:s23+$0x9910];
	_ =	sdelay $0x2  }
0x417: {  	v3 =	vmax.f32 v3, v4;
	_ =	sdelay $0x1  }
0x418: {  	v4 =	vmax.f32 v6, v5  }
0x419: {  	v3 =	vmax.f32 v3, v4  }
0x41a: {  	[tilespmem:s24+$0x2010] =	vst v3  }
0x41b: {  	v3 =	vld [tilespmem:s23+$0x99A0]  }
0x41c: {  	v4 =	vld [tilespmem:s23+$0x98A0]  }
0x41d: {  	v5 =	vld [tilespmem:s23+$0x9820]  }
0x41e: {  	v6 =	vld [tilespmem:s23+$0x9920];
	_ =	sdelay $0x3  }
0x41f: {  	v4 =	vmax.f32 v5, v4  }
0x420: {  	v3 =	vmax.f32 v6, v3  }
0x421: {  	v3 =	vmax.f32 v4, v3  }
0x422: {  	[tilespmem:s24+$0x2020] =	vst v3  }
0x423: {  	v3 =	vld [tilespmem:s23+$0x9930]  }
0x424: {  	v4 =	vld [tilespmem:s23+$0x98B0]  }
0x425: {  	v5 =	vld [tilespmem:s23+$0x9830]  }
0x426: {  	v6 =	vld [tilespmem:s23+$0x99B0];
	_ =	sdelay $0x3  }
0x427: {  	v4 =	vmax.f32 v5, v4  }
0x428: {  	v3 =	vmax.f32 v3, v6  }
0x429: {  	v3 =	vmax.f32 v4, v3  }
0x42a: {  	[tilespmem:s24+$0x2030] =	vst v3  }
0x42b: {  	v3 =	vld [tilespmem:s23+$0x99C0]  }
0x42c: {  	v4 =	vld [tilespmem:s23+$0x98C0]  }
0x42d: {  	v5 =	vld [tilespmem:s23+$0x9840]  }
0x42e: {  	v6 =	vld [tilespmem:s23+$0x9940];
	_ =	sdelay $0x3  }
0x42f: {  	v4 =	vmax.f32 v5, v4  }
0x430: {  	v3 =	vmax.f32 v6, v3  }
0x431: {  	v3 =	vmax.f32 v4, v3  }
0x432: {  	[tilespmem:s24+$0x2040] =	vst v3  }
0x433: {  	v3 =	vld [tilespmem:s23+$0x9950]  }
0x434: {  	v4 =	vld [tilespmem:s23+$0x98D0]  }
0x435: {  	v5 =	vld [tilespmem:s23+$0x9850]  }
0x436: {  	v6 =	vld [tilespmem:s23+$0x99D0];
	_ =	sdelay $0x3  }
0x437: {  	v4 =	vmax.f32 v5, v4  }
0x438: {  	v3 =	vmax.f32 v3, v6  }
0x439: {  	v3 =	vmax.f32 v4, v3  }
0x43a: {  	[tilespmem:s24+$0x2050] =	vst v3  }
0x43b: {  	v3 =	vld [tilespmem:s23+$0x99E0]  }
0x43c: {  	v4 =	vld [tilespmem:s23+$0x98E0]  }
0x43d: {  	v5 =	vld [tilespmem:s23+$0x9860]  }
0x43e: {  	v6 =	vld [tilespmem:s23+$0x9960];
	_ =	sdelay $0x3  }
0x43f: {  	v4 =	vmax.f32 v5, v4  }
0x440: {  	v3 =	vmax.f32 v6, v3  }
0x441: {  	v3 =	vmax.f32 v4, v3  }
0x442: {  	[tilespmem:s24+$0x2060] =	vst v3  }
0x443: {  	v3 =	vld [tilespmem:s23+$0x9970]  }
0x444: {  	v4 =	vld [tilespmem:s23+$0x98F0]  }
0x445: {  	v5 =	vld [tilespmem:s23+$0x9870]  }
0x446: {  	v6 =	vld [tilespmem:s23+$0x99F0];
	_ =	sdelay $0x3  }
0x447: {  	v4 =	vmax.f32 v5, v4  }
0x448: {  	v3 =	vmax.f32 v3, v6  }
0x449: {  	v3 =	vmax.f32 v4, v3  }
0x44a: {  	[tilespmem:s24+$0x2070] =	vst v3  }
0x44b: {  	v3 =	vld [tilespmem:s23+$0x9D80]  }
0x44c: {  	v4 =	vld [tilespmem:s23+$0x9C80]  }
0x44d: {  	v5 =	vld [tilespmem:s23+$0x9C00]  }
0x44e: {  	v6 =	vld [tilespmem:s23+$0x9D00];
	_ =	sdelay $0x3  }
0x44f: {  	v4 =	vmax.f32 v5, v4  }
0x450: {  	v3 =	vmax.f32 v6, v3  }
0x451: {  	v3 =	vmax.f32 v4, v3  }
0x452: {  	[tilespmem:s24+$0x2400] =	vst v3  }
0x453: {  	v3 =	vld [tilespmem:s23+$0x9D10]  }
0x454: {  	v4 =	vld [tilespmem:s23+$0x9C90]  }
0x455: {  	v5 =	vld [tilespmem:s23+$0x9C10]  }
0x456: {  	v6 =	vld [tilespmem:s23+$0x9D90];
	_ =	sdelay $0x3  }
0x457: {  	v4 =	vmax.f32 v5, v4  }
0x458: {  	v3 =	vmax.f32 v3, v6  }
0x459: {  	v3 =	vmax.f32 v4, v3  }
0x45a: {  	[tilespmem:s24+$0x2410] =	vst v3  }
0x45b: {  	v3 =	vld [tilespmem:s23+$0x9DA0]  }
0x45c: {  	v4 =	vld [tilespmem:s23+$0x9CA0]  }
0x45d: {  	v5 =	vld [tilespmem:s23+$0x9C20]  }
0x45e: {  	v6 =	vld [tilespmem:s23+$0x9D20];
	_ =	sdelay $0x3  }
0x45f: {  	v4 =	vmax.f32 v5, v4  }
0x460: {  	v3 =	vmax.f32 v6, v3  }
0x461: {  	v3 =	vmax.f32 v4, v3  }
0x462: {  	[tilespmem:s24+$0x2420] =	vst v3  }
0x463: {  	v3 =	vld [tilespmem:s23+$0x9DB0]  }
0x464: {  	v4 =	vld [tilespmem:s23+$0x9C30]  }
0x465: {  	v5 =	vld [tilespmem:s23+$0x9D30]  }
0x466: {  	v6 =	vld [tilespmem:s23+$0x9CB0];
	_ =	sdelay $0x3  }
0x467: {  	v3 =	vmax.f32 v5, v3  }
0x468: {  	v4 =	vmax.f32 v4, v6  }
0x469: {  	v3 =	vmax.f32 v4, v3  }
0x46a: {  	[tilespmem:s24+$0x2430] =	vst v3  }
0x46b: {  	v3 =	vld [tilespmem:s23+$0x9DC0]  }
0x46c: {  	v4 =	vld [tilespmem:s23+$0x9CC0]  }
0x46d: {  	v5 =	vld [tilespmem:s23+$0x9C40]  }
0x46e: {  	v6 =	vld [tilespmem:s23+$0x9D40];
	_ =	sdelay $0x3  }
0x46f: {  	v4 =	vmax.f32 v5, v4  }
0x470: {  	v3 =	vmax.f32 v6, v3  }
0x471: {  	v3 =	vmax.f32 v4, v3  }
0x472: {  	[tilespmem:s24+$0x2440] =	vst v3  }
0x473: {  	v3 =	vld [tilespmem:s23+$0x9D50]  }
0x474: {  	v4 =	vld [tilespmem:s23+$0x9CD0]  }
0x475: {  	v5 =	vld [tilespmem:s23+$0x9C50]  }
0x476: {  	v6 =	vld [tilespmem:s23+$0x9DD0];
	_ =	sdelay $0x3  }
0x477: {  	v4 =	vmax.f32 v5, v4  }
0x478: {  	v3 =	vmax.f32 v3, v6  }
0x479: {  	v3 =	vmax.f32 v4, v3  }
0x47a: {  	[tilespmem:s24+$0x2450] =	vst v3  }
0x47b: {  	v3 =	vld [tilespmem:s23+$0x9DE0]  }
0x47c: {  	v4 =	vld [tilespmem:s23+$0x9CE0]  }
0x47d: {  	v5 =	vld [tilespmem:s23+$0x9C60]  }
0x47e: {  	v6 =	vld [tilespmem:s23+$0x9D60];
	_ =	sdelay $0x3  }
0x47f: {  	v4 =	vmax.f32 v5, v4  }
0x480: {  	v3 =	vmax.f32 v6, v3  }
0x481: {  	v3 =	vmax.f32 v4, v3  }
0x482: {  	[tilespmem:s24+$0x2460] =	vst v3  }
0x483: {  	v3 =	vld [tilespmem:s23+$0x9D70]  }
0x484: {  	v4 =	vld [tilespmem:s23+$0x9CF0]  }
0x485: {  	v5 =	vld [tilespmem:s23+$0x9C70]  }
0x486: {  	v6 =	vld [tilespmem:s23+$0x9DF0];
	_ =	sdelay $0x3  }
0x487: {  	v4 =	vmax.f32 v5, v4  }
0x488: {  	v3 =	vmax.f32 v3, v6  }
0x489: {  	v3 =	vmax.f32 v4, v3  }
0x48a: {  	[tilespmem:s24+$0x2470] =	vst v3  }
0x48b: {  	v3 =	vld [tilespmem:s23+$0x9B80]  }
0x48c: {  	v4 =	vld [tilespmem:s23+$0x9A80]  }
0x48d: {  	v5 =	vld [tilespmem:s23+$0x9A00]  }
0x48e: {  	v6 =	vld [tilespmem:s23+$0x9B00];
	_ =	sdelay $0x3  }
0x48f: {  	v4 =	vmax.f32 v5, v4  }
0x490: {  	v3 =	vmax.f32 v6, v3  }
0x491: {  	v3 =	vmax.f32 v4, v3  }
0x492: {  	[tilespmem:s24+$0x2080] =	vst v3  }
0x493: {  	v3 =	vld [tilespmem:s23+$0x9B10]  }
0x494: {  	v4 =	vld [tilespmem:s23+$0x9A90]  }
0x495: {  	v5 =	vld [tilespmem:s23+$0x9A10]  }
0x496: {  	v6 =	vld [tilespmem:s23+$0x9B90];
	_ =	sdelay $0x3  }
0x497: {  	v4 =	vmax.f32 v5, v4  }
0x498: {  	v3 =	vmax.f32 v3, v6  }
0x499: {  	v3 =	vmax.f32 v4, v3  }
0x49a: {  	[tilespmem:s24+$0x2090] =	vst v3  }
0x49b: {  	v3 =	vld [tilespmem:s23+$0x9BA0]  }
0x49c: {  	v4 =	vld [tilespmem:s23+$0x9A20]  }
0x49d: {  	v5 =	vld [tilespmem:s23+$0x9AA0]  }
0x49e: {  	v6 =	vld [tilespmem:s23+$0x9B20];
	_ =	sdelay $0x3  }
0x49f: {  	v4 =	vmax.f32 v4, v5  }
0x4a0: {  	v3 =	vmax.f32 v6, v3  }
0x4a1: {  	v3 =	vmax.f32 v4, v3  }
0x4a2: {  	[tilespmem:s24+$0x20A0] =	vst v3  }
0x4a3: {  	v3 =	vld [tilespmem:s23+$0x9B30]  }
0x4a4: {  	v4 =	vld [tilespmem:s23+$0x9AB0]  }
0x4a5: {  	v5 =	vld [tilespmem:s23+$0x9A30]  }
0x4a6: {  	v6 =	vld [tilespmem:s23+$0x9BB0];
	_ =	sdelay $0x3  }
0x4a7: {  	v4 =	vmax.f32 v5, v4  }
0x4a8: {  	v3 =	vmax.f32 v3, v6  }
0x4a9: {  	v3 =	vmax.f32 v4, v3  }
0x4aa: {  	[tilespmem:s24+$0x20B0] =	vst v3  }
0x4ab: {  	v3 =	vld [tilespmem:s23+$0x9BC0]  }
0x4ac: {  	v4 =	vld [tilespmem:s23+$0x9AC0]  }
0x4ad: {  	v5 =	vld [tilespmem:s23+$0x9A40]  }
0x4ae: {  	v6 =	vld [tilespmem:s23+$0x9B40];
	_ =	sdelay $0x3  }
0x4af: {  	v4 =	vmax.f32 v5, v4  }
0x4b0: {  	v3 =	vmax.f32 v6, v3  }
0x4b1: {  	v3 =	vmax.f32 v4, v3  }
0x4b2: {  	[tilespmem:s24+$0x20C0] =	vst v3  }
0x4b3: {  	v3 =	vld [tilespmem:s23+$0x9B50]  }
0x4b4: {  	v4 =	vld [tilespmem:s23+$0x9AD0]  }
0x4b5: {  	v5 =	vld [tilespmem:s23+$0x9A50]  }
0x4b6: {  	v6 =	vld [tilespmem:s23+$0x9BD0];
	_ =	sdelay $0x3  }
0x4b7: {  	v4 =	vmax.f32 v5, v4  }
0x4b8: {  	v3 =	vmax.f32 v3, v6  }
0x4b9: {  	v3 =	vmax.f32 v4, v3  }
0x4ba: {  	[tilespmem:s24+$0x20D0] =	vst v3  }
0x4bb: {  	v3 =	vld [tilespmem:s23+$0x9AE0]  }
0x4bc: {  	v4 =	vld [tilespmem:s23+$0x9BE0]  }
0x4bd: {  	v5 =	vld [tilespmem:s23+$0x9B60]  }
0x4be: {  	v6 =	vld [tilespmem:s23+$0x9A60];
	_ =	sdelay $0x3  }
0x4bf: {  	v4 =	vmax.f32 v5, v4  }
.Ltmp6:
0x4c0: {  	v3 =	vmax.f32 v6, v3;
	(pc) =	sbr.rel @p0 .LBB2_9-.Ltmp6, $4  }
0x4c1: {  	v3 =	vmax.f32 v3, v4  }
0x4c2: {  	[tilespmem:s24+$0x20E0] =	vst v3  }
0x4c3: {  	v3 =	vld [tilespmem:s23+$0x9BF0]  }
0x4c4: {  	v4 =	vld [tilespmem:s23+$0x9AF0]  }
0x4c5: {  	v5 =	vld [tilespmem:s23+$0x9A70]  }
0x4c6: {  	v6 =	vld [tilespmem:s23+$0x9B70];
	_ =	sdelay $0x4  }
0x4c7: {  	v4 =	vmax.f32 v5, v4;
	v3 =	vmax.f32 v6, v3  }
0x4c8: {  	v3 =	vmax.f32 v4, v3  }
0x4c9: {  	[tilespmem:s24+$0x20F0] =	vst v3  }
0x4ca: {  	v3 =	vld [tilespmem:s23+$0x9F00]  }
0x4cb: {  	v40 =	vld [tilespmem:s23+$0x9E80]  }
0x4cc: {  	v41 =	vld [tilespmem:s23+$0x9E00]  }
0x4cd: {  	v42 =	vld [tilespmem:s23+$0x9F80];
	_ =	sdelay $0x4  }
0x4ce: {  	v4 =	vmax.f32 v41, v40;
	v3 =	vmax.f32 v3, v42  }
0x4cf: {  	v3 =	vmax.f32 v4, v3  }
0x4d0: {  	[tilespmem:s24+$0x2480] =	vst v3  }
0x4d1: {  	v3 =	vld [tilespmem:s23+$0x9E90]  }
0x4d2: {  	v43 =	vld [tilespmem:s23+$0x9F90]  }
0x4d3: {  	v44 =	vld [tilespmem:s23+$0x9F10]  }
0x4d4: {  	v45 =	vld [tilespmem:s23+$0x9E10];
	_ =	sdelay $0x4  }
0x4d5: {  	v4 =	vmax.f32 v44, v43;
	v3 =	vmax.f32 v45, v3  }
0x4d6: {  	v3 =	vmax.f32 v3, v4  }
0x4d7: {  	[tilespmem:s24+$0x2490] =	vst v3  }
0x4d8: {  	v3 =	vld [tilespmem:s23+$0x9FA0]  }
0x4d9: {  	v46 =	vld [tilespmem:s23+$0x9EA0]  }
0x4da: {  	v47 =	vld [tilespmem:s23+$0x9E20]  }
0x4db: {  	v48 =	vld [tilespmem:s23+$0x9F20];
	_ =	sdelay $0x4  }
0x4dc: {  	v4 =	vmax.f32 v47, v46;
	v3 =	vmax.f32 v48, v3  }
0x4dd: {  	v3 =	vmax.f32 v4, v3  }
0x4de: {  	[tilespmem:s24+$0x24A0] =	vst v3  }
0x4df: {  	v3 =	vld [tilespmem:s23+$0x9EB0]  }
0x4e0: {  	v49 =	vld [tilespmem:s23+$0x9FB0]  }
0x4e1: {  	v50 =	vld [tilespmem:s23+$0x9F30]  }
0x4e2: {  	v51 =	vld [tilespmem:s23+$0x9E30];
	_ =	sdelay $0x4  }
0x4e3: {  	v4 =	vmax.f32 v50, v49;
	v3 =	vmax.f32 v51, v3  }
0x4e4: {  	v3 =	vmax.f32 v3, v4  }
0x4e5: {  	[tilespmem:s24+$0x24B0] =	vst v3  }
0x4e6: {  	v3 =	vld [tilespmem:s23+$0x9FC0]  }
0x4e7: {  	v52 =	vld [tilespmem:s23+$0x9EC0]  }
0x4e8: {  	v53 =	vld [tilespmem:s23+$0x9E40]  }
0x4e9: {  	v54 =	vld [tilespmem:s23+$0x9F40];
	_ =	sdelay $0x4  }
0x4ea: {  	v4 =	vmax.f32 v53, v52;
	v3 =	vmax.f32 v54, v3  }
0x4eb: {  	v3 =	vmax.f32 v4, v3  }
0x4ec: {  	[tilespmem:s24+$0x24C0] =	vst v3  }
0x4ed: {  	v3 =	vld [tilespmem:s23+$0x9F50]  }
0x4ee: {  	v55 =	vld [tilespmem:s23+$0x9ED0]  }
0x4ef: {  	v56 =	vld [tilespmem:s23+$0x9E50]  }
0x4f0: {  	v57 =	vld [tilespmem:s23+$0x9FD0];
	_ =	sdelay $0x4  }
0x4f1: {  	v4 =	vmax.f32 v56, v55;
	v3 =	vmax.f32 v3, v57  }
0x4f2: {  	v3 =	vmax.f32 v4, v3  }
0x4f3: {  	[tilespmem:s24+$0x24D0] =	vst v3  }
0x4f4: {  	v3 =	vld [tilespmem:s23+$0x9E60]  }
0x4f5: {  	v58 =	vld [tilespmem:s23+$0x9FE0]  }
0x4f6: {  	v59 =	vld [tilespmem:s23+$0x9EE0]  }
0x4f7: {  	v60 =	vld [tilespmem:s23+$0x9F60];
	_ =	sdelay $0x4  }
0x4f8: {  	v3 =	vmax.f32 v3, v59;
	v4 =	vmax.f32 v60, v58  }
0x4f9: {  	v3 =	vmax.f32 v3, v4  }
0x4fa: {  	[tilespmem:s24+$0x24E0] =	vst v3  }
0x4fb: {  	v3 =	vld [tilespmem:s23+$0x9E70]  }
0x4fc: {  	v61 =	vld [tilespmem:s23+$0x9FF0]  }
0x4fd: {  	v62 =	vld [tilespmem:s23+$0x9EF0]  }
0x4fe: {  	v63 =	vld [tilespmem:s23+$0x9F70];
	_ =	sdelay $0x2  }
0x4ff: {  	p0 =	seq.s32 s21, $0x17  }
.Ltmp7:
0x500: {  	s22 =	sadd.s32 s22, s7;
	(pc) =	sbr.rel @p0 .LBB2_12-.Ltmp7, $4  }
0x501: {  	s22 =	sshll.u32 s22, $0xA;
	v3 =	vmax.f32 v3, v62;
	v4 =	vmax.f32 v63, v61  }
0x502: {  	s22 =	sand.u32 $0x1FFFFC00, s22;
	v3 =	vmax.f32 v3, v4  }
0x503: {  	s22 =	sadd.s32 s5, s22;
	[tilespmem:s24+$0x24F0] =	vst v3  }
0x504: {  	[hbm4b:s22+s2] =	stream.linear.scatter [tilespmem:s20], [sflag:$0x4], $0x2000, $0x38;
	[tilespmem:$0x15800] =	vst v63  }
0x505: {  	s22 =	sshll.u32 s21, $0x8  }
0x506: {  	s22 =	sand.u32 $0x3FFFFF00, s22  }
0x507: {  	v3 =	vld [tilespmem:s22+$0x180];
	_ =	sdelay $0x4  }
0x508: {  	v4 =	vshll.u32 v3, $0x1  }
0x509: {  	v3 =	vand.u32 $0x7, v3;
	v4 =	vand.u32 $0xFFFFFFF0, v4  }
0x50a: {  	v3 =	vor.u32 v3, v4  }
0x50b: {  	v4 =	vperm.xlane v3, v0;
	_ =	sdelay $0x1  }
0x50c: {  	v3 =	vperm.xlane v3, v2;
	v4 =	vadd.s32 v1, v4;
	_ =	sdelay $0x1  }
0x50d: {  	v3 =	vadd.s32 v1, v3;
	_ =	sdelay $0x1  }
0x50e: {  	s23 =	simm.s32 $0x9800  }
0x50f: {  	[tilespmem:s23], [sflag:$0x2] =	stream.indirect_vreg.gather [hbm4b:s3+s2], $0x80, v4, vm0, $0xb8;
	[tilespmem:$0x15800] =	vst v63  }
0x510: {  	s28 =	simm.s32 $0xA000  }
0x511: {  	[tilespmem:s28], [sflag:$0x2] =	stream.indirect_vreg.gather [hbm4b:s3+s2], $0x80, v3, vm0, $0xb8;
	[tilespmem:$0x15800] =	vst v63  }
0x512: {  	v3 =	vld [tilespmem:s22+$0x190];
	_ =	sdelay $0x4  }
0x513: {  	v57 =	vshll.u32 v3, $0x1  }
0x514: {  	v3 =	vand.u32 $0x7, v3;
	v4 =	vand.u32 $0xFFFFFFF0, v57  }
0x515: {  	v3 =	vor.u32 v3, v4  }
0x516: {  	v4 =	vperm.xlane v3, v0;
	_ =	sdelay $0x1  }
0x517: {  	v3 =	vperm.xlane v3, v2;
	v4 =	vadd.s32 v1, v4;
	_ =	sdelay $0x1  }
0x518: {  	v3 =	vadd.s32 v1, v3;
	_ =	sdelay $0x1  }
0x519: {  	s29 =	simm.s32 $0xA800  }
0x51a: {  	[tilespmem:s29], [sflag:$0x2] =	stream.indirect_vreg.gather [hbm4b:s3+s2], $0x80, v4, vm0, $0xb8;
	[tilespmem:$0x15800] =	vst v63  }
0x51b: {  	_ = 	snop  }
0x51c: {  	[tilespmem:s30], [sflag:$0x2] =	stream.indirect_vreg.gather [hbm4b:s3+s2], $0x80, v3, vm0, $0xb8;
	[tilespmem:$0x15800] =	vst v63  }
0x51d: {  	v3 =	vld [tilespmem:s22+$0x1A0];
	_ =	sdelay $0x4  }
0x51e: {  	v58 =	vshll.u32 v3, $0x1  }
0x51f: {  	v3 =	vand.u32 $0x7, v3;
	v4 =	vand.u32 $0xFFFFFFF0, v58  }
0x520: {  	v3 =	vor.u32 v3, v4  }
0x521: {  	v4 =	vperm.xlane v3, v0;
	_ =	sdelay $0x1  }
0x522: {  	v3 =	vperm.xlane v3, v2;
	v4 =	vadd.s32 v1, v4;
	_ =	sdelay $0x1  }
0x523: {  	v3 =	vadd.s32 v1, v3;
	_ =	sdelay $0x2  }
0x524: {  	[tilespmem:s31], [sflag:$0x2] =	stream.indirect_vreg.gather [hbm4b:s3+s2], $0x80, v4, vm0, $0xb8;
	[tilespmem:$0x15800] =	vst v63  }
0x525: {  	_ = 	snop  }
0x526: {  	[tilespmem:s1], [sflag:$0x2] =	stream.indirect_vreg.gather [hbm4b:s3+s2], $0x80, v3, vm0, $0xb8;
	[tilespmem:$0x15800] =	vst v63  }
0x527: {  	v3 =	vld [tilespmem:s22+$0x1B0];
	_ =	sdelay $0x4  }
0x528: {  	v59 =	vshll.u32 v3, $0x1  }
0x529: {  	v3 =	vand.u32 $0x7, v3;
	v4 =	vand.u32 $0xFFFFFFF0, v59  }
0x52a: {  	v3 =	vor.u32 v3, v4  }
0x52b: {  	v4 =	vperm.xlane v3, v0;
	_ =	sdelay $0x1  }
0x52c: {  	v3 =	vperm.xlane v3, v2;
	v4 =	vadd.s32 v1, v4;
	_ =	sdelay $0x1  }
0x52d: {  	v3 =	vadd.s32 v1, v3;
	_ =	sdelay $0x2  }
0x52e: {  	[tilespmem:s0], [sflag:$0x2] =	stream.indirect_vreg.gather [hbm4b:s3+s2], $0x80, v4, vm0, $0xb8;
	[tilespmem:$0x15800] =	vst v63  }
0x52f: {  	_ = 	snop  }
0x530: {  	[tilespmem:s6], [sflag:$0x2] =	stream.indirect_vreg.gather [hbm4b:s3+s2], $0x80, v3, vm0, $0xb8;
	[tilespmem:$0x15800] =	vst v63  }
0x531: {  	v3 =	vld [tilespmem:s22+$0x1C0];
	_ =	sdelay $0x4  }
0x532: {  	v60 =	vshll.u32 v3, $0x1  }
0x533: {  	v3 =	vand.u32 $0x7, v3;
	v4 =	vand.u32 $0xFFFFFFF0, v60  }
0x534: {  	v3 =	vor.u32 v3, v4  }
0x535: {  	v4 =	vperm.xlane v3, v0;
	_ =	sdelay $0x1  }
0x536: {  	v3 =	vperm.xlane v3, v2;
	v4 =	vadd.s32 v1, v4;
	_ =	sdelay $0x1  }
0x537: {  	v3 =	vadd.s32 v1, v3;
	_ =	sdelay $0x2  }
0x538: {  	[tilespmem:s8], [sflag:$0x2] =	stream.indirect_vreg.gather [hbm4b:s3+s2], $0x80, v4, vm0, $0xb8;
	[tilespmem:$0x15800] =	vst v63  }
0x539: {  	_ = 	snop  }
0x53a: {  	[tilespmem:s9], [sflag:$0x2] =	stream.indirect_vreg.gather [hbm4b:s3+s2], $0x80, v3, vm0, $0xb8;
	[tilespmem:$0x15800] =	vst v63  }
0x53b: {  	v3 =	vld [tilespmem:s22+$0x1D0];
	_ =	sdelay $0x4  }
0x53c: {  	v61 =	vshll.u32 v3, $0x1  }
0x53d: {  	v3 =	vand.u32 $0x7, v3;
	v4 =	vand.u32 $0xFFFFFFF0, v61  }
0x53e: {  	v3 =	vor.u32 v3, v4  }
0x53f: {  	v4 =	vperm.xlane v3, v0;
	_ =	sdelay $0x1  }
0x540: {  	v3 =	vperm.xlane v3, v2;
	v4 =	vadd.s32 v1, v4;
	_ =	sdelay $0x1  }
0x541: {  	v3 =	vadd.s32 v1, v3;
	_ =	sdelay $0x2  }
0x542: {  	[tilespmem:s10], [sflag:$0x2] =	stream.indirect_vreg.gather [hbm4b:s3+s2], $0x80, v4, vm0, $0xb8;
	[tilespmem:$0x15800] =	vst v63  }
0x543: {  	_ = 	snop  }
0x544: {  	[tilespmem:s11], [sflag:$0x2] =	stream.indirect_vreg.gather [hbm4b:s3+s2], $0x80, v3, vm0, $0xb8;
	[tilespmem:$0x15800] =	vst v63  }
0x545: {  	v3 =	vld [tilespmem:s22+$0x1E0];
	_ =	sdelay $0x4  }
0x546: {  	v62 =	vshll.u32 v3, $0x1  }
0x547: {  	v3 =	vand.u32 $0x7, v3;
	v4 =	vand.u32 $0xFFFFFFF0, v62  }
0x548: {  	v3 =	vor.u32 v3, v4  }
0x549: {  	v4 =	vperm.xlane v3, v0;
	_ =	sdelay $0x1  }
0x54a: {  	v3 =	vperm.xlane v3, v2;
	v4 =	vadd.s32 v1, v4;
	_ =	sdelay $0x1  }
0x54b: {  	v3 =	vadd.s32 v1, v3;
	_ =	sdelay $0x2  }
0x54c: {  	[tilespmem:s12], [sflag:$0x2] =	stream.indirect_vreg.gather [hbm4b:s3+s2], $0x80, v4, vm0, $0xb8;
	[tilespmem:$0x15800] =	vst v63  }
0x54d: {  	_ = 	snop  }
0x54e: {  	[tilespmem:s13], [sflag:$0x2] =	stream.indirect_vreg.gather [hbm4b:s3+s2], $0x80, v3, vm0, $0xb8;
	[tilespmem:$0x15800] =	vst v63  }
0x54f: {  	v3 =	vld [tilespmem:s22+$0x1F0];
	_ =	sdelay $0x4  }
0x550: {  	v63 =	vshll.u32 v3, $0x1  }
0x551: {  	v3 =	vand.u32 $0x7, v3;
	v4 =	vand.u32 $0xFFFFFFF0, v63  }
0x552: {  	v3 =	vor.u32 v3, v4  }
0x553: {  	v4 =	vperm.xlane v3, v0;
	_ =	sdelay $0x1  }
0x554: {  	v3 =	vperm.xlane v3, v2;
	v4 =	vadd.s32 v1, v4;
	_ =	sdelay $0x1  }
0x555: {  	v3 =	vadd.s32 v1, v3  }
.Ltmp8:
0x556: {  	_ = 	snop;
	(pc) =	sbr.rel .LBB2_2-.Ltmp8, $4  }
0x557: {  	_ = 	snop  }
0x558: {  	[tilespmem:s14], [sflag:$0x2] =	stream.indirect_vreg.gather [hbm4b:s3+s2], $0x80, v4, vm0, $0xb8;
	[tilespmem:$0x15800] =	vst v63  }
0x559: {  	s21 =	sadd.s32 $0x1, s21  }
0x55a: {  	[tilespmem:s15], [sflag:$0x2] =	stream.indirect_vreg.gather [hbm4b:s3+s2], $0x80, v3, vm0, $0xb8;
	[tilespmem:$0x15800] =	vst v63  }
.LBB2_13:
0x55b: {  	_ =	sfence.sel $0x180000  }
0x55c: {  	[bflag:$0x0] =	sbarrier.arrive $0xFFFF  }
0x55d: {  	_ =	strace $0x90000047  }
0x55e: {  	s0 =	stileid.u32;
	[bflag:$0x2] =	sbarrier.arrive $0xFFFF  }
0x55f: {  	p0 =	sne.s32 s0, $0x0;
	s0 =	rddreg [dreg:$0x1]  }
0x560: {  	s0 =	sadd.s32 @!p0 $0x100000, s0  }
0x561: {  	[sflag:s0] =	ssyncadd.tile.s32 @!p0 $0x1;
	_ =	shalt  }
.Lfunc_end2:
_tile_overlayer_lowered:
.L_overlay_start_2:
0x562: {  	(tag) =	ssettag $0x2  }
0x563: {  	s0 =	rddreg [dreg:$0x0];
	s2 =	stileid.u32  }
0x564: {  	s1 =	rddreg [dreg:$0x1];
	p0 =	sne.s32 s2, $0x0  }
0x565: {  	s3 =	rddreg [dreg:$0x2];
	[bflag:$0x3] =	sbarrier.arrive $0xFFFF;
	s2 =	simm.s32 @!p0 $0x1C05  }
0x566: {  	[timem:s3], [sflag:s2] =	dma.local @!p0 [hbm:s0], s1  }
0x567: {  	s0 =	simm.s32 @!p0 $0x5  }
0x568: {  	_ =	swait.ge @!p0 [sflag:s0], s1  }
0x569: {  	s1 =	ssub.s32 @!p0 $0x0, s1;
	[sflag:s0] =	ssyncset.done @!p0 $0x0  }
0x56a: {  	[sflag:s0] =	ssyncadd.s32 @!p0 s1  }
0x56b: {  	[bflag:$0x3] =	sbarrier.arrive $0xFFFF  }
0x56c: {  	_ =	shalt  }

</sc_bundles>
